<compile_context>
chip_gen: v7x
topology: tpu7x:2x2x1
jax: 0.10.2.dev20260603
libtpu: 0.0.44.dev20260713+nightly
codegen_flags: <defaults>
</compile_context>

<pallas_src>
import functools

import jax
import jax.numpy as jnp
from jax import lax
from jax.experimental import pallas as pl
from jax.experimental.pallas import tpu as pltpu
from jax.experimental.pallas import tpu_sc as plsc

_N = 10000
_E = 320000
_D = 128
_H = 128
_P = 64
_NPAD = 10240
_CHUNK = 128
_NCHUNK = _E // _CHUNK
_NW = 32
_RPT = _NPAD // 16
_ROWBLK = 2048
_GRID = _NPAD // _ROWBLK

_C = 80
_NC = _E // (_NW * _C)
_NS = 4

_mesh = plsc.VectorSubcoreMesh(core_axis_name="c", subcore_axis_name="s")


def _zero16():
    return jnp.zeros((16,), jnp.float32)



@functools.partial(
    pl.kernel,
    out_type=jax.ShapeDtypeStruct((2 * _NPAD,), jnp.float32),
    mesh=_mesh,
    scratch_types=[
        pltpu.VMEM((_NS, _C), jnp.int32),
        pltpu.VMEM((_C,), jnp.float32),
        pltpu.VMEM((_RPT,), jnp.float32),
        pltpu.VMEM_SHARED((_NPAD,), jnp.float32),
        pltpu.SemaphoreType.DMA,
        pltpu.SemaphoreType.DMA,
    ],
)
def _sc_degree(ei_hbm, out_hbm, didx, ones_v, zrow, cnt, isem, ssem):
    cid = lax.axis_index("c")
    sid = lax.axis_index("s")
    wid = sid * 2 + cid
    one16 = jnp.ones((16,), jnp.float32)
    z16 = _zero16()
    for j in range(_C // 16):
        ones_v[pl.ds(j * 16, 16)] = one16
    for j in range(_RPT // 16):
        zrow[pl.ds(j * 16, 16)] = z16
    pltpu.sync_copy(zrow, cnt.at[pl.ds(sid * _RPT, _RPT)])
    plsc.subcore_barrier()

    e0 = wid * (_NC * _C)

    def load_idx(g):
        pltpu.async_copy(ei_hbm.at[pl.ds(_E + e0 + g * _C, _C)],
                         didx.at[lax.rem(g, _NS)], isem)

    load_idx(0)
    load_idx(1)

    def body(g, carry):
        p = lax.rem(g, _NS)

        @pl.when(g >= 2)
        def _():
            pltpu.make_async_copy(out_hbm.at[pl.ds(0, _C)], ones_v, ssem).wait()

        @pl.when(g + 2 < _NC)
        def _():
            load_idx(g + 2)

        pltpu.make_async_copy(ei_hbm.at[pl.ds(0, _C)], didx.at[p], isem).wait()
        pltpu.async_copy(ones_v, cnt.at[didx.at[p]], ssem, add=True)
        return carry

    lax.fori_loop(0, _NC, body, 0)
    pltpu.make_async_copy(out_hbm.at[pl.ds(0, _C)], ones_v, ssem).wait()
    pltpu.make_async_copy(out_hbm.at[pl.ds(0, _C)], ones_v, ssem).wait()
    plsc.subcore_barrier()
    pltpu.sync_copy(cnt.at[pl.ds(sid * _RPT, _RPT)],
                    out_hbm.at[pl.ds(cid * _NPAD + sid * _RPT, _RPT)])


@functools.partial(
    pl.kernel,
    out_type=jax.ShapeDtypeStruct((2 * _NPAD, _H), jnp.float32),
    mesh=_mesh,
    scratch_types=[
        pltpu.VMEM((_NS, _C), jnp.int32),
        pltpu.VMEM((_NS, _C), jnp.int32),
        pltpu.VMEM((_NS, _C, _H), jnp.float32),
        pltpu.VMEM((8, _H), jnp.float32),
        pltpu.VMEM_SHARED((_NPAD, _H), jnp.float32),
        pltpu.SemaphoreType.DMA,
        pltpu.SemaphoreType.DMA,
        pltpu.SemaphoreType.DMA,
    ],
)
def _sc_aggregate(ei_hbm, y_hbm, out_hbm, sidx, didx, rows, zbuf,
                  acc, isem, gsem, ssem):
    cid = lax.axis_index("c")
    sid = lax.axis_index("s")
    wid = sid * 2 + cid
    z16 = _zero16()
    for r in range(8):
        for j in range(_H // 16):
            zbuf[r, pl.ds(j * 16, 16)] = z16

    def zbody(i, carry):
        pltpu.sync_copy(zbuf, acc.at[pl.ds(sid * _RPT + i * 8, 8)])
        return carry

    lax.fori_loop(0, _RPT // 8, zbody, 0)
    plsc.subcore_barrier()

    e0 = wid * (_NC * _C)

    def load_idx(g):
        p = lax.rem(g, _NS)
        base = e0 + g * _C
        pltpu.async_copy(ei_hbm.at[pl.ds(base, _C)], sidx.at[p], isem)
        pltpu.async_copy(ei_hbm.at[pl.ds(_E + base, _C)], didx.at[p], isem)

    def drain_idx(p):
        pltpu.make_async_copy(ei_hbm.at[pl.ds(0, _C)], sidx.at[p], isem).wait()
        pltpu.make_async_copy(ei_hbm.at[pl.ds(0, _C)], didx.at[p], isem).wait()

    def fire_gather(g):
        p = lax.rem(g, _NS)
        pltpu.async_copy(y_hbm.at[sidx.at[p]], rows.at[p], gsem)

    def drain_rows(p, sem):
        pltpu.make_async_copy(y_hbm.at[pl.ds(0, _C)], rows.at[p], sem).wait()

    load_idx(0)
    drain_idx(0)
    fire_gather(0)
    load_idx(1)

    def body(g, carry):
        p = lax.rem(g, _NS)

        @pl.when(g >= 2)
        def _():
            drain_rows(lax.rem(g + 2, _NS), ssem)

        @pl.when(g + 2 < _NC)
        def _():
            load_idx(g + 2)

        @pl.when(g + 1 < _NC)
        def _():
            drain_idx(lax.rem(g + 1, _NS))
            fire_gather(g + 1)

        drain_rows(p, gsem)
        pltpu.async_copy(rows.at[p], acc.at[didx.at[p]], ssem, add=True)
        return carry

    lax.fori_loop(0, _NC, body, 0)
    drain_rows(lax.rem(_NC - 2, _NS), ssem)
    drain_rows(lax.rem(_NC - 1, _NS), ssem)
    plsc.subcore_barrier()
    pltpu.sync_copy(acc.at[pl.ds(sid * _RPT, _RPT)],
                    out_hbm.at[pl.ds(cid * _NPAD + sid * _RPT, _RPT)])



def _full(shape):
    return pl.BlockSpec(shape, lambda i: (0,) * len(shape))


def _rowspec(w=_H):
    return pl.BlockSpec((_ROWBLK, w), lambda i: (i, 0))


def _dinv_bcast(cnt):
    d2 = lax.rsqrt(cnt[0] + cnt[1] + 1.0)
    dt = d2.T
    return jnp.concatenate(
        [jnp.broadcast_to(dt[:, a:a + 1], (128, 128))
         for a in range(_ROWBLK // 128)],
        axis=0)


def _cntspec():
    return pl.BlockSpec((2, _ROWBLK // 128, 128), lambda i: (0, i, 0))


def _prep_body(x_ref, wm_ref, bm_ref, g_ref, be_ref, mu_ref, va_ref,
               w1_ref, hmlp_ref, u1_ref):
    xb = x_ref[...]
    h = jnp.dot(xb, wm_ref[...], preferred_element_type=jnp.float32) + bm_ref[...]
    h = (h - mu_ref[...]) / jnp.sqrt(va_ref[...] + 1e-5) * g_ref[...] + be_ref[...]
    hmlp_ref[...] = jnp.maximum(h, 0.0)
    u1_ref[...] = jnp.dot(xb, w1_ref[...], preferred_element_type=jnp.float32)


def _tc_prep(x, W_mlp, b_mlp, gam, bet, mu, var, W1):
    return pl.pallas_call(
        _prep_body,
        grid=(_GRID,),
        in_specs=[
            pl.BlockSpec((_ROWBLK, _D), lambda i: (i, 0)),
            _full((_D, _H)), _full((1, _H)), _full((1, _H)), _full((1, _H)),
            _full((1, _H)), _full((1, _H)), _full((_D, _H)),
        ],
        out_specs=[_rowspec(), _rowspec()],
        out_shape=[
            jax.ShapeDtypeStruct((_NPAD, _H), jnp.float32),
            jax.ShapeDtypeStruct((_NPAD, _H), jnp.float32),
        ],
    )(x, W_mlp, b_mlp, gam, bet, mu, var, W1)


def _scale_body(cnt_ref, u1_ref, y1_ref):
    y1_ref[...] = _dinv_bcast(cnt_ref[...]) * u1_ref[...]


def _tc_scale(cnt3, u1):
    return pl.pallas_call(
        _scale_body,
        grid=(_GRID,),
        in_specs=[_cntspec(), _rowspec()],
        out_specs=_rowspec(),
        out_shape=jax.ShapeDtypeStruct((_NPAD, _H), jnp.float32),
    )(cnt3, u1)


def _mid_body(part_ref, y_ref, cnt_ref, b_ref, wn_ref, ynext_ref):
    dinv = _dinv_bcast(cnt_ref[...])
    s = part_ref[0] + part_ref[1] + y_ref[...]
    h = jnp.maximum(dinv * s + b_ref[...], 0.0)
    ynext_ref[...] = dinv * jnp.dot(
        h, wn_ref[...], preferred_element_type=jnp.float32)


def _tc_mid(part, y, cnt3, b, Wn):
    return pl.pallas_call(
        _mid_body,
        grid=(_GRID,),
        in_specs=[
            pl.BlockSpec((2, _ROWBLK, _H), lambda i: (0, i, 0)),
            _rowspec(), _cntspec(),
            _full((1, _H)), _full((_H, _H)),
        ],
        out_specs=_rowspec(),
        out_shape=jax.ShapeDtypeStruct((_NPAD, _H), jnp.float32),
    )(part, y, cnt3, b, Wn)


def _final_body(part_ref, y_ref, cnt_ref, b_ref, hmlp_ref, wg_ref,
                bg_ref, wp1_ref, bp1_ref, wp2_ref, bp2_ref, wc_ref, bc_ref,
                zp_ref, lo_ref):
    s = part_ref[0] + part_ref[1] + y_ref[...]
    hg = jnp.maximum(_dinv_bcast(cnt_ref[...]) * s + b_ref[...], 0.0)
    hmlp = hmlp_ref[...]
    gl = (jnp.dot(hmlp, wg_ref[...][:_H], preferred_element_type=jnp.float32)
          + jnp.dot(hg, wg_ref[...][_H:], preferred_element_type=jnp.float32)
          + bg_ref[...])
    gate = jax.nn.sigmoid(gl)
    hf = gate * hg + (1.0 - gate) * hmlp
    z1 = jnp.maximum(
        jnp.dot(hf, wp1_ref[...], preferred_element_type=jnp.float32)
        + bp1_ref[...], 0.0)
    zp_ref[...] = jnp.dot(z1, wp2_ref[...],
                          preferred_element_type=jnp.float32) + bp2_ref[...]
    lo_ref[...] = jnp.sum(hf * wc_ref[...], axis=1) + bc_ref[0, 0]


def _tc_final(part, y, cnt3, b, hmlp, Wgb, bg, Wp1, bp1, Wp2, bp2, wc_row, bc):
    return pl.pallas_call(
        _final_body,
        grid=(_GRID,),
        in_specs=[
            pl.BlockSpec((2, _ROWBLK, _H), lambda i: (0, i, 0)),
            _rowspec(), _cntspec(),
            _full((1, _H)),
            _rowspec(),
            _full((2 * _H, 128)), _full((1, 1)),
            _full((_H, _H)), _full((1, _H)),
            _full((_H, _P)), _full((1, _P)),
            _full((1, _H)), _full((1, 1)),
        ],
        out_specs=[
            pl.BlockSpec((_ROWBLK, _P), lambda i: (i, 0)),
            pl.BlockSpec((_ROWBLK,), lambda i: (i,)),
        ],
        out_shape=[
            jax.ShapeDtypeStruct((_N, _P), jnp.float32),
            jax.ShapeDtypeStruct((_N,), jnp.float32),
        ],
    )(part, y, cnt3, b, hmlp, Wgb, bg, Wp1, bp1, Wp2, bp2, wc_row, bc)



def kernel(x, edge_index, W_mlp, b_mlp, bn_gamma, bn_beta, bn_mean, bn_var,
           gcn_Ws, gcn_bs, Wg, bg, Wp1, bp1, Wp2, bp2, Wc, bc):
    ei = edge_index.reshape(2 * _E)
    row2 = lambda v: v.reshape(1, -1)

    cnt3 = _sc_degree(ei).reshape(2, _NPAD // 128, 128)
    hmlp, u1 = _tc_prep(
        x, W_mlp, row2(b_mlp), row2(bn_gamma), row2(bn_beta),
        row2(bn_mean), row2(bn_var), gcn_Ws[0])
    y1 = _tc_scale(cnt3, u1)

    part1 = _sc_aggregate(ei, y1).reshape(2, _NPAD, _H)
    y2 = _tc_mid(part1, y1, cnt3, row2(gcn_bs[0]), gcn_Ws[1])
    part2 = _sc_aggregate(ei, y2).reshape(2, _NPAD, _H)
    y3 = _tc_mid(part2, y2, cnt3, row2(gcn_bs[1]), gcn_Ws[2])
    part3 = _sc_aggregate(ei, y3).reshape(2, _NPAD, _H)

    Wgb = jnp.broadcast_to(Wg, (2 * _H, 128))
    zp, lo = _tc_final(
        part3, y3, cnt3, row2(gcn_bs[2]), hmlp, Wgb, bg.reshape(1, 1),
        Wp1, row2(bp1), Wp2, row2(bp2), row2(Wc.reshape(-1)),
        bc.reshape(1, 1))
    return lo, zp

# --- scband reference (transcript-rebuilt; emitter-appended) ---
"""Pipeline reference for scband-biomarker-gnn-45973329936474 (READ-ONLY COPY).

The authoritative reference and input builder live on the scoring server;
editing this copy changes nothing except your own understanding.
"""

import jax, jax.numpy as jnp
import numpy as np

N = 10000
E = 320000
D = 128
H = 128
P = 64


def _init_params(key):
    ks = jax.random.split(key, 12)
    s = 0.05
    p = {}
    p["W_mlp"] = jax.random.normal(ks[0], (D, H), jnp.float32) * s
    p["b_mlp"] = jnp.zeros((H,), jnp.float32)
    p["bn_gamma"] = jnp.ones((H,), jnp.float32)
    p["bn_beta"] = jnp.zeros((H,), jnp.float32)
    p["bn_mean"] = jnp.zeros((H,), jnp.float32)
    p["bn_var"] = jnp.ones((H,), jnp.float32)
    p["gcn_Ws"] = (jax.random.normal(ks[1], (D, H), jnp.float32) * s,
                    jax.random.normal(ks[2], (H, H), jnp.float32) * s,
                    jax.random.normal(ks[3], (H, H), jnp.float32) * s)
    p["gcn_bs"] = (jnp.zeros((H,), jnp.float32),
                    jnp.zeros((H,), jnp.float32),
                    jnp.zeros((H,), jnp.float32))
    p["Wg"] = jax.random.normal(ks[4], (2 * H, 1), jnp.float32) * s
    p["bg"] = jnp.zeros((1,), jnp.float32)
    p["Wp1"] = jax.random.normal(ks[5], (H, H), jnp.float32) * s
    p["bp1"] = jnp.zeros((H,), jnp.float32)
    p["Wp2"] = jax.random.normal(ks[6], (H, P), jnp.float32) * s
    p["bp2"] = jnp.zeros((P,), jnp.float32)
    p["Wc"] = jax.random.normal(ks[7], (H, 1), jnp.float32) * s
    p["bc"] = jnp.zeros((1,), jnp.float32)
    return p


def setup_inputs(seed: int = 0):
    key = jax.random.key(seed)
    x = jax.random.normal(jax.random.fold_in(key, 0), (N, D), dtype=jnp.float32)
    edge_index = jax.random.randint(jax.random.fold_in(key, 1), (2, E), 0, N, dtype=jnp.int32)
    inp = {"x": x, "edge_index": edge_index}
    inp.update(_init_params(jax.random.fold_in(key, 2)))
    return inp


def _relu(v):
    return jnp.maximum(v, 0.0)


def _gcn_layer(h, src, dst, norm, W, b, n):
    # GCNConv: linear transform, then normalized scatter-add aggregation src->dst
    xw = h @ W
    msg = xw[src] * norm[:, None]
    out = jnp.zeros((n, W.shape[1]), dtype=h.dtype).at[dst].add(msg)
    return out + b


def reference(x, edge_index, W_mlp, b_mlp, bn_gamma, bn_beta, bn_mean, bn_var,
              gcn_Ws, gcn_bs, Wg, bg, Wp1, bp1, Wp2, bp2, Wc, bc):
    n = x.shape[0]
    # add self loops (GCNConv add_self_loops=True)
    loop = jnp.arange(n, dtype=edge_index.dtype)
    src = jnp.concatenate([edge_index[0], loop])
    dst = jnp.concatenate([edge_index[1], loop])
    # symmetric normalization deg^{-1/2}[src] * deg^{-1/2}[dst]
    deg = jnp.zeros((n,), dtype=x.dtype).at[dst].add(1.0)
    dinv = jnp.where(deg > 0, deg ** -0.5, 0.0)
    norm = dinv[src] * dinv[dst]
    # MLP branch: Linear -> BatchNorm1d (eval: running stats) -> ReLU -> Dropout(eval=id)
    h = x @ W_mlp + b_mlp
    h = (h - bn_mean) / jnp.sqrt(bn_var + 1e-5) * bn_gamma + bn_beta
    h_mlp = _relu(h)
    # Graph branch: stacked GCN layers with ReLU (dropout is identity in eval)
    hg = x
    for W, b in zip(gcn_Ws, gcn_bs):
        hg = _relu(_gcn_layer(hg, src, dst, norm, W, b, n))
    combined = jnp.concatenate([h_mlp, hg], axis=1)
    gate = jax.nn.sigmoid(combined @ Wg + bg)
    h_fused = gate * hg + (1.0 - gate) * h_mlp
    z_proj = _relu(h_fused @ Wp1 + bp1) @ Wp2 + bp2
    logits = (h_fused @ Wc + bc).reshape(-1)
    return (logits, z_proj)

if __name__ == "__main__":
    import jax
    _d = setup_inputs()
    print(jax.jit(kernel)(*tuple(_d.values())))

</pallas_src>

<mosaic_0001>
#map = affine_map<(d0, d1) -> (0)>
#map1 = affine_map<(d0, d1) -> (0, 0)>
module attributes {stable_mosaic.version = 14 : i64} {
  func.func @_sc_aggregate(%arg0: i32, %arg1: i32, %arg2: memref<640000xi32, #tpu.memory_space<hbm>>, %arg3: memref<10240x128xf32, #tpu.memory_space<hbm>>, %arg4: memref<20480x128xf32, #tpu.memory_space<hbm>>, %arg5: memref<4x80xi32, #tpu.memory_space<vmem>>, %arg6: memref<4x80xi32, #tpu.memory_space<vmem>>, %arg7: memref<4x80x128xf32, #tpu.memory_space<vmem>>, %arg8: memref<8x128xf32, #tpu.memory_space<vmem>>, %arg9: memref<10240x128xf32, #tpu.memory_space<vmem_shared>>, %arg10: memref<!tpu.dma_semaphore, #tpu.memory_space<semaphore_mem>>, %arg11: memref<!tpu.dma_semaphore, #tpu.memory_space<semaphore_mem>>, %arg12: memref<!tpu.dma_semaphore, #tpu.memory_space<semaphore_mem>>) attributes {dimension_semantics = [#tpu.dimension_semantics<core_parallel>, #tpu.dimension_semantics<subcore_parallel>], iteration_bounds = array<i64: 2, 16>, scalar_prefetch = 0 : i64, scratch_operands = 8 : i64, tpu.core_type = #tpu.core_type<sc_vector_subcore>, window_params = [{transform_indices = #map}, {transform_indices = #map1}, {transform_indices = #map1}]} {
    %mul3A = arith.constant 2 : i32
    %mul3A_0 = arith.muli %arg1, %mul3A : i32
    %add3A = arith.addi %mul3A_0, %arg0 : i32
    %broadcast_in_dim3A = arith.constant 0.000000e+00 : f32
    %broadcast_in_dim3A_1 = vector.broadcast %broadcast_in_dim3A : f32 to vector<16xf32>
    %swap3A = arith.constant 0 : i32
    %swap3A_2 = arith.index_cast %swap3A : i32 to index
    %swap3A_3 = arith.constant 0 : index
    %swap3A_4 = tpu.vector_load %arg8[%swap3A_2, %swap3A_3] {strides = array<i32>} : memref<8x128xf32, #tpu.memory_space<vmem>>, vector<1x16xf32>,
    %swap3A_5 = vector.shape_cast %swap3A_4 : vector<1x16xf32> to vector<16xf32>
    %swap3A_6 = vector.shape_cast %broadcast_in_dim3A_1 : vector<16xf32> to vector<1x16xf32>
    tpu.vector_store %arg8[%swap3A_2, %swap3A_3], %swap3A_6 {strides = array<i32>} : memref<8x128xf32, #tpu.memory_space<vmem>>, vector<1x16xf32>,
    %swap3A_7 = arith.constant 0 : i32
    %swap3A_8 = arith.index_cast %swap3A_7 : i32 to index
    %swap3A_9 = arith.constant 16 : index
    %swap3A_10 = tpu.vector_load %arg8[%swap3A_8, %swap3A_9] {strides = array<i32>} : memref<8x128xf32, #tpu.memory_space<vmem>>, vector<1x16xf32>,
    %swap3A_11 = vector.shape_cast %swap3A_10 : vector<1x16xf32> to vector<16xf32>
    %swap3A_12 = vector.shape_cast %broadcast_in_dim3A_1 : vector<16xf32> to vector<1x16xf32>
    tpu.vector_store %arg8[%swap3A_8, %swap3A_9], %swap3A_12 {strides = array<i32>} : memref<8x128xf32, #tpu.memory_space<vmem>>, vector<1x16xf32>,
    %swap3A_13 = arith.constant 0 : i32
    %swap3A_14 = arith.index_cast %swap3A_13 : i32 to index
    %swap3A_15 = arith.constant 32 : index
    %swap3A_16 = tpu.vector_load %arg8[%swap3A_14, %swap3A_15] {strides = array<i32>} : memref<8x128xf32, #tpu.memory_space<vmem>>, vector<1x16xf32>,
    %swap3A_17 = vector.shape_cast %swap3A_16 : vector<1x16xf32> to vector<16xf32>
    %swap3A_18 = vector.shape_cast %broadcast_in_dim3A_1 : vector<16xf32> to vector<1x16xf32>
    tpu.vector_store %arg8[%swap3A_14, %swap3A_15], %swap3A_18 {strides = array<i32>} : memref<8x128xf32, #tpu.memory_space<vmem>>, vector<1x16xf32>,
    %swap3A_19 = arith.constant 0 : i32
    %swap3A_20 = arith.index_cast %swap3A_19 : i32 to index
    %swap3A_21 = arith.constant 48 : index
    %swap3A_22 = tpu.vector_load %arg8[%swap3A_20, %swap3A_21] {strides = array<i32>} : memref<8x128xf32, #tpu.memory_space<vmem>>, vector<1x16xf32>,
    %swap3A_23 = vector.shape_cast %swap3A_22 : vector<1x16xf32> to vector<16xf32>
    %swap3A_24 = vector.shape_cast %broadcast_in_dim3A_1 : vector<16xf32> to vector<1x16xf32>
    tpu.vector_store %arg8[%swap3A_20, %swap3A_21], %swap3A_24 {strides = array<i32>} : memref<8x128xf32, #tpu.memory_space<vmem>>, vector<1x16xf32>,
    %swap3A_25 = arith.constant 0 : i32
    %swap3A_26 = arith.index_cast %swap3A_25 : i32 to index
    %swap3A_27 = arith.constant 64 : index
    %swap3A_28 = tpu.vector_load %arg8[%swap3A_26, %swap3A_27] {strides = array<i32>} : memref<8x128xf32, #tpu.memory_space<vmem>>, vector<1x16xf32>,
    %swap3A_29 = vector.shape_cast %swap3A_28 : vector<1x16xf32> to vector<16xf32>
    %swap3A_30 = vector.shape_cast %broadcast_in_dim3A_1 : vector<16xf32> to vector<1x16xf32>
    tpu.vector_store %arg8[%swap3A_26, %swap3A_27], %swap3A_30 {strides = array<i32>} : memref<8x128xf32, #tpu.memory_space<vmem>>, vector<1x16xf32>,
    %swap3A_31 = arith.constant 0 : i32
    %swap3A_32 = arith.index_cast %swap3A_31 : i32 to index
    %swap3A_33 = arith.constant 80 : index
    %swap3A_34 = tpu.vector_load %arg8[%swap3A_32, %swap3A_33] {strides = array<i32>} : memref<8x128xf32, #tpu.memory_space<vmem>>, vector<1x16xf32>,
    %swap3A_35 = vector.shape_cast %swap3A_34 : vector<1x16xf32> to vector<16xf32>
    %swap3A_36 = vector.shape_cast %broadcast_in_dim3A_1 : vector<16xf32> to vector<1x16xf32>
    tpu.vector_store %arg8[%swap3A_32, %swap3A_33], %swap3A_36 {strides = array<i32>} : memref<8x128xf32, #tpu.memory_space<vmem>>, vector<1x16xf32>,
    %swap3A_37 = arith.constant 0 : i32
    %swap3A_38 = arith.index_cast %swap3A_37 : i32 to index
    %swap3A_39 = arith.constant 96 : index
    %swap3A_40 = tpu.vector_load %arg8[%swap3A_38, %swap3A_39] {strides = array<i32>} : memref<8x128xf32, #tpu.memory_space<vmem>>, vector<1x16xf32>,
    %swap3A_41 = vector.shape_cast %swap3A_40 : vector<1x16xf32> to vector<16xf32>
    %swap3A_42 = vector.shape_cast %broadcast_in_dim3A_1 : vector<16xf32> to vector<1x16xf32>
    tpu.vector_store %arg8[%swap3A_38, %swap3A_39], %swap3A_42 {strides = array<i32>} : memref<8x128xf32, #tpu.memory_space<vmem>>, vector<1x16xf32>,
    %swap3A_43 = arith.constant 0 : i32
    %swap3A_44 = arith.index_cast %swap3A_43 : i32 to index
    %swap3A_45 = arith.constant 112 : index
    %swap3A_46 = tpu.vector_load %arg8[%swap3A_44, %swap3A_45] {strides = array<i32>} : memref<8x128xf32, #tpu.memory_space<vmem>>, vector<1x16xf32>,
    %swap3A_47 = vector.shape_cast %swap3A_46 : vector<1x16xf32> to vector<16xf32>
    %swap3A_48 = vector.shape_cast %broadcast_in_dim3A_1 : vector<16xf32> to vector<1x16xf32>
    tpu.vector_store %arg8[%swap3A_44, %swap3A_45], %swap3A_48 {strides = array<i32>} : memref<8x128xf32, #tpu.memory_space<vmem>>, vector<1x16xf32>,
    %swap3A_49 = arith.constant 1 : i32
    %swap3A_50 = arith.index_cast %swap3A_49 : i32 to index
    %swap3A_51 = arith.constant 0 : index
    %swap3A_52 = tpu.vector_load %arg8[%swap3A_50, %swap3A_51] {strides = array<i32>} : memref<8x128xf32, #tpu.memory_space<vmem>>, vector<1x16xf32>,
    %swap3A_53 = vector.shape_cast %swap3A_52 : vector<1x16xf32> to vector<16xf32>
    %swap3A_54 = vector.shape_cast %broadcast_in_dim3A_1 : vector<16xf32> to vector<1x16xf32>
    tpu.vector_store %arg8[%swap3A_50, %swap3A_51], %swap3A_54 {strides = array<i32>} : memref<8x128xf32, #tpu.memory_space<vmem>>, vector<1x16xf32>,
    %swap3A_55 = arith.constant 1 : i32
    %swap3A_56 = arith.index_cast %swap3A_55 : i32 to index
    %swap3A_57 = arith.constant 16 : index
    %swap3A_58 = tpu.vector_load %arg8[%swap3A_56, %swap3A_57] {strides = array<i32>} : memref<8x128xf32, #tpu.memory_space<vmem>>, vector<1x16xf32>,
    %swap3A_59 = vector.shape_cast %swap3A_58 : vector<1x16xf32> to vector<16xf32>
    %swap3A_60 = vector.shape_cast %broadcast_in_dim3A_1 : vector<16xf32> to vector<1x16xf32>
    tpu.vector_store %arg8[%swap3A_56, %swap3A_57], %swap3A_60 {strides = array<i32>} : memref<8x128xf32, #tpu.memory_space<vmem>>, vector<1x16xf32>,
    %swap3A_61 = arith.constant 1 : i32
    %swap3A_62 = arith.index_cast %swap3A_61 : i32 to index
    %swap3A_63 = arith.constant 32 : index
    %swap3A_64 = tpu.vector_load %arg8[%swap3A_62, %swap3A_63] {strides = array<i32>} : memref<8x128xf32, #tpu.memory_space<vmem>>, vector<1x16xf32>,
    %swap3A_65 = vector.shape_cast %swap3A_64 : vector<1x16xf32> to vector<16xf32>
    %swap3A_66 = vector.shape_cast %broadcast_in_dim3A_1 : vector<16xf32> to vector<1x16xf32>
    tpu.vector_store %arg8[%swap3A_62, %swap3A_63], %swap3A_66 {strides = array<i32>} : memref<8x128xf32, #tpu.memory_space<vmem>>, vector<1x16xf32>,
    %swap3A_67 = arith.constant 1 : i32
    %swap3A_68 = arith.index_cast %swap3A_67 : i32 to index
    %swap3A_69 = arith.constant 48 : index
    %swap3A_70 = tpu.vector_load %arg8[%swap3A_68, %swap3A_69] {strides = array<i32>} : memref<8x128xf32, #tpu.memory_space<vmem>>, vector<1x16xf32>,
    %swap3A_71 = vector.shape_cast %swap3A_70 : vector<1x16xf32> to vector<16xf32>
    %swap3A_72 = vector.shape_cast %broadcast_in_dim3A_1 : vector<16xf32> to vector<1x16xf32>
    tpu.vector_store %arg8[%swap3A_68, %swap3A_69], %swap3A_72 {strides = array<i32>} : memref<8x128xf32, #tpu.memory_space<vmem>>, vector<1x16xf32>,
    %swap3A_73 = arith.constant 1 : i32
    %swap3A_74 = arith.index_cast %swap3A_73 : i32 to index
    %swap3A_75 = arith.constant 64 : index
    %swap3A_76 = tpu.vector_load %arg8[%swap3A_74, %swap3A_75] {strides = array<i32>} : memref<8x128xf32, #tpu.memory_space<vmem>>, vector<1x16xf32>,
    %swap3A_77 = vector.shape_cast %swap3A_76 : vector<1x16xf32> to vector<16xf32>
    %swap3A_78 = vector.shape_cast %broadcast_in_dim3A_1 : vector<16xf32> to vector<1x16xf32>
    tpu.vector_store %arg8[%swap3A_74, %swap3A_75], %swap3A_78 {strides = array<i32>} : memref<8x128xf32, #tpu.memory_space<vmem>>, vector<1x16xf32>,
    %swap3A_79 = arith.constant 1 : i32
    %swap3A_80 = arith.index_cast %swap3A_79 : i32 to index
    %swap3A_81 = arith.constant 80 : index
    %swap3A_82 = tpu.vector_load %arg8[%swap3A_80, %swap3A_81] {strides = array<i32>} : memref<8x128xf32, #tpu.memory_space<vmem>>, vector<1x16xf32>,
    %swap3A_83 = vector.shape_cast %swap3A_82 : vector<1x16xf32> to vector<16xf32>
    %swap3A_84 = vector.shape_cast %broadcast_in_dim3A_1 : vector<16xf32> to vector<1x16xf32>
    tpu.vector_store %arg8[%swap3A_80, %swap3A_81], %swap3A_84 {strides = array<i32>} : memref<8x128xf32, #tpu.memory_space<vmem>>, vector<1x16xf32>,
    %swap3A_85 = arith.constant 1 : i32
    %swap3A_86 = arith.index_cast %swap3A_85 : i32 to index
    %swap3A_87 = arith.constant 96 : index
    %swap3A_88 = tpu.vector_load %arg8[%swap3A_86, %swap3A_87] {strides = array<i32>} : memref<8x128xf32, #tpu.memory_space<vmem>>, vector<1x16xf32>,
    %swap3A_89 = vector.shape_cast %swap3A_88 : vector<1x16xf32> to vector<16xf32>
    %swap3A_90 = vector.shape_cast %broadcast_in_dim3A_1 : vector<16xf32> to vector<1x16xf32>
    tpu.vector_store %arg8[%swap3A_86, %swap3A_87], %swap3A_90 {strides = array<i32>} : memref<8x128xf32, #tpu.memory_space<vmem>>, vector<1x16xf32>,
    %swap3A_91 = arith.constant 1 : i32
    %swap3A_92 = arith.index_cast %swap3A_91 : i32 to index
    %swap3A_93 = arith.constant 112 : index
    %swap3A_94 = tpu.vector_load %arg8[%swap3A_92, %swap3A_93] {strides = array<i32>} : memref<8x128xf32, #tpu.memory_space<vmem>>, vector<1x16xf32>,
    %swap3A_95 = vector.shape_cast %swap3A_94 : vector<1x16xf32> to vector<16xf32>
    %swap3A_96 = vector.shape_cast %broadcast_in_dim3A_1 : vector<16xf32> to vector<1x16xf32>
    tpu.vector_store %arg8[%swap3A_92, %swap3A_93], %swap3A_96 {strides = array<i32>} : memref<8x128xf32, #tpu.memory_space<vmem>>, vector<1x16xf32>,
    %swap3A_97 = arith.constant 2 : i32
    %swap3A_98 = arith.index_cast %swap3A_97 : i32 to index
    %swap3A_99 = arith.constant 0 : index
    %swap3A_100 = tpu.vector_load %arg8[%swap3A_98, %swap3A_99] {strides = array<i32>} : memref<8x128xf32, #tpu.memory_space<vmem>>, vector<1x16xf32>,
    %swap3A_101 = vector.shape_cast %swap3A_100 : vector<1x16xf32> to vector<16xf32>
    %swap3A_102 = vector.shape_cast %broadcast_in_dim3A_1 : vector<16xf32> to vector<1x16xf32>
    tpu.vector_store %arg8[%swap3A_98, %swap3A_99], %swap3A_102 {strides = array<i32>} : memref<8x128xf32, #tpu.memory_space<vmem>>, vector<1x16xf32>,
    %swap3A_103 = arith.constant 2 : i32
    %swap3A_104 = arith.index_cast %swap3A_103 : i32 to index
    %swap3A_105 = arith.constant 16 : index
    %swap3A_106 = tpu.vector_load %arg8[%swap3A_104, %swap3A_105] {strides = array<i32>} : memref<8x128xf32, #tpu.memory_space<vmem>>, vector<1x16xf32>,
    %swap3A_107 = vector.shape_cast %swap3A_106 : vector<1x16xf32> to vector<16xf32>
    %swap3A_108 = vector.shape_cast %broadcast_in_dim3A_1 : vector<16xf32> to vector<1x16xf32>
    tpu.vector_store %arg8[%swap3A_104, %swap3A_105], %swap3A_108 {strides = array<i32>} : memref<8x128xf32, #tpu.memory_space<vmem>>, vector<1x16xf32>,
    %swap3A_109 = arith.constant 2 : i32
    %swap3A_110 = arith.index_cast %swap3A_109 : i32 to index
    %swap3A_111 = arith.constant 32 : index
    %swap3A_112 = tpu.vector_load %arg8[%swap3A_110, %swap3A_111] {strides = array<i32>} : memref<8x128xf32, #tpu.memory_space<vmem>>, vector<1x16xf32>,
    %swap3A_113 = vector.shape_cast %swap3A_112 : vector<1x16xf32> to vector<16xf32>
    %swap3A_114 = vector.shape_cast %broadcast_in_dim3A_1 : vector<16xf32> to vector<1x16xf32>
    tpu.vector_store %arg8[%swap3A_110, %swap3A_111], %swap3A_114 {strides = array<i32>} : memref<8x128xf32, #tpu.memory_space<vmem>>, vector<1x16xf32>,
    %swap3A_115 = arith.constant 2 : i32
    %swap3A_116 = arith.index_cast %swap3A_115 : i32 to index
    %swap3A_117 = arith.constant 48 : index
    %swap3A_118 = tpu.vector_load %arg8[%swap3A_116, %swap3A_117] {strides = array<i32>} : memref<8x128xf32, #tpu.memory_space<vmem>>, vector<1x16xf32>,
    %swap3A_119 = vector.shape_cast %swap3A_118 : vector<1x16xf32> to vector<16xf32>
    %swap3A_120 = vector.shape_cast %broadcast_in_dim3A_1 : vector<16xf32> to vector<1x16xf32>
    tpu.vector_store %arg8[%swap3A_116, %swap3A_117], %swap3A_120 {strides = array<i32>} : memref<8x128xf32, #tpu.memory_space<vmem>>, vector<1x16xf32>,
    %swap3A_121 = arith.constant 2 : i32
    %swap3A_122 = arith.index_cast %swap3A_121 : i32 to index
    %swap3A_123 = arith.constant 64 : index
    %swap3A_124 = tpu.vector_load %arg8[%swap3A_122, %swap3A_123] {strides = array<i32>} : memref<8x128xf32, #tpu.memory_space<vmem>>, vector<1x16xf32>,
    %swap3A_125 = vector.shape_cast %swap3A_124 : vector<1x16xf32> to vector<16xf32>
    %swap3A_126 = vector.shape_cast %broadcast_in_dim3A_1 : vector<16xf32> to vector<1x16xf32>
    tpu.vector_store %arg8[%swap3A_122, %swap3A_123], %swap3A_126 {strides = array<i32>} : memref<8x128xf32, #tpu.memory_space<vmem>>, vector<1x16xf32>,
    %swap3A_127 = arith.constant 2 : i32
    %swap3A_128 = arith.index_cast %swap3A_127 : i32 to index
    %swap3A_129 = arith.constant 80 : index
    %swap3A_130 = tpu.vector_load %arg8[%swap3A_128, %swap3A_129] {strides = array<i32>} : memref<8x128xf32, #tpu.memory_space<vmem>>, vector<1x16xf32>,
    %swap3A_131 = vector.shape_cast %swap3A_130 : vector<1x16xf32> to vector<16xf32>
    %swap3A_132 = vector.shape_cast %broadcast_in_dim3A_1 : vector<16xf32> to vector<1x16xf32>
    tpu.vector_store %arg8[%swap3A_128, %swap3A_129], %swap3A_132 {strides = array<i32>} : memref<8x128xf32, #tpu.memory_space<vmem>>, vector<1x16xf32>,
    %swap3A_133 = arith.constant 2 : i32
    %swap3A_134 = arith.index_cast %swap3A_133 : i32 to index
    %swap3A_135 = arith.constant 96 : index
    %swap3A_136 = tpu.vector_load %arg8[%swap3A_134, %swap3A_135] {strides = array<i32>} : memref<8x128xf32, #tpu.memory_space<vmem>>, vector<1x16xf32>,
    %swap3A_137 = vector.shape_cast %swap3A_136 : vector<1x16xf32> to vector<16xf32>
    %swap3A_138 = vector.shape_cast %broadcast_in_dim3A_1 : vector<16xf32> to vector<1x16xf32>
    tpu.vector_store %arg8[%swap3A_134, %swap3A_135], %swap3A_138 {strides = array<i32>} : memref<8x128xf32, #tpu.memory_space<vmem>>, vector<1x16xf32>,
    %swap3A_139 = arith.constant 2 : i32
    %swap3A_140 = arith.index_cast %swap3A_139 : i32 to index
    %swap3A_141 = arith.constant 112 : index
    %swap3A_142 = tpu.vector_load %arg8[%swap3A_140, %swap3A_141] {strides = array<i32>} : memref<8x128xf32, #tpu.memory_space<vmem>>, vector<1x16xf32>,
    %swap3A_143 = vector.shape_cast %swap3A_142 : vector<1x16xf32> to vector<16xf32>
    %swap3A_144 = vector.shape_cast %broadcast_in_dim3A_1 : vector<16xf32> to vector<1x16xf32>
    tpu.vector_store %arg8[%swap3A_140, %swap3A_141], %swap3A_144 {strides = array<i32>} : memref<8x128xf32, #tpu.memory_space<vmem>>, vector<1x16xf32>,
    %swap3A_145 = arith.constant 3 : i32
    %swap3A_146 = arith.index_cast %swap3A_145 : i32 to index
    %swap3A_147 = arith.constant 0 : index
    %swap3A_148 = tpu.vector_load %arg8[%swap3A_146, %swap3A_147] {strides = array<i32>} : memref<8x128xf32, #tpu.memory_space<vmem>>, vector<1x16xf32>,
    %swap3A_149 = vector.shape_cast %swap3A_148 : vector<1x16xf32> to vector<16xf32>
    %swap3A_150 = vector.shape_cast %broadcast_in_dim3A_1 : vector<16xf32> to vector<1x16xf32>
    tpu.vector_store %arg8[%swap3A_146, %swap3A_147], %swap3A_150 {strides = array<i32>} : memref<8x128xf32, #tpu.memory_space<vmem>>, vector<1x16xf32>,
    %swap3A_151 = arith.constant 3 : i32
    %swap3A_152 = arith.index_cast %swap3A_151 : i32 to index
    %swap3A_153 = arith.constant 16 : index
    %swap3A_154 = tpu.vector_load %arg8[%swap3A_152, %swap3A_153] {strides = array<i32>} : memref<8x128xf32, #tpu.memory_space<vmem>>, vector<1x16xf32>,
    %swap3A_155 = vector.shape_cast %swap3A_154 : vector<1x16xf32> to vector<16xf32>
    %swap3A_156 = vector.shape_cast %broadcast_in_dim3A_1 : vector<16xf32> to vector<1x16xf32>
    tpu.vector_store %arg8[%swap3A_152, %swap3A_153], %swap3A_156 {strides = array<i32>} : memref<8x128xf32, #tpu.memory_space<vmem>>, vector<1x16xf32>,
    %swap3A_157 = arith.constant 3 : i32
    %swap3A_158 = arith.index_cast %swap3A_157 : i32 to index
    %swap3A_159 = arith.constant 32 : index
    %swap3A_160 = tpu.vector_load %arg8[%swap3A_158, %swap3A_159] {strides = array<i32>} : memref<8x128xf32, #tpu.memory_space<vmem>>, vector<1x16xf32>,
    %swap3A_161 = vector.shape_cast %swap3A_160 : vector<1x16xf32> to vector<16xf32>
    %swap3A_162 = vector.shape_cast %broadcast_in_dim3A_1 : vector<16xf32> to vector<1x16xf32>
    tpu.vector_store %arg8[%swap3A_158, %swap3A_159], %swap3A_162 {strides = array<i32>} : memref<8x128xf32, #tpu.memory_space<vmem>>, vector<1x16xf32>,
    %swap3A_163 = arith.constant 3 : i32
    %swap3A_164 = arith.index_cast %swap3A_163 : i32 to index
    %swap3A_165 = arith.constant 48 : index
    %swap3A_166 = tpu.vector_load %arg8[%swap3A_164, %swap3A_165] {strides = array<i32>} : memref<8x128xf32, #tpu.memory_space<vmem>>, vector<1x16xf32>,
    %swap3A_167 = vector.shape_cast %swap3A_166 : vector<1x16xf32> to vector<16xf32>
    %swap3A_168 = vector.shape_cast %broadcast_in_dim3A_1 : vector<16xf32> to vector<1x16xf32>
    tpu.vector_store %arg8[%swap3A_164, %swap3A_165], %swap3A_168 {strides = array<i32>} : memref<8x128xf32, #tpu.memory_space<vmem>>, vector<1x16xf32>,
    %swap3A_169 = arith.constant 3 : i32
    %swap3A_170 = arith.index_cast %swap3A_169 : i32 to index
    %swap3A_171 = arith.constant 64 : index
    %swap3A_172 = tpu.vector_load %arg8[%swap3A_170, %swap3A_171] {strides = array<i32>} : memref<8x128xf32, #tpu.memory_space<vmem>>, vector<1x16xf32>,
    %swap3A_173 = vector.shape_cast %swap3A_172 : vector<1x16xf32> to vector<16xf32>
    %swap3A_174 = vector.shape_cast %broadcast_in_dim3A_1 : vector<16xf32> to vector<1x16xf32>
    tpu.vector_store %arg8[%swap3A_170, %swap3A_171], %swap3A_174 {strides = array<i32>} : memref<8x128xf32, #tpu.memory_space<vmem>>, vector<1x16xf32>,
    %swap3A_175 = arith.constant 3 : i32
    %swap3A_176 = arith.index_cast %swap3A_175 : i32 to index
    %swap3A_177 = arith.constant 80 : index
    %swap3A_178 = tpu.vector_load %arg8[%swap3A_176, %swap3A_177] {strides = array<i32>} : memref<8x128xf32, #tpu.memory_space<vmem>>, vector<1x16xf32>,
    %swap3A_179 = vector.shape_cast %swap3A_178 : vector<1x16xf32> to vector<16xf32>
    %swap3A_180 = vector.shape_cast %broadcast_in_dim3A_1 : vector<16xf32> to vector<1x16xf32>
    tpu.vector_store %arg8[%swap3A_176, %swap3A_177], %swap3A_180 {strides = array<i32>} : memref<8x128xf32, #tpu.memory_space<vmem>>, vector<1x16xf32>,
    %swap3A_181 = arith.constant 3 : i32
    %swap3A_182 = arith.index_cast %swap3A_181 : i32 to index
    %swap3A_183 = arith.constant 96 : index
    %swap3A_184 = tpu.vector_load %arg8[%swap3A_182, %swap3A_183] {strides = array<i32>} : memref<8x128xf32, #tpu.memory_space<vmem>>, vector<1x16xf32>,
    %swap3A_185 = vector.shape_cast %swap3A_184 : vector<1x16xf32> to vector<16xf32>
    %swap3A_186 = vector.shape_cast %broadcast_in_dim3A_1 : vector<16xf32> to vector<1x16xf32>
    tpu.vector_store %arg8[%swap3A_182, %swap3A_183], %swap3A_186 {strides = array<i32>} : memref<8x128xf32, #tpu.memory_space<vmem>>, vector<1x16xf32>,
    %swap3A_187 = arith.constant 3 : i32
    %swap3A_188 = arith.index_cast %swap3A_187 : i32 to index
    %swap3A_189 = arith.constant 112 : index
    %swap3A_190 = tpu.vector_load %arg8[%swap3A_188, %swap3A_189] {strides = array<i32>} : memref<8x128xf32, #tpu.memory_space<vmem>>, vector<1x16xf32>,
    %swap3A_191 = vector.shape_cast %swap3A_190 : vector<1x16xf32> to vector<16xf32>
    %swap3A_192 = vector.shape_cast %broadcast_in_dim3A_1 : vector<16xf32> to vector<1x16xf32>
    tpu.vector_store %arg8[%swap3A_188, %swap3A_189], %swap3A_192 {strides = array<i32>} : memref<8x128xf32, #tpu.memory_space<vmem>>, vector<1x16xf32>,
    %swap3A_193 = arith.constant 4 : i32
    %swap3A_194 = arith.index_cast %swap3A_193 : i32 to index
    %swap3A_195 = arith.constant 0 : index
    %swap3A_196 = tpu.vector_load %arg8[%swap3A_194, %swap3A_195] {strides = array<i32>} : memref<8x128xf32, #tpu.memory_space<vmem>>, vector<1x16xf32>,
    %swap3A_197 = vector.shape_cast %swap3A_196 : vector<1x16xf32> to vector<16xf32>
    %swap3A_198 = vector.shape_cast %broadcast_in_dim3A_1 : vector<16xf32> to vector<1x16xf32>
    tpu.vector_store %arg8[%swap3A_194, %swap3A_195], %swap3A_198 {strides = array<i32>} : memref<8x128xf32, #tpu.memory_space<vmem>>, vector<1x16xf32>,
    %swap3A_199 = arith.constant 4 : i32
    %swap3A_200 = arith.index_cast %swap3A_199 : i32 to index
    %swap3A_201 = arith.constant 16 : index
    %swap3A_202 = tpu.vector_load %arg8[%swap3A_200, %swap3A_201] {strides = array<i32>} : memref<8x128xf32, #tpu.memory_space<vmem>>, vector<1x16xf32>,
    %swap3A_203 = vector.shape_cast %swap3A_202 : vector<1x16xf32> to vector<16xf32>
    %swap3A_204 = vector.shape_cast %broadcast_in_dim3A_1 : vector<16xf32> to vector<1x16xf32>
    tpu.vector_store %arg8[%swap3A_200, %swap3A_201], %swap3A_204 {strides = array<i32>} : memref<8x128xf32, #tpu.memory_space<vmem>>, vector<1x16xf32>,
    %swap3A_205 = arith.constant 4 : i32
    %swap3A_206 = arith.index_cast %swap3A_205 : i32 to index
    %swap3A_207 = arith.constant 32 : index
    %swap3A_208 = tpu.vector_load %arg8[%swap3A_206, %swap3A_207] {strides = array<i32>} : memref<8x128xf32, #tpu.memory_space<vmem>>, vector<1x16xf32>,
    %swap3A_209 = vector.shape_cast %swap3A_208 : vector<1x16xf32> to vector<16xf32>
    %swap3A_210 = vector.shape_cast %broadcast_in_dim3A_1 : vector<16xf32> to vector<1x16xf32>
    tpu.vector_store %arg8[%swap3A_206, %swap3A_207], %swap3A_210 {strides = array<i32>} : memref<8x128xf32, #tpu.memory_space<vmem>>, vector<1x16xf32>,
    %swap3A_211 = arith.constant 4 : i32
    %swap3A_212 = arith.index_cast %swap3A_211 : i32 to index
    %swap3A_213 = arith.constant 48 : index
    %swap3A_214 = tpu.vector_load %arg8[%swap3A_212, %swap3A_213] {strides = array<i32>} : memref<8x128xf32, #tpu.memory_space<vmem>>, vector<1x16xf32>,
    %swap3A_215 = vector.shape_cast %swap3A_214 : vector<1x16xf32> to vector<16xf32>
    %swap3A_216 = vector.shape_cast %broadcast_in_dim3A_1 : vector<16xf32> to vector<1x16xf32>
    tpu.vector_store %arg8[%swap3A_212, %swap3A_213], %swap3A_216 {strides = array<i32>} : memref<8x128xf32, #tpu.memory_space<vmem>>, vector<1x16xf32>,
    %swap3A_217 = arith.constant 4 : i32
    %swap3A_218 = arith.index_cast %swap3A_217 : i32 to index
    %swap3A_219 = arith.constant 64 : index
    %swap3A_220 = tpu.vector_load %arg8[%swap3A_218, %swap3A_219] {strides = array<i32>} : memref<8x128xf32, #tpu.memory_space<vmem>>, vector<1x16xf32>,
    %swap3A_221 = vector.shape_cast %swap3A_220 : vector<1x16xf32> to vector<16xf32>
    %swap3A_222 = vector.shape_cast %broadcast_in_dim3A_1 : vector<16xf32> to vector<1x16xf32>
    tpu.vector_store %arg8[%swap3A_218, %swap3A_219], %swap3A_222 {strides = array<i32>} : memref<8x128xf32, #tpu.memory_space<vmem>>, vector<1x16xf32>,
    %swap3A_223 = arith.constant 4 : i32
    %swap3A_224 = arith.index_cast %swap3A_223 : i32 to index
    %swap3A_225 = arith.constant 80 : index
    %swap3A_226 = tpu.vector_load %arg8[%swap3A_224, %swap3A_225] {strides = array<i32>} : memref<8x128xf32, #tpu.memory_space<vmem>>, vector<1x16xf32>,
    %swap3A_227 = vector.shape_cast %swap3A_226 : vector<1x16xf32> to vector<16xf32>
    %swap3A_228 = vector.shape_cast %broadcast_in_dim3A_1 : vector<16xf32> to vector<1x16xf32>
    tpu.vector_store %arg8[%swap3A_224, %swap3A_225], %swap3A_228 {strides = array<i32>} : memref<8x128xf32, #tpu.memory_space<vmem>>, vector<1x16xf32>,
    %swap3A_229 = arith.constant 4 : i32
    %swap3A_230 = arith.index_cast %swap3A_229 : i32 to index
    %swap3A_231 = arith.constant 96 : index
    %swap3A_232 = tpu.vector_load %arg8[%swap3A_230, %swap3A_231] {strides = array<i32>} : memref<8x128xf32, #tpu.memory_space<vmem>>, vector<1x16xf32>,
    %swap3A_233 = vector.shape_cast %swap3A_232 : vector<1x16xf32> to vector<16xf32>
    %swap3A_234 = vector.shape_cast %broadcast_in_dim3A_1 : vector<16xf32> to vector<1x16xf32>
    tpu.vector_store %arg8[%swap3A_230, %swap3A_231], %swap3A_234 {strides = array<i32>} : memref<8x128xf32, #tpu.memory_space<vmem>>, vector<1x16xf32>,
    %swap3A_235 = arith.constant 4 : i32
    %swap3A_236 = arith.index_cast %swap3A_235 : i32 to index
    %swap3A_237 = arith.constant 112 : index
    %swap3A_238 = tpu.vector_load %arg8[%swap3A_236, %swap3A_237] {strides = array<i32>} : memref<8x128xf32, #tpu.memory_space<vmem>>, vector<1x16xf32>,
    %swap3A_239 = vector.shape_cast %swap3A_238 : vector<1x16xf32> to vector<16xf32>
    %swap3A_240 = vector.shape_cast %broadcast_in_dim3A_1 : vector<16xf32> to vector<1x16xf32>
    tpu.vector_store %arg8[%swap3A_236, %swap3A_237], %swap3A_240 {strides = array<i32>} : memref<8x128xf32, #tpu.memory_space<vmem>>, vector<1x16xf32>,
    %swap3A_241 = arith.constant 5 : i32
    %swap3A_242 = arith.index_cast %swap3A_241 : i32 to index
    %swap3A_243 = arith.constant 0 : index
    %swap3A_244 = tpu.vector_load %arg8[%swap3A_242, %swap3A_243] {strides = array<i32>} : memref<8x128xf32, #tpu.memory_space<vmem>>, vector<1x16xf32>,
    %swap3A_245 = vector.shape_cast %swap3A_244 : vector<1x16xf32> to vector<16xf32>
    %swap3A_246 = vector.shape_cast %broadcast_in_dim3A_1 : vector<16xf32> to vector<1x16xf32>
    tpu.vector_store %arg8[%swap3A_242, %swap3A_243], %swap3A_246 {strides = array<i32>} : memref<8x128xf32, #tpu.memory_space<vmem>>, vector<1x16xf32>,
    %swap3A_247 = arith.constant 5 : i32
    %swap3A_248 = arith.index_cast %swap3A_247 : i32 to index
    %swap3A_249 = arith.constant 16 : index
    %swap3A_250 = tpu.vector_load %arg8[%swap3A_248, %swap3A_249] {strides = array<i32>} : memref<8x128xf32, #tpu.memory_space<vmem>>, vector<1x16xf32>,
    %swap3A_251 = vector.shape_cast %swap3A_250 : vector<1x16xf32> to vector<16xf32>
    %swap3A_252 = vector.shape_cast %broadcast_in_dim3A_1 : vector<16xf32> to vector<1x16xf32>
    tpu.vector_store %arg8[%swap3A_248, %swap3A_249], %swap3A_252 {strides = array<i32>} : memref<8x128xf32, #tpu.memory_space<vmem>>, vector<1x16xf32>,
    %swap3A_253 = arith.constant 5 : i32
    %swap3A_254 = arith.index_cast %swap3A_253 : i32 to index
    %swap3A_255 = arith.constant 32 : index
    %swap3A_256 = tpu.vector_load %arg8[%swap3A_254, %swap3A_255] {strides = array<i32>} : memref<8x128xf32, #tpu.memory_space<vmem>>, vector<1x16xf32>,
    %swap3A_257 = vector.shape_cast %swap3A_256 : vector<1x16xf32> to vector<16xf32>
    %swap3A_258 = vector.shape_cast %broadcast_in_dim3A_1 : vector<16xf32> to vector<1x16xf32>
    tpu.vector_store %arg8[%swap3A_254, %swap3A_255], %swap3A_258 {strides = array<i32>} : memref<8x128xf32, #tpu.memory_space<vmem>>, vector<1x16xf32>,
    %swap3A_259 = arith.constant 5 : i32
    %swap3A_260 = arith.index_cast %swap3A_259 : i32 to index
    %swap3A_261 = arith.constant 48 : index
    %swap3A_262 = tpu.vector_load %arg8[%swap3A_260, %swap3A_261] {strides = array<i32>} : memref<8x128xf32, #tpu.memory_space<vmem>>, vector<1x16xf32>,
    %swap3A_263 = vector.shape_cast %swap3A_262 : vector<1x16xf32> to vector<16xf32>
    %swap3A_264 = vector.shape_cast %broadcast_in_dim3A_1 : vector<16xf32> to vector<1x16xf32>
    tpu.vector_store %arg8[%swap3A_260, %swap3A_261], %swap3A_264 {strides = array<i32>} : memref<8x128xf32, #tpu.memory_space<vmem>>, vector<1x16xf32>,
    %swap3A_265 = arith.constant 5 : i32
    %swap3A_266 = arith.index_cast %swap3A_265 : i32 to index
    %swap3A_267 = arith.constant 64 : index
    %swap3A_268 = tpu.vector_load %arg8[%swap3A_266, %swap3A_267] {strides = array<i32>} : memref<8x128xf32, #tpu.memory_space<vmem>>, vector<1x16xf32>,
    %swap3A_269 = vector.shape_cast %swap3A_268 : vector<1x16xf32> to vector<16xf32>
    %swap3A_270 = vector.shape_cast %broadcast_in_dim3A_1 : vector<16xf32> to vector<1x16xf32>
    tpu.vector_store %arg8[%swap3A_266, %swap3A_267], %swap3A_270 {strides = array<i32>} : memref<8x128xf32, #tpu.memory_space<vmem>>, vector<1x16xf32>,
    %swap3A_271 = arith.constant 5 : i32
    %swap3A_272 = arith.index_cast %swap3A_271 : i32 to index
    %swap3A_273 = arith.constant 80 : index
    %swap3A_274 = tpu.vector_load %arg8[%swap3A_272, %swap3A_273] {strides = array<i32>} : memref<8x128xf32, #tpu.memory_space<vmem>>, vector<1x16xf32>,
    %swap3A_275 = vector.shape_cast %swap3A_274 : vector<1x16xf32> to vector<16xf32>
    %swap3A_276 = vector.shape_cast %broadcast_in_dim3A_1 : vector<16xf32> to vector<1x16xf32>
    tpu.vector_store %arg8[%swap3A_272, %swap3A_273], %swap3A_276 {strides = array<i32>} : memref<8x128xf32, #tpu.memory_space<vmem>>, vector<1x16xf32>,
    %swap3A_277 = arith.constant 5 : i32
    %swap3A_278 = arith.index_cast %swap3A_277 : i32 to index
    %swap3A_279 = arith.constant 96 : index
    %swap3A_280 = tpu.vector_load %arg8[%swap3A_278, %swap3A_279] {strides = array<i32>} : memref<8x128xf32, #tpu.memory_space<vmem>>, vector<1x16xf32>,
    %swap3A_281 = vector.shape_cast %swap3A_280 : vector<1x16xf32> to vector<16xf32>
    %swap3A_282 = vector.shape_cast %broadcast_in_dim3A_1 : vector<16xf32> to vector<1x16xf32>
    tpu.vector_store %arg8[%swap3A_278, %swap3A_279], %swap3A_282 {strides = array<i32>} : memref<8x128xf32, #tpu.memory_space<vmem>>, vector<1x16xf32>,
    %swap3A_283 = arith.constant 5 : i32
    %swap3A_284 = arith.index_cast %swap3A_283 : i32 to index
    %swap3A_285 = arith.constant 112 : index
    %swap3A_286 = tpu.vector_load %arg8[%swap3A_284, %swap3A_285] {strides = array<i32>} : memref<8x128xf32, #tpu.memory_space<vmem>>, vector<1x16xf32>,
    %swap3A_287 = vector.shape_cast %swap3A_286 : vector<1x16xf32> to vector<16xf32>
    %swap3A_288 = vector.shape_cast %broadcast_in_dim3A_1 : vector<16xf32> to vector<1x16xf32>
    tpu.vector_store %arg8[%swap3A_284, %swap3A_285], %swap3A_288 {strides = array<i32>} : memref<8x128xf32, #tpu.memory_space<vmem>>, vector<1x16xf32>,
    %swap3A_289 = arith.constant 6 : i32
    %swap3A_290 = arith.index_cast %swap3A_289 : i32 to index
    %swap3A_291 = arith.constant 0 : index
    %swap3A_292 = tpu.vector_load %arg8[%swap3A_290, %swap3A_291] {strides = array<i32>} : memref<8x128xf32, #tpu.memory_space<vmem>>, vector<1x16xf32>,
    %swap3A_293 = vector.shape_cast %swap3A_292 : vector<1x16xf32> to vector<16xf32>
    %swap3A_294 = vector.shape_cast %broadcast_in_dim3A_1 : vector<16xf32> to vector<1x16xf32>
    tpu.vector_store %arg8[%swap3A_290, %swap3A_291], %swap3A_294 {strides = array<i32>} : memref<8x128xf32, #tpu.memory_space<vmem>>, vector<1x16xf32>,
    %swap3A_295 = arith.constant 6 : i32
    %swap3A_296 = arith.index_cast %swap3A_295 : i32 to index
    %swap3A_297 = arith.constant 16 : index
    %swap3A_298 = tpu.vector_load %arg8[%swap3A_296, %swap3A_297] {strides = array<i32>} : memref<8x128xf32, #tpu.memory_space<vmem>>, vector<1x16xf32>,
    %swap3A_299 = vector.shape_cast %swap3A_298 : vector<1x16xf32> to vector<16xf32>
    %swap3A_300 = vector.shape_cast %broadcast_in_dim3A_1 : vector<16xf32> to vector<1x16xf32>
    tpu.vector_store %arg8[%swap3A_296, %swap3A_297], %swap3A_300 {strides = array<i32>} : memref<8x128xf32, #tpu.memory_space<vmem>>, vector<1x16xf32>,
    %swap3A_301 = arith.constant 6 : i32
    %swap3A_302 = arith.index_cast %swap3A_301 : i32 to index
    %swap3A_303 = arith.constant 32 : index
    %swap3A_304 = tpu.vector_load %arg8[%swap3A_302, %swap3A_303] {strides = array<i32>} : memref<8x128xf32, #tpu.memory_space<vmem>>, vector<1x16xf32>,
    %swap3A_305 = vector.shape_cast %swap3A_304 : vector<1x16xf32> to vector<16xf32>
    %swap3A_306 = vector.shape_cast %broadcast_in_dim3A_1 : vector<16xf32> to vector<1x16xf32>
    tpu.vector_store %arg8[%swap3A_302, %swap3A_303], %swap3A_306 {strides = array<i32>} : memref<8x128xf32, #tpu.memory_space<vmem>>, vector<1x16xf32>,
    %swap3A_307 = arith.constant 6 : i32
    %swap3A_308 = arith.index_cast %swap3A_307 : i32 to index
    %swap3A_309 = arith.constant 48 : index
    %swap3A_310 = tpu.vector_load %arg8[%swap3A_308, %swap3A_309] {strides = array<i32>} : memref<8x128xf32, #tpu.memory_space<vmem>>, vector<1x16xf32>,
    %swap3A_311 = vector.shape_cast %swap3A_310 : vector<1x16xf32> to vector<16xf32>
    %swap3A_312 = vector.shape_cast %broadcast_in_dim3A_1 : vector<16xf32> to vector<1x16xf32>
    tpu.vector_store %arg8[%swap3A_308, %swap3A_309], %swap3A_312 {strides = array<i32>} : memref<8x128xf32, #tpu.memory_space<vmem>>, vector<1x16xf32>,
    %swap3A_313 = arith.constant 6 : i32
    %swap3A_314 = arith.index_cast %swap3A_313 : i32 to index
    %swap3A_315 = arith.constant 64 : index
    %swap3A_316 = tpu.vector_load %arg8[%swap3A_314, %swap3A_315] {strides = array<i32>} : memref<8x128xf32, #tpu.memory_space<vmem>>, vector<1x16xf32>,
    %swap3A_317 = vector.shape_cast %swap3A_316 : vector<1x16xf32> to vector<16xf32>
    %swap3A_318 = vector.shape_cast %broadcast_in_dim3A_1 : vector<16xf32> to vector<1x16xf32>
    tpu.vector_store %arg8[%swap3A_314, %swap3A_315], %swap3A_318 {strides = array<i32>} : memref<8x128xf32, #tpu.memory_space<vmem>>, vector<1x16xf32>,
    %swap3A_319 = arith.constant 6 : i32
    %swap3A_320 = arith.index_cast %swap3A_319 : i32 to index
    %swap3A_321 = arith.constant 80 : index
    %swap3A_322 = tpu.vector_load %arg8[%swap3A_320, %swap3A_321] {strides = array<i32>} : memref<8x128xf32, #tpu.memory_space<vmem>>, vector<1x16xf32>,
    %swap3A_323 = vector.shape_cast %swap3A_322 : vector<1x16xf32> to vector<16xf32>
    %swap3A_324 = vector.shape_cast %broadcast_in_dim3A_1 : vector<16xf32> to vector<1x16xf32>
    tpu.vector_store %arg8[%swap3A_320, %swap3A_321], %swap3A_324 {strides = array<i32>} : memref<8x128xf32, #tpu.memory_space<vmem>>, vector<1x16xf32>,
    %swap3A_325 = arith.constant 6 : i32
    %swap3A_326 = arith.index_cast %swap3A_325 : i32 to index
    %swap3A_327 = arith.constant 96 : index
    %swap3A_328 = tpu.vector_load %arg8[%swap3A_326, %swap3A_327] {strides = array<i32>} : memref<8x128xf32, #tpu.memory_space<vmem>>, vector<1x16xf32>,
    %swap3A_329 = vector.shape_cast %swap3A_328 : vector<1x16xf32> to vector<16xf32>
    %swap3A_330 = vector.shape_cast %broadcast_in_dim3A_1 : vector<16xf32> to vector<1x16xf32>
    tpu.vector_store %arg8[%swap3A_326, %swap3A_327], %swap3A_330 {strides = array<i32>} : memref<8x128xf32, #tpu.memory_space<vmem>>, vector<1x16xf32>,
    %swap3A_331 = arith.constant 6 : i32
    %swap3A_332 = arith.index_cast %swap3A_331 : i32 to index
    %swap3A_333 = arith.constant 112 : index
    %swap3A_334 = tpu.vector_load %arg8[%swap3A_332, %swap3A_333] {strides = array<i32>} : memref<8x128xf32, #tpu.memory_space<vmem>>, vector<1x16xf32>,
    %swap3A_335 = vector.shape_cast %swap3A_334 : vector<1x16xf32> to vector<16xf32>
    %swap3A_336 = vector.shape_cast %broadcast_in_dim3A_1 : vector<16xf32> to vector<1x16xf32>
    tpu.vector_store %arg8[%swap3A_332, %swap3A_333], %swap3A_336 {strides = array<i32>} : memref<8x128xf32, #tpu.memory_space<vmem>>, vector<1x16xf32>,
    %swap3A_337 = arith.constant 7 : i32
    %swap3A_338 = arith.index_cast %swap3A_337 : i32 to index
    %swap3A_339 = arith.constant 0 : index
    %swap3A_340 = tpu.vector_load %arg8[%swap3A_338, %swap3A_339] {strides = array<i32>} : memref<8x128xf32, #tpu.memory_space<vmem>>, vector<1x16xf32>,
    %swap3A_341 = vector.shape_cast %swap3A_340 : vector<1x16xf32> to vector<16xf32>
    %swap3A_342 = vector.shape_cast %broadcast_in_dim3A_1 : vector<16xf32> to vector<1x16xf32>
    tpu.vector_store %arg8[%swap3A_338, %swap3A_339], %swap3A_342 {strides = array<i32>} : memref<8x128xf32, #tpu.memory_space<vmem>>, vector<1x16xf32>,
    %swap3A_343 = arith.constant 7 : i32
    %swap3A_344 = arith.index_cast %swap3A_343 : i32 to index
    %swap3A_345 = arith.constant 16 : index
    %swap3A_346 = tpu.vector_load %arg8[%swap3A_344, %swap3A_345] {strides = array<i32>} : memref<8x128xf32, #tpu.memory_space<vmem>>, vector<1x16xf32>,
    %swap3A_347 = vector.shape_cast %swap3A_346 : vector<1x16xf32> to vector<16xf32>
    %swap3A_348 = vector.shape_cast %broadcast_in_dim3A_1 : vector<16xf32> to vector<1x16xf32>
    tpu.vector_store %arg8[%swap3A_344, %swap3A_345], %swap3A_348 {strides = array<i32>} : memref<8x128xf32, #tpu.memory_space<vmem>>, vector<1x16xf32>,
    %swap3A_349 = arith.constant 7 : i32
    %swap3A_350 = arith.index_cast %swap3A_349 : i32 to index
    %swap3A_351 = arith.constant 32 : index
    %swap3A_352 = tpu.vector_load %arg8[%swap3A_350, %swap3A_351] {strides = array<i32>} : memref<8x128xf32, #tpu.memory_space<vmem>>, vector<1x16xf32>,
    %swap3A_353 = vector.shape_cast %swap3A_352 : vector<1x16xf32> to vector<16xf32>
    %swap3A_354 = vector.shape_cast %broadcast_in_dim3A_1 : vector<16xf32> to vector<1x16xf32>
    tpu.vector_store %arg8[%swap3A_350, %swap3A_351], %swap3A_354 {strides = array<i32>} : memref<8x128xf32, #tpu.memory_space<vmem>>, vector<1x16xf32>,
    %swap3A_355 = arith.constant 7 : i32
    %swap3A_356 = arith.index_cast %swap3A_355 : i32 to index
    %swap3A_357 = arith.constant 48 : index
    %swap3A_358 = tpu.vector_load %arg8[%swap3A_356, %swap3A_357] {strides = array<i32>} : memref<8x128xf32, #tpu.memory_space<vmem>>, vector<1x16xf32>,
    %swap3A_359 = vector.shape_cast %swap3A_358 : vector<1x16xf32> to vector<16xf32>
    %swap3A_360 = vector.shape_cast %broadcast_in_dim3A_1 : vector<16xf32> to vector<1x16xf32>
    tpu.vector_store %arg8[%swap3A_356, %swap3A_357], %swap3A_360 {strides = array<i32>} : memref<8x128xf32, #tpu.memory_space<vmem>>, vector<1x16xf32>,
    %swap3A_361 = arith.constant 7 : i32
    %swap3A_362 = arith.index_cast %swap3A_361 : i32 to index
    %swap3A_363 = arith.constant 64 : index
    %swap3A_364 = tpu.vector_load %arg8[%swap3A_362, %swap3A_363] {strides = array<i32>} : memref<8x128xf32, #tpu.memory_space<vmem>>, vector<1x16xf32>,
    %swap3A_365 = vector.shape_cast %swap3A_364 : vector<1x16xf32> to vector<16xf32>
    %swap3A_366 = vector.shape_cast %broadcast_in_dim3A_1 : vector<16xf32> to vector<1x16xf32>
    tpu.vector_store %arg8[%swap3A_362, %swap3A_363], %swap3A_366 {strides = array<i32>} : memref<8x128xf32, #tpu.memory_space<vmem>>, vector<1x16xf32>,
    %swap3A_367 = arith.constant 7 : i32
    %swap3A_368 = arith.index_cast %swap3A_367 : i32 to index
    %swap3A_369 = arith.constant 80 : index
    %swap3A_370 = tpu.vector_load %arg8[%swap3A_368, %swap3A_369] {strides = array<i32>} : memref<8x128xf32, #tpu.memory_space<vmem>>, vector<1x16xf32>,
    %swap3A_371 = vector.shape_cast %swap3A_370 : vector<1x16xf32> to vector<16xf32>
    %swap3A_372 = vector.shape_cast %broadcast_in_dim3A_1 : vector<16xf32> to vector<1x16xf32>
    tpu.vector_store %arg8[%swap3A_368, %swap3A_369], %swap3A_372 {strides = array<i32>} : memref<8x128xf32, #tpu.memory_space<vmem>>, vector<1x16xf32>,
    %swap3A_373 = arith.constant 7 : i32
    %swap3A_374 = arith.index_cast %swap3A_373 : i32 to index
    %swap3A_375 = arith.constant 96 : index
    %swap3A_376 = tpu.vector_load %arg8[%swap3A_374, %swap3A_375] {strides = array<i32>} : memref<8x128xf32, #tpu.memory_space<vmem>>, vector<1x16xf32>,
    %swap3A_377 = vector.shape_cast %swap3A_376 : vector<1x16xf32> to vector<16xf32>
    %swap3A_378 = vector.shape_cast %broadcast_in_dim3A_1 : vector<16xf32> to vector<1x16xf32>
    tpu.vector_store %arg8[%swap3A_374, %swap3A_375], %swap3A_378 {strides = array<i32>} : memref<8x128xf32, #tpu.memory_space<vmem>>, vector<1x16xf32>,
    %swap3A_379 = arith.constant 7 : i32
    %swap3A_380 = arith.index_cast %swap3A_379 : i32 to index
    %swap3A_381 = arith.constant 112 : index
    %swap3A_382 = tpu.vector_load %arg8[%swap3A_380, %swap3A_381] {strides = array<i32>} : memref<8x128xf32, #tpu.memory_space<vmem>>, vector<1x16xf32>,
    %swap3A_383 = vector.shape_cast %swap3A_382 : vector<1x16xf32> to vector<16xf32>
    %swap3A_384 = vector.shape_cast %broadcast_in_dim3A_1 : vector<16xf32> to vector<1x16xf32>
    tpu.vector_store %arg8[%swap3A_380, %swap3A_381], %swap3A_384 {strides = array<i32>} : memref<8x128xf32, #tpu.memory_space<vmem>>, vector<1x16xf32>,
    %scan3A = arith.constant 0 : i32
    %scan3A_385 = arith.constant 0 : i32
    %scan3A_386 = arith.constant 80 : i32
    %scan3A_387 = arith.addi %scan3A_385, %scan3A_386 : i32
    %scan3A_388 = arith.constant 1 : i32
    scf.for %scan3A_518 = %scan3A_385 to %scan3A_387 step %scan3A_388  : i32 {
      %mul3A_519 = arith.constant 640 : i32
      %mul3A_520 = arith.muli %arg1, %mul3A_519 : i32
      %mul3A_521 = arith.constant 8 : i32
      %mul3A_522 = arith.muli %scan3A_518, %mul3A_521 : i32
      %add3A_523 = arith.addi %mul3A_520, %mul3A_522 : i32
      "tpu.region"() ({
        %run_scoped3A = tpu.sem_alloc : memref<!tpu.dma_semaphore, #tpu.memory_space<semaphore_mem>>
        %dma_start3A_524 = arith.constant 0 : i32
        %dma_start3A_525 = tpu.memref_slice %arg9[%add3A_523, %dma_start3A_524] : memref<10240x128xf32, #tpu.memory_space<vmem_shared>> -> memref<8x128xf32, #tpu.memory_space<vmem_shared>>
        %dma_start3A_526 = arith.constant 0 : i32
        %dma_start3A_527 = tpu.memref_slice %arg9[%add3A_523, %dma_start3A_526] : memref<10240x128xf32, #tpu.memory_space<vmem_shared>> -> memref<8x128xf32, #tpu.memory_space<vmem_shared>>
        tpu.enqueue_dma source(%arg8 : memref<8x128xf32, #tpu.memory_space<vmem>>) target(%dma_start3A_527 : memref<8x128xf32, #tpu.memory_space<vmem_shared>>) target_semaphore(%run_scoped3A : memref<!tpu.dma_semaphore, #tpu.memory_space<semaphore_mem>>)
        %dma_wait3A_528 = arith.constant 0 : i32
        %dma_wait3A_529 = tpu.memref_slice %arg9[%add3A_523, %dma_wait3A_528] : memref<10240x128xf32, #tpu.memory_space<vmem_shared>> -> memref<8x128xf32, #tpu.memory_space<vmem_shared>>
        %dma_wait3A_530 = arith.constant 0 : i32
        %dma_wait3A_531 = tpu.memref_slice %arg9[%add3A_523, %dma_wait3A_530] : memref<10240x128xf32, #tpu.memory_space<vmem_shared>> -> memref<8x128xf32, #tpu.memory_space<vmem_shared>>
        tpu.wait_dma2 semaphore(%run_scoped3A : memref<!tpu.dma_semaphore, #tpu.memory_space<semaphore_mem>>) src(%arg8 : memref<8x128xf32, #tpu.memory_space<vmem>>) dst(%dma_wait3A_531 : memref<8x128xf32, #tpu.memory_space<vmem_shared>>)
        tpu.yield
      }) : () -> ()
    }
    %scan3A_389 = arith.constant 80 : i32
    %barrier3A = arith.constant 0 : index
    tpu.barrier barrier_id(%barrier3A)
    %mul3A_390 = arith.constant 10000 : i32
    %mul3A_391 = arith.muli %add3A, %mul3A_390 : i32
    %rem3A = arith.constant 0 : i32
    %rem3A_392 = arith.constant 4 : i32
    %rem3A_393 = arith.remsi %rem3A, %rem3A_392 : i32
    %add3A_394 = arith.constant 0 : i32
    %add3A_395 = arith.addi %mul3A_391, %add3A_394 : i32
    %dma_start3A = arith.constant 0 : i32
    %dma_start3A_396 = tpu.memref_slice %arg5[%rem3A_393, %dma_start3A] : memref<4x80xi32, #tpu.memory_space<vmem>> -> memref<1x80xi32, #tpu.memory_space<vmem>>
    %dma_start3A_397 = tpu.memref_squeeze %dma_start3A_396 : memref<1x80xi32, #tpu.memory_space<vmem>> -> memref<80xi32, #tpu.memory_space<vmem>>
    %dma_start3A_398 = tpu.memref_slice %arg2[%add3A_395] : memref<640000xi32, #tpu.memory_space<hbm>> -> memref<80xi32, #tpu.memory_space<hbm>>
    %dma_start3A_399 = arith.constant 0 : i32
    %dma_start3A_400 = tpu.memref_slice %arg5[%rem3A_393, %dma_start3A_399] : memref<4x80xi32, #tpu.memory_space<vmem>> -> memref<1x80xi32, #tpu.memory_space<vmem>>
    %dma_start3A_401 = tpu.memref_squeeze %dma_start3A_400 : memref<1x80xi32, #tpu.memory_space<vmem>> -> memref<80xi32, #tpu.memory_space<vmem>>
    %dma_start3A_402 = tpu.memref_slice %arg2[%add3A_395] : memref<640000xi32, #tpu.memory_space<hbm>> -> memref<80xi32, #tpu.memory_space<hbm>>
    tpu.enqueue_dma source(%dma_start3A_402 : memref<80xi32, #tpu.memory_space<hbm>>) target(%dma_start3A_401 : memref<80xi32, #tpu.memory_space<vmem>>) target_semaphore(%arg10 : memref<!tpu.dma_semaphore, #tpu.memory_space<semaphore_mem>>)
    %add3A_403 = arith.constant 320000 : i32
    %add3A_404 = arith.addi %add3A_403, %add3A_395 : i32
    %dma_start3A_405 = arith.constant 0 : i32
    %dma_start3A_406 = tpu.memref_slice %arg6[%rem3A_393, %dma_start3A_405] : memref<4x80xi32, #tpu.memory_space<vmem>> -> memref<1x80xi32, #tpu.memory_space<vmem>>
    %dma_start3A_407 = tpu.memref_squeeze %dma_start3A_406 : memref<1x80xi32, #tpu.memory_space<vmem>> -> memref<80xi32, #tpu.memory_space<vmem>>
    %dma_start3A_408 = tpu.memref_slice %arg2[%add3A_404] : memref<640000xi32, #tpu.memory_space<hbm>> -> memref<80xi32, #tpu.memory_space<hbm>>
    %dma_start3A_409 = arith.constant 0 : i32
    %dma_start3A_410 = tpu.memref_slice %arg6[%rem3A_393, %dma_start3A_409] : memref<4x80xi32, #tpu.memory_space<vmem>> -> memref<1x80xi32, #tpu.memory_space<vmem>>
    %dma_start3A_411 = tpu.memref_squeeze %dma_start3A_410 : memref<1x80xi32, #tpu.memory_space<vmem>> -> memref<80xi32, #tpu.memory_space<vmem>>
    %dma_start3A_412 = tpu.memref_slice %arg2[%add3A_404] : memref<640000xi32, #tpu.memory_space<hbm>> -> memref<80xi32, #tpu.memory_space<hbm>>
    tpu.enqueue_dma source(%dma_start3A_412 : memref<80xi32, #tpu.memory_space<hbm>>) target(%dma_start3A_411 : memref<80xi32, #tpu.memory_space<vmem>>) target_semaphore(%arg10 : memref<!tpu.dma_semaphore, #tpu.memory_space<semaphore_mem>>)
    %dma_wait3A = arith.constant 0 : i32
    %dma_wait3A_413 = arith.constant 0 : i32
    %dma_wait3A_414 = tpu.memref_slice %arg5[%dma_wait3A, %dma_wait3A_413] : memref<4x80xi32, #tpu.memory_space<vmem>> -> memref<1x80xi32, #tpu.memory_space<vmem>>
    %dma_wait3A_415 = tpu.memref_squeeze %dma_wait3A_414 : memref<1x80xi32, #tpu.memory_space<vmem>> -> memref<80xi32, #tpu.memory_space<vmem>>
    %dma_wait3A_416 = arith.constant 0 : i32
    %dma_wait3A_417 = tpu.memref_slice %arg2[%dma_wait3A_416] : memref<640000xi32, #tpu.memory_space<hbm>> -> memref<80xi32, #tpu.memory_space<hbm>>
    %dma_wait3A_418 = arith.constant 0 : i32
    %dma_wait3A_419 = tpu.memref_slice %arg5[%dma_wait3A, %dma_wait3A_418] : memref<4x80xi32, #tpu.memory_space<vmem>> -> memref<1x80xi32, #tpu.memory_space<vmem>>
    %dma_wait3A_420 = tpu.memref_squeeze %dma_wait3A_419 : memref<1x80xi32, #tpu.memory_space<vmem>> -> memref<80xi32, #tpu.memory_space<vmem>>
    %dma_wait3A_421 = arith.constant 0 : i32
    %dma_wait3A_422 = tpu.memref_slice %arg2[%dma_wait3A_421] : memref<640000xi32, #tpu.memory_space<hbm>> -> memref<80xi32, #tpu.memory_space<hbm>>
    tpu.wait_dma2 semaphore(%arg10 : memref<!tpu.dma_semaphore, #tpu.memory_space<semaphore_mem>>) src(%dma_wait3A_422 : memref<80xi32, #tpu.memory_space<hbm>>) dst(%dma_wait3A_420 : memref<80xi32, #tpu.memory_space<vmem>>)
    %dma_wait3A_423 = arith.constant 0 : i32
    %dma_wait3A_424 = arith.constant 0 : i32
    %dma_wait3A_425 = tpu.memref_slice %arg6[%dma_wait3A_423, %dma_wait3A_424] : memref<4x80xi32, #tpu.memory_space<vmem>> -> memref<1x80xi32, #tpu.memory_space<vmem>>
    %dma_wait3A_426 = tpu.memref_squeeze %dma_wait3A_425 : memref<1x80xi32, #tpu.memory_space<vmem>> -> memref<80xi32, #tpu.memory_space<vmem>>
    %dma_wait3A_427 = arith.constant 0 : i32
    %dma_wait3A_428 = tpu.memref_slice %arg2[%dma_wait3A_427] : memref<640000xi32, #tpu.memory_space<hbm>> -> memref<80xi32, #tpu.memory_space<hbm>>
    %dma_wait3A_429 = arith.constant 0 : i32
    %dma_wait3A_430 = tpu.memref_slice %arg6[%dma_wait3A_423, %dma_wait3A_429] : memref<4x80xi32, #tpu.memory_space<vmem>> -> memref<1x80xi32, #tpu.memory_space<vmem>>
    %dma_wait3A_431 = tpu.memref_squeeze %dma_wait3A_430 : memref<1x80xi32, #tpu.memory_space<vmem>> -> memref<80xi32, #tpu.memory_space<vmem>>
    %dma_wait3A_432 = arith.constant 0 : i32
    %dma_wait3A_433 = tpu.memref_slice %arg2[%dma_wait3A_432] : memref<640000xi32, #tpu.memory_space<hbm>> -> memref<80xi32, #tpu.memory_space<hbm>>
    tpu.wait_dma2 semaphore(%arg10 : memref<!tpu.dma_semaphore, #tpu.memory_space<semaphore_mem>>) src(%dma_wait3A_433 : memref<80xi32, #tpu.memory_space<hbm>>) dst(%dma_wait3A_431 : memref<80xi32, #tpu.memory_space<vmem>>)
    %rem3A_434 = arith.constant 0 : i32
    %rem3A_435 = arith.constant 4 : i32
    %rem3A_436 = arith.remsi %rem3A_434, %rem3A_435 : i32
    %dma_start3A_437 = arith.constant 0 : i32
    %dma_start3A_438 = arith.constant 0 : i32
    %dma_start3A_439 = tpu.memref_slice %arg7[%rem3A_436, %dma_start3A_437, %dma_start3A_438] : memref<4x80x128xf32, #tpu.memory_space<vmem>> -> memref<1x80x128xf32, #tpu.memory_space<vmem>>
    %dma_start3A_440 = tpu.memref_squeeze %dma_start3A_439 : memref<1x80x128xf32, #tpu.memory_space<vmem>> -> memref<80x128xf32, #tpu.memory_space<vmem>>
    %dma_start3A_441 = arith.constant 0 : i32
    %dma_start3A_442 = tpu.memref_slice %arg5[%rem3A_436, %dma_start3A_441] : memref<4x80xi32, #tpu.memory_space<vmem>> -> memref<1x80xi32, #tpu.memory_space<vmem>>
    %dma_start3A_443 = tpu.memref_squeeze %dma_start3A_442 : memref<1x80xi32, #tpu.memory_space<vmem>> -> memref<80xi32, #tpu.memory_space<vmem>>
    %dma_start3A_444 = arith.constant 0 : i32
    %dma_start3A_445 = arith.constant 0 : i32
    %dma_start3A_446 = tpu.memref_slice %arg3[%dma_start3A_444, %dma_start3A_445] : memref<10240x128xf32, #tpu.memory_space<hbm>> -> memref<10240x128xf32, #tpu.memory_space<hbm>>
    tpu.enqueue_indirect_dma source(%dma_start3A_446 : memref<10240x128xf32, #tpu.memory_space<hbm>>) target(%dma_start3A_440 : memref<80x128xf32, #tpu.memory_space<vmem>>) offsets(%dma_start3A_443 : memref<80xi32, #tpu.memory_space<vmem>>) semaphore(%arg11 : memref<!tpu.dma_semaphore, #tpu.memory_space<semaphore_mem>>)
    %rem3A_447 = arith.constant 1 : i32
    %rem3A_448 = arith.constant 4 : i32
    %rem3A_449 = arith.remsi %rem3A_447, %rem3A_448 : i32
    %add3A_450 = arith.constant 80 : i32
    %add3A_451 = arith.addi %mul3A_391, %add3A_450 : i32
    %dma_start3A_452 = arith.constant 0 : i32
    %dma_start3A_453 = tpu.memref_slice %arg5[%rem3A_449, %dma_start3A_452] : memref<4x80xi32, #tpu.memory_space<vmem>> -> memref<1x80xi32, #tpu.memory_space<vmem>>
    %dma_start3A_454 = tpu.memref_squeeze %dma_start3A_453 : memref<1x80xi32, #tpu.memory_space<vmem>> -> memref<80xi32, #tpu.memory_space<vmem>>
    %dma_start3A_455 = tpu.memref_slice %arg2[%add3A_451] : memref<640000xi32, #tpu.memory_space<hbm>> -> memref<80xi32, #tpu.memory_space<hbm>>
    %dma_start3A_456 = arith.constant 0 : i32
    %dma_start3A_457 = tpu.memref_slice %arg5[%rem3A_449, %dma_start3A_456] : memref<4x80xi32, #tpu.memory_space<vmem>> -> memref<1x80xi32, #tpu.memory_space<vmem>>
    %dma_start3A_458 = tpu.memref_squeeze %dma_start3A_457 : memref<1x80xi32, #tpu.memory_space<vmem>> -> memref<80xi32, #tpu.memory_space<vmem>>
    %dma_start3A_459 = tpu.memref_slice %arg2[%add3A_451] : memref<640000xi32, #tpu.memory_space<hbm>> -> memref<80xi32, #tpu.memory_space<hbm>>
    tpu.enqueue_dma source(%dma_start3A_459 : memref<80xi32, #tpu.memory_space<hbm>>) target(%dma_start3A_458 : memref<80xi32, #tpu.memory_space<vmem>>) target_semaphore(%arg10 : memref<!tpu.dma_semaphore, #tpu.memory_space<semaphore_mem>>)
    %add3A_460 = arith.constant 320000 : i32
    %add3A_461 = arith.addi %add3A_460, %add3A_451 : i32
    %dma_start3A_462 = arith.constant 0 : i32
    %dma_start3A_463 = tpu.memref_slice %arg6[%rem3A_449, %dma_start3A_462] : memref<4x80xi32, #tpu.memory_space<vmem>> -> memref<1x80xi32, #tpu.memory_space<vmem>>
    %dma_start3A_464 = tpu.memref_squeeze %dma_start3A_463 : memref<1x80xi32, #tpu.memory_space<vmem>> -> memref<80xi32, #tpu.memory_space<vmem>>
    %dma_start3A_465 = tpu.memref_slice %arg2[%add3A_461] : memref<640000xi32, #tpu.memory_space<hbm>> -> memref<80xi32, #tpu.memory_space<hbm>>
    %dma_start3A_466 = arith.constant 0 : i32
    %dma_start3A_467 = tpu.memref_slice %arg6[%rem3A_449, %dma_start3A_466] : memref<4x80xi32, #tpu.memory_space<vmem>> -> memref<1x80xi32, #tpu.memory_space<vmem>>
    %dma_start3A_468 = tpu.memref_squeeze %dma_start3A_467 : memref<1x80xi32, #tpu.memory_space<vmem>> -> memref<80xi32, #tpu.memory_space<vmem>>
    %dma_start3A_469 = tpu.memref_slice %arg2[%add3A_461] : memref<640000xi32, #tpu.memory_space<hbm>> -> memref<80xi32, #tpu.memory_space<hbm>>
    tpu.enqueue_dma source(%dma_start3A_469 : memref<80xi32, #tpu.memory_space<hbm>>) target(%dma_start3A_468 : memref<80xi32, #tpu.memory_space<vmem>>) target_semaphore(%arg10 : memref<!tpu.dma_semaphore, #tpu.memory_space<semaphore_mem>>)
    %scan3A_470 = arith.constant 0 : i32
    %scan3A_471 = arith.constant 0 : i32
    %scan3A_472 = arith.constant 125 : i32
    %scan3A_473 = arith.addi %scan3A_471, %scan3A_472 : i32
    %scan3A_474 = arith.constant 1 : i32
    scf.for %scan3A_518 = %scan3A_471 to %scan3A_473 step %scan3A_474  : i32 {
      %rem3A_519 = arith.constant 4 : i32
      %rem3A_520 = arith.remsi %scan3A_518, %rem3A_519 : i32
      %ge3A = arith.constant 2 : i32
      %ge3A_521 = arith.cmpi sge, %scan3A_518, %ge3A : i32
      %convert_element_type3A = arith.extui %ge3A_521 : i1 to i32
      %cond3A = arith.constant 0 : i32
      %cond3A_522 = arith.cmpi ne, %convert_element_type3A, %cond3A : i32
      scf.if %cond3A_522 {
        %add3A_560 = arith.constant 2 : i32
        %add3A_561 = arith.addi %scan3A_518, %add3A_560 : i32
        %rem3A_562 = arith.constant 4 : i32
        %rem3A_563 = arith.remsi %add3A_561, %rem3A_562 : i32
        %dma_wait3A_564 = arith.constant 0 : i32
        %dma_wait3A_565 = arith.constant 0 : i32
        %dma_wait3A_566 = tpu.memref_slice %arg7[%rem3A_563, %dma_wait3A_564, %dma_wait3A_565] : memref<4x80x128xf32, #tpu.memory_space<vmem>> -> memref<1x80x128xf32, #tpu.memory_space<vmem>>
        %dma_wait3A_567 = tpu.memref_squeeze %dma_wait3A_566 : memref<1x80x128xf32, #tpu.memory_space<vmem>> -> memref<80x128xf32, #tpu.memory_space<vmem>>
        %dma_wait3A_568 = arith.constant 0 : i32
        %dma_wait3A_569 = arith.constant 0 : i32
        %dma_wait3A_570 = tpu.memref_slice %arg3[%dma_wait3A_568, %dma_wait3A_569] : memref<10240x128xf32, #tpu.memory_space<hbm>> -> memref<80x128xf32, #tpu.memory_space<hbm>>
        %dma_wait3A_571 = arith.constant 0 : i32
        %dma_wait3A_572 = arith.constant 0 : i32
        %dma_wait3A_573 = tpu.memref_slice %arg7[%rem3A_563, %dma_wait3A_571, %dma_wait3A_572] : memref<4x80x128xf32, #tpu.memory_space<vmem>> -> memref<1x80x128xf32, #tpu.memory_space<vmem>>
        %dma_wait3A_574 = tpu.memref_squeeze %dma_wait3A_573 : memref<1x80x128xf32, #tpu.memory_space<vmem>> -> memref<80x128xf32, #tpu.memory_space<vmem>>
        %dma_wait3A_575 = arith.constant 0 : i32
        %dma_wait3A_576 = arith.constant 0 : i32
        %dma_wait3A_577 = tpu.memref_slice %arg3[%dma_wait3A_575, %dma_wait3A_576] : memref<10240x128xf32, #tpu.memory_space<hbm>> -> memref<80x128xf32, #tpu.memory_space<hbm>>
        tpu.wait_dma2 semaphore(%arg12 : memref<!tpu.dma_semaphore, #tpu.memory_space<semaphore_mem>>) src(%dma_wait3A_577 : memref<80x128xf32, #tpu.memory_space<hbm>>) dst(%dma_wait3A_574 : memref<80x128xf32, #tpu.memory_space<vmem>>)
      } else {
      }
      %add3A_523 = arith.constant 2 : i32
      %add3A_524 = arith.addi %scan3A_518, %add3A_523 : i32
      %lt3A = arith.constant 125 : i32
      %lt3A_525 = arith.cmpi slt, %add3A_524, %lt3A : i32
      %convert_element_type3A_526 = arith.extui %lt3A_525 : i1 to i32
      %cond3A_527 = arith.constant 0 : i32
      %cond3A_528 = arith.cmpi ne, %convert_element_type3A_526, %cond3A_527 : i32
      scf.if %cond3A_528 {
        %add3A_560 = arith.constant 2 : i32
        %add3A_561 = arith.addi %scan3A_518, %add3A_560 : i32
        %rem3A_562 = arith.constant 4 : i32
        %rem3A_563 = arith.remsi %add3A_561, %rem3A_562 : i32
        %mul3A_564 = arith.constant 80 : i32
        %mul3A_565 = arith.muli %add3A_561, %mul3A_564 : i32
        %add3A_566 = arith.addi %mul3A_391, %mul3A_565 : i32
        %dma_start3A_567 = arith.constant 0 : i32
        %dma_start3A_568 = tpu.memref_slice %arg5[%rem3A_563, %dma_start3A_567] : memref<4x80xi32, #tpu.memory_space<vmem>> -> memref<1x80xi32, #tpu.memory_space<vmem>>
        %dma_start3A_569 = tpu.memref_squeeze %dma_start3A_568 : memref<1x80xi32, #tpu.memory_space<vmem>> -> memref<80xi32, #tpu.memory_space<vmem>>
        %dma_start3A_570 = tpu.memref_slice %arg2[%add3A_566] : memref<640000xi32, #tpu.memory_space<hbm>> -> memref<80xi32, #tpu.memory_space<hbm>>
        %dma_start3A_571 = arith.constant 0 : i32
        %dma_start3A_572 = tpu.memref_slice %arg5[%rem3A_563, %dma_start3A_571] : memref<4x80xi32, #tpu.memory_space<vmem>> -> memref<1x80xi32, #tpu.memory_space<vmem>>
        %dma_start3A_573 = tpu.memref_squeeze %dma_start3A_572 : memref<1x80xi32, #tpu.memory_space<vmem>> -> memref<80xi32, #tpu.memory_space<vmem>>
        %dma_start3A_574 = tpu.memref_slice %arg2[%add3A_566] : memref<640000xi32, #tpu.memory_space<hbm>> -> memref<80xi32, #tpu.memory_space<hbm>>
        tpu.enqueue_dma source(%dma_start3A_574 : memref<80xi32, #tpu.memory_space<hbm>>) target(%dma_start3A_573 : memref<80xi32, #tpu.memory_space<vmem>>) target_semaphore(%arg10 : memref<!tpu.dma_semaphore, #tpu.memory_space<semaphore_mem>>)
        %add3A_575 = arith.constant 320000 : i32
        %add3A_576 = arith.addi %add3A_575, %add3A_566 : i32
        %dma_start3A_577 = arith.constant 0 : i32
        %dma_start3A_578 = tpu.memref_slice %arg6[%rem3A_563, %dma_start3A_577] : memref<4x80xi32, #tpu.memory_space<vmem>> -> memref<1x80xi32, #tpu.memory_space<vmem>>
        %dma_start3A_579 = tpu.memref_squeeze %dma_start3A_578 : memref<1x80xi32, #tpu.memory_space<vmem>> -> memref<80xi32, #tpu.memory_space<vmem>>
        %dma_start3A_580 = tpu.memref_slice %arg2[%add3A_576] : memref<640000xi32, #tpu.memory_space<hbm>> -> memref<80xi32, #tpu.memory_space<hbm>>
        %dma_start3A_581 = arith.constant 0 : i32
        %dma_start3A_582 = tpu.memref_slice %arg6[%rem3A_563, %dma_start3A_581] : memref<4x80xi32, #tpu.memory_space<vmem>> -> memref<1x80xi32, #tpu.memory_space<vmem>>
        %dma_start3A_583 = tpu.memref_squeeze %dma_start3A_582 : memref<1x80xi32, #tpu.memory_space<vmem>> -> memref<80xi32, #tpu.memory_space<vmem>>
        %dma_start3A_584 = tpu.memref_slice %arg2[%add3A_576] : memref<640000xi32, #tpu.memory_space<hbm>> -> memref<80xi32, #tpu.memory_space<hbm>>
        tpu.enqueue_dma source(%dma_start3A_584 : memref<80xi32, #tpu.memory_space<hbm>>) target(%dma_start3A_583 : memref<80xi32, #tpu.memory_space<vmem>>) target_semaphore(%arg10 : memref<!tpu.dma_semaphore, #tpu.memory_space<semaphore_mem>>)
      } else {
      }
      %add3A_529 = arith.constant 1 : i32
      %add3A_530 = arith.addi %scan3A_518, %add3A_529 : i32
      %lt3A_531 = arith.constant 125 : i32
      %lt3A_532 = arith.cmpi slt, %add3A_530, %lt3A_531 : i32
      %convert_element_type3A_533 = arith.extui %lt3A_532 : i1 to i32
      %cond3A_534 = arith.constant 0 : i32
      %cond3A_535 = arith.cmpi ne, %convert_element_type3A_533, %cond3A_534 : i32
      scf.if %cond3A_535 {
        %add3A_560 = arith.constant 1 : i32
        %add3A_561 = arith.addi %scan3A_518, %add3A_560 : i32
        %rem3A_562 = arith.constant 4 : i32
        %rem3A_563 = arith.remsi %add3A_561, %rem3A_562 : i32
        %dma_wait3A_564 = arith.constant 0 : i32
        %dma_wait3A_565 = tpu.memref_slice %arg5[%rem3A_563, %dma_wait3A_564] : memref<4x80xi32, #tpu.memory_space<vmem>> -> memref<1x80xi32, #tpu.memory_space<vmem>>
        %dma_wait3A_566 = tpu.memref_squeeze %dma_wait3A_565 : memref<1x80xi32, #tpu.memory_space<vmem>> -> memref<80xi32, #tpu.memory_space<vmem>>
        %dma_wait3A_567 = arith.constant 0 : i32
        %dma_wait3A_568 = tpu.memref_slice %arg2[%dma_wait3A_567] : memref<640000xi32, #tpu.memory_space<hbm>> -> memref<80xi32, #tpu.memory_space<hbm>>
        %dma_wait3A_569 = arith.constant 0 : i32
        %dma_wait3A_570 = tpu.memref_slice %arg5[%rem3A_563, %dma_wait3A_569] : memref<4x80xi32, #tpu.memory_space<vmem>> -> memref<1x80xi32, #tpu.memory_space<vmem>>
        %dma_wait3A_571 = tpu.memref_squeeze %dma_wait3A_570 : memref<1x80xi32, #tpu.memory_space<vmem>> -> memref<80xi32, #tpu.memory_space<vmem>>
        %dma_wait3A_572 = arith.constant 0 : i32
        %dma_wait3A_573 = tpu.memref_slice %arg2[%dma_wait3A_572] : memref<640000xi32, #tpu.memory_space<hbm>> -> memref<80xi32, #tpu.memory_space<hbm>>
        tpu.wait_dma2 semaphore(%arg10 : memref<!tpu.dma_semaphore, #tpu.memory_space<semaphore_mem>>) src(%dma_wait3A_573 : memref<80xi32, #tpu.memory_space<hbm>>) dst(%dma_wait3A_571 : memref<80xi32, #tpu.memory_space<vmem>>)
        %dma_wait3A_574 = arith.constant 0 : i32
        %dma_wait3A_575 = tpu.memref_slice %arg6[%rem3A_563, %dma_wait3A_574] : memref<4x80xi32, #tpu.memory_space<vmem>> -> memref<1x80xi32, #tpu.memory_space<vmem>>
        %dma_wait3A_576 = tpu.memref_squeeze %dma_wait3A_575 : memref<1x80xi32, #tpu.memory_space<vmem>> -> memref<80xi32, #tpu.memory_space<vmem>>
        %dma_wait3A_577 = arith.constant 0 : i32
        %dma_wait3A_578 = tpu.memref_slice %arg2[%dma_wait3A_577] : memref<640000xi32, #tpu.memory_space<hbm>> -> memref<80xi32, #tpu.memory_space<hbm>>
        %dma_wait3A_579 = arith.constant 0 : i32
        %dma_wait3A_580 = tpu.memref_slice %arg6[%rem3A_563, %dma_wait3A_579] : memref<4x80xi32, #tpu.memory_space<vmem>> -> memref<1x80xi32, #tpu.memory_space<vmem>>
        %dma_wait3A_581 = tpu.memref_squeeze %dma_wait3A_580 : memref<1x80xi32, #tpu.memory_space<vmem>> -> memref<80xi32, #tpu.memory_space<vmem>>
        %dma_wait3A_582 = arith.constant 0 : i32
        %dma_wait3A_583 = tpu.memref_slice %arg2[%dma_wait3A_582] : memref<640000xi32, #tpu.memory_space<hbm>> -> memref<80xi32, #tpu.memory_space<hbm>>
        tpu.wait_dma2 semaphore(%arg10 : memref<!tpu.dma_semaphore, #tpu.memory_space<semaphore_mem>>) src(%dma_wait3A_583 : memref<80xi32, #tpu.memory_space<hbm>>) dst(%dma_wait3A_581 : memref<80xi32, #tpu.memory_space<vmem>>)
        %add3A_584 = arith.constant 1 : i32
        %add3A_585 = arith.addi %scan3A_518, %add3A_584 : i32
        %rem3A_586 = arith.constant 4 : i32
        %rem3A_587 = arith.remsi %add3A_585, %rem3A_586 : i32
        %dma_start3A_588 = arith.constant 0 : i32
        %dma_start3A_589 = arith.constant 0 : i32
        %dma_start3A_590 = tpu.memref_slice %arg7[%rem3A_587, %dma_start3A_588, %dma_start3A_589] : memref<4x80x128xf32, #tpu.memory_space<vmem>> -> memref<1x80x128xf32, #tpu.memory_space<vmem>>
        %dma_start3A_591 = tpu.memref_squeeze %dma_start3A_590 : memref<1x80x128xf32, #tpu.memory_space<vmem>> -> memref<80x128xf32, #tpu.memory_space<vmem>>
        %dma_start3A_592 = arith.constant 0 : i32
        %dma_start3A_593 = tpu.memref_slice %arg5[%rem3A_587, %dma_start3A_592] : memref<4x80xi32, #tpu.memory_space<vmem>> -> memref<1x80xi32, #tpu.memory_space<vmem>>
        %dma_start3A_594 = tpu.memref_squeeze %dma_start3A_593 : memref<1x80xi32, #tpu.memory_space<vmem>> -> memref<80xi32, #tpu.memory_space<vmem>>
        %dma_start3A_595 = arith.constant 0 : i32
        %dma_start3A_596 = arith.constant 0 : i32
        %dma_start3A_597 = tpu.memref_slice %arg3[%dma_start3A_595, %dma_start3A_596] : memref<10240x128xf32, #tpu.memory_space<hbm>> -> memref<10240x128xf32, #tpu.memory_space<hbm>>
        tpu.enqueue_indirect_dma source(%dma_start3A_597 : memref<10240x128xf32, #tpu.memory_space<hbm>>) target(%dma_start3A_591 : memref<80x128xf32, #tpu.memory_space<vmem>>) offsets(%dma_start3A_594 : memref<80xi32, #tpu.memory_space<vmem>>) semaphore(%arg11 : memref<!tpu.dma_semaphore, #tpu.memory_space<semaphore_mem>>)
      } else {
      }
      %dma_wait3A_536 = arith.constant 0 : i32
      %dma_wait3A_537 = arith.constant 0 : i32
      %dma_wait3A_538 = tpu.memref_slice %arg7[%rem3A_520, %dma_wait3A_536, %dma_wait3A_537] : memref<4x80x128xf32, #tpu.memory_space<vmem>> -> memref<1x80x128xf32, #tpu.memory_space<vmem>>
      %dma_wait3A_539 = tpu.memref_squeeze %dma_wait3A_538 : memref<1x80x128xf32, #tpu.memory_space<vmem>> -> memref<80x128xf32, #tpu.memory_space<vmem>>
      %dma_wait3A_540 = arith.constant 0 : i32
      %dma_wait3A_541 = arith.constant 0 : i32
      %dma_wait3A_542 = tpu.memref_slice %arg3[%dma_wait3A_540, %dma_wait3A_541] : memref<10240x128xf32, #tpu.memory_space<hbm>> -> memref<80x128xf32, #tpu.memory_space<hbm>>
      %dma_wait3A_543 = arith.constant 0 : i32
      %dma_wait3A_544 = arith.constant 0 : i32
      %dma_wait3A_545 = tpu.memref_slice %arg7[%rem3A_520, %dma_wait3A_543, %dma_wait3A_544] : memref<4x80x128xf32, #tpu.memory_space<vmem>> -> memref<1x80x128xf32, #tpu.memory_space<vmem>>
      %dma_wait3A_546 = tpu.memref_squeeze %dma_wait3A_545 : memref<1x80x128xf32, #tpu.memory_space<vmem>> -> memref<80x128xf32, #tpu.memory_space<vmem>>
      %dma_wait3A_547 = arith.constant 0 : i32
      %dma_wait3A_548 = arith.constant 0 : i32
      %dma_wait3A_549 = tpu.memref_slice %arg3[%dma_wait3A_547, %dma_wait3A_548] : memref<10240x128xf32, #tpu.memory_space<hbm>> -> memref<80x128xf32, #tpu.memory_space<hbm>>
      tpu.wait_dma2 semaphore(%arg11 : memref<!tpu.dma_semaphore, #tpu.memory_space<semaphore_mem>>) src(%dma_wait3A_549 : memref<80x128xf32, #tpu.memory_space<hbm>>) dst(%dma_wait3A_546 : memref<80x128xf32, #tpu.memory_space<vmem>>)
      %dma_start3A_550 = arith.constant 0 : i32
      %dma_start3A_551 = arith.constant 0 : i32
      %dma_start3A_552 = tpu.memref_slice %arg7[%rem3A_520, %dma_start3A_550, %dma_start3A_551] : memref<4x80x128xf32, #tpu.memory_space<vmem>> -> memref<1x80x128xf32, #tpu.memory_space<vmem>>
      %dma_start3A_553 = tpu.memref_squeeze %dma_start3A_552 : memref<1x80x128xf32, #tpu.memory_space<vmem>> -> memref<80x128xf32, #tpu.memory_space<vmem>>
      %dma_start3A_554 = arith.constant 0 : i32
      %dma_start3A_555 = tpu.memref_slice %arg6[%rem3A_520, %dma_start3A_554] : memref<4x80xi32, #tpu.memory_space<vmem>> -> memref<1x80xi32, #tpu.memory_space<vmem>>
      %dma_start3A_556 = tpu.memref_squeeze %dma_start3A_555 : memref<1x80xi32, #tpu.memory_space<vmem>> -> memref<80xi32, #tpu.memory_space<vmem>>
      %dma_start3A_557 = arith.constant 0 : i32
      %dma_start3A_558 = arith.constant 0 : i32
      %dma_start3A_559 = tpu.memref_slice %arg9[%dma_start3A_557, %dma_start3A_558] : memref<10240x128xf32, #tpu.memory_space<vmem_shared>> -> memref<10240x128xf32, #tpu.memory_space<vmem_shared>>
      tpu.enqueue_indirect_dma source(%dma_start3A_553 : memref<80x128xf32, #tpu.memory_space<vmem>>) target(%dma_start3A_559 : memref<10240x128xf32, #tpu.memory_space<vmem_shared>>) offsets(%dma_start3A_556 : memref<80xi32, #tpu.memory_space<vmem>>) semaphore(%arg12 : memref<!tpu.dma_semaphore, #tpu.memory_space<semaphore_mem>>) {add = true}
    }
    %scan3A_475 = arith.constant 125 : i32
    %rem3A_476 = arith.constant 123 : i32
    %rem3A_477 = arith.constant 4 : i32
    %rem3A_478 = arith.remsi %rem3A_476, %rem3A_477 : i32
    %dma_wait3A_479 = arith.constant 0 : i32
    %dma_wait3A_480 = arith.constant 0 : i32
    %dma_wait3A_481 = tpu.memref_slice %arg7[%rem3A_478, %dma_wait3A_479, %dma_wait3A_480] : memref<4x80x128xf32, #tpu.memory_space<vmem>> -> memref<1x80x128xf32, #tpu.memory_space<vmem>>
    %dma_wait3A_482 = tpu.memref_squeeze %dma_wait3A_481 : memref<1x80x128xf32, #tpu.memory_space<vmem>> -> memref<80x128xf32, #tpu.memory_space<vmem>>
    %dma_wait3A_483 = arith.constant 0 : i32
    %dma_wait3A_484 = arith.constant 0 : i32
    %dma_wait3A_485 = tpu.memref_slice %arg3[%dma_wait3A_483, %dma_wait3A_484] : memref<10240x128xf32, #tpu.memory_space<hbm>> -> memref<80x128xf32, #tpu.memory_space<hbm>>
    %dma_wait3A_486 = arith.constant 0 : i32
    %dma_wait3A_487 = arith.constant 0 : i32
    %dma_wait3A_488 = tpu.memref_slice %arg7[%rem3A_478, %dma_wait3A_486, %dma_wait3A_487] : memref<4x80x128xf32, #tpu.memory_space<vmem>> -> memref<1x80x128xf32, #tpu.memory_space<vmem>>
    %dma_wait3A_489 = tpu.memref_squeeze %dma_wait3A_488 : memref<1x80x128xf32, #tpu.memory_space<vmem>> -> memref<80x128xf32, #tpu.memory_space<vmem>>
    %dma_wait3A_490 = arith.constant 0 : i32
    %dma_wait3A_491 = arith.constant 0 : i32
    %dma_wait3A_492 = tpu.memref_slice %arg3[%dma_wait3A_490, %dma_wait3A_491] : memref<10240x128xf32, #tpu.memory_space<hbm>> -> memref<80x128xf32, #tpu.memory_space<hbm>>
    tpu.wait_dma2 semaphore(%arg12 : memref<!tpu.dma_semaphore, #tpu.memory_space<semaphore_mem>>) src(%dma_wait3A_492 : memref<80x128xf32, #tpu.memory_space<hbm>>) dst(%dma_wait3A_489 : memref<80x128xf32, #tpu.memory_space<vmem>>)
    %rem3A_493 = arith.constant 124 : i32
    %rem3A_494 = arith.constant 4 : i32
    %rem3A_495 = arith.remsi %rem3A_493, %rem3A_494 : i32
    %dma_wait3A_496 = arith.constant 0 : i32
    %dma_wait3A_497 = arith.constant 0 : i32
    %dma_wait3A_498 = tpu.memref_slice %arg7[%rem3A_495, %dma_wait3A_496, %dma_wait3A_497] : memref<4x80x128xf32, #tpu.memory_space<vmem>> -> memref<1x80x128xf32, #tpu.memory_space<vmem>>
    %dma_wait3A_499 = tpu.memref_squeeze %dma_wait3A_498 : memref<1x80x128xf32, #tpu.memory_space<vmem>> -> memref<80x128xf32, #tpu.memory_space<vmem>>
    %dma_wait3A_500 = arith.constant 0 : i32
    %dma_wait3A_501 = arith.constant 0 : i32
    %dma_wait3A_502 = tpu.memref_slice %arg3[%dma_wait3A_500, %dma_wait3A_501] : memref<10240x128xf32, #tpu.memory_space<hbm>> -> memref<80x128xf32, #tpu.memory_space<hbm>>
    %dma_wait3A_503 = arith.constant 0 : i32
    %dma_wait3A_504 = arith.constant 0 : i32
    %dma_wait3A_505 = tpu.memref_slice %arg7[%rem3A_495, %dma_wait3A_503, %dma_wait3A_504] : memref<4x80x128xf32, #tpu.memory_space<vmem>> -> memref<1x80x128xf32, #tpu.memory_space<vmem>>
    %dma_wait3A_506 = tpu.memref_squeeze %dma_wait3A_505 : memref<1x80x128xf32, #tpu.memory_space<vmem>> -> memref<80x128xf32, #tpu.memory_space<vmem>>
    %dma_wait3A_507 = arith.constant 0 : i32
    %dma_wait3A_508 = arith.constant 0 : i32
    %dma_wait3A_509 = tpu.memref_slice %arg3[%dma_wait3A_507, %dma_wait3A_508] : memref<10240x128xf32, #tpu.memory_space<hbm>> -> memref<80x128xf32, #tpu.memory_space<hbm>>
    tpu.wait_dma2 semaphore(%arg12 : memref<!tpu.dma_semaphore, #tpu.memory_space<semaphore_mem>>) src(%dma_wait3A_509 : memref<80x128xf32, #tpu.memory_space<hbm>>) dst(%dma_wait3A_506 : memref<80x128xf32, #tpu.memory_space<vmem>>)
    %barrier3A_510 = arith.constant 0 : index
    tpu.barrier barrier_id(%barrier3A_510)
    %mul3A_511 = arith.constant 640 : i32
    %mul3A_512 = arith.muli %arg1, %mul3A_511 : i32
    %mul3A_513 = arith.constant 10240 : i32
    %mul3A_514 = arith.muli %arg0, %mul3A_513 : i32
    %mul3A_515 = arith.constant 640 : i32
    %mul3A_516 = arith.muli %arg1, %mul3A_515 : i32
    %add3A_517 = arith.addi %mul3A_514, %mul3A_516 : i32
    "tpu.region"() ({
      %run_scoped3A = tpu.sem_alloc : memref<!tpu.dma_semaphore, #tpu.memory_space<semaphore_mem>>
      %dma_start3A_518 = arith.constant 0 : i32
      %dma_start3A_519 = tpu.memref_slice %arg4[%add3A_517, %dma_start3A_518] : memref<20480x128xf32, #tpu.memory_space<hbm>> -> memref<640x128xf32, #tpu.memory_space<hbm>>
      %dma_start3A_520 = arith.constant 0 : i32
      %dma_start3A_521 = tpu.memref_slice %arg9[%mul3A_512, %dma_start3A_520] : memref<10240x128xf32, #tpu.memory_space<vmem_shared>> -> memref<640x128xf32, #tpu.memory_space<vmem_shared>>
      tpu.enqueue_dma source(%dma_start3A_521 : memref<640x128xf32, #tpu.memory_space<vmem_shared>>) target(%dma_start3A_519 : memref<640x128xf32, #tpu.memory_space<hbm>>) target_semaphore(%run_scoped3A : memref<!tpu.dma_semaphore, #tpu.memory_space<semaphore_mem>>)
      %dma_wait3A_522 = arith.constant 0 : i32
      %dma_wait3A_523 = tpu.memref_slice %arg4[%add3A_517, %dma_wait3A_522] : memref<20480x128xf32, #tpu.memory_space<hbm>> -> memref<640x128xf32, #tpu.memory_space<hbm>>
      %dma_wait3A_524 = arith.constant 0 : i32
      %dma_wait3A_525 = tpu.memref_slice %arg9[%mul3A_512, %dma_wait3A_524] : memref<10240x128xf32, #tpu.memory_space<vmem_shared>> -> memref<640x128xf32, #tpu.memory_space<vmem_shared>>
      tpu.wait_dma2 semaphore(%run_scoped3A : memref<!tpu.dma_semaphore, #tpu.memory_space<semaphore_mem>>) src(%dma_wait3A_525 : memref<640x128xf32, #tpu.memory_space<vmem_shared>>) dst(%dma_wait3A_523 : memref<640x128xf32, #tpu.memory_space<hbm>>)
      tpu.yield
    }) : () -> ()
    return
  }
}

#map = affine_map<(d0, d1) -> (0)>
module attributes {stable_mosaic.version = 14 : i64} {
  func.func @_sc_degree(%arg0: i32, %arg1: i32, %arg2: memref<640000xi32, #tpu.memory_space<hbm>>, %arg3: memref<20480xf32, #tpu.memory_space<hbm>>, %arg4: memref<4x80xi32, #tpu.memory_space<vmem>>, %arg5: memref<80xf32, #tpu.memory_space<vmem>>, %arg6: memref<640xf32, #tpu.memory_space<vmem>>, %arg7: memref<10240xf32, #tpu.memory_space<vmem_shared>>, %arg8: memref<!tpu.dma_semaphore, #tpu.memory_space<semaphore_mem>>, %arg9: memref<!tpu.dma_semaphore, #tpu.memory_space<semaphore_mem>>) attributes {dimension_semantics = [#tpu.dimension_semantics<core_parallel>, #tpu.dimension_semantics<subcore_parallel>], iteration_bounds = array<i64: 2, 16>, scalar_prefetch = 0 : i64, scratch_operands = 6 : i64, tpu.core_type = #tpu.core_type<sc_vector_subcore>, window_params = [{transform_indices = #map}, {transform_indices = #map}]} {
    %mul3A = arith.constant 2 : i32
    %mul3A_0 = arith.muli %arg1, %mul3A : i32
    %add3A = arith.addi %mul3A_0, %arg0 : i32
    %broadcast_in_dim3A = arith.constant 1.000000e+00 : f32
    %broadcast_in_dim3A_1 = vector.broadcast %broadcast_in_dim3A : f32 to vector<16xf32>
    %broadcast_in_dim3A_2 = arith.constant 0.000000e+00 : f32
    %broadcast_in_dim3A_3 = vector.broadcast %broadcast_in_dim3A_2 : f32 to vector<16xf32>
    %swap3A = arith.constant 0 : index
    %swap3A_4 = tpu.vector_load %arg5[%swap3A] {strides = array<i32>} : memref<80xf32, #tpu.memory_space<vmem>>, vector<16xf32>,
    %swap3A_5 = vector.shape_cast %swap3A_4 : vector<16xf32> to vector<16xf32>
    %swap3A_6 = vector.shape_cast %broadcast_in_dim3A_1 : vector<16xf32> to vector<16xf32>
    tpu.vector_store %arg5[%swap3A], %swap3A_6 {strides = array<i32>} : memref<80xf32, #tpu.memory_space<vmem>>, vector<16xf32>,
    %swap3A_7 = arith.constant 16 : index
    %swap3A_8 = tpu.vector_load %arg5[%swap3A_7] {strides = array<i32>} : memref<80xf32, #tpu.memory_space<vmem>>, vector<16xf32>,
    %swap3A_9 = vector.shape_cast %swap3A_8 : vector<16xf32> to vector<16xf32>
    %swap3A_10 = vector.shape_cast %broadcast_in_dim3A_1 : vector<16xf32> to vector<16xf32>
    tpu.vector_store %arg5[%swap3A_7], %swap3A_10 {strides = array<i32>} : memref<80xf32, #tpu.memory_space<vmem>>, vector<16xf32>,
    %swap3A_11 = arith.constant 32 : index
    %swap3A_12 = tpu.vector_load %arg5[%swap3A_11] {strides = array<i32>} : memref<80xf32, #tpu.memory_space<vmem>>, vector<16xf32>,
    %swap3A_13 = vector.shape_cast %swap3A_12 : vector<16xf32> to vector<16xf32>
    %swap3A_14 = vector.shape_cast %broadcast_in_dim3A_1 : vector<16xf32> to vector<16xf32>
    tpu.vector_store %arg5[%swap3A_11], %swap3A_14 {strides = array<i32>} : memref<80xf32, #tpu.memory_space<vmem>>, vector<16xf32>,
    %swap3A_15 = arith.constant 48 : index
    %swap3A_16 = tpu.vector_load %arg5[%swap3A_15] {strides = array<i32>} : memref<80xf32, #tpu.memory_space<vmem>>, vector<16xf32>,
    %swap3A_17 = vector.shape_cast %swap3A_16 : vector<16xf32> to vector<16xf32>
    %swap3A_18 = vector.shape_cast %broadcast_in_dim3A_1 : vector<16xf32> to vector<16xf32>
    tpu.vector_store %arg5[%swap3A_15], %swap3A_18 {strides = array<i32>} : memref<80xf32, #tpu.memory_space<vmem>>, vector<16xf32>,
    %swap3A_19 = arith.constant 64 : index
    %swap3A_20 = tpu.vector_load %arg5[%swap3A_19] {strides = array<i32>} : memref<80xf32, #tpu.memory_space<vmem>>, vector<16xf32>,
    %swap3A_21 = vector.shape_cast %swap3A_20 : vector<16xf32> to vector<16xf32>
    %swap3A_22 = vector.shape_cast %broadcast_in_dim3A_1 : vector<16xf32> to vector<16xf32>
    tpu.vector_store %arg5[%swap3A_19], %swap3A_22 {strides = array<i32>} : memref<80xf32, #tpu.memory_space<vmem>>, vector<16xf32>,
    %swap3A_23 = arith.constant 0 : index
    %swap3A_24 = tpu.vector_load %arg6[%swap3A_23] {strides = array<i32>} : memref<640xf32, #tpu.memory_space<vmem>>, vector<16xf32>,
    %swap3A_25 = vector.shape_cast %swap3A_24 : vector<16xf32> to vector<16xf32>
    %swap3A_26 = vector.shape_cast %broadcast_in_dim3A_3 : vector<16xf32> to vector<16xf32>
    tpu.vector_store %arg6[%swap3A_23], %swap3A_26 {strides = array<i32>} : memref<640xf32, #tpu.memory_space<vmem>>, vector<16xf32>,
    %swap3A_27 = arith.constant 16 : index
    %swap3A_28 = tpu.vector_load %arg6[%swap3A_27] {strides = array<i32>} : memref<640xf32, #tpu.memory_space<vmem>>, vector<16xf32>,
    %swap3A_29 = vector.shape_cast %swap3A_28 : vector<16xf32> to vector<16xf32>
    %swap3A_30 = vector.shape_cast %broadcast_in_dim3A_3 : vector<16xf32> to vector<16xf32>
    tpu.vector_store %arg6[%swap3A_27], %swap3A_30 {strides = array<i32>} : memref<640xf32, #tpu.memory_space<vmem>>, vector<16xf32>,
    %swap3A_31 = arith.constant 32 : index
    %swap3A_32 = tpu.vector_load %arg6[%swap3A_31] {strides = array<i32>} : memref<640xf32, #tpu.memory_space<vmem>>, vector<16xf32>,
    %swap3A_33 = vector.shape_cast %swap3A_32 : vector<16xf32> to vector<16xf32>
    %swap3A_34 = vector.shape_cast %broadcast_in_dim3A_3 : vector<16xf32> to vector<16xf32>
    tpu.vector_store %arg6[%swap3A_31], %swap3A_34 {strides = array<i32>} : memref<640xf32, #tpu.memory_space<vmem>>, vector<16xf32>,
    %swap3A_35 = arith.constant 48 : index
    %swap3A_36 = tpu.vector_load %arg6[%swap3A_35] {strides = array<i32>} : memref<640xf32, #tpu.memory_space<vmem>>, vector<16xf32>,
    %swap3A_37 = vector.shape_cast %swap3A_36 : vector<16xf32> to vector<16xf32>
    %swap3A_38 = vector.shape_cast %broadcast_in_dim3A_3 : vector<16xf32> to vector<16xf32>
    tpu.vector_store %arg6[%swap3A_35], %swap3A_38 {strides = array<i32>} : memref<640xf32, #tpu.memory_space<vmem>>, vector<16xf32>,
    %swap3A_39 = arith.constant 64 : index
    %swap3A_40 = tpu.vector_load %arg6[%swap3A_39] {strides = array<i32>} : memref<640xf32, #tpu.memory_space<vmem>>, vector<16xf32>,
    %swap3A_41 = vector.shape_cast %swap3A_40 : vector<16xf32> to vector<16xf32>
    %swap3A_42 = vector.shape_cast %broadcast_in_dim3A_3 : vector<16xf32> to vector<16xf32>
    tpu.vector_store %arg6[%swap3A_39], %swap3A_42 {strides = array<i32>} : memref<640xf32, #tpu.memory_space<vmem>>, vector<16xf32>,
    %swap3A_43 = arith.constant 80 : index
    %swap3A_44 = tpu.vector_load %arg6[%swap3A_43] {strides = array<i32>} : memref<640xf32, #tpu.memory_space<vmem>>, vector<16xf32>,
    %swap3A_45 = vector.shape_cast %swap3A_44 : vector<16xf32> to vector<16xf32>
    %swap3A_46 = vector.shape_cast %broadcast_in_dim3A_3 : vector<16xf32> to vector<16xf32>
    tpu.vector_store %arg6[%swap3A_43], %swap3A_46 {strides = array<i32>} : memref<640xf32, #tpu.memory_space<vmem>>, vector<16xf32>,
    %swap3A_47 = arith.constant 96 : index
    %swap3A_48 = tpu.vector_load %arg6[%swap3A_47] {strides = array<i32>} : memref<640xf32, #tpu.memory_space<vmem>>, vector<16xf32>,
    %swap3A_49 = vector.shape_cast %swap3A_48 : vector<16xf32> to vector<16xf32>
    %swap3A_50 = vector.shape_cast %broadcast_in_dim3A_3 : vector<16xf32> to vector<16xf32>
    tpu.vector_store %arg6[%swap3A_47], %swap3A_50 {strides = array<i32>} : memref<640xf32, #tpu.memory_space<vmem>>, vector<16xf32>,
    %swap3A_51 = arith.constant 112 : index
    %swap3A_52 = tpu.vector_load %arg6[%swap3A_51] {strides = array<i32>} : memref<640xf32, #tpu.memory_space<vmem>>, vector<16xf32>,
    %swap3A_53 = vector.shape_cast %swap3A_52 : vector<16xf32> to vector<16xf32>
    %swap3A_54 = vector.shape_cast %broadcast_in_dim3A_3 : vector<16xf32> to vector<16xf32>
    tpu.vector_store %arg6[%swap3A_51], %swap3A_54 {strides = array<i32>} : memref<640xf32, #tpu.memory_space<vmem>>, vector<16xf32>,
    %swap3A_55 = arith.constant 128 : index
    %swap3A_56 = tpu.vector_load %arg6[%swap3A_55] {strides = array<i32>} : memref<640xf32, #tpu.memory_space<vmem>>, vector<16xf32>,
    %swap3A_57 = vector.shape_cast %swap3A_56 : vector<16xf32> to vector<16xf32>
    %swap3A_58 = vector.shape_cast %broadcast_in_dim3A_3 : vector<16xf32> to vector<16xf32>
    tpu.vector_store %arg6[%swap3A_55], %swap3A_58 {strides = array<i32>} : memref<640xf32, #tpu.memory_space<vmem>>, vector<16xf32>,
    %swap3A_59 = arith.constant 144 : index
    %swap3A_60 = tpu.vector_load %arg6[%swap3A_59] {strides = array<i32>} : memref<640xf32, #tpu.memory_space<vmem>>, vector<16xf32>,
    %swap3A_61 = vector.shape_cast %swap3A_60 : vector<16xf32> to vector<16xf32>
    %swap3A_62 = vector.shape_cast %broadcast_in_dim3A_3 : vector<16xf32> to vector<16xf32>
    tpu.vector_store %arg6[%swap3A_59], %swap3A_62 {strides = array<i32>} : memref<640xf32, #tpu.memory_space<vmem>>, vector<16xf32>,
    %swap3A_63 = arith.constant 160 : index
    %swap3A_64 = tpu.vector_load %arg6[%swap3A_63] {strides = array<i32>} : memref<640xf32, #tpu.memory_space<vmem>>, vector<16xf32>,
    %swap3A_65 = vector.shape_cast %swap3A_64 : vector<16xf32> to vector<16xf32>
    %swap3A_66 = vector.shape_cast %broadcast_in_dim3A_3 : vector<16xf32> to vector<16xf32>
    tpu.vector_store %arg6[%swap3A_63], %swap3A_66 {strides = array<i32>} : memref<640xf32, #tpu.memory_space<vmem>>, vector<16xf32>,
    %swap3A_67 = arith.constant 176 : index
    %swap3A_68 = tpu.vector_load %arg6[%swap3A_67] {strides = array<i32>} : memref<640xf32, #tpu.memory_space<vmem>>, vector<16xf32>,
    %swap3A_69 = vector.shape_cast %swap3A_68 : vector<16xf32> to vector<16xf32>
    %swap3A_70 = vector.shape_cast %broadcast_in_dim3A_3 : vector<16xf32> to vector<16xf32>
    tpu.vector_store %arg6[%swap3A_67], %swap3A_70 {strides = array<i32>} : memref<640xf32, #tpu.memory_space<vmem>>, vector<16xf32>,
    %swap3A_71 = arith.constant 192 : index
    %swap3A_72 = tpu.vector_load %arg6[%swap3A_71] {strides = array<i32>} : memref<640xf32, #tpu.memory_space<vmem>>, vector<16xf32>,
    %swap3A_73 = vector.shape_cast %swap3A_72 : vector<16xf32> to vector<16xf32>
    %swap3A_74 = vector.shape_cast %broadcast_in_dim3A_3 : vector<16xf32> to vector<16xf32>
    tpu.vector_store %arg6[%swap3A_71], %swap3A_74 {strides = array<i32>} : memref<640xf32, #tpu.memory_space<vmem>>, vector<16xf32>,
    %swap3A_75 = arith.constant 208 : index
    %swap3A_76 = tpu.vector_load %arg6[%swap3A_75] {strides = array<i32>} : memref<640xf32, #tpu.memory_space<vmem>>, vector<16xf32>,
    %swap3A_77 = vector.shape_cast %swap3A_76 : vector<16xf32> to vector<16xf32>
    %swap3A_78 = vector.shape_cast %broadcast_in_dim3A_3 : vector<16xf32> to vector<16xf32>
    tpu.vector_store %arg6[%swap3A_75], %swap3A_78 {strides = array<i32>} : memref<640xf32, #tpu.memory_space<vmem>>, vector<16xf32>,
    %swap3A_79 = arith.constant 224 : index
    %swap3A_80 = tpu.vector_load %arg6[%swap3A_79] {strides = array<i32>} : memref<640xf32, #tpu.memory_space<vmem>>, vector<16xf32>,
    %swap3A_81 = vector.shape_cast %swap3A_80 : vector<16xf32> to vector<16xf32>
    %swap3A_82 = vector.shape_cast %broadcast_in_dim3A_3 : vector<16xf32> to vector<16xf32>
    tpu.vector_store %arg6[%swap3A_79], %swap3A_82 {strides = array<i32>} : memref<640xf32, #tpu.memory_space<vmem>>, vector<16xf32>,
    %swap3A_83 = arith.constant 240 : index
    %swap3A_84 = tpu.vector_load %arg6[%swap3A_83] {strides = array<i32>} : memref<640xf32, #tpu.memory_space<vmem>>, vector<16xf32>,
    %swap3A_85 = vector.shape_cast %swap3A_84 : vector<16xf32> to vector<16xf32>
    %swap3A_86 = vector.shape_cast %broadcast_in_dim3A_3 : vector<16xf32> to vector<16xf32>
    tpu.vector_store %arg6[%swap3A_83], %swap3A_86 {strides = array<i32>} : memref<640xf32, #tpu.memory_space<vmem>>, vector<16xf32>,
    %swap3A_87 = arith.constant 256 : index
    %swap3A_88 = tpu.vector_load %arg6[%swap3A_87] {strides = array<i32>} : memref<640xf32, #tpu.memory_space<vmem>>, vector<16xf32>,
    %swap3A_89 = vector.shape_cast %swap3A_88 : vector<16xf32> to vector<16xf32>
    %swap3A_90 = vector.shape_cast %broadcast_in_dim3A_3 : vector<16xf32> to vector<16xf32>
    tpu.vector_store %arg6[%swap3A_87], %swap3A_90 {strides = array<i32>} : memref<640xf32, #tpu.memory_space<vmem>>, vector<16xf32>,
    %swap3A_91 = arith.constant 272 : index
    %swap3A_92 = tpu.vector_load %arg6[%swap3A_91] {strides = array<i32>} : memref<640xf32, #tpu.memory_space<vmem>>, vector<16xf32>,
    %swap3A_93 = vector.shape_cast %swap3A_92 : vector<16xf32> to vector<16xf32>
    %swap3A_94 = vector.shape_cast %broadcast_in_dim3A_3 : vector<16xf32> to vector<16xf32>
    tpu.vector_store %arg6[%swap3A_91], %swap3A_94 {strides = array<i32>} : memref<640xf32, #tpu.memory_space<vmem>>, vector<16xf32>,
    %swap3A_95 = arith.constant 288 : index
    %swap3A_96 = tpu.vector_load %arg6[%swap3A_95] {strides = array<i32>} : memref<640xf32, #tpu.memory_space<vmem>>, vector<16xf32>,
    %swap3A_97 = vector.shape_cast %swap3A_96 : vector<16xf32> to vector<16xf32>
    %swap3A_98 = vector.shape_cast %broadcast_in_dim3A_3 : vector<16xf32> to vector<16xf32>
    tpu.vector_store %arg6[%swap3A_95], %swap3A_98 {strides = array<i32>} : memref<640xf32, #tpu.memory_space<vmem>>, vector<16xf32>,
    %swap3A_99 = arith.constant 304 : index
    %swap3A_100 = tpu.vector_load %arg6[%swap3A_99] {strides = array<i32>} : memref<640xf32, #tpu.memory_space<vmem>>, vector<16xf32>,
    %swap3A_101 = vector.shape_cast %swap3A_100 : vector<16xf32> to vector<16xf32>
    %swap3A_102 = vector.shape_cast %broadcast_in_dim3A_3 : vector<16xf32> to vector<16xf32>
    tpu.vector_store %arg6[%swap3A_99], %swap3A_102 {strides = array<i32>} : memref<640xf32, #tpu.memory_space<vmem>>, vector<16xf32>,
    %swap3A_103 = arith.constant 320 : index
    %swap3A_104 = tpu.vector_load %arg6[%swap3A_103] {strides = array<i32>} : memref<640xf32, #tpu.memory_space<vmem>>, vector<16xf32>,
    %swap3A_105 = vector.shape_cast %swap3A_104 : vector<16xf32> to vector<16xf32>
    %swap3A_106 = vector.shape_cast %broadcast_in_dim3A_3 : vector<16xf32> to vector<16xf32>
    tpu.vector_store %arg6[%swap3A_103], %swap3A_106 {strides = array<i32>} : memref<640xf32, #tpu.memory_space<vmem>>, vector<16xf32>,
    %swap3A_107 = arith.constant 336 : index
    %swap3A_108 = tpu.vector_load %arg6[%swap3A_107] {strides = array<i32>} : memref<640xf32, #tpu.memory_space<vmem>>, vector<16xf32>,
    %swap3A_109 = vector.shape_cast %swap3A_108 : vector<16xf32> to vector<16xf32>
    %swap3A_110 = vector.shape_cast %broadcast_in_dim3A_3 : vector<16xf32> to vector<16xf32>
    tpu.vector_store %arg6[%swap3A_107], %swap3A_110 {strides = array<i32>} : memref<640xf32, #tpu.memory_space<vmem>>, vector<16xf32>,
    %swap3A_111 = arith.constant 352 : index
    %swap3A_112 = tpu.vector_load %arg6[%swap3A_111] {strides = array<i32>} : memref<640xf32, #tpu.memory_space<vmem>>, vector<16xf32>,
    %swap3A_113 = vector.shape_cast %swap3A_112 : vector<16xf32> to vector<16xf32>
    %swap3A_114 = vector.shape_cast %broadcast_in_dim3A_3 : vector<16xf32> to vector<16xf32>
    tpu.vector_store %arg6[%swap3A_111], %swap3A_114 {strides = array<i32>} : memref<640xf32, #tpu.memory_space<vmem>>, vector<16xf32>,
    %swap3A_115 = arith.constant 368 : index
    %swap3A_116 = tpu.vector_load %arg6[%swap3A_115] {strides = array<i32>} : memref<640xf32, #tpu.memory_space<vmem>>, vector<16xf32>,
    %swap3A_117 = vector.shape_cast %swap3A_116 : vector<16xf32> to vector<16xf32>
    %swap3A_118 = vector.shape_cast %broadcast_in_dim3A_3 : vector<16xf32> to vector<16xf32>
    tpu.vector_store %arg6[%swap3A_115], %swap3A_118 {strides = array<i32>} : memref<640xf32, #tpu.memory_space<vmem>>, vector<16xf32>,
    %swap3A_119 = arith.constant 384 : index
    %swap3A_120 = tpu.vector_load %arg6[%swap3A_119] {strides = array<i32>} : memref<640xf32, #tpu.memory_space<vmem>>, vector<16xf32>,
    %swap3A_121 = vector.shape_cast %swap3A_120 : vector<16xf32> to vector<16xf32>
    %swap3A_122 = vector.shape_cast %broadcast_in_dim3A_3 : vector<16xf32> to vector<16xf32>
    tpu.vector_store %arg6[%swap3A_119], %swap3A_122 {strides = array<i32>} : memref<640xf32, #tpu.memory_space<vmem>>, vector<16xf32>,
    %swap3A_123 = arith.constant 400 : index
    %swap3A_124 = tpu.vector_load %arg6[%swap3A_123] {strides = array<i32>} : memref<640xf32, #tpu.memory_space<vmem>>, vector<16xf32>,
    %swap3A_125 = vector.shape_cast %swap3A_124 : vector<16xf32> to vector<16xf32>
    %swap3A_126 = vector.shape_cast %broadcast_in_dim3A_3 : vector<16xf32> to vector<16xf32>
    tpu.vector_store %arg6[%swap3A_123], %swap3A_126 {strides = array<i32>} : memref<640xf32, #tpu.memory_space<vmem>>, vector<16xf32>,
    %swap3A_127 = arith.constant 416 : index
    %swap3A_128 = tpu.vector_load %arg6[%swap3A_127] {strides = array<i32>} : memref<640xf32, #tpu.memory_space<vmem>>, vector<16xf32>,
    %swap3A_129 = vector.shape_cast %swap3A_128 : vector<16xf32> to vector<16xf32>
    %swap3A_130 = vector.shape_cast %broadcast_in_dim3A_3 : vector<16xf32> to vector<16xf32>
    tpu.vector_store %arg6[%swap3A_127], %swap3A_130 {strides = array<i32>} : memref<640xf32, #tpu.memory_space<vmem>>, vector<16xf32>,
    %swap3A_131 = arith.constant 432 : index
    %swap3A_132 = tpu.vector_load %arg6[%swap3A_131] {strides = array<i32>} : memref<640xf32, #tpu.memory_space<vmem>>, vector<16xf32>,
    %swap3A_133 = vector.shape_cast %swap3A_132 : vector<16xf32> to vector<16xf32>
    %swap3A_134 = vector.shape_cast %broadcast_in_dim3A_3 : vector<16xf32> to vector<16xf32>
    tpu.vector_store %arg6[%swap3A_131], %swap3A_134 {strides = array<i32>} : memref<640xf32, #tpu.memory_space<vmem>>, vector<16xf32>,
    %swap3A_135 = arith.constant 448 : index
    %swap3A_136 = tpu.vector_load %arg6[%swap3A_135] {strides = array<i32>} : memref<640xf32, #tpu.memory_space<vmem>>, vector<16xf32>,
    %swap3A_137 = vector.shape_cast %swap3A_136 : vector<16xf32> to vector<16xf32>
    %swap3A_138 = vector.shape_cast %broadcast_in_dim3A_3 : vector<16xf32> to vector<16xf32>
    tpu.vector_store %arg6[%swap3A_135], %swap3A_138 {strides = array<i32>} : memref<640xf32, #tpu.memory_space<vmem>>, vector<16xf32>,
    %swap3A_139 = arith.constant 464 : index
    %swap3A_140 = tpu.vector_load %arg6[%swap3A_139] {strides = array<i32>} : memref<640xf32, #tpu.memory_space<vmem>>, vector<16xf32>,
    %swap3A_141 = vector.shape_cast %swap3A_140 : vector<16xf32> to vector<16xf32>
    %swap3A_142 = vector.shape_cast %broadcast_in_dim3A_3 : vector<16xf32> to vector<16xf32>
    tpu.vector_store %arg6[%swap3A_139], %swap3A_142 {strides = array<i32>} : memref<640xf32, #tpu.memory_space<vmem>>, vector<16xf32>,
    %swap3A_143 = arith.constant 480 : index
    %swap3A_144 = tpu.vector_load %arg6[%swap3A_143] {strides = array<i32>} : memref<640xf32, #tpu.memory_space<vmem>>, vector<16xf32>,
    %swap3A_145 = vector.shape_cast %swap3A_144 : vector<16xf32> to vector<16xf32>
    %swap3A_146 = vector.shape_cast %broadcast_in_dim3A_3 : vector<16xf32> to vector<16xf32>
    tpu.vector_store %arg6[%swap3A_143], %swap3A_146 {strides = array<i32>} : memref<640xf32, #tpu.memory_space<vmem>>, vector<16xf32>,
    %swap3A_147 = arith.constant 496 : index
    %swap3A_148 = tpu.vector_load %arg6[%swap3A_147] {strides = array<i32>} : memref<640xf32, #tpu.memory_space<vmem>>, vector<16xf32>,
    %swap3A_149 = vector.shape_cast %swap3A_148 : vector<16xf32> to vector<16xf32>
    %swap3A_150 = vector.shape_cast %broadcast_in_dim3A_3 : vector<16xf32> to vector<16xf32>
    tpu.vector_store %arg6[%swap3A_147], %swap3A_150 {strides = array<i32>} : memref<640xf32, #tpu.memory_space<vmem>>, vector<16xf32>,
    %swap3A_151 = arith.constant 512 : index
    %swap3A_152 = tpu.vector_load %arg6[%swap3A_151] {strides = array<i32>} : memref<640xf32, #tpu.memory_space<vmem>>, vector<16xf32>,
    %swap3A_153 = vector.shape_cast %swap3A_152 : vector<16xf32> to vector<16xf32>
    %swap3A_154 = vector.shape_cast %broadcast_in_dim3A_3 : vector<16xf32> to vector<16xf32>
    tpu.vector_store %arg6[%swap3A_151], %swap3A_154 {strides = array<i32>} : memref<640xf32, #tpu.memory_space<vmem>>, vector<16xf32>,
    %swap3A_155 = arith.constant 528 : index
    %swap3A_156 = tpu.vector_load %arg6[%swap3A_155] {strides = array<i32>} : memref<640xf32, #tpu.memory_space<vmem>>, vector<16xf32>,
    %swap3A_157 = vector.shape_cast %swap3A_156 : vector<16xf32> to vector<16xf32>
    %swap3A_158 = vector.shape_cast %broadcast_in_dim3A_3 : vector<16xf32> to vector<16xf32>
    tpu.vector_store %arg6[%swap3A_155], %swap3A_158 {strides = array<i32>} : memref<640xf32, #tpu.memory_space<vmem>>, vector<16xf32>,
    %swap3A_159 = arith.constant 544 : index
    %swap3A_160 = tpu.vector_load %arg6[%swap3A_159] {strides = array<i32>} : memref<640xf32, #tpu.memory_space<vmem>>, vector<16xf32>,
    %swap3A_161 = vector.shape_cast %swap3A_160 : vector<16xf32> to vector<16xf32>
    %swap3A_162 = vector.shape_cast %broadcast_in_dim3A_3 : vector<16xf32> to vector<16xf32>
    tpu.vector_store %arg6[%swap3A_159], %swap3A_162 {strides = array<i32>} : memref<640xf32, #tpu.memory_space<vmem>>, vector<16xf32>,
    %swap3A_163 = arith.constant 560 : index
    %swap3A_164 = tpu.vector_load %arg6[%swap3A_163] {strides = array<i32>} : memref<640xf32, #tpu.memory_space<vmem>>, vector<16xf32>,
    %swap3A_165 = vector.shape_cast %swap3A_164 : vector<16xf32> to vector<16xf32>
    %swap3A_166 = vector.shape_cast %broadcast_in_dim3A_3 : vector<16xf32> to vector<16xf32>
    tpu.vector_store %arg6[%swap3A_163], %swap3A_166 {strides = array<i32>} : memref<640xf32, #tpu.memory_space<vmem>>, vector<16xf32>,
    %swap3A_167 = arith.constant 576 : index
    %swap3A_168 = tpu.vector_load %arg6[%swap3A_167] {strides = array<i32>} : memref<640xf32, #tpu.memory_space<vmem>>, vector<16xf32>,
    %swap3A_169 = vector.shape_cast %swap3A_168 : vector<16xf32> to vector<16xf32>
    %swap3A_170 = vector.shape_cast %broadcast_in_dim3A_3 : vector<16xf32> to vector<16xf32>
    tpu.vector_store %arg6[%swap3A_167], %swap3A_170 {strides = array<i32>} : memref<640xf32, #tpu.memory_space<vmem>>, vector<16xf32>,
    %swap3A_171 = arith.constant 592 : index
    %swap3A_172 = tpu.vector_load %arg6[%swap3A_171] {strides = array<i32>} : memref<640xf32, #tpu.memory_space<vmem>>, vector<16xf32>,
    %swap3A_173 = vector.shape_cast %swap3A_172 : vector<16xf32> to vector<16xf32>
    %swap3A_174 = vector.shape_cast %broadcast_in_dim3A_3 : vector<16xf32> to vector<16xf32>
    tpu.vector_store %arg6[%swap3A_171], %swap3A_174 {strides = array<i32>} : memref<640xf32, #tpu.memory_space<vmem>>, vector<16xf32>,
    %swap3A_175 = arith.constant 608 : index
    %swap3A_176 = tpu.vector_load %arg6[%swap3A_175] {strides = array<i32>} : memref<640xf32, #tpu.memory_space<vmem>>, vector<16xf32>,
    %swap3A_177 = vector.shape_cast %swap3A_176 : vector<16xf32> to vector<16xf32>
    %swap3A_178 = vector.shape_cast %broadcast_in_dim3A_3 : vector<16xf32> to vector<16xf32>
    tpu.vector_store %arg6[%swap3A_175], %swap3A_178 {strides = array<i32>} : memref<640xf32, #tpu.memory_space<vmem>>, vector<16xf32>,
    %swap3A_179 = arith.constant 624 : index
    %swap3A_180 = tpu.vector_load %arg6[%swap3A_179] {strides = array<i32>} : memref<640xf32, #tpu.memory_space<vmem>>, vector<16xf32>,
    %swap3A_181 = vector.shape_cast %swap3A_180 : vector<16xf32> to vector<16xf32>
    %swap3A_182 = vector.shape_cast %broadcast_in_dim3A_3 : vector<16xf32> to vector<16xf32>
    tpu.vector_store %arg6[%swap3A_179], %swap3A_182 {strides = array<i32>} : memref<640xf32, #tpu.memory_space<vmem>>, vector<16xf32>,
    %mul3A_183 = arith.constant 640 : i32
    %mul3A_184 = arith.muli %arg1, %mul3A_183 : i32
    "tpu.region"() ({
      %run_scoped3A = tpu.sem_alloc : memref<!tpu.dma_semaphore, #tpu.memory_space<semaphore_mem>>
      %dma_start3A_235 = tpu.memref_slice %arg7[%mul3A_184] : memref<10240xf32, #tpu.memory_space<vmem_shared>> -> memref<640xf32, #tpu.memory_space<vmem_shared>>
      %dma_start3A_236 = tpu.memref_slice %arg7[%mul3A_184] : memref<10240xf32, #tpu.memory_space<vmem_shared>> -> memref<640xf32, #tpu.memory_space<vmem_shared>>
      tpu.enqueue_dma source(%arg6 : memref<640xf32, #tpu.memory_space<vmem>>) target(%dma_start3A_236 : memref<640xf32, #tpu.memory_space<vmem_shared>>) target_semaphore(%run_scoped3A : memref<!tpu.dma_semaphore, #tpu.memory_space<semaphore_mem>>)
      %dma_wait3A_237 = tpu.memref_slice %arg7[%mul3A_184] : memref<10240xf32, #tpu.memory_space<vmem_shared>> -> memref<640xf32, #tpu.memory_space<vmem_shared>>
      %dma_wait3A_238 = tpu.memref_slice %arg7[%mul3A_184] : memref<10240xf32, #tpu.memory_space<vmem_shared>> -> memref<640xf32, #tpu.memory_space<vmem_shared>>
      tpu.wait_dma2 semaphore(%run_scoped3A : memref<!tpu.dma_semaphore, #tpu.memory_space<semaphore_mem>>) src(%arg6 : memref<640xf32, #tpu.memory_space<vmem>>) dst(%dma_wait3A_238 : memref<640xf32, #tpu.memory_space<vmem_shared>>)
      tpu.yield
    }) : () -> ()
    %barrier3A = arith.constant 0 : index
    tpu.barrier barrier_id(%barrier3A)
    %mul3A_185 = arith.constant 10000 : i32
    %mul3A_186 = arith.muli %add3A, %mul3A_185 : i32
    %add3A_187 = arith.constant 320000 : i32
    %add3A_188 = arith.addi %add3A_187, %mul3A_186 : i32
    %add3A_189 = arith.constant 0 : i32
    %add3A_190 = arith.addi %add3A_188, %add3A_189 : i32
    %rem3A = arith.constant 0 : i32
    %rem3A_191 = arith.constant 4 : i32
    %rem3A_192 = arith.remsi %rem3A, %rem3A_191 : i32
    %dma_start3A = arith.constant 0 : i32
    %dma_start3A_193 = tpu.memref_slice %arg4[%rem3A_192, %dma_start3A] : memref<4x80xi32, #tpu.memory_space<vmem>> -> memref<1x80xi32, #tpu.memory_space<vmem>>
    %dma_start3A_194 = tpu.memref_squeeze %dma_start3A_193 : memref<1x80xi32, #tpu.memory_space<vmem>> -> memref<80xi32, #tpu.memory_space<vmem>>
    %dma_start3A_195 = tpu.memref_slice %arg2[%add3A_190] : memref<640000xi32, #tpu.memory_space<hbm>> -> memref<80xi32, #tpu.memory_space<hbm>>
    %dma_start3A_196 = arith.constant 0 : i32
    %dma_start3A_197 = tpu.memref_slice %arg4[%rem3A_192, %dma_start3A_196] : memref<4x80xi32, #tpu.memory_space<vmem>> -> memref<1x80xi32, #tpu.memory_space<vmem>>
    %dma_start3A_198 = tpu.memref_squeeze %dma_start3A_197 : memref<1x80xi32, #tpu.memory_space<vmem>> -> memref<80xi32, #tpu.memory_space<vmem>>
    %dma_start3A_199 = tpu.memref_slice %arg2[%add3A_190] : memref<640000xi32, #tpu.memory_space<hbm>> -> memref<80xi32, #tpu.memory_space<hbm>>
    tpu.enqueue_dma source(%dma_start3A_199 : memref<80xi32, #tpu.memory_space<hbm>>) target(%dma_start3A_198 : memref<80xi32, #tpu.memory_space<vmem>>) target_semaphore(%arg8 : memref<!tpu.dma_semaphore, #tpu.memory_space<semaphore_mem>>)
    %add3A_200 = arith.constant 320000 : i32
    %add3A_201 = arith.addi %add3A_200, %mul3A_186 : i32
    %add3A_202 = arith.constant 80 : i32
    %add3A_203 = arith.addi %add3A_201, %add3A_202 : i32
    %rem3A_204 = arith.constant 1 : i32
    %rem3A_205 = arith.constant 4 : i32
    %rem3A_206 = arith.remsi %rem3A_204, %rem3A_205 : i32
    %dma_start3A_207 = arith.constant 0 : i32
    %dma_start3A_208 = tpu.memref_slice %arg4[%rem3A_206, %dma_start3A_207] : memref<4x80xi32, #tpu.memory_space<vmem>> -> memref<1x80xi32, #tpu.memory_space<vmem>>
    %dma_start3A_209 = tpu.memref_squeeze %dma_start3A_208 : memref<1x80xi32, #tpu.memory_space<vmem>> -> memref<80xi32, #tpu.memory_space<vmem>>
    %dma_start3A_210 = tpu.memref_slice %arg2[%add3A_203] : memref<640000xi32, #tpu.memory_space<hbm>> -> memref<80xi32, #tpu.memory_space<hbm>>
    %dma_start3A_211 = arith.constant 0 : i32
    %dma_start3A_212 = tpu.memref_slice %arg4[%rem3A_206, %dma_start3A_211] : memref<4x80xi32, #tpu.memory_space<vmem>> -> memref<1x80xi32, #tpu.memory_space<vmem>>
    %dma_start3A_213 = tpu.memref_squeeze %dma_start3A_212 : memref<1x80xi32, #tpu.memory_space<vmem>> -> memref<80xi32, #tpu.memory_space<vmem>>
    %dma_start3A_214 = tpu.memref_slice %arg2[%add3A_203] : memref<640000xi32, #tpu.memory_space<hbm>> -> memref<80xi32, #tpu.memory_space<hbm>>
    tpu.enqueue_dma source(%dma_start3A_214 : memref<80xi32, #tpu.memory_space<hbm>>) target(%dma_start3A_213 : memref<80xi32, #tpu.memory_space<vmem>>) target_semaphore(%arg8 : memref<!tpu.dma_semaphore, #tpu.memory_space<semaphore_mem>>)
    %scan3A = arith.constant 0 : i32
    %scan3A_215 = arith.constant 0 : i32
    %scan3A_216 = arith.constant 125 : i32
    %scan3A_217 = arith.addi %scan3A_215, %scan3A_216 : i32
    %scan3A_218 = arith.constant 1 : i32
    scf.for %scan3A_235 = %scan3A_215 to %scan3A_217 step %scan3A_218  : i32 {
      %rem3A_236 = arith.constant 4 : i32
      %rem3A_237 = arith.remsi %scan3A_235, %rem3A_236 : i32
      %ge3A = arith.constant 2 : i32
      %ge3A_238 = arith.cmpi sge, %scan3A_235, %ge3A : i32
      %convert_element_type3A = arith.extui %ge3A_238 : i1 to i32
      %cond3A = arith.constant 0 : i32
      %cond3A_239 = arith.cmpi ne, %convert_element_type3A, %cond3A : i32
      scf.if %cond3A_239 {
        %dma_wait3A_261 = arith.constant 0 : i32
        %dma_wait3A_262 = tpu.memref_slice %arg3[%dma_wait3A_261] : memref<20480xf32, #tpu.memory_space<hbm>> -> memref<80xf32, #tpu.memory_space<hbm>>
        %dma_wait3A_263 = arith.constant 0 : i32
        %dma_wait3A_264 = tpu.memref_slice %arg3[%dma_wait3A_263] : memref<20480xf32, #tpu.memory_space<hbm>> -> memref<80xf32, #tpu.memory_space<hbm>>
        tpu.wait_dma2 semaphore(%arg9 : memref<!tpu.dma_semaphore, #tpu.memory_space<semaphore_mem>>) src(%dma_wait3A_264 : memref<80xf32, #tpu.memory_space<hbm>>) dst(%arg5 : memref<80xf32, #tpu.memory_space<vmem>>)
      } else {
      }
      %add3A_240 = arith.constant 2 : i32
      %add3A_241 = arith.addi %scan3A_235, %add3A_240 : i32
      %lt3A = arith.constant 125 : i32
      %lt3A_242 = arith.cmpi slt, %add3A_241, %lt3A : i32
      %convert_element_type3A_243 = arith.extui %lt3A_242 : i1 to i32
      %cond3A_244 = arith.constant 0 : i32
      %cond3A_245 = arith.cmpi ne, %convert_element_type3A_243, %cond3A_244 : i32
      scf.if %cond3A_245 {
        %add3A_261 = arith.constant 2 : i32
        %add3A_262 = arith.addi %scan3A_235, %add3A_261 : i32
        %add3A_263 = arith.constant 320000 : i32
        %add3A_264 = arith.addi %add3A_263, %mul3A_186 : i32
        %mul3A_265 = arith.constant 80 : i32
        %mul3A_266 = arith.muli %add3A_262, %mul3A_265 : i32
        %add3A_267 = arith.addi %add3A_264, %mul3A_266 : i32
        %rem3A_268 = arith.constant 4 : i32
        %rem3A_269 = arith.remsi %add3A_262, %rem3A_268 : i32
        %dma_start3A_270 = arith.constant 0 : i32
        %dma_start3A_271 = tpu.memref_slice %arg4[%rem3A_269, %dma_start3A_270] : memref<4x80xi32, #tpu.memory_space<vmem>> -> memref<1x80xi32, #tpu.memory_space<vmem>>
        %dma_start3A_272 = tpu.memref_squeeze %dma_start3A_271 : memref<1x80xi32, #tpu.memory_space<vmem>> -> memref<80xi32, #tpu.memory_space<vmem>>
        %dma_start3A_273 = tpu.memref_slice %arg2[%add3A_267] : memref<640000xi32, #tpu.memory_space<hbm>> -> memref<80xi32, #tpu.memory_space<hbm>>
        %dma_start3A_274 = arith.constant 0 : i32
        %dma_start3A_275 = tpu.memref_slice %arg4[%rem3A_269, %dma_start3A_274] : memref<4x80xi32, #tpu.memory_space<vmem>> -> memref<1x80xi32, #tpu.memory_space<vmem>>
        %dma_start3A_276 = tpu.memref_squeeze %dma_start3A_275 : memref<1x80xi32, #tpu.memory_space<vmem>> -> memref<80xi32, #tpu.memory_space<vmem>>
        %dma_start3A_277 = tpu.memref_slice %arg2[%add3A_267] : memref<640000xi32, #tpu.memory_space<hbm>> -> memref<80xi32, #tpu.memory_space<hbm>>
        tpu.enqueue_dma source(%dma_start3A_277 : memref<80xi32, #tpu.memory_space<hbm>>) target(%dma_start3A_276 : memref<80xi32, #tpu.memory_space<vmem>>) target_semaphore(%arg8 : memref<!tpu.dma_semaphore, #tpu.memory_space<semaphore_mem>>)
      } else {
      }
      %dma_wait3A_246 = arith.constant 0 : i32
      %dma_wait3A_247 = tpu.memref_slice %arg4[%rem3A_237, %dma_wait3A_246] : memref<4x80xi32, #tpu.memory_space<vmem>> -> memref<1x80xi32, #tpu.memory_space<vmem>>
      %dma_wait3A_248 = tpu.memref_squeeze %dma_wait3A_247 : memref<1x80xi32, #tpu.memory_space<vmem>> -> memref<80xi32, #tpu.memory_space<vmem>>
      %dma_wait3A_249 = arith.constant 0 : i32
      %dma_wait3A_250 = tpu.memref_slice %arg2[%dma_wait3A_249] : memref<640000xi32, #tpu.memory_space<hbm>> -> memref<80xi32, #tpu.memory_space<hbm>>
      %dma_wait3A_251 = arith.constant 0 : i32
      %dma_wait3A_252 = tpu.memref_slice %arg4[%rem3A_237, %dma_wait3A_251] : memref<4x80xi32, #tpu.memory_space<vmem>> -> memref<1x80xi32, #tpu.memory_space<vmem>>
      %dma_wait3A_253 = tpu.memref_squeeze %dma_wait3A_252 : memref<1x80xi32, #tpu.memory_space<vmem>> -> memref<80xi32, #tpu.memory_space<vmem>>
      %dma_wait3A_254 = arith.constant 0 : i32
      %dma_wait3A_255 = tpu.memref_slice %arg2[%dma_wait3A_254] : memref<640000xi32, #tpu.memory_space<hbm>> -> memref<80xi32, #tpu.memory_space<hbm>>
      tpu.wait_dma2 semaphore(%arg8 : memref<!tpu.dma_semaphore, #tpu.memory_space<semaphore_mem>>) src(%dma_wait3A_255 : memref<80xi32, #tpu.memory_space<hbm>>) dst(%dma_wait3A_253 : memref<80xi32, #tpu.memory_space<vmem>>)
      %dma_start3A_256 = arith.constant 0 : i32
      %dma_start3A_257 = tpu.memref_slice %arg4[%rem3A_237, %dma_start3A_256] : memref<4x80xi32, #tpu.memory_space<vmem>> -> memref<1x80xi32, #tpu.memory_space<vmem>>
      %dma_start3A_258 = tpu.memref_squeeze %dma_start3A_257 : memref<1x80xi32, #tpu.memory_space<vmem>> -> memref<80xi32, #tpu.memory_space<vmem>>
      %dma_start3A_259 = arith.constant 0 : i32
      %dma_start3A_260 = tpu.memref_slice %arg7[%dma_start3A_259] : memref<10240xf32, #tpu.memory_space<vmem_shared>> -> memref<10240xf32, #tpu.memory_space<vmem_shared>>
      tpu.enqueue_indirect_dma source(%arg5 : memref<80xf32, #tpu.memory_space<vmem>>) target(%dma_start3A_260 : memref<10240xf32, #tpu.memory_space<vmem_shared>>) offsets(%dma_start3A_258 : memref<80xi32, #tpu.memory_space<vmem>>) semaphore(%arg9 : memref<!tpu.dma_semaphore, #tpu.memory_space<semaphore_mem>>) {add = true}
    }
    %scan3A_219 = arith.constant 125 : i32
    %dma_wait3A = arith.constant 0 : i32
    %dma_wait3A_220 = tpu.memref_slice %arg3[%dma_wait3A] : memref<20480xf32, #tpu.memory_space<hbm>> -> memref<80xf32, #tpu.memory_space<hbm>>
    %dma_wait3A_221 = arith.constant 0 : i32
    %dma_wait3A_222 = tpu.memref_slice %arg3[%dma_wait3A_221] : memref<20480xf32, #tpu.memory_space<hbm>> -> memref<80xf32, #tpu.memory_space<hbm>>
    tpu.wait_dma2 semaphore(%arg9 : memref<!tpu.dma_semaphore, #tpu.memory_space<semaphore_mem>>) src(%dma_wait3A_222 : memref<80xf32, #tpu.memory_space<hbm>>) dst(%arg5 : memref<80xf32, #tpu.memory_space<vmem>>)
    %dma_wait3A_223 = arith.constant 0 : i32
    %dma_wait3A_224 = tpu.memref_slice %arg3[%dma_wait3A_223] : memref<20480xf32, #tpu.memory_space<hbm>> -> memref<80xf32, #tpu.memory_space<hbm>>
    %dma_wait3A_225 = arith.constant 0 : i32
    %dma_wait3A_226 = tpu.memref_slice %arg3[%dma_wait3A_225] : memref<20480xf32, #tpu.memory_space<hbm>> -> memref<80xf32, #tpu.memory_space<hbm>>
    tpu.wait_dma2 semaphore(%arg9 : memref<!tpu.dma_semaphore, #tpu.memory_space<semaphore_mem>>) src(%dma_wait3A_226 : memref<80xf32, #tpu.memory_space<hbm>>) dst(%arg5 : memref<80xf32, #tpu.memory_space<vmem>>)
    %barrier3A_227 = arith.constant 0 : index
    tpu.barrier barrier_id(%barrier3A_227)
    %mul3A_228 = arith.constant 640 : i32
    %mul3A_229 = arith.muli %arg1, %mul3A_228 : i32
    %mul3A_230 = arith.constant 10240 : i32
    %mul3A_231 = arith.muli %arg0, %mul3A_230 : i32
    %mul3A_232 = arith.constant 640 : i32
    %mul3A_233 = arith.muli %arg1, %mul3A_232 : i32
    %add3A_234 = arith.addi %mul3A_231, %mul3A_233 : i32
    "tpu.region"() ({
      %run_scoped3A = tpu.sem_alloc : memref<!tpu.dma_semaphore, #tpu.memory_space<semaphore_mem>>
      %dma_start3A_235 = tpu.memref_slice %arg3[%add3A_234] : memref<20480xf32, #tpu.memory_space<hbm>> -> memref<640xf32, #tpu.memory_space<hbm>>
      %dma_start3A_236 = tpu.memref_slice %arg7[%mul3A_229] : memref<10240xf32, #tpu.memory_space<vmem_shared>> -> memref<640xf32, #tpu.memory_space<vmem_shared>>
      tpu.enqueue_dma source(%dma_start3A_236 : memref<640xf32, #tpu.memory_space<vmem_shared>>) target(%dma_start3A_235 : memref<640xf32, #tpu.memory_space<hbm>>) target_semaphore(%run_scoped3A : memref<!tpu.dma_semaphore, #tpu.memory_space<semaphore_mem>>)
      %dma_wait3A_237 = tpu.memref_slice %arg3[%add3A_234] : memref<20480xf32, #tpu.memory_space<hbm>> -> memref<640xf32, #tpu.memory_space<hbm>>
      %dma_wait3A_238 = tpu.memref_slice %arg7[%mul3A_229] : memref<10240xf32, #tpu.memory_space<vmem_shared>> -> memref<640xf32, #tpu.memory_space<vmem_shared>>
      tpu.wait_dma2 semaphore(%run_scoped3A : memref<!tpu.dma_semaphore, #tpu.memory_space<semaphore_mem>>) src(%dma_wait3A_238 : memref<640xf32, #tpu.memory_space<vmem_shared>>) dst(%dma_wait3A_237 : memref<640xf32, #tpu.memory_space<hbm>>)
      tpu.yield
    }) : () -> ()
    return
  }
}

#map = affine_map<(d0, d1) -> (0)>
#map1 = affine_map<(d0, d1) -> (0, 0)>
module attributes {stable_mosaic.version = 14 : i64} {
  func.func @_sc_aggregate(%arg0: i32, %arg1: i32, %arg2: memref<640000xi32, #tpu.memory_space<hbm>>, %arg3: memref<10240x128xf32, #tpu.memory_space<hbm>>, %arg4: memref<20480x128xf32, #tpu.memory_space<hbm>>, %arg5: memref<4x80xi32, #tpu.memory_space<vmem>>, %arg6: memref<4x80xi32, #tpu.memory_space<vmem>>, %arg7: memref<4x80x128xf32, #tpu.memory_space<vmem>>, %arg8: memref<8x128xf32, #tpu.memory_space<vmem>>, %arg9: memref<10240x128xf32, #tpu.memory_space<vmem_shared>>, %arg10: memref<!tpu.dma_semaphore, #tpu.memory_space<semaphore_mem>>, %arg11: memref<!tpu.dma_semaphore, #tpu.memory_space<semaphore_mem>>, %arg12: memref<!tpu.dma_semaphore, #tpu.memory_space<semaphore_mem>>) attributes {dimension_semantics = [#tpu.dimension_semantics<core_parallel>, #tpu.dimension_semantics<subcore_parallel>], iteration_bounds = array<i64: 2, 16>, scalar_prefetch = 0 : i64, scratch_operands = 8 : i64, tpu.core_type = #tpu.core_type<sc_vector_subcore>, window_params = [{transform_indices = #map}, {transform_indices = #map1}, {transform_indices = #map1}]} {
    %mul3A = arith.constant 2 : i32
    %mul3A_0 = arith.muli %arg1, %mul3A : i32
    %add3A = arith.addi %mul3A_0, %arg0 : i32
    %broadcast_in_dim3A = arith.constant 0.000000e+00 : f32
    %broadcast_in_dim3A_1 = vector.broadcast %broadcast_in_dim3A : f32 to vector<16xf32>
    %swap3A = arith.constant 0 : i32
    %swap3A_2 = arith.index_cast %swap3A : i32 to index
    %swap3A_3 = arith.constant 0 : index
    %swap3A_4 = tpu.vector_load %arg8[%swap3A_2, %swap3A_3] {strides = array<i32>} : memref<8x128xf32, #tpu.memory_space<vmem>>, vector<1x16xf32>,
    %swap3A_5 = vector.shape_cast %swap3A_4 : vector<1x16xf32> to vector<16xf32>
    %swap3A_6 = vector.shape_cast %broadcast_in_dim3A_1 : vector<16xf32> to vector<1x16xf32>
    tpu.vector_store %arg8[%swap3A_2, %swap3A_3], %swap3A_6 {strides = array<i32>} : memref<8x128xf32, #tpu.memory_space<vmem>>, vector<1x16xf32>,
    %swap3A_7 = arith.constant 0 : i32
    %swap3A_8 = arith.index_cast %swap3A_7 : i32 to index
    %swap3A_9 = arith.constant 16 : index
    %swap3A_10 = tpu.vector_load %arg8[%swap3A_8, %swap3A_9] {strides = array<i32>} : memref<8x128xf32, #tpu.memory_space<vmem>>, vector<1x16xf32>,
    %swap3A_11 = vector.shape_cast %swap3A_10 : vector<1x16xf32> to vector<16xf32>
    %swap3A_12 = vector.shape_cast %broadcast_in_dim3A_1 : vector<16xf32> to vector<1x16xf32>
    tpu.vector_store %arg8[%swap3A_8, %swap3A_9], %swap3A_12 {strides = array<i32>} : memref<8x128xf32, #tpu.memory_space<vmem>>, vector<1x16xf32>,
    %swap3A_13 = arith.constant 0 : i32
    %swap3A_14 = arith.index_cast %swap3A_13 : i32 to index
    %swap3A_15 = arith.constant 32 : index
    %swap3A_16 = tpu.vector_load %arg8[%swap3A_14, %swap3A_15] {strides = array<i32>} : memref<8x128xf32, #tpu.memory_space<vmem>>, vector<1x16xf32>,
    %swap3A_17 = vector.shape_cast %swap3A_16 : vector<1x16xf32> to vector<16xf32>
    %swap3A_18 = vector.shape_cast %broadcast_in_dim3A_1 : vector<16xf32> to vector<1x16xf32>
    tpu.vector_store %arg8[%swap3A_14, %swap3A_15], %swap3A_18 {strides = array<i32>} : memref<8x128xf32, #tpu.memory_space<vmem>>, vector<1x16xf32>,
    %swap3A_19 = arith.constant 0 : i32
    %swap3A_20 = arith.index_cast %swap3A_19 : i32 to index
    %swap3A_21 = arith.constant 48 : index
    %swap3A_22 = tpu.vector_load %arg8[%swap3A_20, %swap3A_21] {strides = array<i32>} : memref<8x128xf32, #tpu.memory_space<vmem>>, vector<1x16xf32>,
    %swap3A_23 = vector.shape_cast %swap3A_22 : vector<1x16xf32> to vector<16xf32>
    %swap3A_24 = vector.shape_cast %broadcast_in_dim3A_1 : vector<16xf32> to vector<1x16xf32>
    tpu.vector_store %arg8[%swap3A_20, %swap3A_21], %swap3A_24 {strides = array<i32>} : memref<8x128xf32, #tpu.memory_space<vmem>>, vector<1x16xf32>,
    %swap3A_25 = arith.constant 0 : i32
    %swap3A_26 = arith.index_cast %swap3A_25 : i32 to index
    %swap3A_27 = arith.constant 64 : index
    %swap3A_28 = tpu.vector_load %arg8[%swap3A_26, %swap3A_27] {strides = array<i32>} : memref<8x128xf32, #tpu.memory_space<vmem>>, vector<1x16xf32>,
    %swap3A_29 = vector.shape_cast %swap3A_28 : vector<1x16xf32> to vector<16xf32>
    %swap3A_30 = vector.shape_cast %broadcast_in_dim3A_1 : vector<16xf32> to vector<1x16xf32>
    tpu.vector_store %arg8[%swap3A_26, %swap3A_27], %swap3A_30 {strides = array<i32>} : memref<8x128xf32, #tpu.memory_space<vmem>>, vector<1x16xf32>,
    %swap3A_31 = arith.constant 0 : i32
    %swap3A_32 = arith.index_cast %swap3A_31 : i32 to index
    %swap3A_33 = arith.constant 80 : index
    %swap3A_34 = tpu.vector_load %arg8[%swap3A_32, %swap3A_33] {strides = array<i32>} : memref<8x128xf32, #tpu.memory_space<vmem>>, vector<1x16xf32>,
    %swap3A_35 = vector.shape_cast %swap3A_34 : vector<1x16xf32> to vector<16xf32>
    %swap3A_36 = vector.shape_cast %broadcast_in_dim3A_1 : vector<16xf32> to vector<1x16xf32>
    tpu.vector_store %arg8[%swap3A_32, %swap3A_33], %swap3A_36 {strides = array<i32>} : memref<8x128xf32, #tpu.memory_space<vmem>>, vector<1x16xf32>,
    %swap3A_37 = arith.constant 0 : i32
    %swap3A_38 = arith.index_cast %swap3A_37 : i32 to index
    %swap3A_39 = arith.constant 96 : index
    %swap3A_40 = tpu.vector_load %arg8[%swap3A_38, %swap3A_39] {strides = array<i32>} : memref<8x128xf32, #tpu.memory_space<vmem>>, vector<1x16xf32>,
    %swap3A_41 = vector.shape_cast %swap3A_40 : vector<1x16xf32> to vector<16xf32>
    %swap3A_42 = vector.shape_cast %broadcast_in_dim3A_1 : vector<16xf32> to vector<1x16xf32>
    tpu.vector_store %arg8[%swap3A_38, %swap3A_39], %swap3A_42 {strides = array<i32>} : memref<8x128xf32, #tpu.memory_space<vmem>>, vector<1x16xf32>,
    %swap3A_43 = arith.constant 0 : i32
    %swap3A_44 = arith.index_cast %swap3A_43 : i32 to index
    %swap3A_45 = arith.constant 112 : index
    %swap3A_46 = tpu.vector_load %arg8[%swap3A_44, %swap3A_45] {strides = array<i32>} : memref<8x128xf32, #tpu.memory_space<vmem>>, vector<1x16xf32>,
    %swap3A_47 = vector.shape_cast %swap3A_46 : vector<1x16xf32> to vector<16xf32>
    %swap3A_48 = vector.shape_cast %broadcast_in_dim3A_1 : vector<16xf32> to vector<1x16xf32>
    tpu.vector_store %arg8[%swap3A_44, %swap3A_45], %swap3A_48 {strides = array<i32>} : memref<8x128xf32, #tpu.memory_space<vmem>>, vector<1x16xf32>,
    %swap3A_49 = arith.constant 1 : i32
    %swap3A_50 = arith.index_cast %swap3A_49 : i32 to index
    %swap3A_51 = arith.constant 0 : index
    %swap3A_52 = tpu.vector_load %arg8[%swap3A_50, %swap3A_51] {strides = array<i32>} : memref<8x128xf32, #tpu.memory_space<vmem>>, vector<1x16xf32>,
    %swap3A_53 = vector.shape_cast %swap3A_52 : vector<1x16xf32> to vector<16xf32>
    %swap3A_54 = vector.shape_cast %broadcast_in_dim3A_1 : vector<16xf32> to vector<1x16xf32>
    tpu.vector_store %arg8[%swap3A_50, %swap3A_51], %swap3A_54 {strides = array<i32>} : memref<8x128xf32, #tpu.memory_space<vmem>>, vector<1x16xf32>,
    %swap3A_55 = arith.constant 1 : i32
    %swap3A_56 = arith.index_cast %swap3A_55 : i32 to index
    %swap3A_57 = arith.constant 16 : index
    %swap3A_58 = tpu.vector_load %arg8[%swap3A_56, %swap3A_57] {strides = array<i32>} : memref<8x128xf32, #tpu.memory_space<vmem>>, vector<1x16xf32>,
    %swap3A_59 = vector.shape_cast %swap3A_58 : vector<1x16xf32> to vector<16xf32>
    %swap3A_60 = vector.shape_cast %broadcast_in_dim3A_1 : vector<16xf32> to vector<1x16xf32>
    tpu.vector_store %arg8[%swap3A_56, %swap3A_57], %swap3A_60 {strides = array<i32>} : memref<8x128xf32, #tpu.memory_space<vmem>>, vector<1x16xf32>,
    %swap3A_61 = arith.constant 1 : i32
    %swap3A_62 = arith.index_cast %swap3A_61 : i32 to index
    %swap3A_63 = arith.constant 32 : index
    %swap3A_64 = tpu.vector_load %arg8[%swap3A_62, %swap3A_63] {strides = array<i32>} : memref<8x128xf32, #tpu.memory_space<vmem>>, vector<1x16xf32>,
    %swap3A_65 = vector.shape_cast %swap3A_64 : vector<1x16xf32> to vector<16xf32>
    %swap3A_66 = vector.shape_cast %broadcast_in_dim3A_1 : vector<16xf32> to vector<1x16xf32>
    tpu.vector_store %arg8[%swap3A_62, %swap3A_63], %swap3A_66 {strides = array<i32>} : memref<8x128xf32, #tpu.memory_space<vmem>>, vector<1x16xf32>,
    %swap3A_67 = arith.constant 1 : i32
    %swap3A_68 = arith.index_cast %swap3A_67 : i32 to index
    %swap3A_69 = arith.constant 48 : index
    %swap3A_70 = tpu.vector_load %arg8[%swap3A_68, %swap3A_69] {strides = array<i32>} : memref<8x128xf32, #tpu.memory_space<vmem>>, vector<1x16xf32>,
    %swap3A_71 = vector.shape_cast %swap3A_70 : vector<1x16xf32> to vector<16xf32>
    %swap3A_72 = vector.shape_cast %broadcast_in_dim3A_1 : vector<16xf32> to vector<1x16xf32>
    tpu.vector_store %arg8[%swap3A_68, %swap3A_69], %swap3A_72 {strides = array<i32>} : memref<8x128xf32, #tpu.memory_space<vmem>>, vector<1x16xf32>,
    %swap3A_73 = arith.constant 1 : i32
    %swap3A_74 = arith.index_cast %swap3A_73 : i32 to index
    %swap3A_75 = arith.constant 64 : index
    %swap3A_76 = tpu.vector_load %arg8[%swap3A_74, %swap3A_75] {strides = array<i32>} : memref<8x128xf32, #tpu.memory_space<vmem>>, vector<1x16xf32>,
    %swap3A_77 = vector.shape_cast %swap3A_76 : vector<1x16xf32> to vector<16xf32>
    %swap3A_78 = vector.shape_cast %broadcast_in_dim3A_1 : vector<16xf32> to vector<1x16xf32>
    tpu.vector_store %arg8[%swap3A_74, %swap3A_75], %swap3A_78 {strides = array<i32>} : memref<8x128xf32, #tpu.memory_space<vmem>>, vector<1x16xf32>,
    %swap3A_79 = arith.constant 1 : i32
    %swap3A_80 = arith.index_cast %swap3A_79 : i32 to index
    %swap3A_81 = arith.constant 80 : index
    %swap3A_82 = tpu.vector_load %arg8[%swap3A_80, %swap3A_81] {strides = array<i32>} : memref<8x128xf32, #tpu.memory_space<vmem>>, vector<1x16xf32>,
    %swap3A_83 = vector.shape_cast %swap3A_82 : vector<1x16xf32> to vector<16xf32>
    %swap3A_84 = vector.shape_cast %broadcast_in_dim3A_1 : vector<16xf32> to vector<1x16xf32>
    tpu.vector_store %arg8[%swap3A_80, %swap3A_81], %swap3A_84 {strides = array<i32>} : memref<8x128xf32, #tpu.memory_space<vmem>>, vector<1x16xf32>,
    %swap3A_85 = arith.constant 1 : i32
    %swap3A_86 = arith.index_cast %swap3A_85 : i32 to index
    %swap3A_87 = arith.constant 96 : index
    %swap3A_88 = tpu.vector_load %arg8[%swap3A_86, %swap3A_87] {strides = array<i32>} : memref<8x128xf32, #tpu.memory_space<vmem>>, vector<1x16xf32>,
    %swap3A_89 = vector.shape_cast %swap3A_88 : vector<1x16xf32> to vector<16xf32>
    %swap3A_90 = vector.shape_cast %broadcast_in_dim3A_1 : vector<16xf32> to vector<1x16xf32>
    tpu.vector_store %arg8[%swap3A_86, %swap3A_87], %swap3A_90 {strides = array<i32>} : memref<8x128xf32, #tpu.memory_space<vmem>>, vector<1x16xf32>,
    %swap3A_91 = arith.constant 1 : i32
    %swap3A_92 = arith.index_cast %swap3A_91 : i32 to index
    %swap3A_93 = arith.constant 112 : index
    %swap3A_94 = tpu.vector_load %arg8[%swap3A_92, %swap3A_93] {strides = array<i32>} : memref<8x128xf32, #tpu.memory_space<vmem>>, vector<1x16xf32>,
    %swap3A_95 = vector.shape_cast %swap3A_94 : vector<1x16xf32> to vector<16xf32>
    %swap3A_96 = vector.shape_cast %broadcast_in_dim3A_1 : vector<16xf32> to vector<1x16xf32>
    tpu.vector_store %arg8[%swap3A_92, %swap3A_93], %swap3A_96 {strides = array<i32>} : memref<8x128xf32, #tpu.memory_space<vmem>>, vector<1x16xf32>,
    %swap3A_97 = arith.constant 2 : i32
    %swap3A_98 = arith.index_cast %swap3A_97 : i32 to index
    %swap3A_99 = arith.constant 0 : index
    %swap3A_100 = tpu.vector_load %arg8[%swap3A_98, %swap3A_99] {strides = array<i32>} : memref<8x128xf32, #tpu.memory_space<vmem>>, vector<1x16xf32>,
    %swap3A_101 = vector.shape_cast %swap3A_100 : vector<1x16xf32> to vector<16xf32>
    %swap3A_102 = vector.shape_cast %broadcast_in_dim3A_1 : vector<16xf32> to vector<1x16xf32>
    tpu.vector_store %arg8[%swap3A_98, %swap3A_99], %swap3A_102 {strides = array<i32>} : memref<8x128xf32, #tpu.memory_space<vmem>>, vector<1x16xf32>,
    %swap3A_103 = arith.constant 2 : i32
    %swap3A_104 = arith.index_cast %swap3A_103 : i32 to index
    %swap3A_105 = arith.constant 16 : index
    %swap3A_106 = tpu.vector_load %arg8[%swap3A_104, %swap3A_105] {strides = array<i32>} : memref<8x128xf32, #tpu.memory_space<vmem>>, vector<1x16xf32>,
    %swap3A_107 = vector.shape_cast %swap3A_106 : vector<1x16xf32> to vector<16xf32>
    %swap3A_108 = vector.shape_cast %broadcast_in_dim3A_1 : vector<16xf32> to vector<1x16xf32>
    tpu.vector_store %arg8[%swap3A_104, %swap3A_105], %swap3A_108 {strides = array<i32>} : memref<8x128xf32, #tpu.memory_space<vmem>>, vector<1x16xf32>,
    %swap3A_109 = arith.constant 2 : i32
    %swap3A_110 = arith.index_cast %swap3A_109 : i32 to index
    %swap3A_111 = arith.constant 32 : index
    %swap3A_112 = tpu.vector_load %arg8[%swap3A_110, %swap3A_111] {strides = array<i32>} : memref<8x128xf32, #tpu.memory_space<vmem>>, vector<1x16xf32>,
    %swap3A_113 = vector.shape_cast %swap3A_112 : vector<1x16xf32> to vector<16xf32>
    %swap3A_114 = vector.shape_cast %broadcast_in_dim3A_1 : vector<16xf32> to vector<1x16xf32>
    tpu.vector_store %arg8[%swap3A_110, %swap3A_111], %swap3A_114 {strides = array<i32>} : memref<8x128xf32, #tpu.memory_space<vmem>>, vector<1x16xf32>,
    %swap3A_115 = arith.constant 2 : i32
    %swap3A_116 = arith.index_cast %swap3A_115 : i32 to index
    %swap3A_117 = arith.constant 48 : index
    %swap3A_118 = tpu.vector_load %arg8[%swap3A_116, %swap3A_117] {strides = array<i32>} : memref<8x128xf32, #tpu.memory_space<vmem>>, vector<1x16xf32>,
    %swap3A_119 = vector.shape_cast %swap3A_118 : vector<1x16xf32> to vector<16xf32>
    %swap3A_120 = vector.shape_cast %broadcast_in_dim3A_1 : vector<16xf32> to vector<1x16xf32>
    tpu.vector_store %arg8[%swap3A_116, %swap3A_117], %swap3A_120 {strides = array<i32>} : memref<8x128xf32, #tpu.memory_space<vmem>>, vector<1x16xf32>,
    %swap3A_121 = arith.constant 2 : i32
    %swap3A_122 = arith.index_cast %swap3A_121 : i32 to index
    %swap3A_123 = arith.constant 64 : index
    %swap3A_124 = tpu.vector_load %arg8[%swap3A_122, %swap3A_123] {strides = array<i32>} : memref<8x128xf32, #tpu.memory_space<vmem>>, vector<1x16xf32>,
    %swap3A_125 = vector.shape_cast %swap3A_124 : vector<1x16xf32> to vector<16xf32>
    %swap3A_126 = vector.shape_cast %broadcast_in_dim3A_1 : vector<16xf32> to vector<1x16xf32>
    tpu.vector_store %arg8[%swap3A_122, %swap3A_123], %swap3A_126 {strides = array<i32>} : memref<8x128xf32, #tpu.memory_space<vmem>>, vector<1x16xf32>,
    %swap3A_127 = arith.constant 2 : i32
    %swap3A_128 = arith.index_cast %swap3A_127 : i32 to index
    %swap3A_129 = arith.constant 80 : index
    %swap3A_130 = tpu.vector_load %arg8[%swap3A_128, %swap3A_129] {strides = array<i32>} : memref<8x128xf32, #tpu.memory_space<vmem>>, vector<1x16xf32>,
    %swap3A_131 = vector.shape_cast %swap3A_130 : vector<1x16xf32> to vector<16xf32>
    %swap3A_132 = vector.shape_cast %broadcast_in_dim3A_1 : vector<16xf32> to vector<1x16xf32>
    tpu.vector_store %arg8[%swap3A_128, %swap3A_129], %swap3A_132 {strides = array<i32>} : memref<8x128xf32, #tpu.memory_space<vmem>>, vector<1x16xf32>,
    %swap3A_133 = arith.constant 2 : i32
    %swap3A_134 = arith.index_cast %swap3A_133 : i32 to index
    %swap3A_135 = arith.constant 96 : index
    %swap3A_136 = tpu.vector_load %arg8[%swap3A_134, %swap3A_135] {strides = array<i32>} : memref<8x128xf32, #tpu.memory_space<vmem>>, vector<1x16xf32>,
    %swap3A_137 = vector.shape_cast %swap3A_136 : vector<1x16xf32> to vector<16xf32>
    %swap3A_138 = vector.shape_cast %broadcast_in_dim3A_1 : vector<16xf32> to vector<1x16xf32>
    tpu.vector_store %arg8[%swap3A_134, %swap3A_135], %swap3A_138 {strides = array<i32>} : memref<8x128xf32, #tpu.memory_space<vmem>>, vector<1x16xf32>,
    %swap3A_139 = arith.constant 2 : i32
    %swap3A_140 = arith.index_cast %swap3A_139 : i32 to index
    %swap3A_141 = arith.constant 112 : index
    %swap3A_142 = tpu.vector_load %arg8[%swap3A_140, %swap3A_141] {strides = array<i32>} : memref<8x128xf32, #tpu.memory_space<vmem>>, vector<1x16xf32>,
    %swap3A_143 = vector.shape_cast %swap3A_142 : vector<1x16xf32> to vector<16xf32>
    %swap3A_144 = vector.shape_cast %broadcast_in_dim3A_1 : vector<16xf32> to vector<1x16xf32>
    tpu.vector_store %arg8[%swap3A_140, %swap3A_141], %swap3A_144 {strides = array<i32>} : memref<8x128xf32, #tpu.memory_space<vmem>>, vector<1x16xf32>,
    %swap3A_145 = arith.constant 3 : i32
    %swap3A_146 = arith.index_cast %swap3A_145 : i32 to index
    %swap3A_147 = arith.constant 0 : index
    %swap3A_148 = tpu.vector_load %arg8[%swap3A_146, %swap3A_147] {strides = array<i32>} : memref<8x128xf32, #tpu.memory_space<vmem>>, vector<1x16xf32>,
    %swap3A_149 = vector.shape_cast %swap3A_148 : vector<1x16xf32> to vector<16xf32>
    %swap3A_150 = vector.shape_cast %broadcast_in_dim3A_1 : vector<16xf32> to vector<1x16xf32>
    tpu.vector_store %arg8[%swap3A_146, %swap3A_147], %swap3A_150 {strides = array<i32>} : memref<8x128xf32, #tpu.memory_space<vmem>>, vector<1x16xf32>,
    %swap3A_151 = arith.constant 3 : i32
    %swap3A_152 = arith.index_cast %swap3A_151 : i32 to index
    %swap3A_153 = arith.constant 16 : index
    %swap3A_154 = tpu.vector_load %arg8[%swap3A_152, %swap3A_153] {strides = array<i32>} : memref<8x128xf32, #tpu.memory_space<vmem>>, vector<1x16xf32>,
    %swap3A_155 = vector.shape_cast %swap3A_154 : vector<1x16xf32> to vector<16xf32>
    %swap3A_156 = vector.shape_cast %broadcast_in_dim3A_1 : vector<16xf32> to vector<1x16xf32>
    tpu.vector_store %arg8[%swap3A_152, %swap3A_153], %swap3A_156 {strides = array<i32>} : memref<8x128xf32, #tpu.memory_space<vmem>>, vector<1x16xf32>,
    %swap3A_157 = arith.constant 3 : i32
    %swap3A_158 = arith.index_cast %swap3A_157 : i32 to index
    %swap3A_159 = arith.constant 32 : index
    %swap3A_160 = tpu.vector_load %arg8[%swap3A_158, %swap3A_159] {strides = array<i32>} : memref<8x128xf32, #tpu.memory_space<vmem>>, vector<1x16xf32>,
    %swap3A_161 = vector.shape_cast %swap3A_160 : vector<1x16xf32> to vector<16xf32>
    %swap3A_162 = vector.shape_cast %broadcast_in_dim3A_1 : vector<16xf32> to vector<1x16xf32>
    tpu.vector_store %arg8[%swap3A_158, %swap3A_159], %swap3A_162 {strides = array<i32>} : memref<8x128xf32, #tpu.memory_space<vmem>>, vector<1x16xf32>,
    %swap3A_163 = arith.constant 3 : i32
    %swap3A_164 = arith.index_cast %swap3A_163 : i32 to index
    %swap3A_165 = arith.constant 48 : index
    %swap3A_166 = tpu.vector_load %arg8[%swap3A_164, %swap3A_165] {strides = array<i32>} : memref<8x128xf32, #tpu.memory_space<vmem>>, vector<1x16xf32>,
    %swap3A_167 = vector.shape_cast %swap3A_166 : vector<1x16xf32> to vector<16xf32>
    %swap3A_168 = vector.shape_cast %broadcast_in_dim3A_1 : vector<16xf32> to vector<1x16xf32>
    tpu.vector_store %arg8[%swap3A_164, %swap3A_165], %swap3A_168 {strides = array<i32>} : memref<8x128xf32, #tpu.memory_space<vmem>>, vector<1x16xf32>,
    %swap3A_169 = arith.constant 3 : i32
    %swap3A_170 = arith.index_cast %swap3A_169 : i32 to index
    %swap3A_171 = arith.constant 64 : index
    %swap3A_172 = tpu.vector_load %arg8[%swap3A_170, %swap3A_171] {strides = array<i32>} : memref<8x128xf32, #tpu.memory_space<vmem>>, vector<1x16xf32>,
    %swap3A_173 = vector.shape_cast %swap3A_172 : vector<1x16xf32> to vector<16xf32>
    %swap3A_174 = vector.shape_cast %broadcast_in_dim3A_1 : vector<16xf32> to vector<1x16xf32>
    tpu.vector_store %arg8[%swap3A_170, %swap3A_171], %swap3A_174 {strides = array<i32>} : memref<8x128xf32, #tpu.memory_space<vmem>>, vector<1x16xf32>,
    %swap3A_175 = arith.constant 3 : i32
    %swap3A_176 = arith.index_cast %swap3A_175 : i32 to index
    %swap3A_177 = arith.constant 80 : index
    %swap3A_178 = tpu.vector_load %arg8[%swap3A_176, %swap3A_177] {strides = array<i32>} : memref<8x128xf32, #tpu.memory_space<vmem>>, vector<1x16xf32>,
    %swap3A_179 = vector.shape_cast %swap3A_178 : vector<1x16xf32> to vector<16xf32>
    %swap3A_180 = vector.shape_cast %broadcast_in_dim3A_1 : vector<16xf32> to vector<1x16xf32>
    tpu.vector_store %arg8[%swap3A_176, %swap3A_177], %swap3A_180 {strides = array<i32>} : memref<8x128xf32, #tpu.memory_space<vmem>>, vector<1x16xf32>,
    %swap3A_181 = arith.constant 3 : i32
    %swap3A_182 = arith.index_cast %swap3A_181 : i32 to index
    %swap3A_183 = arith.constant 96 : index
    %swap3A_184 = tpu.vector_load %arg8[%swap3A_182, %swap3A_183] {strides = array<i32>} : memref<8x128xf32, #tpu.memory_space<vmem>>, vector<1x16xf32>,
    %swap3A_185 = vector.shape_cast %swap3A_184 : vector<1x16xf32> to vector<16xf32>
    %swap3A_186 = vector.shape_cast %broadcast_in_dim3A_1 : vector<16xf32> to vector<1x16xf32>
    tpu.vector_store %arg8[%swap3A_182, %swap3A_183], %swap3A_186 {strides = array<i32>} : memref<8x128xf32, #tpu.memory_space<vmem>>, vector<1x16xf32>,
    %swap3A_187 = arith.constant 3 : i32
    %swap3A_188 = arith.index_cast %swap3A_187 : i32 to index
    %swap3A_189 = arith.constant 112 : index
    %swap3A_190 = tpu.vector_load %arg8[%swap3A_188, %swap3A_189] {strides = array<i32>} : memref<8x128xf32, #tpu.memory_space<vmem>>, vector<1x16xf32>,
    %swap3A_191 = vector.shape_cast %swap3A_190 : vector<1x16xf32> to vector<16xf32>
    %swap3A_192 = vector.shape_cast %broadcast_in_dim3A_1 : vector<16xf32> to vector<1x16xf32>
    tpu.vector_store %arg8[%swap3A_188, %swap3A_189], %swap3A_192 {strides = array<i32>} : memref<8x128xf32, #tpu.memory_space<vmem>>, vector<1x16xf32>,
    %swap3A_193 = arith.constant 4 : i32
    %swap3A_194 = arith.index_cast %swap3A_193 : i32 to index
    %swap3A_195 = arith.constant 0 : index
    %swap3A_196 = tpu.vector_load %arg8[%swap3A_194, %swap3A_195] {strides = array<i32>} : memref<8x128xf32, #tpu.memory_space<vmem>>, vector<1x16xf32>,
    %swap3A_197 = vector.shape_cast %swap3A_196 : vector<1x16xf32> to vector<16xf32>
    %swap3A_198 = vector.shape_cast %broadcast_in_dim3A_1 : vector<16xf32> to vector<1x16xf32>
    tpu.vector_store %arg8[%swap3A_194, %swap3A_195], %swap3A_198 {strides = array<i32>} : memref<8x128xf32, #tpu.memory_space<vmem>>, vector<1x16xf32>,
    %swap3A_199 = arith.constant 4 : i32
    %swap3A_200 = arith.index_cast %swap3A_199 : i32 to index
    %swap3A_201 = arith.constant 16 : index
    %swap3A_202 = tpu.vector_load %arg8[%swap3A_200, %swap3A_201] {strides = array<i32>} : memref<8x128xf32, #tpu.memory_space<vmem>>, vector<1x16xf32>,
    %swap3A_203 = vector.shape_cast %swap3A_202 : vector<1x16xf32> to vector<16xf32>
    %swap3A_204 = vector.shape_cast %broadcast_in_dim3A_1 : vector<16xf32> to vector<1x16xf32>
    tpu.vector_store %arg8[%swap3A_200, %swap3A_201], %swap3A_204 {strides = array<i32>} : memref<8x128xf32, #tpu.memory_space<vmem>>, vector<1x16xf32>,
    %swap3A_205 = arith.constant 4 : i32
    %swap3A_206 = arith.index_cast %swap3A_205 : i32 to index
    %swap3A_207 = arith.constant 32 : index
    %swap3A_208 = tpu.vector_load %arg8[%swap3A_206, %swap3A_207] {strides = array<i32>} : memref<8x128xf32, #tpu.memory_space<vmem>>, vector<1x16xf32>,
    %swap3A_209 = vector.shape_cast %swap3A_208 : vector<1x16xf32> to vector<16xf32>
    %swap3A_210 = vector.shape_cast %broadcast_in_dim3A_1 : vector<16xf32> to vector<1x16xf32>
    tpu.vector_store %arg8[%swap3A_206, %swap3A_207], %swap3A_210 {strides = array<i32>} : memref<8x128xf32, #tpu.memory_space<vmem>>, vector<1x16xf32>,
    %swap3A_211 = arith.constant 4 : i32
    %swap3A_212 = arith.index_cast %swap3A_211 : i32 to index
    %swap3A_213 = arith.constant 48 : index
    %swap3A_214 = tpu.vector_load %arg8[%swap3A_212, %swap3A_213] {strides = array<i32>} : memref<8x128xf32, #tpu.memory_space<vmem>>, vector<1x16xf32>,
    %swap3A_215 = vector.shape_cast %swap3A_214 : vector<1x16xf32> to vector<16xf32>
    %swap3A_216 = vector.shape_cast %broadcast_in_dim3A_1 : vector<16xf32> to vector<1x16xf32>
    tpu.vector_store %arg8[%swap3A_212, %swap3A_213], %swap3A_216 {strides = array<i32>} : memref<8x128xf32, #tpu.memory_space<vmem>>, vector<1x16xf32>,
    %swap3A_217 = arith.constant 4 : i32
    %swap3A_218 = arith.index_cast %swap3A_217 : i32 to index
    %swap3A_219 = arith.constant 64 : index
    %swap3A_220 = tpu.vector_load %arg8[%swap3A_218, %swap3A_219] {strides = array<i32>} : memref<8x128xf32, #tpu.memory_space<vmem>>, vector<1x16xf32>,
    %swap3A_221 = vector.shape_cast %swap3A_220 : vector<1x16xf32> to vector<16xf32>
    %swap3A_222 = vector.shape_cast %broadcast_in_dim3A_1 : vector<16xf32> to vector<1x16xf32>
    tpu.vector_store %arg8[%swap3A_218, %swap3A_219], %swap3A_222 {strides = array<i32>} : memref<8x128xf32, #tpu.memory_space<vmem>>, vector<1x16xf32>,
    %swap3A_223 = arith.constant 4 : i32
    %swap3A_224 = arith.index_cast %swap3A_223 : i32 to index
    %swap3A_225 = arith.constant 80 : index
    %swap3A_226 = tpu.vector_load %arg8[%swap3A_224, %swap3A_225] {strides = array<i32>} : memref<8x128xf32, #tpu.memory_space<vmem>>, vector<1x16xf32>,
    %swap3A_227 = vector.shape_cast %swap3A_226 : vector<1x16xf32> to vector<16xf32>
    %swap3A_228 = vector.shape_cast %broadcast_in_dim3A_1 : vector<16xf32> to vector<1x16xf32>
    tpu.vector_store %arg8[%swap3A_224, %swap3A_225], %swap3A_228 {strides = array<i32>} : memref<8x128xf32, #tpu.memory_space<vmem>>, vector<1x16xf32>,
    %swap3A_229 = arith.constant 4 : i32
    %swap3A_230 = arith.index_cast %swap3A_229 : i32 to index
    %swap3A_231 = arith.constant 96 : index
    %swap3A_232 = tpu.vector_load %arg8[%swap3A_230, %swap3A_231] {strides = array<i32>} : memref<8x128xf32, #tpu.memory_space<vmem>>, vector<1x16xf32>,
    %swap3A_233 = vector.shape_cast %swap3A_232 : vector<1x16xf32> to vector<16xf32>
    %swap3A_234 = vector.shape_cast %broadcast_in_dim3A_1 : vector<16xf32> to vector<1x16xf32>
    tpu.vector_store %arg8[%swap3A_230, %swap3A_231], %swap3A_234 {strides = array<i32>} : memref<8x128xf32, #tpu.memory_space<vmem>>, vector<1x16xf32>,
    %swap3A_235 = arith.constant 4 : i32
    %swap3A_236 = arith.index_cast %swap3A_235 : i32 to index
    %swap3A_237 = arith.constant 112 : index
    %swap3A_238 = tpu.vector_load %arg8[%swap3A_236, %swap3A_237] {strides = array<i32>} : memref<8x128xf32, #tpu.memory_space<vmem>>, vector<1x16xf32>,
    %swap3A_239 = vector.shape_cast %swap3A_238 : vector<1x16xf32> to vector<16xf32>
    %swap3A_240 = vector.shape_cast %broadcast_in_dim3A_1 : vector<16xf32> to vector<1x16xf32>
    tpu.vector_store %arg8[%swap3A_236, %swap3A_237], %swap3A_240 {strides = array<i32>} : memref<8x128xf32, #tpu.memory_space<vmem>>, vector<1x16xf32>,
    %swap3A_241 = arith.constant 5 : i32
    %swap3A_242 = arith.index_cast %swap3A_241 : i32 to index
    %swap3A_243 = arith.constant 0 : index
    %swap3A_244 = tpu.vector_load %arg8[%swap3A_242, %swap3A_243] {strides = array<i32>} : memref<8x128xf32, #tpu.memory_space<vmem>>, vector<1x16xf32>,
    %swap3A_245 = vector.shape_cast %swap3A_244 : vector<1x16xf32> to vector<16xf32>
    %swap3A_246 = vector.shape_cast %broadcast_in_dim3A_1 : vector<16xf32> to vector<1x16xf32>
    tpu.vector_store %arg8[%swap3A_242, %swap3A_243], %swap3A_246 {strides = array<i32>} : memref<8x128xf32, #tpu.memory_space<vmem>>, vector<1x16xf32>,
    %swap3A_247 = arith.constant 5 : i32
    %swap3A_248 = arith.index_cast %swap3A_247 : i32 to index
    %swap3A_249 = arith.constant 16 : index
    %swap3A_250 = tpu.vector_load %arg8[%swap3A_248, %swap3A_249] {strides = array<i32>} : memref<8x128xf32, #tpu.memory_space<vmem>>, vector<1x16xf32>,
    %swap3A_251 = vector.shape_cast %swap3A_250 : vector<1x16xf32> to vector<16xf32>
    %swap3A_252 = vector.shape_cast %broadcast_in_dim3A_1 : vector<16xf32> to vector<1x16xf32>
    tpu.vector_store %arg8[%swap3A_248, %swap3A_249], %swap3A_252 {strides = array<i32>} : memref<8x128xf32, #tpu.memory_space<vmem>>, vector<1x16xf32>,
    %swap3A_253 = arith.constant 5 : i32
    %swap3A_254 = arith.index_cast %swap3A_253 : i32 to index
    %swap3A_255 = arith.constant 32 : index
    %swap3A_256 = tpu.vector_load %arg8[%swap3A_254, %swap3A_255] {strides = array<i32>} : memref<8x128xf32, #tpu.memory_space<vmem>>, vector<1x16xf32>,
    %swap3A_257 = vector.shape_cast %swap3A_256 : vector<1x16xf32> to vector<16xf32>
    %swap3A_258 = vector.shape_cast %broadcast_in_dim3A_1 : vector<16xf32> to vector<1x16xf32>
    tpu.vector_store %arg8[%swap3A_254, %swap3A_255], %swap3A_258 {strides = array<i32>} : memref<8x128xf32, #tpu.memory_space<vmem>>, vector<1x16xf32>,
    %swap3A_259 = arith.constant 5 : i32
    %swap3A_260 = arith.index_cast %swap3A_259 : i32 to index
    %swap3A_261 = arith.constant 48 : index
    %swap3A_262 = tpu.vector_load %arg8[%swap3A_260, %swap3A_261] {strides = array<i32>} : memref<8x128xf32, #tpu.memory_space<vmem>>, vector<1x16xf32>,
    %swap3A_263 = vector.shape_cast %swap3A_262 : vector<1x16xf32> to vector<16xf32>
    %swap3A_264 = vector.shape_cast %broadcast_in_dim3A_1 : vector<16xf32> to vector<1x16xf32>
    tpu.vector_store %arg8[%swap3A_260, %swap3A_261], %swap3A_264 {strides = array<i32>} : memref<8x128xf32, #tpu.memory_space<vmem>>, vector<1x16xf32>,
    %swap3A_265 = arith.constant 5 : i32
    %swap3A_266 = arith.index_cast %swap3A_265 : i32 to index
    %swap3A_267 = arith.constant 64 : index
    %swap3A_268 = tpu.vector_load %arg8[%swap3A_266, %swap3A_267] {strides = array<i32>} : memref<8x128xf32, #tpu.memory_space<vmem>>, vector<1x16xf32>,
    %swap3A_269 = vector.shape_cast %swap3A_268 : vector<1x16xf32> to vector<16xf32>
    %swap3A_270 = vector.shape_cast %broadcast_in_dim3A_1 : vector<16xf32> to vector<1x16xf32>
    tpu.vector_store %arg8[%swap3A_266, %swap3A_267], %swap3A_270 {strides = array<i32>} : memref<8x128xf32, #tpu.memory_space<vmem>>, vector<1x16xf32>,
    %swap3A_271 = arith.constant 5 : i32
    %swap3A_272 = arith.index_cast %swap3A_271 : i32 to index
    %swap3A_273 = arith.constant 80 : index
    %swap3A_274 = tpu.vector_load %arg8[%swap3A_272, %swap3A_273] {strides = array<i32>} : memref<8x128xf32, #tpu.memory_space<vmem>>, vector<1x16xf32>,
    %swap3A_275 = vector.shape_cast %swap3A_274 : vector<1x16xf32> to vector<16xf32>
    %swap3A_276 = vector.shape_cast %broadcast_in_dim3A_1 : vector<16xf32> to vector<1x16xf32>
    tpu.vector_store %arg8[%swap3A_272, %swap3A_273], %swap3A_276 {strides = array<i32>} : memref<8x128xf32, #tpu.memory_space<vmem>>, vector<1x16xf32>,
    %swap3A_277 = arith.constant 5 : i32
    %swap3A_278 = arith.index_cast %swap3A_277 : i32 to index
    %swap3A_279 = arith.constant 96 : index
    %swap3A_280 = tpu.vector_load %arg8[%swap3A_278, %swap3A_279] {strides = array<i32>} : memref<8x128xf32, #tpu.memory_space<vmem>>, vector<1x16xf32>,
    %swap3A_281 = vector.shape_cast %swap3A_280 : vector<1x16xf32> to vector<16xf32>
    %swap3A_282 = vector.shape_cast %broadcast_in_dim3A_1 : vector<16xf32> to vector<1x16xf32>
    tpu.vector_store %arg8[%swap3A_278, %swap3A_279], %swap3A_282 {strides = array<i32>} : memref<8x128xf32, #tpu.memory_space<vmem>>, vector<1x16xf32>,
    %swap3A_283 = arith.constant 5 : i32
    %swap3A_284 = arith.index_cast %swap3A_283 : i32 to index
    %swap3A_285 = arith.constant 112 : index
    %swap3A_286 = tpu.vector_load %arg8[%swap3A_284, %swap3A_285] {strides = array<i32>} : memref<8x128xf32, #tpu.memory_space<vmem>>, vector<1x16xf32>,
    %swap3A_287 = vector.shape_cast %swap3A_286 : vector<1x16xf32> to vector<16xf32>
    %swap3A_288 = vector.shape_cast %broadcast_in_dim3A_1 : vector<16xf32> to vector<1x16xf32>
    tpu.vector_store %arg8[%swap3A_284, %swap3A_285], %swap3A_288 {strides = array<i32>} : memref<8x128xf32, #tpu.memory_space<vmem>>, vector<1x16xf32>,
    %swap3A_289 = arith.constant 6 : i32
    %swap3A_290 = arith.index_cast %swap3A_289 : i32 to index
    %swap3A_291 = arith.constant 0 : index
    %swap3A_292 = tpu.vector_load %arg8[%swap3A_290, %swap3A_291] {strides = array<i32>} : memref<8x128xf32, #tpu.memory_space<vmem>>, vector<1x16xf32>,
    %swap3A_293 = vector.shape_cast %swap3A_292 : vector<1x16xf32> to vector<16xf32>
    %swap3A_294 = vector.shape_cast %broadcast_in_dim3A_1 : vector<16xf32> to vector<1x16xf32>
    tpu.vector_store %arg8[%swap3A_290, %swap3A_291], %swap3A_294 {strides = array<i32>} : memref<8x128xf32, #tpu.memory_space<vmem>>, vector<1x16xf32>,
    %swap3A_295 = arith.constant 6 : i32
    %swap3A_296 = arith.index_cast %swap3A_295 : i32 to index
    %swap3A_297 = arith.constant 16 : index
    %swap3A_298 = tpu.vector_load %arg8[%swap3A_296, %swap3A_297] {strides = array<i32>} : memref<8x128xf32, #tpu.memory_space<vmem>>, vector<1x16xf32>,
    %swap3A_299 = vector.shape_cast %swap3A_298 : vector<1x16xf32> to vector<16xf32>
    %swap3A_300 = vector.shape_cast %broadcast_in_dim3A_1 : vector<16xf32> to vector<1x16xf32>
    tpu.vector_store %arg8[%swap3A_296, %swap3A_297], %swap3A_300 {strides = array<i32>} : memref<8x128xf32, #tpu.memory_space<vmem>>, vector<1x16xf32>,
    %swap3A_301 = arith.constant 6 : i32
    %swap3A_302 = arith.index_cast %swap3A_301 : i32 to index
    %swap3A_303 = arith.constant 32 : index
    %swap3A_304 = tpu.vector_load %arg8[%swap3A_302, %swap3A_303] {strides = array<i32>} : memref<8x128xf32, #tpu.memory_space<vmem>>, vector<1x16xf32>,
    %swap3A_305 = vector.shape_cast %swap3A_304 : vector<1x16xf32> to vector<16xf32>
    %swap3A_306 = vector.shape_cast %broadcast_in_dim3A_1 : vector<16xf32> to vector<1x16xf32>
    tpu.vector_store %arg8[%swap3A_302, %swap3A_303], %swap3A_306 {strides = array<i32>} : memref<8x128xf32, #tpu.memory_space<vmem>>, vector<1x16xf32>,
    %swap3A_307 = arith.constant 6 : i32
    %swap3A_308 = arith.index_cast %swap3A_307 : i32 to index
    %swap3A_309 = arith.constant 48 : index
    %swap3A_310 = tpu.vector_load %arg8[%swap3A_308, %swap3A_309] {strides = array<i32>} : memref<8x128xf32, #tpu.memory_space<vmem>>, vector<1x16xf32>,
    %swap3A_311 = vector.shape_cast %swap3A_310 : vector<1x16xf32> to vector<16xf32>
    %swap3A_312 = vector.shape_cast %broadcast_in_dim3A_1 : vector<16xf32> to vector<1x16xf32>
    tpu.vector_store %arg8[%swap3A_308, %swap3A_309], %swap3A_312 {strides = array<i32>} : memref<8x128xf32, #tpu.memory_space<vmem>>, vector<1x16xf32>,
    %swap3A_313 = arith.constant 6 : i32
    %swap3A_314 = arith.index_cast %swap3A_313 : i32 to index
    %swap3A_315 = arith.constant 64 : index
    %swap3A_316 = tpu.vector_load %arg8[%swap3A_314, %swap3A_315] {strides = array<i32>} : memref<8x128xf32, #tpu.memory_space<vmem>>, vector<1x16xf32>,
    %swap3A_317 = vector.shape_cast %swap3A_316 : vector<1x16xf32> to vector<16xf32>
    %swap3A_318 = vector.shape_cast %broadcast_in_dim3A_1 : vector<16xf32> to vector<1x16xf32>
    tpu.vector_store %arg8[%swap3A_314, %swap3A_315], %swap3A_318 {strides = array<i32>} : memref<8x128xf32, #tpu.memory_space<vmem>>, vector<1x16xf32>,
    %swap3A_319 = arith.constant 6 : i32
    %swap3A_320 = arith.index_cast %swap3A_319 : i32 to index
    %swap3A_321 = arith.constant 80 : index
    %swap3A_322 = tpu.vector_load %arg8[%swap3A_320, %swap3A_321] {strides = array<i32>} : memref<8x128xf32, #tpu.memory_space<vmem>>, vector<1x16xf32>,
    %swap3A_323 = vector.shape_cast %swap3A_322 : vector<1x16xf32> to vector<16xf32>
    %swap3A_324 = vector.shape_cast %broadcast_in_dim3A_1 : vector<16xf32> to vector<1x16xf32>
    tpu.vector_store %arg8[%swap3A_320, %swap3A_321], %swap3A_324 {strides = array<i32>} : memref<8x128xf32, #tpu.memory_space<vmem>>, vector<1x16xf32>,
    %swap3A_325 = arith.constant 6 : i32
    %swap3A_326 = arith.index_cast %swap3A_325 : i32 to index
    %swap3A_327 = arith.constant 96 : index
    %swap3A_328 = tpu.vector_load %arg8[%swap3A_326, %swap3A_327] {strides = array<i32>} : memref<8x128xf32, #tpu.memory_space<vmem>>, vector<1x16xf32>,
    %swap3A_329 = vector.shape_cast %swap3A_328 : vector<1x16xf32> to vector<16xf32>
    %swap3A_330 = vector.shape_cast %broadcast_in_dim3A_1 : vector<16xf32> to vector<1x16xf32>
    tpu.vector_store %arg8[%swap3A_326, %swap3A_327], %swap3A_330 {strides = array<i32>} : memref<8x128xf32, #tpu.memory_space<vmem>>, vector<1x16xf32>,
    %swap3A_331 = arith.constant 6 : i32
    %swap3A_332 = arith.index_cast %swap3A_331 : i32 to index
    %swap3A_333 = arith.constant 112 : index
    %swap3A_334 = tpu.vector_load %arg8[%swap3A_332, %swap3A_333] {strides = array<i32>} : memref<8x128xf32, #tpu.memory_space<vmem>>, vector<1x16xf32>,
    %swap3A_335 = vector.shape_cast %swap3A_334 : vector<1x16xf32> to vector<16xf32>
    %swap3A_336 = vector.shape_cast %broadcast_in_dim3A_1 : vector<16xf32> to vector<1x16xf32>
    tpu.vector_store %arg8[%swap3A_332, %swap3A_333], %swap3A_336 {strides = array<i32>} : memref<8x128xf32, #tpu.memory_space<vmem>>, vector<1x16xf32>,
    %swap3A_337 = arith.constant 7 : i32
    %swap3A_338 = arith.index_cast %swap3A_337 : i32 to index
    %swap3A_339 = arith.constant 0 : index
    %swap3A_340 = tpu.vector_load %arg8[%swap3A_338, %swap3A_339] {strides = array<i32>} : memref<8x128xf32, #tpu.memory_space<vmem>>, vector<1x16xf32>,
    %swap3A_341 = vector.shape_cast %swap3A_340 : vector<1x16xf32> to vector<16xf32>
    %swap3A_342 = vector.shape_cast %broadcast_in_dim3A_1 : vector<16xf32> to vector<1x16xf32>
    tpu.vector_store %arg8[%swap3A_338, %swap3A_339], %swap3A_342 {strides = array<i32>} : memref<8x128xf32, #tpu.memory_space<vmem>>, vector<1x16xf32>,
    %swap3A_343 = arith.constant 7 : i32
    %swap3A_344 = arith.index_cast %swap3A_343 : i32 to index
    %swap3A_345 = arith.constant 16 : index
    %swap3A_346 = tpu.vector_load %arg8[%swap3A_344, %swap3A_345] {strides = array<i32>} : memref<8x128xf32, #tpu.memory_space<vmem>>, vector<1x16xf32>,
    %swap3A_347 = vector.shape_cast %swap3A_346 : vector<1x16xf32> to vector<16xf32>
    %swap3A_348 = vector.shape_cast %broadcast_in_dim3A_1 : vector<16xf32> to vector<1x16xf32>
    tpu.vector_store %arg8[%swap3A_344, %swap3A_345], %swap3A_348 {strides = array<i32>} : memref<8x128xf32, #tpu.memory_space<vmem>>, vector<1x16xf32>,
    %swap3A_349 = arith.constant 7 : i32
    %swap3A_350 = arith.index_cast %swap3A_349 : i32 to index
    %swap3A_351 = arith.constant 32 : index
    %swap3A_352 = tpu.vector_load %arg8[%swap3A_350, %swap3A_351] {strides = array<i32>} : memref<8x128xf32, #tpu.memory_space<vmem>>, vector<1x16xf32>,
    %swap3A_353 = vector.shape_cast %swap3A_352 : vector<1x16xf32> to vector<16xf32>
    %swap3A_354 = vector.shape_cast %broadcast_in_dim3A_1 : vector<16xf32> to vector<1x16xf32>
    tpu.vector_store %arg8[%swap3A_350, %swap3A_351], %swap3A_354 {strides = array<i32>} : memref<8x128xf32, #tpu.memory_space<vmem>>, vector<1x16xf32>,
    %swap3A_355 = arith.constant 7 : i32
    %swap3A_356 = arith.index_cast %swap3A_355 : i32 to index
    %swap3A_357 = arith.constant 48 : index
    %swap3A_358 = tpu.vector_load %arg8[%swap3A_356, %swap3A_357] {strides = array<i32>} : memref<8x128xf32, #tpu.memory_space<vmem>>, vector<1x16xf32>,
    %swap3A_359 = vector.shape_cast %swap3A_358 : vector<1x16xf32> to vector<16xf32>
    %swap3A_360 = vector.shape_cast %broadcast_in_dim3A_1 : vector<16xf32> to vector<1x16xf32>
    tpu.vector_store %arg8[%swap3A_356, %swap3A_357], %swap3A_360 {strides = array<i32>} : memref<8x128xf32, #tpu.memory_space<vmem>>, vector<1x16xf32>,
    %swap3A_361 = arith.constant 7 : i32
    %swap3A_362 = arith.index_cast %swap3A_361 : i32 to index
    %swap3A_363 = arith.constant 64 : index
    %swap3A_364 = tpu.vector_load %arg8[%swap3A_362, %swap3A_363] {strides = array<i32>} : memref<8x128xf32, #tpu.memory_space<vmem>>, vector<1x16xf32>,
    %swap3A_365 = vector.shape_cast %swap3A_364 : vector<1x16xf32> to vector<16xf32>
    %swap3A_366 = vector.shape_cast %broadcast_in_dim3A_1 : vector<16xf32> to vector<1x16xf32>
    tpu.vector_store %arg8[%swap3A_362, %swap3A_363], %swap3A_366 {strides = array<i32>} : memref<8x128xf32, #tpu.memory_space<vmem>>, vector<1x16xf32>,
    %swap3A_367 = arith.constant 7 : i32
    %swap3A_368 = arith.index_cast %swap3A_367 : i32 to index
    %swap3A_369 = arith.constant 80 : index
    %swap3A_370 = tpu.vector_load %arg8[%swap3A_368, %swap3A_369] {strides = array<i32>} : memref<8x128xf32, #tpu.memory_space<vmem>>, vector<1x16xf32>,
    %swap3A_371 = vector.shape_cast %swap3A_370 : vector<1x16xf32> to vector<16xf32>
    %swap3A_372 = vector.shape_cast %broadcast_in_dim3A_1 : vector<16xf32> to vector<1x16xf32>
    tpu.vector_store %arg8[%swap3A_368, %swap3A_369], %swap3A_372 {strides = array<i32>} : memref<8x128xf32, #tpu.memory_space<vmem>>, vector<1x16xf32>,
    %swap3A_373 = arith.constant 7 : i32
    %swap3A_374 = arith.index_cast %swap3A_373 : i32 to index
    %swap3A_375 = arith.constant 96 : index
    %swap3A_376 = tpu.vector_load %arg8[%swap3A_374, %swap3A_375] {strides = array<i32>} : memref<8x128xf32, #tpu.memory_space<vmem>>, vector<1x16xf32>,
    %swap3A_377 = vector.shape_cast %swap3A_376 : vector<1x16xf32> to vector<16xf32>
    %swap3A_378 = vector.shape_cast %broadcast_in_dim3A_1 : vector<16xf32> to vector<1x16xf32>
    tpu.vector_store %arg8[%swap3A_374, %swap3A_375], %swap3A_378 {strides = array<i32>} : memref<8x128xf32, #tpu.memory_space<vmem>>, vector<1x16xf32>,
    %swap3A_379 = arith.constant 7 : i32
    %swap3A_380 = arith.index_cast %swap3A_379 : i32 to index
    %swap3A_381 = arith.constant 112 : index
    %swap3A_382 = tpu.vector_load %arg8[%swap3A_380, %swap3A_381] {strides = array<i32>} : memref<8x128xf32, #tpu.memory_space<vmem>>, vector<1x16xf32>,
    %swap3A_383 = vector.shape_cast %swap3A_382 : vector<1x16xf32> to vector<16xf32>
    %swap3A_384 = vector.shape_cast %broadcast_in_dim3A_1 : vector<16xf32> to vector<1x16xf32>
    tpu.vector_store %arg8[%swap3A_380, %swap3A_381], %swap3A_384 {strides = array<i32>} : memref<8x128xf32, #tpu.memory_space<vmem>>, vector<1x16xf32>,
    %scan3A = arith.constant 0 : i32
    %scan3A_385 = arith.constant 0 : i32
    %scan3A_386 = arith.constant 80 : i32
    %scan3A_387 = arith.addi %scan3A_385, %scan3A_386 : i32
    %scan3A_388 = arith.constant 1 : i32
    scf.for %scan3A_518 = %scan3A_385 to %scan3A_387 step %scan3A_388  : i32 {
      %mul3A_519 = arith.constant 640 : i32
      %mul3A_520 = arith.muli %arg1, %mul3A_519 : i32
      %mul3A_521 = arith.constant 8 : i32
      %mul3A_522 = arith.muli %scan3A_518, %mul3A_521 : i32
      %add3A_523 = arith.addi %mul3A_520, %mul3A_522 : i32
      "tpu.region"() ({
        %run_scoped3A = tpu.sem_alloc : memref<!tpu.dma_semaphore, #tpu.memory_space<semaphore_mem>>
        %dma_start3A_524 = arith.constant 0 : i32
        %dma_start3A_525 = tpu.memref_slice %arg9[%add3A_523, %dma_start3A_524] : memref<10240x128xf32, #tpu.memory_space<vmem_shared>> -> memref<8x128xf32, #tpu.memory_space<vmem_shared>>
        %dma_start3A_526 = arith.constant 0 : i32
        %dma_start3A_527 = tpu.memref_slice %arg9[%add3A_523, %dma_start3A_526] : memref<10240x128xf32, #tpu.memory_space<vmem_shared>> -> memref<8x128xf32, #tpu.memory_space<vmem_shared>>
        tpu.enqueue_dma source(%arg8 : memref<8x128xf32, #tpu.memory_space<vmem>>) target(%dma_start3A_527 : memref<8x128xf32, #tpu.memory_space<vmem_shared>>) target_semaphore(%run_scoped3A : memref<!tpu.dma_semaphore, #tpu.memory_space<semaphore_mem>>)
        %dma_wait3A_528 = arith.constant 0 : i32
        %dma_wait3A_529 = tpu.memref_slice %arg9[%add3A_523, %dma_wait3A_528] : memref<10240x128xf32, #tpu.memory_space<vmem_shared>> -> memref<8x128xf32, #tpu.memory_space<vmem_shared>>
        %dma_wait3A_530 = arith.constant 0 : i32
        %dma_wait3A_531 = tpu.memref_slice %arg9[%add3A_523, %dma_wait3A_530] : memref<10240x128xf32, #tpu.memory_space<vmem_shared>> -> memref<8x128xf32, #tpu.memory_space<vmem_shared>>
        tpu.wait_dma2 semaphore(%run_scoped3A : memref<!tpu.dma_semaphore, #tpu.memory_space<semaphore_mem>>) src(%arg8 : memref<8x128xf32, #tpu.memory_space<vmem>>) dst(%dma_wait3A_531 : memref<8x128xf32, #tpu.memory_space<vmem_shared>>)
        tpu.yield
      }) : () -> ()
    }
    %scan3A_389 = arith.constant 80 : i32
    %barrier3A = arith.constant 0 : index
    tpu.barrier barrier_id(%barrier3A)
    %mul3A_390 = arith.constant 10000 : i32
    %mul3A_391 = arith.muli %add3A, %mul3A_390 : i32
    %rem3A = arith.constant 0 : i32
    %rem3A_392 = arith.constant 4 : i32
    %rem3A_393 = arith.remsi %rem3A, %rem3A_392 : i32
    %add3A_394 = arith.constant 0 : i32
    %add3A_395 = arith.addi %mul3A_391, %add3A_394 : i32
    %dma_start3A = arith.constant 0 : i32
    %dma_start3A_396 = tpu.memref_slice %arg5[%rem3A_393, %dma_start3A] : memref<4x80xi32, #tpu.memory_space<vmem>> -> memref<1x80xi32, #tpu.memory_space<vmem>>
    %dma_start3A_397 = tpu.memref_squeeze %dma_start3A_396 : memref<1x80xi32, #tpu.memory_space<vmem>> -> memref<80xi32, #tpu.memory_space<vmem>>
    %dma_start3A_398 = tpu.memref_slice %arg2[%add3A_395] : memref<640000xi32, #tpu.memory_space<hbm>> -> memref<80xi32, #tpu.memory_space<hbm>>
    %dma_start3A_399 = arith.constant 0 : i32
    %dma_start3A_400 = tpu.memref_slice %arg5[%rem3A_393, %dma_start3A_399] : memref<4x80xi32, #tpu.memory_space<vmem>> -> memref<1x80xi32, #tpu.memory_space<vmem>>
    %dma_start3A_401 = tpu.memref_squeeze %dma_start3A_400 : memref<1x80xi32, #tpu.memory_space<vmem>> -> memref<80xi32, #tpu.memory_space<vmem>>
    %dma_start3A_402 = tpu.memref_slice %arg2[%add3A_395] : memref<640000xi32, #tpu.memory_space<hbm>> -> memref<80xi32, #tpu.memory_space<hbm>>
    tpu.enqueue_dma source(%dma_start3A_402 : memref<80xi32, #tpu.memory_space<hbm>>) target(%dma_start3A_401 : memref<80xi32, #tpu.memory_space<vmem>>) target_semaphore(%arg10 : memref<!tpu.dma_semaphore, #tpu.memory_space<semaphore_mem>>)
    %add3A_403 = arith.constant 320000 : i32
    %add3A_404 = arith.addi %add3A_403, %add3A_395 : i32
    %dma_start3A_405 = arith.constant 0 : i32
    %dma_start3A_406 = tpu.memref_slice %arg6[%rem3A_393, %dma_start3A_405] : memref<4x80xi32, #tpu.memory_space<vmem>> -> memref<1x80xi32, #tpu.memory_space<vmem>>
    %dma_start3A_407 = tpu.memref_squeeze %dma_start3A_406 : memref<1x80xi32, #tpu.memory_space<vmem>> -> memref<80xi32, #tpu.memory_space<vmem>>
    %dma_start3A_408 = tpu.memref_slice %arg2[%add3A_404] : memref<640000xi32, #tpu.memory_space<hbm>> -> memref<80xi32, #tpu.memory_space<hbm>>
    %dma_start3A_409 = arith.constant 0 : i32
    %dma_start3A_410 = tpu.memref_slice %arg6[%rem3A_393, %dma_start3A_409] : memref<4x80xi32, #tpu.memory_space<vmem>> -> memref<1x80xi32, #tpu.memory_space<vmem>>
    %dma_start3A_411 = tpu.memref_squeeze %dma_start3A_410 : memref<1x80xi32, #tpu.memory_space<vmem>> -> memref<80xi32, #tpu.memory_space<vmem>>
    %dma_start3A_412 = tpu.memref_slice %arg2[%add3A_404] : memref<640000xi32, #tpu.memory_space<hbm>> -> memref<80xi32, #tpu.memory_space<hbm>>
    tpu.enqueue_dma source(%dma_start3A_412 : memref<80xi32, #tpu.memory_space<hbm>>) target(%dma_start3A_411 : memref<80xi32, #tpu.memory_space<vmem>>) target_semaphore(%arg10 : memref<!tpu.dma_semaphore, #tpu.memory_space<semaphore_mem>>)
    %dma_wait3A = arith.constant 0 : i32
    %dma_wait3A_413 = arith.constant 0 : i32
    %dma_wait3A_414 = tpu.memref_slice %arg5[%dma_wait3A, %dma_wait3A_413] : memref<4x80xi32, #tpu.memory_space<vmem>> -> memref<1x80xi32, #tpu.memory_space<vmem>>
    %dma_wait3A_415 = tpu.memref_squeeze %dma_wait3A_414 : memref<1x80xi32, #tpu.memory_space<vmem>> -> memref<80xi32, #tpu.memory_space<vmem>>
    %dma_wait3A_416 = arith.constant 0 : i32
    %dma_wait3A_417 = tpu.memref_slice %arg2[%dma_wait3A_416] : memref<640000xi32, #tpu.memory_space<hbm>> -> memref<80xi32, #tpu.memory_space<hbm>>
    %dma_wait3A_418 = arith.constant 0 : i32
    %dma_wait3A_419 = tpu.memref_slice %arg5[%dma_wait3A, %dma_wait3A_418] : memref<4x80xi32, #tpu.memory_space<vmem>> -> memref<1x80xi32, #tpu.memory_space<vmem>>
    %dma_wait3A_420 = tpu.memref_squeeze %dma_wait3A_419 : memref<1x80xi32, #tpu.memory_space<vmem>> -> memref<80xi32, #tpu.memory_space<vmem>>
    %dma_wait3A_421 = arith.constant 0 : i32
    %dma_wait3A_422 = tpu.memref_slice %arg2[%dma_wait3A_421] : memref<640000xi32, #tpu.memory_space<hbm>> -> memref<80xi32, #tpu.memory_space<hbm>>
    tpu.wait_dma2 semaphore(%arg10 : memref<!tpu.dma_semaphore, #tpu.memory_space<semaphore_mem>>) src(%dma_wait3A_422 : memref<80xi32, #tpu.memory_space<hbm>>) dst(%dma_wait3A_420 : memref<80xi32, #tpu.memory_space<vmem>>)
    %dma_wait3A_423 = arith.constant 0 : i32
    %dma_wait3A_424 = arith.constant 0 : i32
    %dma_wait3A_425 = tpu.memref_slice %arg6[%dma_wait3A_423, %dma_wait3A_424] : memref<4x80xi32, #tpu.memory_space<vmem>> -> memref<1x80xi32, #tpu.memory_space<vmem>>
    %dma_wait3A_426 = tpu.memref_squeeze %dma_wait3A_425 : memref<1x80xi32, #tpu.memory_space<vmem>> -> memref<80xi32, #tpu.memory_space<vmem>>
    %dma_wait3A_427 = arith.constant 0 : i32
    %dma_wait3A_428 = tpu.memref_slice %arg2[%dma_wait3A_427] : memref<640000xi32, #tpu.memory_space<hbm>> -> memref<80xi32, #tpu.memory_space<hbm>>
    %dma_wait3A_429 = arith.constant 0 : i32
    %dma_wait3A_430 = tpu.memref_slice %arg6[%dma_wait3A_423, %dma_wait3A_429] : memref<4x80xi32, #tpu.memory_space<vmem>> -> memref<1x80xi32, #tpu.memory_space<vmem>>
    %dma_wait3A_431 = tpu.memref_squeeze %dma_wait3A_430 : memref<1x80xi32, #tpu.memory_space<vmem>> -> memref<80xi32, #tpu.memory_space<vmem>>
    %dma_wait3A_432 = arith.constant 0 : i32
    %dma_wait3A_433 = tpu.memref_slice %arg2[%dma_wait3A_432] : memref<640000xi32, #tpu.memory_space<hbm>> -> memref<80xi32, #tpu.memory_space<hbm>>
    tpu.wait_dma2 semaphore(%arg10 : memref<!tpu.dma_semaphore, #tpu.memory_space<semaphore_mem>>) src(%dma_wait3A_433 : memref<80xi32, #tpu.memory_space<hbm>>) dst(%dma_wait3A_431 : memref<80xi32, #tpu.memory_space<vmem>>)
    %rem3A_434 = arith.constant 0 : i32
    %rem3A_435 = arith.constant 4 : i32
    %rem3A_436 = arith.remsi %rem3A_434, %rem3A_435 : i32
    %dma_start3A_437 = arith.constant 0 : i32
    %dma_start3A_438 = arith.constant 0 : i32
    %dma_start3A_439 = tpu.memref_slice %arg7[%rem3A_436, %dma_start3A_437, %dma_start3A_438] : memref<4x80x128xf32, #tpu.memory_space<vmem>> -> memref<1x80x128xf32, #tpu.memory_space<vmem>>
    %dma_start3A_440 = tpu.memref_squeeze %dma_start3A_439 : memref<1x80x128xf32, #tpu.memory_space<vmem>> -> memref<80x128xf32, #tpu.memory_space<vmem>>
    %dma_start3A_441 = arith.constant 0 : i32
    %dma_start3A_442 = tpu.memref_slice %arg5[%rem3A_436, %dma_start3A_441] : memref<4x80xi32, #tpu.memory_space<vmem>> -> memref<1x80xi32, #tpu.memory_space<vmem>>
    %dma_start3A_443 = tpu.memref_squeeze %dma_start3A_442 : memref<1x80xi32, #tpu.memory_space<vmem>> -> memref<80xi32, #tpu.memory_space<vmem>>
    %dma_start3A_444 = arith.constant 0 : i32
    %dma_start3A_445 = arith.constant 0 : i32
    %dma_start3A_446 = tpu.memref_slice %arg3[%dma_start3A_444, %dma_start3A_445] : memref<10240x128xf32, #tpu.memory_space<hbm>> -> memref<10240x128xf32, #tpu.memory_space<hbm>>
    tpu.enqueue_indirect_dma source(%dma_start3A_446 : memref<10240x128xf32, #tpu.memory_space<hbm>>) target(%dma_start3A_440 : memref<80x128xf32, #tpu.memory_space<vmem>>) offsets(%dma_start3A_443 : memref<80xi32, #tpu.memory_space<vmem>>) semaphore(%arg11 : memref<!tpu.dma_semaphore, #tpu.memory_space<semaphore_mem>>)
    %rem3A_447 = arith.constant 1 : i32
    %rem3A_448 = arith.constant 4 : i32
    %rem3A_449 = arith.remsi %rem3A_447, %rem3A_448 : i32
    %add3A_450 = arith.constant 80 : i32
    %add3A_451 = arith.addi %mul3A_391, %add3A_450 : i32
    %dma_start3A_452 = arith.constant 0 : i32
    %dma_start3A_453 = tpu.memref_slice %arg5[%rem3A_449, %dma_start3A_452] : memref<4x80xi32, #tpu.memory_space<vmem>> -> memref<1x80xi32, #tpu.memory_space<vmem>>
    %dma_start3A_454 = tpu.memref_squeeze %dma_start3A_453 : memref<1x80xi32, #tpu.memory_space<vmem>> -> memref<80xi32, #tpu.memory_space<vmem>>
    %dma_start3A_455 = tpu.memref_slice %arg2[%add3A_451] : memref<640000xi32, #tpu.memory_space<hbm>> -> memref<80xi32, #tpu.memory_space<hbm>>
    %dma_start3A_456 = arith.constant 0 : i32
    %dma_start3A_457 = tpu.memref_slice %arg5[%rem3A_449, %dma_start3A_456] : memref<4x80xi32, #tpu.memory_space<vmem>> -> memref<1x80xi32, #tpu.memory_space<vmem>>
    %dma_start3A_458 = tpu.memref_squeeze %dma_start3A_457 : memref<1x80xi32, #tpu.memory_space<vmem>> -> memref<80xi32, #tpu.memory_space<vmem>>
    %dma_start3A_459 = tpu.memref_slice %arg2[%add3A_451] : memref<640000xi32, #tpu.memory_space<hbm>> -> memref<80xi32, #tpu.memory_space<hbm>>
    tpu.enqueue_dma source(%dma_start3A_459 : memref<80xi32, #tpu.memory_space<hbm>>) target(%dma_start3A_458 : memref<80xi32, #tpu.memory_space<vmem>>) target_semaphore(%arg10 : memref<!tpu.dma_semaphore, #tpu.memory_space<semaphore_mem>>)
    %add3A_460 = arith.constant 320000 : i32
    %add3A_461 = arith.addi %add3A_460, %add3A_451 : i32
    %dma_start3A_462 = arith.constant 0 : i32
    %dma_start3A_463 = tpu.memref_slice %arg6[%rem3A_449, %dma_start3A_462] : memref<4x80xi32, #tpu.memory_space<vmem>> -> memref<1x80xi32, #tpu.memory_space<vmem>>
    %dma_start3A_464 = tpu.memref_squeeze %dma_start3A_463 : memref<1x80xi32, #tpu.memory_space<vmem>> -> memref<80xi32, #tpu.memory_space<vmem>>
    %dma_start3A_465 = tpu.memref_slice %arg2[%add3A_461] : memref<640000xi32, #tpu.memory_space<hbm>> -> memref<80xi32, #tpu.memory_space<hbm>>
    %dma_start3A_466 = arith.constant 0 : i32
    %dma_start3A_467 = tpu.memref_slice %arg6[%rem3A_449, %dma_start3A_466] : memref<4x80xi32, #tpu.memory_space<vmem>> -> memref<1x80xi32, #tpu.memory_space<vmem>>
    %dma_start3A_468 = tpu.memref_squeeze %dma_start3A_467 : memref<1x80xi32, #tpu.memory_space<vmem>> -> memref<80xi32, #tpu.memory_space<vmem>>
    %dma_start3A_469 = tpu.memref_slice %arg2[%add3A_461] : memref<640000xi32, #tpu.memory_space<hbm>> -> memref<80xi32, #tpu.memory_space<hbm>>
    tpu.enqueue_dma source(%dma_start3A_469 : memref<80xi32, #tpu.memory_space<hbm>>) target(%dma_start3A_468 : memref<80xi32, #tpu.memory_space<vmem>>) target_semaphore(%arg10 : memref<!tpu.dma_semaphore, #tpu.memory_space<semaphore_mem>>)
    %scan3A_470 = arith.constant 0 : i32
    %scan3A_471 = arith.constant 0 : i32
    %scan3A_472 = arith.constant 125 : i32
    %scan3A_473 = arith.addi %scan3A_471, %scan3A_472 : i32
    %scan3A_474 = arith.constant 1 : i32
    scf.for %scan3A_518 = %scan3A_471 to %scan3A_473 step %scan3A_474  : i32 {
      %rem3A_519 = arith.constant 4 : i32
      %rem3A_520 = arith.remsi %scan3A_518, %rem3A_519 : i32
      %ge3A = arith.constant 2 : i32
      %ge3A_521 = arith.cmpi sge, %scan3A_518, %ge3A : i32
      %convert_element_type3A = arith.extui %ge3A_521 : i1 to i32
      %cond3A = arith.constant 0 : i32
      %cond3A_522 = arith.cmpi ne, %convert_element_type3A, %cond3A : i32
      scf.if %cond3A_522 {
        %add3A_560 = arith.constant 2 : i32
        %add3A_561 = arith.addi %scan3A_518, %add3A_560 : i32
        %rem3A_562 = arith.constant 4 : i32
        %rem3A_563 = arith.remsi %add3A_561, %rem3A_562 : i32
        %dma_wait3A_564 = arith.constant 0 : i32
        %dma_wait3A_565 = arith.constant 0 : i32
        %dma_wait3A_566 = tpu.memref_slice %arg7[%rem3A_563, %dma_wait3A_564, %dma_wait3A_565] : memref<4x80x128xf32, #tpu.memory_space<vmem>> -> memref<1x80x128xf32, #tpu.memory_space<vmem>>
        %dma_wait3A_567 = tpu.memref_squeeze %dma_wait3A_566 : memref<1x80x128xf32, #tpu.memory_space<vmem>> -> memref<80x128xf32, #tpu.memory_space<vmem>>
        %dma_wait3A_568 = arith.constant 0 : i32
        %dma_wait3A_569 = arith.constant 0 : i32
        %dma_wait3A_570 = tpu.memref_slice %arg3[%dma_wait3A_568, %dma_wait3A_569] : memref<10240x128xf32, #tpu.memory_space<hbm>> -> memref<80x128xf32, #tpu.memory_space<hbm>>
        %dma_wait3A_571 = arith.constant 0 : i32
        %dma_wait3A_572 = arith.constant 0 : i32
        %dma_wait3A_573 = tpu.memref_slice %arg7[%rem3A_563, %dma_wait3A_571, %dma_wait3A_572] : memref<4x80x128xf32, #tpu.memory_space<vmem>> -> memref<1x80x128xf32, #tpu.memory_space<vmem>>
        %dma_wait3A_574 = tpu.memref_squeeze %dma_wait3A_573 : memref<1x80x128xf32, #tpu.memory_space<vmem>> -> memref<80x128xf32, #tpu.memory_space<vmem>>
        %dma_wait3A_575 = arith.constant 0 : i32
        %dma_wait3A_576 = arith.constant 0 : i32
        %dma_wait3A_577 = tpu.memref_slice %arg3[%dma_wait3A_575, %dma_wait3A_576] : memref<10240x128xf32, #tpu.memory_space<hbm>> -> memref<80x128xf32, #tpu.memory_space<hbm>>
        tpu.wait_dma2 semaphore(%arg12 : memref<!tpu.dma_semaphore, #tpu.memory_space<semaphore_mem>>) src(%dma_wait3A_577 : memref<80x128xf32, #tpu.memory_space<hbm>>) dst(%dma_wait3A_574 : memref<80x128xf32, #tpu.memory_space<vmem>>)
      } else {
      }
      %add3A_523 = arith.constant 2 : i32
      %add3A_524 = arith.addi %scan3A_518, %add3A_523 : i32
      %lt3A = arith.constant 125 : i32
      %lt3A_525 = arith.cmpi slt, %add3A_524, %lt3A : i32
      %convert_element_type3A_526 = arith.extui %lt3A_525 : i1 to i32
      %cond3A_527 = arith.constant 0 : i32
      %cond3A_528 = arith.cmpi ne, %convert_element_type3A_526, %cond3A_527 : i32
      scf.if %cond3A_528 {
        %add3A_560 = arith.constant 2 : i32
        %add3A_561 = arith.addi %scan3A_518, %add3A_560 : i32
        %rem3A_562 = arith.constant 4 : i32
        %rem3A_563 = arith.remsi %add3A_561, %rem3A_562 : i32
        %mul3A_564 = arith.constant 80 : i32
        %mul3A_565 = arith.muli %add3A_561, %mul3A_564 : i32
        %add3A_566 = arith.addi %mul3A_391, %mul3A_565 : i32
        %dma_start3A_567 = arith.constant 0 : i32
        %dma_start3A_568 = tpu.memref_slice %arg5[%rem3A_563, %dma_start3A_567] : memref<4x80xi32, #tpu.memory_space<vmem>> -> memref<1x80xi32, #tpu.memory_space<vmem>>
        %dma_start3A_569 = tpu.memref_squeeze %dma_start3A_568 : memref<1x80xi32, #tpu.memory_space<vmem>> -> memref<80xi32, #tpu.memory_space<vmem>>
        %dma_start3A_570 = tpu.memref_slice %arg2[%add3A_566] : memref<640000xi32, #tpu.memory_space<hbm>> -> memref<80xi32, #tpu.memory_space<hbm>>
        %dma_start3A_571 = arith.constant 0 : i32
        %dma_start3A_572 = tpu.memref_slice %arg5[%rem3A_563, %dma_start3A_571] : memref<4x80xi32, #tpu.memory_space<vmem>> -> memref<1x80xi32, #tpu.memory_space<vmem>>
        %dma_start3A_573 = tpu.memref_squeeze %dma_start3A_572 : memref<1x80xi32, #tpu.memory_space<vmem>> -> memref<80xi32, #tpu.memory_space<vmem>>
        %dma_start3A_574 = tpu.memref_slice %arg2[%add3A_566] : memref<640000xi32, #tpu.memory_space<hbm>> -> memref<80xi32, #tpu.memory_space<hbm>>
        tpu.enqueue_dma source(%dma_start3A_574 : memref<80xi32, #tpu.memory_space<hbm>>) target(%dma_start3A_573 : memref<80xi32, #tpu.memory_space<vmem>>) target_semaphore(%arg10 : memref<!tpu.dma_semaphore, #tpu.memory_space<semaphore_mem>>)
        %add3A_575 = arith.constant 320000 : i32
        %add3A_576 = arith.addi %add3A_575, %add3A_566 : i32
        %dma_start3A_577 = arith.constant 0 : i32
        %dma_start3A_578 = tpu.memref_slice %arg6[%rem3A_563, %dma_start3A_577] : memref<4x80xi32, #tpu.memory_space<vmem>> -> memref<1x80xi32, #tpu.memory_space<vmem>>
        %dma_start3A_579 = tpu.memref_squeeze %dma_start3A_578 : memref<1x80xi32, #tpu.memory_space<vmem>> -> memref<80xi32, #tpu.memory_space<vmem>>
        %dma_start3A_580 = tpu.memref_slice %arg2[%add3A_576] : memref<640000xi32, #tpu.memory_space<hbm>> -> memref<80xi32, #tpu.memory_space<hbm>>
        %dma_start3A_581 = arith.constant 0 : i32
        %dma_start3A_582 = tpu.memref_slice %arg6[%rem3A_563, %dma_start3A_581] : memref<4x80xi32, #tpu.memory_space<vmem>> -> memref<1x80xi32, #tpu.memory_space<vmem>>
        %dma_start3A_583 = tpu.memref_squeeze %dma_start3A_582 : memref<1x80xi32, #tpu.memory_space<vmem>> -> memref<80xi32, #tpu.memory_space<vmem>>
        %dma_start3A_584 = tpu.memref_slice %arg2[%add3A_576] : memref<640000xi32, #tpu.memory_space<hbm>> -> memref<80xi32, #tpu.memory_space<hbm>>
        tpu.enqueue_dma source(%dma_start3A_584 : memref<80xi32, #tpu.memory_space<hbm>>) target(%dma_start3A_583 : memref<80xi32, #tpu.memory_space<vmem>>) target_semaphore(%arg10 : memref<!tpu.dma_semaphore, #tpu.memory_space<semaphore_mem>>)
      } else {
      }
      %add3A_529 = arith.constant 1 : i32
      %add3A_530 = arith.addi %scan3A_518, %add3A_529 : i32
      %lt3A_531 = arith.constant 125 : i32
      %lt3A_532 = arith.cmpi slt, %add3A_530, %lt3A_531 : i32
      %convert_element_type3A_533 = arith.extui %lt3A_532 : i1 to i32
      %cond3A_534 = arith.constant 0 : i32
      %cond3A_535 = arith.cmpi ne, %convert_element_type3A_533, %cond3A_534 : i32
      scf.if %cond3A_535 {
        %add3A_560 = arith.constant 1 : i32
        %add3A_561 = arith.addi %scan3A_518, %add3A_560 : i32
        %rem3A_562 = arith.constant 4 : i32
        %rem3A_563 = arith.remsi %add3A_561, %rem3A_562 : i32
        %dma_wait3A_564 = arith.constant 0 : i32
        %dma_wait3A_565 = tpu.memref_slice %arg5[%rem3A_563, %dma_wait3A_564] : memref<4x80xi32, #tpu.memory_space<vmem>> -> memref<1x80xi32, #tpu.memory_space<vmem>>
        %dma_wait3A_566 = tpu.memref_squeeze %dma_wait3A_565 : memref<1x80xi32, #tpu.memory_space<vmem>> -> memref<80xi32, #tpu.memory_space<vmem>>
        %dma_wait3A_567 = arith.constant 0 : i32
        %dma_wait3A_568 = tpu.memref_slice %arg2[%dma_wait3A_567] : memref<640000xi32, #tpu.memory_space<hbm>> -> memref<80xi32, #tpu.memory_space<hbm>>
        %dma_wait3A_569 = arith.constant 0 : i32
        %dma_wait3A_570 = tpu.memref_slice %arg5[%rem3A_563, %dma_wait3A_569] : memref<4x80xi32, #tpu.memory_space<vmem>> -> memref<1x80xi32, #tpu.memory_space<vmem>>
        %dma_wait3A_571 = tpu.memref_squeeze %dma_wait3A_570 : memref<1x80xi32, #tpu.memory_space<vmem>> -> memref<80xi32, #tpu.memory_space<vmem>>
        %dma_wait3A_572 = arith.constant 0 : i32
        %dma_wait3A_573 = tpu.memref_slice %arg2[%dma_wait3A_572] : memref<640000xi32, #tpu.memory_space<hbm>> -> memref<80xi32, #tpu.memory_space<hbm>>
        tpu.wait_dma2 semaphore(%arg10 : memref<!tpu.dma_semaphore, #tpu.memory_space<semaphore_mem>>) src(%dma_wait3A_573 : memref<80xi32, #tpu.memory_space<hbm>>) dst(%dma_wait3A_571 : memref<80xi32, #tpu.memory_space<vmem>>)
        %dma_wait3A_574 = arith.constant 0 : i32
        %dma_wait3A_575 = tpu.memref_slice %arg6[%rem3A_563, %dma_wait3A_574] : memref<4x80xi32, #tpu.memory_space<vmem>> -> memref<1x80xi32, #tpu.memory_space<vmem>>
        %dma_wait3A_576 = tpu.memref_squeeze %dma_wait3A_575 : memref<1x80xi32, #tpu.memory_space<vmem>> -> memref<80xi32, #tpu.memory_space<vmem>>
        %dma_wait3A_577 = arith.constant 0 : i32
        %dma_wait3A_578 = tpu.memref_slice %arg2[%dma_wait3A_577] : memref<640000xi32, #tpu.memory_space<hbm>> -> memref<80xi32, #tpu.memory_space<hbm>>
        %dma_wait3A_579 = arith.constant 0 : i32
        %dma_wait3A_580 = tpu.memref_slice %arg6[%rem3A_563, %dma_wait3A_579] : memref<4x80xi32, #tpu.memory_space<vmem>> -> memref<1x80xi32, #tpu.memory_space<vmem>>
        %dma_wait3A_581 = tpu.memref_squeeze %dma_wait3A_580 : memref<1x80xi32, #tpu.memory_space<vmem>> -> memref<80xi32, #tpu.memory_space<vmem>>
        %dma_wait3A_582 = arith.constant 0 : i32
        %dma_wait3A_583 = tpu.memref_slice %arg2[%dma_wait3A_582] : memref<640000xi32, #tpu.memory_space<hbm>> -> memref<80xi32, #tpu.memory_space<hbm>>
        tpu.wait_dma2 semaphore(%arg10 : memref<!tpu.dma_semaphore, #tpu.memory_space<semaphore_mem>>) src(%dma_wait3A_583 : memref<80xi32, #tpu.memory_space<hbm>>) dst(%dma_wait3A_581 : memref<80xi32, #tpu.memory_space<vmem>>)
        %add3A_584 = arith.constant 1 : i32
        %add3A_585 = arith.addi %scan3A_518, %add3A_584 : i32
        %rem3A_586 = arith.constant 4 : i32
        %rem3A_587 = arith.remsi %add3A_585, %rem3A_586 : i32
        %dma_start3A_588 = arith.constant 0 : i32
        %dma_start3A_589 = arith.constant 0 : i32
        %dma_start3A_590 = tpu.memref_slice %arg7[%rem3A_587, %dma_start3A_588, %dma_start3A_589] : memref<4x80x128xf32, #tpu.memory_space<vmem>> -> memref<1x80x128xf32, #tpu.memory_space<vmem>>
        %dma_start3A_591 = tpu.memref_squeeze %dma_start3A_590 : memref<1x80x128xf32, #tpu.memory_space<vmem>> -> memref<80x128xf32, #tpu.memory_space<vmem>>
        %dma_start3A_592 = arith.constant 0 : i32
        %dma_start3A_593 = tpu.memref_slice %arg5[%rem3A_587, %dma_start3A_592] : memref<4x80xi32, #tpu.memory_space<vmem>> -> memref<1x80xi32, #tpu.memory_space<vmem>>
        %dma_start3A_594 = tpu.memref_squeeze %dma_start3A_593 : memref<1x80xi32, #tpu.memory_space<vmem>> -> memref<80xi32, #tpu.memory_space<vmem>>
        %dma_start3A_595 = arith.constant 0 : i32
        %dma_start3A_596 = arith.constant 0 : i32
        %dma_start3A_597 = tpu.memref_slice %arg3[%dma_start3A_595, %dma_start3A_596] : memref<10240x128xf32, #tpu.memory_space<hbm>> -> memref<10240x128xf32, #tpu.memory_space<hbm>>
        tpu.enqueue_indirect_dma source(%dma_start3A_597 : memref<10240x128xf32, #tpu.memory_space<hbm>>) target(%dma_start3A_591 : memref<80x128xf32, #tpu.memory_space<vmem>>) offsets(%dma_start3A_594 : memref<80xi32, #tpu.memory_space<vmem>>) semaphore(%arg11 : memref<!tpu.dma_semaphore, #tpu.memory_space<semaphore_mem>>)
      } else {
      }
      %dma_wait3A_536 = arith.constant 0 : i32
      %dma_wait3A_537 = arith.constant 0 : i32
      %dma_wait3A_538 = tpu.memref_slice %arg7[%rem3A_520, %dma_wait3A_536, %dma_wait3A_537] : memref<4x80x128xf32, #tpu.memory_space<vmem>> -> memref<1x80x128xf32, #tpu.memory_space<vmem>>
      %dma_wait3A_539 = tpu.memref_squeeze %dma_wait3A_538 : memref<1x80x128xf32, #tpu.memory_space<vmem>> -> memref<80x128xf32, #tpu.memory_space<vmem>>
      %dma_wait3A_540 = arith.constant 0 : i32
      %dma_wait3A_541 = arith.constant 0 : i32
      %dma_wait3A_542 = tpu.memref_slice %arg3[%dma_wait3A_540, %dma_wait3A_541] : memref<10240x128xf32, #tpu.memory_space<hbm>> -> memref<80x128xf32, #tpu.memory_space<hbm>>
      %dma_wait3A_543 = arith.constant 0 : i32
      %dma_wait3A_544 = arith.constant 0 : i32
      %dma_wait3A_545 = tpu.memref_slice %arg7[%rem3A_520, %dma_wait3A_543, %dma_wait3A_544] : memref<4x80x128xf32, #tpu.memory_space<vmem>> -> memref<1x80x128xf32, #tpu.memory_space<vmem>>
      %dma_wait3A_546 = tpu.memref_squeeze %dma_wait3A_545 : memref<1x80x128xf32, #tpu.memory_space<vmem>> -> memref<80x128xf32, #tpu.memory_space<vmem>>
      %dma_wait3A_547 = arith.constant 0 : i32
      %dma_wait3A_548 = arith.constant 0 : i32
      %dma_wait3A_549 = tpu.memref_slice %arg3[%dma_wait3A_547, %dma_wait3A_548] : memref<10240x128xf32, #tpu.memory_space<hbm>> -> memref<80x128xf32, #tpu.memory_space<hbm>>
      tpu.wait_dma2 semaphore(%arg11 : memref<!tpu.dma_semaphore, #tpu.memory_space<semaphore_mem>>) src(%dma_wait3A_549 : memref<80x128xf32, #tpu.memory_space<hbm>>) dst(%dma_wait3A_546 : memref<80x128xf32, #tpu.memory_space<vmem>>)
      %dma_start3A_550 = arith.constant 0 : i32
      %dma_start3A_551 = arith.constant 0 : i32
      %dma_start3A_552 = tpu.memref_slice %arg7[%rem3A_520, %dma_start3A_550, %dma_start3A_551] : memref<4x80x128xf32, #tpu.memory_space<vmem>> -> memref<1x80x128xf32, #tpu.memory_space<vmem>>
      %dma_start3A_553 = tpu.memref_squeeze %dma_start3A_552 : memref<1x80x128xf32, #tpu.memory_space<vmem>> -> memref<80x128xf32, #tpu.memory_space<vmem>>
      %dma_start3A_554 = arith.constant 0 : i32
      %dma_start3A_555 = tpu.memref_slice %arg6[%rem3A_520, %dma_start3A_554] : memref<4x80xi32, #tpu.memory_space<vmem>> -> memref<1x80xi32, #tpu.memory_space<vmem>>
      %dma_start3A_556 = tpu.memref_squeeze %dma_start3A_555 : memref<1x80xi32, #tpu.memory_space<vmem>> -> memref<80xi32, #tpu.memory_space<vmem>>
      %dma_start3A_557 = arith.constant 0 : i32
      %dma_start3A_558 = arith.constant 0 : i32
      %dma_start3A_559 = tpu.memref_slice %arg9[%dma_start3A_557, %dma_start3A_558] : memref<10240x128xf32, #tpu.memory_space<vmem_shared>> -> memref<10240x128xf32, #tpu.memory_space<vmem_shared>>
      tpu.enqueue_indirect_dma source(%dma_start3A_553 : memref<80x128xf32, #tpu.memory_space<vmem>>) target(%dma_start3A_559 : memref<10240x128xf32, #tpu.memory_space<vmem_shared>>) offsets(%dma_start3A_556 : memref<80xi32, #tpu.memory_space<vmem>>) semaphore(%arg12 : memref<!tpu.dma_semaphore, #tpu.memory_space<semaphore_mem>>) {add = true}
    }
    %scan3A_475 = arith.constant 125 : i32
    %rem3A_476 = arith.constant 123 : i32
    %rem3A_477 = arith.constant 4 : i32
    %rem3A_478 = arith.remsi %rem3A_476, %rem3A_477 : i32
    %dma_wait3A_479 = arith.constant 0 : i32
    %dma_wait3A_480 = arith.constant 0 : i32
    %dma_wait3A_481 = tpu.memref_slice %arg7[%rem3A_478, %dma_wait3A_479, %dma_wait3A_480] : memref<4x80x128xf32, #tpu.memory_space<vmem>> -> memref<1x80x128xf32, #tpu.memory_space<vmem>>
    %dma_wait3A_482 = tpu.memref_squeeze %dma_wait3A_481 : memref<1x80x128xf32, #tpu.memory_space<vmem>> -> memref<80x128xf32, #tpu.memory_space<vmem>>
    %dma_wait3A_483 = arith.constant 0 : i32
    %dma_wait3A_484 = arith.constant 0 : i32
    %dma_wait3A_485 = tpu.memref_slice %arg3[%dma_wait3A_483, %dma_wait3A_484] : memref<10240x128xf32, #tpu.memory_space<hbm>> -> memref<80x128xf32, #tpu.memory_space<hbm>>
    %dma_wait3A_486 = arith.constant 0 : i32
    %dma_wait3A_487 = arith.constant 0 : i32
    %dma_wait3A_488 = tpu.memref_slice %arg7[%rem3A_478, %dma_wait3A_486, %dma_wait3A_487] : memref<4x80x128xf32, #tpu.memory_space<vmem>> -> memref<1x80x128xf32, #tpu.memory_space<vmem>>
    %dma_wait3A_489 = tpu.memref_squeeze %dma_wait3A_488 : memref<1x80x128xf32, #tpu.memory_space<vmem>> -> memref<80x128xf32, #tpu.memory_space<vmem>>
    %dma_wait3A_490 = arith.constant 0 : i32
    %dma_wait3A_491 = arith.constant 0 : i32
    %dma_wait3A_492 = tpu.memref_slice %arg3[%dma_wait3A_490, %dma_wait3A_491] : memref<10240x128xf32, #tpu.memory_space<hbm>> -> memref<80x128xf32, #tpu.memory_space<hbm>>
    tpu.wait_dma2 semaphore(%arg12 : memref<!tpu.dma_semaphore, #tpu.memory_space<semaphore_mem>>) src(%dma_wait3A_492 : memref<80x128xf32, #tpu.memory_space<hbm>>) dst(%dma_wait3A_489 : memref<80x128xf32, #tpu.memory_space<vmem>>)
    %rem3A_493 = arith.constant 124 : i32
    %rem3A_494 = arith.constant 4 : i32
    %rem3A_495 = arith.remsi %rem3A_493, %rem3A_494 : i32
    %dma_wait3A_496 = arith.constant 0 : i32
    %dma_wait3A_497 = arith.constant 0 : i32
    %dma_wait3A_498 = tpu.memref_slice %arg7[%rem3A_495, %dma_wait3A_496, %dma_wait3A_497] : memref<4x80x128xf32, #tpu.memory_space<vmem>> -> memref<1x80x128xf32, #tpu.memory_space<vmem>>
    %dma_wait3A_499 = tpu.memref_squeeze %dma_wait3A_498 : memref<1x80x128xf32, #tpu.memory_space<vmem>> -> memref<80x128xf32, #tpu.memory_space<vmem>>
    %dma_wait3A_500 = arith.constant 0 : i32
    %dma_wait3A_501 = arith.constant 0 : i32
    %dma_wait3A_502 = tpu.memref_slice %arg3[%dma_wait3A_500, %dma_wait3A_501] : memref<10240x128xf32, #tpu.memory_space<hbm>> -> memref<80x128xf32, #tpu.memory_space<hbm>>
    %dma_wait3A_503 = arith.constant 0 : i32
    %dma_wait3A_504 = arith.constant 0 : i32
    %dma_wait3A_505 = tpu.memref_slice %arg7[%rem3A_495, %dma_wait3A_503, %dma_wait3A_504] : memref<4x80x128xf32, #tpu.memory_space<vmem>> -> memref<1x80x128xf32, #tpu.memory_space<vmem>>
    %dma_wait3A_506 = tpu.memref_squeeze %dma_wait3A_505 : memref<1x80x128xf32, #tpu.memory_space<vmem>> -> memref<80x128xf32, #tpu.memory_space<vmem>>
    %dma_wait3A_507 = arith.constant 0 : i32
    %dma_wait3A_508 = arith.constant 0 : i32
    %dma_wait3A_509 = tpu.memref_slice %arg3[%dma_wait3A_507, %dma_wait3A_508] : memref<10240x128xf32, #tpu.memory_space<hbm>> -> memref<80x128xf32, #tpu.memory_space<hbm>>
    tpu.wait_dma2 semaphore(%arg12 : memref<!tpu.dma_semaphore, #tpu.memory_space<semaphore_mem>>) src(%dma_wait3A_509 : memref<80x128xf32, #tpu.memory_space<hbm>>) dst(%dma_wait3A_506 : memref<80x128xf32, #tpu.memory_space<vmem>>)
    %barrier3A_510 = arith.constant 0 : index
    tpu.barrier barrier_id(%barrier3A_510)
    %mul3A_511 = arith.constant 640 : i32
    %mul3A_512 = arith.muli %arg1, %mul3A_511 : i32
    %mul3A_513 = arith.constant 10240 : i32
    %mul3A_514 = arith.muli %arg0, %mul3A_513 : i32
    %mul3A_515 = arith.constant 640 : i32
    %mul3A_516 = arith.muli %arg1, %mul3A_515 : i32
    %add3A_517 = arith.addi %mul3A_514, %mul3A_516 : i32
    "tpu.region"() ({
      %run_scoped3A = tpu.sem_alloc : memref<!tpu.dma_semaphore, #tpu.memory_space<semaphore_mem>>
      %dma_start3A_518 = arith.constant 0 : i32
      %dma_start3A_519 = tpu.memref_slice %arg4[%add3A_517, %dma_start3A_518] : memref<20480x128xf32, #tpu.memory_space<hbm>> -> memref<640x128xf32, #tpu.memory_space<hbm>>
      %dma_start3A_520 = arith.constant 0 : i32
      %dma_start3A_521 = tpu.memref_slice %arg9[%mul3A_512, %dma_start3A_520] : memref<10240x128xf32, #tpu.memory_space<vmem_shared>> -> memref<640x128xf32, #tpu.memory_space<vmem_shared>>
      tpu.enqueue_dma source(%dma_start3A_521 : memref<640x128xf32, #tpu.memory_space<vmem_shared>>) target(%dma_start3A_519 : memref<640x128xf32, #tpu.memory_space<hbm>>) target_semaphore(%run_scoped3A : memref<!tpu.dma_semaphore, #tpu.memory_space<semaphore_mem>>)
      %dma_wait3A_522 = arith.constant 0 : i32
      %dma_wait3A_523 = tpu.memref_slice %arg4[%add3A_517, %dma_wait3A_522] : memref<20480x128xf32, #tpu.memory_space<hbm>> -> memref<640x128xf32, #tpu.memory_space<hbm>>
      %dma_wait3A_524 = arith.constant 0 : i32
      %dma_wait3A_525 = tpu.memref_slice %arg9[%mul3A_512, %dma_wait3A_524] : memref<10240x128xf32, #tpu.memory_space<vmem_shared>> -> memref<640x128xf32, #tpu.memory_space<vmem_shared>>
      tpu.wait_dma2 semaphore(%run_scoped3A : memref<!tpu.dma_semaphore, #tpu.memory_space<semaphore_mem>>) src(%dma_wait3A_525 : memref<640x128xf32, #tpu.memory_space<vmem_shared>>) dst(%dma_wait3A_523 : memref<640x128xf32, #tpu.memory_space<hbm>>)
      tpu.yield
    }) : () -> ()
    return
  }
}

#map = affine_map<(d0, d1) -> (0)>
#map1 = affine_map<(d0, d1) -> (0, 0)>
module attributes {stable_mosaic.version = 14 : i64} {
  func.func @_sc_aggregate(%arg0: i32, %arg1: i32, %arg2: memref<640000xi32, #tpu.memory_space<hbm>>, %arg3: memref<10240x128xf32, #tpu.memory_space<hbm>>, %arg4: memref<20480x128xf32, #tpu.memory_space<hbm>>, %arg5: memref<4x80xi32, #tpu.memory_space<vmem>>, %arg6: memref<4x80xi32, #tpu.memory_space<vmem>>, %arg7: memref<4x80x128xf32, #tpu.memory_space<vmem>>, %arg8: memref<8x128xf32, #tpu.memory_space<vmem>>, %arg9: memref<10240x128xf32, #tpu.memory_space<vmem_shared>>, %arg10: memref<!tpu.dma_semaphore, #tpu.memory_space<semaphore_mem>>, %arg11: memref<!tpu.dma_semaphore, #tpu.memory_space<semaphore_mem>>, %arg12: memref<!tpu.dma_semaphore, #tpu.memory_space<semaphore_mem>>) attributes {dimension_semantics = [#tpu.dimension_semantics<core_parallel>, #tpu.dimension_semantics<subcore_parallel>], iteration_bounds = array<i64: 2, 16>, scalar_prefetch = 0 : i64, scratch_operands = 8 : i64, tpu.core_type = #tpu.core_type<sc_vector_subcore>, window_params = [{transform_indices = #map}, {transform_indices = #map1}, {transform_indices = #map1}]} {
    %mul3A = arith.constant 2 : i32
    %mul3A_0 = arith.muli %arg1, %mul3A : i32
    %add3A = arith.addi %mul3A_0, %arg0 : i32
    %broadcast_in_dim3A = arith.constant 0.000000e+00 : f32
    %broadcast_in_dim3A_1 = vector.broadcast %broadcast_in_dim3A : f32 to vector<16xf32>
    %swap3A = arith.constant 0 : i32
    %swap3A_2 = arith.index_cast %swap3A : i32 to index
    %swap3A_3 = arith.constant 0 : index
    %swap3A_4 = tpu.vector_load %arg8[%swap3A_2, %swap3A_3] {strides = array<i32>} : memref<8x128xf32, #tpu.memory_space<vmem>>, vector<1x16xf32>,
    %swap3A_5 = vector.shape_cast %swap3A_4 : vector<1x16xf32> to vector<16xf32>
    %swap3A_6 = vector.shape_cast %broadcast_in_dim3A_1 : vector<16xf32> to vector<1x16xf32>
    tpu.vector_store %arg8[%swap3A_2, %swap3A_3], %swap3A_6 {strides = array<i32>} : memref<8x128xf32, #tpu.memory_space<vmem>>, vector<1x16xf32>,
    %swap3A_7 = arith.constant 0 : i32
    %swap3A_8 = arith.index_cast %swap3A_7 : i32 to index
    %swap3A_9 = arith.constant 16 : index
    %swap3A_10 = tpu.vector_load %arg8[%swap3A_8, %swap3A_9] {strides = array<i32>} : memref<8x128xf32, #tpu.memory_space<vmem>>, vector<1x16xf32>,
    %swap3A_11 = vector.shape_cast %swap3A_10 : vector<1x16xf32> to vector<16xf32>
    %swap3A_12 = vector.shape_cast %broadcast_in_dim3A_1 : vector<16xf32> to vector<1x16xf32>
    tpu.vector_store %arg8[%swap3A_8, %swap3A_9], %swap3A_12 {strides = array<i32>} : memref<8x128xf32, #tpu.memory_space<vmem>>, vector<1x16xf32>,
    %swap3A_13 = arith.constant 0 : i32
    %swap3A_14 = arith.index_cast %swap3A_13 : i32 to index
    %swap3A_15 = arith.constant 32 : index
    %swap3A_16 = tpu.vector_load %arg8[%swap3A_14, %swap3A_15] {strides = array<i32>} : memref<8x128xf32, #tpu.memory_space<vmem>>, vector<1x16xf32>,
    %swap3A_17 = vector.shape_cast %swap3A_16 : vector<1x16xf32> to vector<16xf32>
    %swap3A_18 = vector.shape_cast %broadcast_in_dim3A_1 : vector<16xf32> to vector<1x16xf32>
    tpu.vector_store %arg8[%swap3A_14, %swap3A_15], %swap3A_18 {strides = array<i32>} : memref<8x128xf32, #tpu.memory_space<vmem>>, vector<1x16xf32>,
    %swap3A_19 = arith.constant 0 : i32
    %swap3A_20 = arith.index_cast %swap3A_19 : i32 to index
    %swap3A_21 = arith.constant 48 : index
    %swap3A_22 = tpu.vector_load %arg8[%swap3A_20, %swap3A_21] {strides = array<i32>} : memref<8x128xf32, #tpu.memory_space<vmem>>, vector<1x16xf32>,
    %swap3A_23 = vector.shape_cast %swap3A_22 : vector<1x16xf32> to vector<16xf32>
    %swap3A_24 = vector.shape_cast %broadcast_in_dim3A_1 : vector<16xf32> to vector<1x16xf32>
    tpu.vector_store %arg8[%swap3A_20, %swap3A_21], %swap3A_24 {strides = array<i32>} : memref<8x128xf32, #tpu.memory_space<vmem>>, vector<1x16xf32>,
    %swap3A_25 = arith.constant 0 : i32
    %swap3A_26 = arith.index_cast %swap3A_25 : i32 to index
    %swap3A_27 = arith.constant 64 : index
    %swap3A_28 = tpu.vector_load %arg8[%swap3A_26, %swap3A_27] {strides = array<i32>} : memref<8x128xf32, #tpu.memory_space<vmem>>, vector<1x16xf32>,
    %swap3A_29 = vector.shape_cast %swap3A_28 : vector<1x16xf32> to vector<16xf32>
    %swap3A_30 = vector.shape_cast %broadcast_in_dim3A_1 : vector<16xf32> to vector<1x16xf32>
    tpu.vector_store %arg8[%swap3A_26, %swap3A_27], %swap3A_30 {strides = array<i32>} : memref<8x128xf32, #tpu.memory_space<vmem>>, vector<1x16xf32>,
    %swap3A_31 = arith.constant 0 : i32
    %swap3A_32 = arith.index_cast %swap3A_31 : i32 to index
    %swap3A_33 = arith.constant 80 : index
    %swap3A_34 = tpu.vector_load %arg8[%swap3A_32, %swap3A_33] {strides = array<i32>} : memref<8x128xf32, #tpu.memory_space<vmem>>, vector<1x16xf32>,
    %swap3A_35 = vector.shape_cast %swap3A_34 : vector<1x16xf32> to vector<16xf32>
    %swap3A_36 = vector.shape_cast %broadcast_in_dim3A_1 : vector<16xf32> to vector<1x16xf32>
    tpu.vector_store %arg8[%swap3A_32, %swap3A_33], %swap3A_36 {strides = array<i32>} : memref<8x128xf32, #tpu.memory_space<vmem>>, vector<1x16xf32>,
    %swap3A_37 = arith.constant 0 : i32
    %swap3A_38 = arith.index_cast %swap3A_37 : i32 to index
    %swap3A_39 = arith.constant 96 : index
    %swap3A_40 = tpu.vector_load %arg8[%swap3A_38, %swap3A_39] {strides = array<i32>} : memref<8x128xf32, #tpu.memory_space<vmem>>, vector<1x16xf32>,
    %swap3A_41 = vector.shape_cast %swap3A_40 : vector<1x16xf32> to vector<16xf32>
    %swap3A_42 = vector.shape_cast %broadcast_in_dim3A_1 : vector<16xf32> to vector<1x16xf32>
    tpu.vector_store %arg8[%swap3A_38, %swap3A_39], %swap3A_42 {strides = array<i32>} : memref<8x128xf32, #tpu.memory_space<vmem>>, vector<1x16xf32>,
    %swap3A_43 = arith.constant 0 : i32
    %swap3A_44 = arith.index_cast %swap3A_43 : i32 to index
    %swap3A_45 = arith.constant 112 : index
    %swap3A_46 = tpu.vector_load %arg8[%swap3A_44, %swap3A_45] {strides = array<i32>} : memref<8x128xf32, #tpu.memory_space<vmem>>, vector<1x16xf32>,
    %swap3A_47 = vector.shape_cast %swap3A_46 : vector<1x16xf32> to vector<16xf32>
    %swap3A_48 = vector.shape_cast %broadcast_in_dim3A_1 : vector<16xf32> to vector<1x16xf32>
    tpu.vector_store %arg8[%swap3A_44, %swap3A_45], %swap3A_48 {strides = array<i32>} : memref<8x128xf32, #tpu.memory_space<vmem>>, vector<1x16xf32>,
    %swap3A_49 = arith.constant 1 : i32
    %swap3A_50 = arith.index_cast %swap3A_49 : i32 to index
    %swap3A_51 = arith.constant 0 : index
    %swap3A_52 = tpu.vector_load %arg8[%swap3A_50, %swap3A_51] {strides = array<i32>} : memref<8x128xf32, #tpu.memory_space<vmem>>, vector<1x16xf32>,
    %swap3A_53 = vector.shape_cast %swap3A_52 : vector<1x16xf32> to vector<16xf32>
    %swap3A_54 = vector.shape_cast %broadcast_in_dim3A_1 : vector<16xf32> to vector<1x16xf32>
    tpu.vector_store %arg8[%swap3A_50, %swap3A_51], %swap3A_54 {strides = array<i32>} : memref<8x128xf32, #tpu.memory_space<vmem>>, vector<1x16xf32>,
    %swap3A_55 = arith.constant 1 : i32
    %swap3A_56 = arith.index_cast %swap3A_55 : i32 to index
    %swap3A_57 = arith.constant 16 : index
    %swap3A_58 = tpu.vector_load %arg8[%swap3A_56, %swap3A_57] {strides = array<i32>} : memref<8x128xf32, #tpu.memory_space<vmem>>, vector<1x16xf32>,
    %swap3A_59 = vector.shape_cast %swap3A_58 : vector<1x16xf32> to vector<16xf32>
    %swap3A_60 = vector.shape_cast %broadcast_in_dim3A_1 : vector<16xf32> to vector<1x16xf32>
    tpu.vector_store %arg8[%swap3A_56, %swap3A_57], %swap3A_60 {strides = array<i32>} : memref<8x128xf32, #tpu.memory_space<vmem>>, vector<1x16xf32>,
    %swap3A_61 = arith.constant 1 : i32
    %swap3A_62 = arith.index_cast %swap3A_61 : i32 to index
    %swap3A_63 = arith.constant 32 : index
    %swap3A_64 = tpu.vector_load %arg8[%swap3A_62, %swap3A_63] {strides = array<i32>} : memref<8x128xf32, #tpu.memory_space<vmem>>, vector<1x16xf32>,
    %swap3A_65 = vector.shape_cast %swap3A_64 : vector<1x16xf32> to vector<16xf32>
    %swap3A_66 = vector.shape_cast %broadcast_in_dim3A_1 : vector<16xf32> to vector<1x16xf32>
    tpu.vector_store %arg8[%swap3A_62, %swap3A_63], %swap3A_66 {strides = array<i32>} : memref<8x128xf32, #tpu.memory_space<vmem>>, vector<1x16xf32>,
    %swap3A_67 = arith.constant 1 : i32
    %swap3A_68 = arith.index_cast %swap3A_67 : i32 to index
    %swap3A_69 = arith.constant 48 : index
    %swap3A_70 = tpu.vector_load %arg8[%swap3A_68, %swap3A_69] {strides = array<i32>} : memref<8x128xf32, #tpu.memory_space<vmem>>, vector<1x16xf32>,
    %swap3A_71 = vector.shape_cast %swap3A_70 : vector<1x16xf32> to vector<16xf32>
    %swap3A_72 = vector.shape_cast %broadcast_in_dim3A_1 : vector<16xf32> to vector<1x16xf32>
    tpu.vector_store %arg8[%swap3A_68, %swap3A_69], %swap3A_72 {strides = array<i32>} : memref<8x128xf32, #tpu.memory_space<vmem>>, vector<1x16xf32>,
    %swap3A_73 = arith.constant 1 : i32
    %swap3A_74 = arith.index_cast %swap3A_73 : i32 to index
    %swap3A_75 = arith.constant 64 : index
    %swap3A_76 = tpu.vector_load %arg8[%swap3A_74, %swap3A_75] {strides = array<i32>} : memref<8x128xf32, #tpu.memory_space<vmem>>, vector<1x16xf32>,
    %swap3A_77 = vector.shape_cast %swap3A_76 : vector<1x16xf32> to vector<16xf32>
    %swap3A_78 = vector.shape_cast %broadcast_in_dim3A_1 : vector<16xf32> to vector<1x16xf32>
    tpu.vector_store %arg8[%swap3A_74, %swap3A_75], %swap3A_78 {strides = array<i32>} : memref<8x128xf32, #tpu.memory_space<vmem>>, vector<1x16xf32>,
    %swap3A_79 = arith.constant 1 : i32
    %swap3A_80 = arith.index_cast %swap3A_79 : i32 to index
    %swap3A_81 = arith.constant 80 : index
    %swap3A_82 = tpu.vector_load %arg8[%swap3A_80, %swap3A_81] {strides = array<i32>} : memref<8x128xf32, #tpu.memory_space<vmem>>, vector<1x16xf32>,
    %swap3A_83 = vector.shape_cast %swap3A_82 : vector<1x16xf32> to vector<16xf32>
    %swap3A_84 = vector.shape_cast %broadcast_in_dim3A_1 : vector<16xf32> to vector<1x16xf32>
    tpu.vector_store %arg8[%swap3A_80, %swap3A_81], %swap3A_84 {strides = array<i32>} : memref<8x128xf32, #tpu.memory_space<vmem>>, vector<1x16xf32>,
    %swap3A_85 = arith.constant 1 : i32
    %swap3A_86 = arith.index_cast %swap3A_85 : i32 to index
    %swap3A_87 = arith.constant 96 : index
    %swap3A_88 = tpu.vector_load %arg8[%swap3A_86, %swap3A_87] {strides = array<i32>} : memref<8x128xf32, #tpu.memory_space<vmem>>, vector<1x16xf32>,
    %swap3A_89 = vector.shape_cast %swap3A_88 : vector<1x16xf32> to vector<16xf32>
    %swap3A_90 = vector.shape_cast %broadcast_in_dim3A_1 : vector<16xf32> to vector<1x16xf32>
    tpu.vector_store %arg8[%swap3A_86, %swap3A_87], %swap3A_90 {strides = array<i32>} : memref<8x128xf32, #tpu.memory_space<vmem>>, vector<1x16xf32>,
    %swap3A_91 = arith.constant 1 : i32
    %swap3A_92 = arith.index_cast %swap3A_91 : i32 to index
    %swap3A_93 = arith.constant 112 : index
    %swap3A_94 = tpu.vector_load %arg8[%swap3A_92, %swap3A_93] {strides = array<i32>} : memref<8x128xf32, #tpu.memory_space<vmem>>, vector<1x16xf32>,
    %swap3A_95 = vector.shape_cast %swap3A_94 : vector<1x16xf32> to vector<16xf32>
    %swap3A_96 = vector.shape_cast %broadcast_in_dim3A_1 : vector<16xf32> to vector<1x16xf32>
    tpu.vector_store %arg8[%swap3A_92, %swap3A_93], %swap3A_96 {strides = array<i32>} : memref<8x128xf32, #tpu.memory_space<vmem>>, vector<1x16xf32>,
    %swap3A_97 = arith.constant 2 : i32
    %swap3A_98 = arith.index_cast %swap3A_97 : i32 to index
    %swap3A_99 = arith.constant 0 : index
    %swap3A_100 = tpu.vector_load %arg8[%swap3A_98, %swap3A_99] {strides = array<i32>} : memref<8x128xf32, #tpu.memory_space<vmem>>, vector<1x16xf32>,
    %swap3A_101 = vector.shape_cast %swap3A_100 : vector<1x16xf32> to vector<16xf32>
    %swap3A_102 = vector.shape_cast %broadcast_in_dim3A_1 : vector<16xf32> to vector<1x16xf32>
    tpu.vector_store %arg8[%swap3A_98, %swap3A_99], %swap3A_102 {strides = array<i32>} : memref<8x128xf32, #tpu.memory_space<vmem>>, vector<1x16xf32>,
    %swap3A_103 = arith.constant 2 : i32
    %swap3A_104 = arith.index_cast %swap3A_103 : i32 to index
    %swap3A_105 = arith.constant 16 : index
    %swap3A_106 = tpu.vector_load %arg8[%swap3A_104, %swap3A_105] {strides = array<i32>} : memref<8x128xf32, #tpu.memory_space<vmem>>, vector<1x16xf32>,
    %swap3A_107 = vector.shape_cast %swap3A_106 : vector<1x16xf32> to vector<16xf32>
    %swap3A_108 = vector.shape_cast %broadcast_in_dim3A_1 : vector<16xf32> to vector<1x16xf32>
    tpu.vector_store %arg8[%swap3A_104, %swap3A_105], %swap3A_108 {strides = array<i32>} : memref<8x128xf32, #tpu.memory_space<vmem>>, vector<1x16xf32>,
    %swap3A_109 = arith.constant 2 : i32
    %swap3A_110 = arith.index_cast %swap3A_109 : i32 to index
    %swap3A_111 = arith.constant 32 : index
    %swap3A_112 = tpu.vector_load %arg8[%swap3A_110, %swap3A_111] {strides = array<i32>} : memref<8x128xf32, #tpu.memory_space<vmem>>, vector<1x16xf32>,
    %swap3A_113 = vector.shape_cast %swap3A_112 : vector<1x16xf32> to vector<16xf32>
    %swap3A_114 = vector.shape_cast %broadcast_in_dim3A_1 : vector<16xf32> to vector<1x16xf32>
    tpu.vector_store %arg8[%swap3A_110, %swap3A_111], %swap3A_114 {strides = array<i32>} : memref<8x128xf32, #tpu.memory_space<vmem>>, vector<1x16xf32>,
    %swap3A_115 = arith.constant 2 : i32
    %swap3A_116 = arith.index_cast %swap3A_115 : i32 to index
    %swap3A_117 = arith.constant 48 : index
    %swap3A_118 = tpu.vector_load %arg8[%swap3A_116, %swap3A_117] {strides = array<i32>} : memref<8x128xf32, #tpu.memory_space<vmem>>, vector<1x16xf32>,
    %swap3A_119 = vector.shape_cast %swap3A_118 : vector<1x16xf32> to vector<16xf32>
    %swap3A_120 = vector.shape_cast %broadcast_in_dim3A_1 : vector<16xf32> to vector<1x16xf32>
    tpu.vector_store %arg8[%swap3A_116, %swap3A_117], %swap3A_120 {strides = array<i32>} : memref<8x128xf32, #tpu.memory_space<vmem>>, vector<1x16xf32>,
    %swap3A_121 = arith.constant 2 : i32
    %swap3A_122 = arith.index_cast %swap3A_121 : i32 to index
    %swap3A_123 = arith.constant 64 : index
    %swap3A_124 = tpu.vector_load %arg8[%swap3A_122, %swap3A_123] {strides = array<i32>} : memref<8x128xf32, #tpu.memory_space<vmem>>, vector<1x16xf32>,
    %swap3A_125 = vector.shape_cast %swap3A_124 : vector<1x16xf32> to vector<16xf32>
    %swap3A_126 = vector.shape_cast %broadcast_in_dim3A_1 : vector<16xf32> to vector<1x16xf32>
    tpu.vector_store %arg8[%swap3A_122, %swap3A_123], %swap3A_126 {strides = array<i32>} : memref<8x128xf32, #tpu.memory_space<vmem>>, vector<1x16xf32>,
    %swap3A_127 = arith.constant 2 : i32
    %swap3A_128 = arith.index_cast %swap3A_127 : i32 to index
    %swap3A_129 = arith.constant 80 : index
    %swap3A_130 = tpu.vector_load %arg8[%swap3A_128, %swap3A_129] {strides = array<i32>} : memref<8x128xf32, #tpu.memory_space<vmem>>, vector<1x16xf32>,
    %swap3A_131 = vector.shape_cast %swap3A_130 : vector<1x16xf32> to vector<16xf32>
    %swap3A_132 = vector.shape_cast %broadcast_in_dim3A_1 : vector<16xf32> to vector<1x16xf32>
    tpu.vector_store %arg8[%swap3A_128, %swap3A_129], %swap3A_132 {strides = array<i32>} : memref<8x128xf32, #tpu.memory_space<vmem>>, vector<1x16xf32>,
    %swap3A_133 = arith.constant 2 : i32
    %swap3A_134 = arith.index_cast %swap3A_133 : i32 to index
    %swap3A_135 = arith.constant 96 : index
    %swap3A_136 = tpu.vector_load %arg8[%swap3A_134, %swap3A_135] {strides = array<i32>} : memref<8x128xf32, #tpu.memory_space<vmem>>, vector<1x16xf32>,
    %swap3A_137 = vector.shape_cast %swap3A_136 : vector<1x16xf32> to vector<16xf32>
    %swap3A_138 = vector.shape_cast %broadcast_in_dim3A_1 : vector<16xf32> to vector<1x16xf32>
    tpu.vector_store %arg8[%swap3A_134, %swap3A_135], %swap3A_138 {strides = array<i32>} : memref<8x128xf32, #tpu.memory_space<vmem>>, vector<1x16xf32>,
    %swap3A_139 = arith.constant 2 : i32
    %swap3A_140 = arith.index_cast %swap3A_139 : i32 to index
    %swap3A_141 = arith.constant 112 : index
    %swap3A_142 = tpu.vector_load %arg8[%swap3A_140, %swap3A_141] {strides = array<i32>} : memref<8x128xf32, #tpu.memory_space<vmem>>, vector<1x16xf32>,
    %swap3A_143 = vector.shape_cast %swap3A_142 : vector<1x16xf32> to vector<16xf32>
    %swap3A_144 = vector.shape_cast %broadcast_in_dim3A_1 : vector<16xf32> to vector<1x16xf32>
    tpu.vector_store %arg8[%swap3A_140, %swap3A_141], %swap3A_144 {strides = array<i32>} : memref<8x128xf32, #tpu.memory_space<vmem>>, vector<1x16xf32>,
    %swap3A_145 = arith.constant 3 : i32
    %swap3A_146 = arith.index_cast %swap3A_145 : i32 to index
    %swap3A_147 = arith.constant 0 : index
    %swap3A_148 = tpu.vector_load %arg8[%swap3A_146, %swap3A_147] {strides = array<i32>} : memref<8x128xf32, #tpu.memory_space<vmem>>, vector<1x16xf32>,
    %swap3A_149 = vector.shape_cast %swap3A_148 : vector<1x16xf32> to vector<16xf32>
    %swap3A_150 = vector.shape_cast %broadcast_in_dim3A_1 : vector<16xf32> to vector<1x16xf32>
    tpu.vector_store %arg8[%swap3A_146, %swap3A_147], %swap3A_150 {strides = array<i32>} : memref<8x128xf32, #tpu.memory_space<vmem>>, vector<1x16xf32>,
    %swap3A_151 = arith.constant 3 : i32
    %swap3A_152 = arith.index_cast %swap3A_151 : i32 to index
    %swap3A_153 = arith.constant 16 : index
    %swap3A_154 = tpu.vector_load %arg8[%swap3A_152, %swap3A_153] {strides = array<i32>} : memref<8x128xf32, #tpu.memory_space<vmem>>, vector<1x16xf32>,
    %swap3A_155 = vector.shape_cast %swap3A_154 : vector<1x16xf32> to vector<16xf32>
    %swap3A_156 = vector.shape_cast %broadcast_in_dim3A_1 : vector<16xf32> to vector<1x16xf32>
    tpu.vector_store %arg8[%swap3A_152, %swap3A_153], %swap3A_156 {strides = array<i32>} : memref<8x128xf32, #tpu.memory_space<vmem>>, vector<1x16xf32>,
    %swap3A_157 = arith.constant 3 : i32
    %swap3A_158 = arith.index_cast %swap3A_157 : i32 to index
    %swap3A_159 = arith.constant 32 : index
    %swap3A_160 = tpu.vector_load %arg8[%swap3A_158, %swap3A_159] {strides = array<i32>} : memref<8x128xf32, #tpu.memory_space<vmem>>, vector<1x16xf32>,
    %swap3A_161 = vector.shape_cast %swap3A_160 : vector<1x16xf32> to vector<16xf32>
    %swap3A_162 = vector.shape_cast %broadcast_in_dim3A_1 : vector<16xf32> to vector<1x16xf32>
    tpu.vector_store %arg8[%swap3A_158, %swap3A_159], %swap3A_162 {strides = array<i32>} : memref<8x128xf32, #tpu.memory_space<vmem>>, vector<1x16xf32>,
    %swap3A_163 = arith.constant 3 : i32
    %swap3A_164 = arith.index_cast %swap3A_163 : i32 to index
    %swap3A_165 = arith.constant 48 : index
    %swap3A_166 = tpu.vector_load %arg8[%swap3A_164, %swap3A_165] {strides = array<i32>} : memref<8x128xf32, #tpu.memory_space<vmem>>, vector<1x16xf32>,
    %swap3A_167 = vector.shape_cast %swap3A_166 : vector<1x16xf32> to vector<16xf32>
    %swap3A_168 = vector.shape_cast %broadcast_in_dim3A_1 : vector<16xf32> to vector<1x16xf32>
    tpu.vector_store %arg8[%swap3A_164, %swap3A_165], %swap3A_168 {strides = array<i32>} : memref<8x128xf32, #tpu.memory_space<vmem>>, vector<1x16xf32>,
    %swap3A_169 = arith.constant 3 : i32
    %swap3A_170 = arith.index_cast %swap3A_169 : i32 to index
    %swap3A_171 = arith.constant 64 : index
    %swap3A_172 = tpu.vector_load %arg8[%swap3A_170, %swap3A_171] {strides = array<i32>} : memref<8x128xf32, #tpu.memory_space<vmem>>, vector<1x16xf32>,
    %swap3A_173 = vector.shape_cast %swap3A_172 : vector<1x16xf32> to vector<16xf32>
    %swap3A_174 = vector.shape_cast %broadcast_in_dim3A_1 : vector<16xf32> to vector<1x16xf32>
    tpu.vector_store %arg8[%swap3A_170, %swap3A_171], %swap3A_174 {strides = array<i32>} : memref<8x128xf32, #tpu.memory_space<vmem>>, vector<1x16xf32>,
    %swap3A_175 = arith.constant 3 : i32
    %swap3A_176 = arith.index_cast %swap3A_175 : i32 to index
    %swap3A_177 = arith.constant 80 : index
    %swap3A_178 = tpu.vector_load %arg8[%swap3A_176, %swap3A_177] {strides = array<i32>} : memref<8x128xf32, #tpu.memory_space<vmem>>, vector<1x16xf32>,
    %swap3A_179 = vector.shape_cast %swap3A_178 : vector<1x16xf32> to vector<16xf32>
    %swap3A_180 = vector.shape_cast %broadcast_in_dim3A_1 : vector<16xf32> to vector<1x16xf32>
    tpu.vector_store %arg8[%swap3A_176, %swap3A_177], %swap3A_180 {strides = array<i32>} : memref<8x128xf32, #tpu.memory_space<vmem>>, vector<1x16xf32>,
    %swap3A_181 = arith.constant 3 : i32
    %swap3A_182 = arith.index_cast %swap3A_181 : i32 to index
    %swap3A_183 = arith.constant 96 : index
    %swap3A_184 = tpu.vector_load %arg8[%swap3A_182, %swap3A_183] {strides = array<i32>} : memref<8x128xf32, #tpu.memory_space<vmem>>, vector<1x16xf32>,
    %swap3A_185 = vector.shape_cast %swap3A_184 : vector<1x16xf32> to vector<16xf32>
    %swap3A_186 = vector.shape_cast %broadcast_in_dim3A_1 : vector<16xf32> to vector<1x16xf32>
    tpu.vector_store %arg8[%swap3A_182, %swap3A_183], %swap3A_186 {strides = array<i32>} : memref<8x128xf32, #tpu.memory_space<vmem>>, vector<1x16xf32>,
    %swap3A_187 = arith.constant 3 : i32
    %swap3A_188 = arith.index_cast %swap3A_187 : i32 to index
    %swap3A_189 = arith.constant 112 : index
    %swap3A_190 = tpu.vector_load %arg8[%swap3A_188, %swap3A_189] {strides = array<i32>} : memref<8x128xf32, #tpu.memory_space<vmem>>, vector<1x16xf32>,
    %swap3A_191 = vector.shape_cast %swap3A_190 : vector<1x16xf32> to vector<16xf32>
    %swap3A_192 = vector.shape_cast %broadcast_in_dim3A_1 : vector<16xf32> to vector<1x16xf32>
    tpu.vector_store %arg8[%swap3A_188, %swap3A_189], %swap3A_192 {strides = array<i32>} : memref<8x128xf32, #tpu.memory_space<vmem>>, vector<1x16xf32>,
    %swap3A_193 = arith.constant 4 : i32
    %swap3A_194 = arith.index_cast %swap3A_193 : i32 to index
    %swap3A_195 = arith.constant 0 : index
    %swap3A_196 = tpu.vector_load %arg8[%swap3A_194, %swap3A_195] {strides = array<i32>} : memref<8x128xf32, #tpu.memory_space<vmem>>, vector<1x16xf32>,
    %swap3A_197 = vector.shape_cast %swap3A_196 : vector<1x16xf32> to vector<16xf32>
    %swap3A_198 = vector.shape_cast %broadcast_in_dim3A_1 : vector<16xf32> to vector<1x16xf32>
    tpu.vector_store %arg8[%swap3A_194, %swap3A_195], %swap3A_198 {strides = array<i32>} : memref<8x128xf32, #tpu.memory_space<vmem>>, vector<1x16xf32>,
    %swap3A_199 = arith.constant 4 : i32
    %swap3A_200 = arith.index_cast %swap3A_199 : i32 to index
    %swap3A_201 = arith.constant 16 : index
    %swap3A_202 = tpu.vector_load %arg8[%swap3A_200, %swap3A_201] {strides = array<i32>} : memref<8x128xf32, #tpu.memory_space<vmem>>, vector<1x16xf32>,
    %swap3A_203 = vector.shape_cast %swap3A_202 : vector<1x16xf32> to vector<16xf32>
    %swap3A_204 = vector.shape_cast %broadcast_in_dim3A_1 : vector<16xf32> to vector<1x16xf32>
    tpu.vector_store %arg8[%swap3A_200, %swap3A_201], %swap3A_204 {strides = array<i32>} : memref<8x128xf32, #tpu.memory_space<vmem>>, vector<1x16xf32>,
    %swap3A_205 = arith.constant 4 : i32
    %swap3A_206 = arith.index_cast %swap3A_205 : i32 to index
    %swap3A_207 = arith.constant 32 : index
    %swap3A_208 = tpu.vector_load %arg8[%swap3A_206, %swap3A_207] {strides = array<i32>} : memref<8x128xf32, #tpu.memory_space<vmem>>, vector<1x16xf32>,
    %swap3A_209 = vector.shape_cast %swap3A_208 : vector<1x16xf32> to vector<16xf32>
    %swap3A_210 = vector.shape_cast %broadcast_in_dim3A_1 : vector<16xf32> to vector<1x16xf32>
    tpu.vector_store %arg8[%swap3A_206, %swap3A_207], %swap3A_210 {strides = array<i32>} : memref<8x128xf32, #tpu.memory_space<vmem>>, vector<1x16xf32>,
    %swap3A_211 = arith.constant 4 : i32
    %swap3A_212 = arith.index_cast %swap3A_211 : i32 to index
    %swap3A_213 = arith.constant 48 : index
    %swap3A_214 = tpu.vector_load %arg8[%swap3A_212, %swap3A_213] {strides = array<i32>} : memref<8x128xf32, #tpu.memory_space<vmem>>, vector<1x16xf32>,
    %swap3A_215 = vector.shape_cast %swap3A_214 : vector<1x16xf32> to vector<16xf32>
    %swap3A_216 = vector.shape_cast %broadcast_in_dim3A_1 : vector<16xf32> to vector<1x16xf32>
    tpu.vector_store %arg8[%swap3A_212, %swap3A_213], %swap3A_216 {strides = array<i32>} : memref<8x128xf32, #tpu.memory_space<vmem>>, vector<1x16xf32>,
    %swap3A_217 = arith.constant 4 : i32
    %swap3A_218 = arith.index_cast %swap3A_217 : i32 to index
    %swap3A_219 = arith.constant 64 : index
    %swap3A_220 = tpu.vector_load %arg8[%swap3A_218, %swap3A_219] {strides = array<i32>} : memref<8x128xf32, #tpu.memory_space<vmem>>, vector<1x16xf32>,
    %swap3A_221 = vector.shape_cast %swap3A_220 : vector<1x16xf32> to vector<16xf32>
    %swap3A_222 = vector.shape_cast %broadcast_in_dim3A_1 : vector<16xf32> to vector<1x16xf32>
    tpu.vector_store %arg8[%swap3A_218, %swap3A_219], %swap3A_222 {strides = array<i32>} : memref<8x128xf32, #tpu.memory_space<vmem>>, vector<1x16xf32>,
    %swap3A_223 = arith.constant 4 : i32
    %swap3A_224 = arith.index_cast %swap3A_223 : i32 to index
    %swap3A_225 = arith.constant 80 : index
    %swap3A_226 = tpu.vector_load %arg8[%swap3A_224, %swap3A_225] {strides = array<i32>} : memref<8x128xf32, #tpu.memory_space<vmem>>, vector<1x16xf32>,
    %swap3A_227 = vector.shape_cast %swap3A_226 : vector<1x16xf32> to vector<16xf32>
    %swap3A_228 = vector.shape_cast %broadcast_in_dim3A_1 : vector<16xf32> to vector<1x16xf32>
    tpu.vector_store %arg8[%swap3A_224, %swap3A_225], %swap3A_228 {strides = array<i32>} : memref<8x128xf32, #tpu.memory_space<vmem>>, vector<1x16xf32>,
    %swap3A_229 = arith.constant 4 : i32
    %swap3A_230 = arith.index_cast %swap3A_229 : i32 to index
    %swap3A_231 = arith.constant 96 : index
    %swap3A_232 = tpu.vector_load %arg8[%swap3A_230, %swap3A_231] {strides = array<i32>} : memref<8x128xf32, #tpu.memory_space<vmem>>, vector<1x16xf32>,
    %swap3A_233 = vector.shape_cast %swap3A_232 : vector<1x16xf32> to vector<16xf32>
    %swap3A_234 = vector.shape_cast %broadcast_in_dim3A_1 : vector<16xf32> to vector<1x16xf32>
    tpu.vector_store %arg8[%swap3A_230, %swap3A_231], %swap3A_234 {strides = array<i32>} : memref<8x128xf32, #tpu.memory_space<vmem>>, vector<1x16xf32>,
    %swap3A_235 = arith.constant 4 : i32
    %swap3A_236 = arith.index_cast %swap3A_235 : i32 to index
    %swap3A_237 = arith.constant 112 : index
    %swap3A_238 = tpu.vector_load %arg8[%swap3A_236, %swap3A_237] {strides = array<i32>} : memref<8x128xf32, #tpu.memory_space<vmem>>, vector<1x16xf32>,
    %swap3A_239 = vector.shape_cast %swap3A_238 : vector<1x16xf32> to vector<16xf32>
    %swap3A_240 = vector.shape_cast %broadcast_in_dim3A_1 : vector<16xf32> to vector<1x16xf32>
    tpu.vector_store %arg8[%swap3A_236, %swap3A_237], %swap3A_240 {strides = array<i32>} : memref<8x128xf32, #tpu.memory_space<vmem>>, vector<1x16xf32>,
    %swap3A_241 = arith.constant 5 : i32
    %swap3A_242 = arith.index_cast %swap3A_241 : i32 to index
    %swap3A_243 = arith.constant 0 : index
    %swap3A_244 = tpu.vector_load %arg8[%swap3A_242, %swap3A_243] {strides = array<i32>} : memref<8x128xf32, #tpu.memory_space<vmem>>, vector<1x16xf32>,
    %swap3A_245 = vector.shape_cast %swap3A_244 : vector<1x16xf32> to vector<16xf32>
    %swap3A_246 = vector.shape_cast %broadcast_in_dim3A_1 : vector<16xf32> to vector<1x16xf32>
    tpu.vector_store %arg8[%swap3A_242, %swap3A_243], %swap3A_246 {strides = array<i32>} : memref<8x128xf32, #tpu.memory_space<vmem>>, vector<1x16xf32>,
    %swap3A_247 = arith.constant 5 : i32
    %swap3A_248 = arith.index_cast %swap3A_247 : i32 to index
    %swap3A_249 = arith.constant 16 : index
    %swap3A_250 = tpu.vector_load %arg8[%swap3A_248, %swap3A_249] {strides = array<i32>} : memref<8x128xf32, #tpu.memory_space<vmem>>, vector<1x16xf32>,
    %swap3A_251 = vector.shape_cast %swap3A_250 : vector<1x16xf32> to vector<16xf32>
    %swap3A_252 = vector.shape_cast %broadcast_in_dim3A_1 : vector<16xf32> to vector<1x16xf32>
    tpu.vector_store %arg8[%swap3A_248, %swap3A_249], %swap3A_252 {strides = array<i32>} : memref<8x128xf32, #tpu.memory_space<vmem>>, vector<1x16xf32>,
    %swap3A_253 = arith.constant 5 : i32
    %swap3A_254 = arith.index_cast %swap3A_253 : i32 to index
    %swap3A_255 = arith.constant 32 : index
    %swap3A_256 = tpu.vector_load %arg8[%swap3A_254, %swap3A_255] {strides = array<i32>} : memref<8x128xf32, #tpu.memory_space<vmem>>, vector<1x16xf32>,
    %swap3A_257 = vector.shape_cast %swap3A_256 : vector<1x16xf32> to vector<16xf32>
    %swap3A_258 = vector.shape_cast %broadcast_in_dim3A_1 : vector<16xf32> to vector<1x16xf32>
    tpu.vector_store %arg8[%swap3A_254, %swap3A_255], %swap3A_258 {strides = array<i32>} : memref<8x128xf32, #tpu.memory_space<vmem>>, vector<1x16xf32>,
    %swap3A_259 = arith.constant 5 : i32
    %swap3A_260 = arith.index_cast %swap3A_259 : i32 to index
    %swap3A_261 = arith.constant 48 : index
    %swap3A_262 = tpu.vector_load %arg8[%swap3A_260, %swap3A_261] {strides = array<i32>} : memref<8x128xf32, #tpu.memory_space<vmem>>, vector<1x16xf32>,
    %swap3A_263 = vector.shape_cast %swap3A_262 : vector<1x16xf32> to vector<16xf32>
    %swap3A_264 = vector.shape_cast %broadcast_in_dim3A_1 : vector<16xf32> to vector<1x16xf32>
    tpu.vector_store %arg8[%swap3A_260, %swap3A_261], %swap3A_264 {strides = array<i32>} : memref<8x128xf32, #tpu.memory_space<vmem>>, vector<1x16xf32>,
    %swap3A_265 = arith.constant 5 : i32
    %swap3A_266 = arith.index_cast %swap3A_265 : i32 to index
    %swap3A_267 = arith.constant 64 : index
    %swap3A_268 = tpu.vector_load %arg8[%swap3A_266, %swap3A_267] {strides = array<i32>} : memref<8x128xf32, #tpu.memory_space<vmem>>, vector<1x16xf32>,
    %swap3A_269 = vector.shape_cast %swap3A_268 : vector<1x16xf32> to vector<16xf32>
    %swap3A_270 = vector.shape_cast %broadcast_in_dim3A_1 : vector<16xf32> to vector<1x16xf32>
    tpu.vector_store %arg8[%swap3A_266, %swap3A_267], %swap3A_270 {strides = array<i32>} : memref<8x128xf32, #tpu.memory_space<vmem>>, vector<1x16xf32>,
    %swap3A_271 = arith.constant 5 : i32
    %swap3A_272 = arith.index_cast %swap3A_271 : i32 to index
    %swap3A_273 = arith.constant 80 : index
    %swap3A_274 = tpu.vector_load %arg8[%swap3A_272, %swap3A_273] {strides = array<i32>} : memref<8x128xf32, #tpu.memory_space<vmem>>, vector<1x16xf32>,
    %swap3A_275 = vector.shape_cast %swap3A_274 : vector<1x16xf32> to vector<16xf32>
    %swap3A_276 = vector.shape_cast %broadcast_in_dim3A_1 : vector<16xf32> to vector<1x16xf32>
    tpu.vector_store %arg8[%swap3A_272, %swap3A_273], %swap3A_276 {strides = array<i32>} : memref<8x128xf32, #tpu.memory_space<vmem>>, vector<1x16xf32>,
    %swap3A_277 = arith.constant 5 : i32
    %swap3A_278 = arith.index_cast %swap3A_277 : i32 to index
    %swap3A_279 = arith.constant 96 : index
    %swap3A_280 = tpu.vector_load %arg8[%swap3A_278, %swap3A_279] {strides = array<i32>} : memref<8x128xf32, #tpu.memory_space<vmem>>, vector<1x16xf32>,
    %swap3A_281 = vector.shape_cast %swap3A_280 : vector<1x16xf32> to vector<16xf32>
    %swap3A_282 = vector.shape_cast %broadcast_in_dim3A_1 : vector<16xf32> to vector<1x16xf32>
    tpu.vector_store %arg8[%swap3A_278, %swap3A_279], %swap3A_282 {strides = array<i32>} : memref<8x128xf32, #tpu.memory_space<vmem>>, vector<1x16xf32>,
    %swap3A_283 = arith.constant 5 : i32
    %swap3A_284 = arith.index_cast %swap3A_283 : i32 to index
    %swap3A_285 = arith.constant 112 : index
    %swap3A_286 = tpu.vector_load %arg8[%swap3A_284, %swap3A_285] {strides = array<i32>} : memref<8x128xf32, #tpu.memory_space<vmem>>, vector<1x16xf32>,
    %swap3A_287 = vector.shape_cast %swap3A_286 : vector<1x16xf32> to vector<16xf32>
    %swap3A_288 = vector.shape_cast %broadcast_in_dim3A_1 : vector<16xf32> to vector<1x16xf32>
    tpu.vector_store %arg8[%swap3A_284, %swap3A_285], %swap3A_288 {strides = array<i32>} : memref<8x128xf32, #tpu.memory_space<vmem>>, vector<1x16xf32>,
    %swap3A_289 = arith.constant 6 : i32
    %swap3A_290 = arith.index_cast %swap3A_289 : i32 to index
    %swap3A_291 = arith.constant 0 : index
    %swap3A_292 = tpu.vector_load %arg8[%swap3A_290, %swap3A_291] {strides = array<i32>} : memref<8x128xf32, #tpu.memory_space<vmem>>, vector<1x16xf32>,
    %swap3A_293 = vector.shape_cast %swap3A_292 : vector<1x16xf32> to vector<16xf32>
    %swap3A_294 = vector.shape_cast %broadcast_in_dim3A_1 : vector<16xf32> to vector<1x16xf32>
    tpu.vector_store %arg8[%swap3A_290, %swap3A_291], %swap3A_294 {strides = array<i32>} : memref<8x128xf32, #tpu.memory_space<vmem>>, vector<1x16xf32>,
    %swap3A_295 = arith.constant 6 : i32
    %swap3A_296 = arith.index_cast %swap3A_295 : i32 to index
    %swap3A_297 = arith.constant 16 : index
    %swap3A_298 = tpu.vector_load %arg8[%swap3A_296, %swap3A_297] {strides = array<i32>} : memref<8x128xf32, #tpu.memory_space<vmem>>, vector<1x16xf32>,
    %swap3A_299 = vector.shape_cast %swap3A_298 : vector<1x16xf32> to vector<16xf32>
    %swap3A_300 = vector.shape_cast %broadcast_in_dim3A_1 : vector<16xf32> to vector<1x16xf32>
    tpu.vector_store %arg8[%swap3A_296, %swap3A_297], %swap3A_300 {strides = array<i32>} : memref<8x128xf32, #tpu.memory_space<vmem>>, vector<1x16xf32>,
    %swap3A_301 = arith.constant 6 : i32
    %swap3A_302 = arith.index_cast %swap3A_301 : i32 to index
    %swap3A_303 = arith.constant 32 : index
    %swap3A_304 = tpu.vector_load %arg8[%swap3A_302, %swap3A_303] {strides = array<i32>} : memref<8x128xf32, #tpu.memory_space<vmem>>, vector<1x16xf32>,
    %swap3A_305 = vector.shape_cast %swap3A_304 : vector<1x16xf32> to vector<16xf32>
    %swap3A_306 = vector.shape_cast %broadcast_in_dim3A_1 : vector<16xf32> to vector<1x16xf32>
    tpu.vector_store %arg8[%swap3A_302, %swap3A_303], %swap3A_306 {strides = array<i32>} : memref<8x128xf32, #tpu.memory_space<vmem>>, vector<1x16xf32>,
    %swap3A_307 = arith.constant 6 : i32
    %swap3A_308 = arith.index_cast %swap3A_307 : i32 to index
    %swap3A_309 = arith.constant 48 : index
    %swap3A_310 = tpu.vector_load %arg8[%swap3A_308, %swap3A_309] {strides = array<i32>} : memref<8x128xf32, #tpu.memory_space<vmem>>, vector<1x16xf32>,
    %swap3A_311 = vector.shape_cast %swap3A_310 : vector<1x16xf32> to vector<16xf32>
    %swap3A_312 = vector.shape_cast %broadcast_in_dim3A_1 : vector<16xf32> to vector<1x16xf32>
    tpu.vector_store %arg8[%swap3A_308, %swap3A_309], %swap3A_312 {strides = array<i32>} : memref<8x128xf32, #tpu.memory_space<vmem>>, vector<1x16xf32>,
    %swap3A_313 = arith.constant 6 : i32
    %swap3A_314 = arith.index_cast %swap3A_313 : i32 to index
    %swap3A_315 = arith.constant 64 : index
    %swap3A_316 = tpu.vector_load %arg8[%swap3A_314, %swap3A_315] {strides = array<i32>} : memref<8x128xf32, #tpu.memory_space<vmem>>, vector<1x16xf32>,
    %swap3A_317 = vector.shape_cast %swap3A_316 : vector<1x16xf32> to vector<16xf32>
    %swap3A_318 = vector.shape_cast %broadcast_in_dim3A_1 : vector<16xf32> to vector<1x16xf32>
    tpu.vector_store %arg8[%swap3A_314, %swap3A_315], %swap3A_318 {strides = array<i32>} : memref<8x128xf32, #tpu.memory_space<vmem>>, vector<1x16xf32>,
    %swap3A_319 = arith.constant 6 : i32
    %swap3A_320 = arith.index_cast %swap3A_319 : i32 to index
    %swap3A_321 = arith.constant 80 : index
    %swap3A_322 = tpu.vector_load %arg8[%swap3A_320, %swap3A_321] {strides = array<i32>} : memref<8x128xf32, #tpu.memory_space<vmem>>, vector<1x16xf32>,
    %swap3A_323 = vector.shape_cast %swap3A_322 : vector<1x16xf32> to vector<16xf32>
    %swap3A_324 = vector.shape_cast %broadcast_in_dim3A_1 : vector<16xf32> to vector<1x16xf32>
    tpu.vector_store %arg8[%swap3A_320, %swap3A_321], %swap3A_324 {strides = array<i32>} : memref<8x128xf32, #tpu.memory_space<vmem>>, vector<1x16xf32>,
    %swap3A_325 = arith.constant 6 : i32
    %swap3A_326 = arith.index_cast %swap3A_325 : i32 to index
    %swap3A_327 = arith.constant 96 : index
    %swap3A_328 = tpu.vector_load %arg8[%swap3A_326, %swap3A_327] {strides = array<i32>} : memref<8x128xf32, #tpu.memory_space<vmem>>, vector<1x16xf32>,
    %swap3A_329 = vector.shape_cast %swap3A_328 : vector<1x16xf32> to vector<16xf32>
    %swap3A_330 = vector.shape_cast %broadcast_in_dim3A_1 : vector<16xf32> to vector<1x16xf32>
    tpu.vector_store %arg8[%swap3A_326, %swap3A_327], %swap3A_330 {strides = array<i32>} : memref<8x128xf32, #tpu.memory_space<vmem>>, vector<1x16xf32>,
    %swap3A_331 = arith.constant 6 : i32
    %swap3A_332 = arith.index_cast %swap3A_331 : i32 to index
    %swap3A_333 = arith.constant 112 : index
    %swap3A_334 = tpu.vector_load %arg8[%swap3A_332, %swap3A_333] {strides = array<i32>} : memref<8x128xf32, #tpu.memory_space<vmem>>, vector<1x16xf32>,
    %swap3A_335 = vector.shape_cast %swap3A_334 : vector<1x16xf32> to vector<16xf32>
    %swap3A_336 = vector.shape_cast %broadcast_in_dim3A_1 : vector<16xf32> to vector<1x16xf32>
    tpu.vector_store %arg8[%swap3A_332, %swap3A_333], %swap3A_336 {strides = array<i32>} : memref<8x128xf32, #tpu.memory_space<vmem>>, vector<1x16xf32>,
    %swap3A_337 = arith.constant 7 : i32
    %swap3A_338 = arith.index_cast %swap3A_337 : i32 to index
    %swap3A_339 = arith.constant 0 : index
    %swap3A_340 = tpu.vector_load %arg8[%swap3A_338, %swap3A_339] {strides = array<i32>} : memref<8x128xf32, #tpu.memory_space<vmem>>, vector<1x16xf32>,
    %swap3A_341 = vector.shape_cast %swap3A_340 : vector<1x16xf32> to vector<16xf32>
    %swap3A_342 = vector.shape_cast %broadcast_in_dim3A_1 : vector<16xf32> to vector<1x16xf32>
    tpu.vector_store %arg8[%swap3A_338, %swap3A_339], %swap3A_342 {strides = array<i32>} : memref<8x128xf32, #tpu.memory_space<vmem>>, vector<1x16xf32>,
    %swap3A_343 = arith.constant 7 : i32
    %swap3A_344 = arith.index_cast %swap3A_343 : i32 to index
    %swap3A_345 = arith.constant 16 : index
    %swap3A_346 = tpu.vector_load %arg8[%swap3A_344, %swap3A_345] {strides = array<i32>} : memref<8x128xf32, #tpu.memory_space<vmem>>, vector<1x16xf32>,
    %swap3A_347 = vector.shape_cast %swap3A_346 : vector<1x16xf32> to vector<16xf32>
    %swap3A_348 = vector.shape_cast %broadcast_in_dim3A_1 : vector<16xf32> to vector<1x16xf32>
    tpu.vector_store %arg8[%swap3A_344, %swap3A_345], %swap3A_348 {strides = array<i32>} : memref<8x128xf32, #tpu.memory_space<vmem>>, vector<1x16xf32>,
    %swap3A_349 = arith.constant 7 : i32
    %swap3A_350 = arith.index_cast %swap3A_349 : i32 to index
    %swap3A_351 = arith.constant 32 : index
    %swap3A_352 = tpu.vector_load %arg8[%swap3A_350, %swap3A_351] {strides = array<i32>} : memref<8x128xf32, #tpu.memory_space<vmem>>, vector<1x16xf32>,
    %swap3A_353 = vector.shape_cast %swap3A_352 : vector<1x16xf32> to vector<16xf32>
    %swap3A_354 = vector.shape_cast %broadcast_in_dim3A_1 : vector<16xf32> to vector<1x16xf32>
    tpu.vector_store %arg8[%swap3A_350, %swap3A_351], %swap3A_354 {strides = array<i32>} : memref<8x128xf32, #tpu.memory_space<vmem>>, vector<1x16xf32>,
    %swap3A_355 = arith.constant 7 : i32
    %swap3A_356 = arith.index_cast %swap3A_355 : i32 to index
    %swap3A_357 = arith.constant 48 : index
    %swap3A_358 = tpu.vector_load %arg8[%swap3A_356, %swap3A_357] {strides = array<i32>} : memref<8x128xf32, #tpu.memory_space<vmem>>, vector<1x16xf32>,
    %swap3A_359 = vector.shape_cast %swap3A_358 : vector<1x16xf32> to vector<16xf32>
    %swap3A_360 = vector.shape_cast %broadcast_in_dim3A_1 : vector<16xf32> to vector<1x16xf32>
    tpu.vector_store %arg8[%swap3A_356, %swap3A_357], %swap3A_360 {strides = array<i32>} : memref<8x128xf32, #tpu.memory_space<vmem>>, vector<1x16xf32>,
    %swap3A_361 = arith.constant 7 : i32
    %swap3A_362 = arith.index_cast %swap3A_361 : i32 to index
    %swap3A_363 = arith.constant 64 : index
    %swap3A_364 = tpu.vector_load %arg8[%swap3A_362, %swap3A_363] {strides = array<i32>} : memref<8x128xf32, #tpu.memory_space<vmem>>, vector<1x16xf32>,
    %swap3A_365 = vector.shape_cast %swap3A_364 : vector<1x16xf32> to vector<16xf32>
    %swap3A_366 = vector.shape_cast %broadcast_in_dim3A_1 : vector<16xf32> to vector<1x16xf32>
    tpu.vector_store %arg8[%swap3A_362, %swap3A_363], %swap3A_366 {strides = array<i32>} : memref<8x128xf32, #tpu.memory_space<vmem>>, vector<1x16xf32>,
    %swap3A_367 = arith.constant 7 : i32
    %swap3A_368 = arith.index_cast %swap3A_367 : i32 to index
    %swap3A_369 = arith.constant 80 : index
    %swap3A_370 = tpu.vector_load %arg8[%swap3A_368, %swap3A_369] {strides = array<i32>} : memref<8x128xf32, #tpu.memory_space<vmem>>, vector<1x16xf32>,
    %swap3A_371 = vector.shape_cast %swap3A_370 : vector<1x16xf32> to vector<16xf32>
    %swap3A_372 = vector.shape_cast %broadcast_in_dim3A_1 : vector<16xf32> to vector<1x16xf32>
    tpu.vector_store %arg8[%swap3A_368, %swap3A_369], %swap3A_372 {strides = array<i32>} : memref<8x128xf32, #tpu.memory_space<vmem>>, vector<1x16xf32>,
    %swap3A_373 = arith.constant 7 : i32
    %swap3A_374 = arith.index_cast %swap3A_373 : i32 to index
    %swap3A_375 = arith.constant 96 : index
    %swap3A_376 = tpu.vector_load %arg8[%swap3A_374, %swap3A_375] {strides = array<i32>} : memref<8x128xf32, #tpu.memory_space<vmem>>, vector<1x16xf32>,
    %swap3A_377 = vector.shape_cast %swap3A_376 : vector<1x16xf32> to vector<16xf32>
    %swap3A_378 = vector.shape_cast %broadcast_in_dim3A_1 : vector<16xf32> to vector<1x16xf32>
    tpu.vector_store %arg8[%swap3A_374, %swap3A_375], %swap3A_378 {strides = array<i32>} : memref<8x128xf32, #tpu.memory_space<vmem>>, vector<1x16xf32>,
    %swap3A_379 = arith.constant 7 : i32
    %swap3A_380 = arith.index_cast %swap3A_379 : i32 to index
    %swap3A_381 = arith.constant 112 : index
    %swap3A_382 = tpu.vector_load %arg8[%swap3A_380, %swap3A_381] {strides = array<i32>} : memref<8x128xf32, #tpu.memory_space<vmem>>, vector<1x16xf32>,
    %swap3A_383 = vector.shape_cast %swap3A_382 : vector<1x16xf32> to vector<16xf32>
    %swap3A_384 = vector.shape_cast %broadcast_in_dim3A_1 : vector<16xf32> to vector<1x16xf32>
    tpu.vector_store %arg8[%swap3A_380, %swap3A_381], %swap3A_384 {strides = array<i32>} : memref<8x128xf32, #tpu.memory_space<vmem>>, vector<1x16xf32>,
    %scan3A = arith.constant 0 : i32
    %scan3A_385 = arith.constant 0 : i32
    %scan3A_386 = arith.constant 80 : i32
    %scan3A_387 = arith.addi %scan3A_385, %scan3A_386 : i32
    %scan3A_388 = arith.constant 1 : i32
    scf.for %scan3A_518 = %scan3A_385 to %scan3A_387 step %scan3A_388  : i32 {
      %mul3A_519 = arith.constant 640 : i32
      %mul3A_520 = arith.muli %arg1, %mul3A_519 : i32
      %mul3A_521 = arith.constant 8 : i32
      %mul3A_522 = arith.muli %scan3A_518, %mul3A_521 : i32
      %add3A_523 = arith.addi %mul3A_520, %mul3A_522 : i32
      "tpu.region"() ({
        %run_scoped3A = tpu.sem_alloc : memref<!tpu.dma_semaphore, #tpu.memory_space<semaphore_mem>>
        %dma_start3A_524 = arith.constant 0 : i32
        %dma_start3A_525 = tpu.memref_slice %arg9[%add3A_523, %dma_start3A_524] : memref<10240x128xf32, #tpu.memory_space<vmem_shared>> -> memref<8x128xf32, #tpu.memory_space<vmem_shared>>
        %dma_start3A_526 = arith.constant 0 : i32
        %dma_start3A_527 = tpu.memref_slice %arg9[%add3A_523, %dma_start3A_526] : memref<10240x128xf32, #tpu.memory_space<vmem_shared>> -> memref<8x128xf32, #tpu.memory_space<vmem_shared>>
        tpu.enqueue_dma source(%arg8 : memref<8x128xf32, #tpu.memory_space<vmem>>) target(%dma_start3A_527 : memref<8x128xf32, #tpu.memory_space<vmem_shared>>) target_semaphore(%run_scoped3A : memref<!tpu.dma_semaphore, #tpu.memory_space<semaphore_mem>>)
        %dma_wait3A_528 = arith.constant 0 : i32
        %dma_wait3A_529 = tpu.memref_slice %arg9[%add3A_523, %dma_wait3A_528] : memref<10240x128xf32, #tpu.memory_space<vmem_shared>> -> memref<8x128xf32, #tpu.memory_space<vmem_shared>>
        %dma_wait3A_530 = arith.constant 0 : i32
        %dma_wait3A_531 = tpu.memref_slice %arg9[%add3A_523, %dma_wait3A_530] : memref<10240x128xf32, #tpu.memory_space<vmem_shared>> -> memref<8x128xf32, #tpu.memory_space<vmem_shared>>
        tpu.wait_dma2 semaphore(%run_scoped3A : memref<!tpu.dma_semaphore, #tpu.memory_space<semaphore_mem>>) src(%arg8 : memref<8x128xf32, #tpu.memory_space<vmem>>) dst(%dma_wait3A_531 : memref<8x128xf32, #tpu.memory_space<vmem_shared>>)
        tpu.yield
      }) : () -> ()
    }
    %scan3A_389 = arith.constant 80 : i32
    %barrier3A = arith.constant 0 : index
    tpu.barrier barrier_id(%barrier3A)
    %mul3A_390 = arith.constant 10000 : i32
    %mul3A_391 = arith.muli %add3A, %mul3A_390 : i32
    %rem3A = arith.constant 0 : i32
    %rem3A_392 = arith.constant 4 : i32
    %rem3A_393 = arith.remsi %rem3A, %rem3A_392 : i32
    %add3A_394 = arith.constant 0 : i32
    %add3A_395 = arith.addi %mul3A_391, %add3A_394 : i32
    %dma_start3A = arith.constant 0 : i32
    %dma_start3A_396 = tpu.memref_slice %arg5[%rem3A_393, %dma_start3A] : memref<4x80xi32, #tpu.memory_space<vmem>> -> memref<1x80xi32, #tpu.memory_space<vmem>>
    %dma_start3A_397 = tpu.memref_squeeze %dma_start3A_396 : memref<1x80xi32, #tpu.memory_space<vmem>> -> memref<80xi32, #tpu.memory_space<vmem>>
    %dma_start3A_398 = tpu.memref_slice %arg2[%add3A_395] : memref<640000xi32, #tpu.memory_space<hbm>> -> memref<80xi32, #tpu.memory_space<hbm>>
    %dma_start3A_399 = arith.constant 0 : i32
    %dma_start3A_400 = tpu.memref_slice %arg5[%rem3A_393, %dma_start3A_399] : memref<4x80xi32, #tpu.memory_space<vmem>> -> memref<1x80xi32, #tpu.memory_space<vmem>>
    %dma_start3A_401 = tpu.memref_squeeze %dma_start3A_400 : memref<1x80xi32, #tpu.memory_space<vmem>> -> memref<80xi32, #tpu.memory_space<vmem>>
    %dma_start3A_402 = tpu.memref_slice %arg2[%add3A_395] : memref<640000xi32, #tpu.memory_space<hbm>> -> memref<80xi32, #tpu.memory_space<hbm>>
    tpu.enqueue_dma source(%dma_start3A_402 : memref<80xi32, #tpu.memory_space<hbm>>) target(%dma_start3A_401 : memref<80xi32, #tpu.memory_space<vmem>>) target_semaphore(%arg10 : memref<!tpu.dma_semaphore, #tpu.memory_space<semaphore_mem>>)
    %add3A_403 = arith.constant 320000 : i32
    %add3A_404 = arith.addi %add3A_403, %add3A_395 : i32
    %dma_start3A_405 = arith.constant 0 : i32
    %dma_start3A_406 = tpu.memref_slice %arg6[%rem3A_393, %dma_start3A_405] : memref<4x80xi32, #tpu.memory_space<vmem>> -> memref<1x80xi32, #tpu.memory_space<vmem>>
    %dma_start3A_407 = tpu.memref_squeeze %dma_start3A_406 : memref<1x80xi32, #tpu.memory_space<vmem>> -> memref<80xi32, #tpu.memory_space<vmem>>
    %dma_start3A_408 = tpu.memref_slice %arg2[%add3A_404] : memref<640000xi32, #tpu.memory_space<hbm>> -> memref<80xi32, #tpu.memory_space<hbm>>
    %dma_start3A_409 = arith.constant 0 : i32
    %dma_start3A_410 = tpu.memref_slice %arg6[%rem3A_393, %dma_start3A_409] : memref<4x80xi32, #tpu.memory_space<vmem>> -> memref<1x80xi32, #tpu.memory_space<vmem>>
    %dma_start3A_411 = tpu.memref_squeeze %dma_start3A_410 : memref<1x80xi32, #tpu.memory_space<vmem>> -> memref<80xi32, #tpu.memory_space<vmem>>
    %dma_start3A_412 = tpu.memref_slice %arg2[%add3A_404] : memref<640000xi32, #tpu.memory_space<hbm>> -> memref<80xi32, #tpu.memory_space<hbm>>
    tpu.enqueue_dma source(%dma_start3A_412 : memref<80xi32, #tpu.memory_space<hbm>>) target(%dma_start3A_411 : memref<80xi32, #tpu.memory_space<vmem>>) target_semaphore(%arg10 : memref<!tpu.dma_semaphore, #tpu.memory_space<semaphore_mem>>)
    %dma_wait3A = arith.constant 0 : i32
    %dma_wait3A_413 = arith.constant 0 : i32
    %dma_wait3A_414 = tpu.memref_slice %arg5[%dma_wait3A, %dma_wait3A_413] : memref<4x80xi32, #tpu.memory_space<vmem>> -> memref<1x80xi32, #tpu.memory_space<vmem>>
    %dma_wait3A_415 = tpu.memref_squeeze %dma_wait3A_414 : memref<1x80xi32, #tpu.memory_space<vmem>> -> memref<80xi32, #tpu.memory_space<vmem>>
    %dma_wait3A_416 = arith.constant 0 : i32
    %dma_wait3A_417 = tpu.memref_slice %arg2[%dma_wait3A_416] : memref<640000xi32, #tpu.memory_space<hbm>> -> memref<80xi32, #tpu.memory_space<hbm>>
    %dma_wait3A_418 = arith.constant 0 : i32
    %dma_wait3A_419 = tpu.memref_slice %arg5[%dma_wait3A, %dma_wait3A_418] : memref<4x80xi32, #tpu.memory_space<vmem>> -> memref<1x80xi32, #tpu.memory_space<vmem>>
    %dma_wait3A_420 = tpu.memref_squeeze %dma_wait3A_419 : memref<1x80xi32, #tpu.memory_space<vmem>> -> memref<80xi32, #tpu.memory_space<vmem>>
    %dma_wait3A_421 = arith.constant 0 : i32
    %dma_wait3A_422 = tpu.memref_slice %arg2[%dma_wait3A_421] : memref<640000xi32, #tpu.memory_space<hbm>> -> memref<80xi32, #tpu.memory_space<hbm>>
    tpu.wait_dma2 semaphore(%arg10 : memref<!tpu.dma_semaphore, #tpu.memory_space<semaphore_mem>>) src(%dma_wait3A_422 : memref<80xi32, #tpu.memory_space<hbm>>) dst(%dma_wait3A_420 : memref<80xi32, #tpu.memory_space<vmem>>)
    %dma_wait3A_423 = arith.constant 0 : i32
    %dma_wait3A_424 = arith.constant 0 : i32
    %dma_wait3A_425 = tpu.memref_slice %arg6[%dma_wait3A_423, %dma_wait3A_424] : memref<4x80xi32, #tpu.memory_space<vmem>> -> memref<1x80xi32, #tpu.memory_space<vmem>>
    %dma_wait3A_426 = tpu.memref_squeeze %dma_wait3A_425 : memref<1x80xi32, #tpu.memory_space<vmem>> -> memref<80xi32, #tpu.memory_space<vmem>>
    %dma_wait3A_427 = arith.constant 0 : i32
    %dma_wait3A_428 = tpu.memref_slice %arg2[%dma_wait3A_427] : memref<640000xi32, #tpu.memory_space<hbm>> -> memref<80xi32, #tpu.memory_space<hbm>>
    %dma_wait3A_429 = arith.constant 0 : i32
    %dma_wait3A_430 = tpu.memref_slice %arg6[%dma_wait3A_423, %dma_wait3A_429] : memref<4x80xi32, #tpu.memory_space<vmem>> -> memref<1x80xi32, #tpu.memory_space<vmem>>
    %dma_wait3A_431 = tpu.memref_squeeze %dma_wait3A_430 : memref<1x80xi32, #tpu.memory_space<vmem>> -> memref<80xi32, #tpu.memory_space<vmem>>
    %dma_wait3A_432 = arith.constant 0 : i32
    %dma_wait3A_433 = tpu.memref_slice %arg2[%dma_wait3A_432] : memref<640000xi32, #tpu.memory_space<hbm>> -> memref<80xi32, #tpu.memory_space<hbm>>
    tpu.wait_dma2 semaphore(%arg10 : memref<!tpu.dma_semaphore, #tpu.memory_space<semaphore_mem>>) src(%dma_wait3A_433 : memref<80xi32, #tpu.memory_space<hbm>>) dst(%dma_wait3A_431 : memref<80xi32, #tpu.memory_space<vmem>>)
    %rem3A_434 = arith.constant 0 : i32
    %rem3A_435 = arith.constant 4 : i32
    %rem3A_436 = arith.remsi %rem3A_434, %rem3A_435 : i32
    %dma_start3A_437 = arith.constant 0 : i32
    %dma_start3A_438 = arith.constant 0 : i32
    %dma_start3A_439 = tpu.memref_slice %arg7[%rem3A_436, %dma_start3A_437, %dma_start3A_438] : memref<4x80x128xf32, #tpu.memory_space<vmem>> -> memref<1x80x128xf32, #tpu.memory_space<vmem>>
    %dma_start3A_440 = tpu.memref_squeeze %dma_start3A_439 : memref<1x80x128xf32, #tpu.memory_space<vmem>> -> memref<80x128xf32, #tpu.memory_space<vmem>>
    %dma_start3A_441 = arith.constant 0 : i32
    %dma_start3A_442 = tpu.memref_slice %arg5[%rem3A_436, %dma_start3A_441] : memref<4x80xi32, #tpu.memory_space<vmem>> -> memref<1x80xi32, #tpu.memory_space<vmem>>
    %dma_start3A_443 = tpu.memref_squeeze %dma_start3A_442 : memref<1x80xi32, #tpu.memory_space<vmem>> -> memref<80xi32, #tpu.memory_space<vmem>>
    %dma_start3A_444 = arith.constant 0 : i32
    %dma_start3A_445 = arith.constant 0 : i32
    %dma_start3A_446 = tpu.memref_slice %arg3[%dma_start3A_444, %dma_start3A_445] : memref<10240x128xf32, #tpu.memory_space<hbm>> -> memref<10240x128xf32, #tpu.memory_space<hbm>>
    tpu.enqueue_indirect_dma source(%dma_start3A_446 : memref<10240x128xf32, #tpu.memory_space<hbm>>) target(%dma_start3A_440 : memref<80x128xf32, #tpu.memory_space<vmem>>) offsets(%dma_start3A_443 : memref<80xi32, #tpu.memory_space<vmem>>) semaphore(%arg11 : memref<!tpu.dma_semaphore, #tpu.memory_space<semaphore_mem>>)
    %rem3A_447 = arith.constant 1 : i32
    %rem3A_448 = arith.constant 4 : i32
    %rem3A_449 = arith.remsi %rem3A_447, %rem3A_448 : i32
    %add3A_450 = arith.constant 80 : i32
    %add3A_451 = arith.addi %mul3A_391, %add3A_450 : i32
    %dma_start3A_452 = arith.constant 0 : i32
    %dma_start3A_453 = tpu.memref_slice %arg5[%rem3A_449, %dma_start3A_452] : memref<4x80xi32, #tpu.memory_space<vmem>> -> memref<1x80xi32, #tpu.memory_space<vmem>>
    %dma_start3A_454 = tpu.memref_squeeze %dma_start3A_453 : memref<1x80xi32, #tpu.memory_space<vmem>> -> memref<80xi32, #tpu.memory_space<vmem>>
    %dma_start3A_455 = tpu.memref_slice %arg2[%add3A_451] : memref<640000xi32, #tpu.memory_space<hbm>> -> memref<80xi32, #tpu.memory_space<hbm>>
    %dma_start3A_456 = arith.constant 0 : i32
    %dma_start3A_457 = tpu.memref_slice %arg5[%rem3A_449, %dma_start3A_456] : memref<4x80xi32, #tpu.memory_space<vmem>> -> memref<1x80xi32, #tpu.memory_space<vmem>>
    %dma_start3A_458 = tpu.memref_squeeze %dma_start3A_457 : memref<1x80xi32, #tpu.memory_space<vmem>> -> memref<80xi32, #tpu.memory_space<vmem>>
    %dma_start3A_459 = tpu.memref_slice %arg2[%add3A_451] : memref<640000xi32, #tpu.memory_space<hbm>> -> memref<80xi32, #tpu.memory_space<hbm>>
    tpu.enqueue_dma source(%dma_start3A_459 : memref<80xi32, #tpu.memory_space<hbm>>) target(%dma_start3A_458 : memref<80xi32, #tpu.memory_space<vmem>>) target_semaphore(%arg10 : memref<!tpu.dma_semaphore, #tpu.memory_space<semaphore_mem>>)
    %add3A_460 = arith.constant 320000 : i32
    %add3A_461 = arith.addi %add3A_460, %add3A_451 : i32
    %dma_start3A_462 = arith.constant 0 : i32
    %dma_start3A_463 = tpu.memref_slice %arg6[%rem3A_449, %dma_start3A_462] : memref<4x80xi32, #tpu.memory_space<vmem>> -> memref<1x80xi32, #tpu.memory_space<vmem>>
    %dma_start3A_464 = tpu.memref_squeeze %dma_start3A_463 : memref<1x80xi32, #tpu.memory_space<vmem>> -> memref<80xi32, #tpu.memory_space<vmem>>
    %dma_start3A_465 = tpu.memref_slice %arg2[%add3A_461] : memref<640000xi32, #tpu.memory_space<hbm>> -> memref<80xi32, #tpu.memory_space<hbm>>
    %dma_start3A_466 = arith.constant 0 : i32
    %dma_start3A_467 = tpu.memref_slice %arg6[%rem3A_449, %dma_start3A_466] : memref<4x80xi32, #tpu.memory_space<vmem>> -> memref<1x80xi32, #tpu.memory_space<vmem>>
    %dma_start3A_468 = tpu.memref_squeeze %dma_start3A_467 : memref<1x80xi32, #tpu.memory_space<vmem>> -> memref<80xi32, #tpu.memory_space<vmem>>
    %dma_start3A_469 = tpu.memref_slice %arg2[%add3A_461] : memref<640000xi32, #tpu.memory_space<hbm>> -> memref<80xi32, #tpu.memory_space<hbm>>
    tpu.enqueue_dma source(%dma_start3A_469 : memref<80xi32, #tpu.memory_space<hbm>>) target(%dma_start3A_468 : memref<80xi32, #tpu.memory_space<vmem>>) target_semaphore(%arg10 : memref<!tpu.dma_semaphore, #tpu.memory_space<semaphore_mem>>)
    %scan3A_470 = arith.constant 0 : i32
    %scan3A_471 = arith.constant 0 : i32
    %scan3A_472 = arith.constant 125 : i32
    %scan3A_473 = arith.addi %scan3A_471, %scan3A_472 : i32
    %scan3A_474 = arith.constant 1 : i32
    scf.for %scan3A_518 = %scan3A_471 to %scan3A_473 step %scan3A_474  : i32 {
      %rem3A_519 = arith.constant 4 : i32
      %rem3A_520 = arith.remsi %scan3A_518, %rem3A_519 : i32
      %ge3A = arith.constant 2 : i32
      %ge3A_521 = arith.cmpi sge, %scan3A_518, %ge3A : i32
      %convert_element_type3A = arith.extui %ge3A_521 : i1 to i32
      %cond3A = arith.constant 0 : i32
      %cond3A_522 = arith.cmpi ne, %convert_element_type3A, %cond3A : i32
      scf.if %cond3A_522 {
        %add3A_560 = arith.constant 2 : i32
        %add3A_561 = arith.addi %scan3A_518, %add3A_560 : i32
        %rem3A_562 = arith.constant 4 : i32
        %rem3A_563 = arith.remsi %add3A_561, %rem3A_562 : i32
        %dma_wait3A_564 = arith.constant 0 : i32
        %dma_wait3A_565 = arith.constant 0 : i32
        %dma_wait3A_566 = tpu.memref_slice %arg7[%rem3A_563, %dma_wait3A_564, %dma_wait3A_565] : memref<4x80x128xf32, #tpu.memory_space<vmem>> -> memref<1x80x128xf32, #tpu.memory_space<vmem>>
        %dma_wait3A_567 = tpu.memref_squeeze %dma_wait3A_566 : memref<1x80x128xf32, #tpu.memory_space<vmem>> -> memref<80x128xf32, #tpu.memory_space<vmem>>
        %dma_wait3A_568 = arith.constant 0 : i32
        %dma_wait3A_569 = arith.constant 0 : i32
        %dma_wait3A_570 = tpu.memref_slice %arg3[%dma_wait3A_568, %dma_wait3A_569] : memref<10240x128xf32, #tpu.memory_space<hbm>> -> memref<80x128xf32, #tpu.memory_space<hbm>>
        %dma_wait3A_571 = arith.constant 0 : i32
        %dma_wait3A_572 = arith.constant 0 : i32
        %dma_wait3A_573 = tpu.memref_slice %arg7[%rem3A_563, %dma_wait3A_571, %dma_wait3A_572] : memref<4x80x128xf32, #tpu.memory_space<vmem>> -> memref<1x80x128xf32, #tpu.memory_space<vmem>>
        %dma_wait3A_574 = tpu.memref_squeeze %dma_wait3A_573 : memref<1x80x128xf32, #tpu.memory_space<vmem>> -> memref<80x128xf32, #tpu.memory_space<vmem>>
        %dma_wait3A_575 = arith.constant 0 : i32
        %dma_wait3A_576 = arith.constant 0 : i32
        %dma_wait3A_577 = tpu.memref_slice %arg3[%dma_wait3A_575, %dma_wait3A_576] : memref<10240x128xf32, #tpu.memory_space<hbm>> -> memref<80x128xf32, #tpu.memory_space<hbm>>
        tpu.wait_dma2 semaphore(%arg12 : memref<!tpu.dma_semaphore, #tpu.memory_space<semaphore_mem>>) src(%dma_wait3A_577 : memref<80x128xf32, #tpu.memory_space<hbm>>) dst(%dma_wait3A_574 : memref<80x128xf32, #tpu.memory_space<vmem>>)
      } else {
      }
      %add3A_523 = arith.constant 2 : i32
      %add3A_524 = arith.addi %scan3A_518, %add3A_523 : i32
      %lt3A = arith.constant 125 : i32
      %lt3A_525 = arith.cmpi slt, %add3A_524, %lt3A : i32
      %convert_element_type3A_526 = arith.extui %lt3A_525 : i1 to i32
      %cond3A_527 = arith.constant 0 : i32
      %cond3A_528 = arith.cmpi ne, %convert_element_type3A_526, %cond3A_527 : i32
      scf.if %cond3A_528 {
        %add3A_560 = arith.constant 2 : i32
        %add3A_561 = arith.addi %scan3A_518, %add3A_560 : i32
        %rem3A_562 = arith.constant 4 : i32
        %rem3A_563 = arith.remsi %add3A_561, %rem3A_562 : i32
        %mul3A_564 = arith.constant 80 : i32
        %mul3A_565 = arith.muli %add3A_561, %mul3A_564 : i32
        %add3A_566 = arith.addi %mul3A_391, %mul3A_565 : i32
        %dma_start3A_567 = arith.constant 0 : i32
        %dma_start3A_568 = tpu.memref_slice %arg5[%rem3A_563, %dma_start3A_567] : memref<4x80xi32, #tpu.memory_space<vmem>> -> memref<1x80xi32, #tpu.memory_space<vmem>>
        %dma_start3A_569 = tpu.memref_squeeze %dma_start3A_568 : memref<1x80xi32, #tpu.memory_space<vmem>> -> memref<80xi32, #tpu.memory_space<vmem>>
        %dma_start3A_570 = tpu.memref_slice %arg2[%add3A_566] : memref<640000xi32, #tpu.memory_space<hbm>> -> memref<80xi32, #tpu.memory_space<hbm>>
        %dma_start3A_571 = arith.constant 0 : i32
        %dma_start3A_572 = tpu.memref_slice %arg5[%rem3A_563, %dma_start3A_571] : memref<4x80xi32, #tpu.memory_space<vmem>> -> memref<1x80xi32, #tpu.memory_space<vmem>>
        %dma_start3A_573 = tpu.memref_squeeze %dma_start3A_572 : memref<1x80xi32, #tpu.memory_space<vmem>> -> memref<80xi32, #tpu.memory_space<vmem>>
        %dma_start3A_574 = tpu.memref_slice %arg2[%add3A_566] : memref<640000xi32, #tpu.memory_space<hbm>> -> memref<80xi32, #tpu.memory_space<hbm>>
        tpu.enqueue_dma source(%dma_start3A_574 : memref<80xi32, #tpu.memory_space<hbm>>) target(%dma_start3A_573 : memref<80xi32, #tpu.memory_space<vmem>>) target_semaphore(%arg10 : memref<!tpu.dma_semaphore, #tpu.memory_space<semaphore_mem>>)
        %add3A_575 = arith.constant 320000 : i32
        %add3A_576 = arith.addi %add3A_575, %add3A_566 : i32
        %dma_start3A_577 = arith.constant 0 : i32
        %dma_start3A_578 = tpu.memref_slice %arg6[%rem3A_563, %dma_start3A_577] : memref<4x80xi32, #tpu.memory_space<vmem>> -> memref<1x80xi32, #tpu.memory_space<vmem>>
        %dma_start3A_579 = tpu.memref_squeeze %dma_start3A_578 : memref<1x80xi32, #tpu.memory_space<vmem>> -> memref<80xi32, #tpu.memory_space<vmem>>
        %dma_start3A_580 = tpu.memref_slice %arg2[%add3A_576] : memref<640000xi32, #tpu.memory_space<hbm>> -> memref<80xi32, #tpu.memory_space<hbm>>
        %dma_start3A_581 = arith.constant 0 : i32
        %dma_start3A_582 = tpu.memref_slice %arg6[%rem3A_563, %dma_start3A_581] : memref<4x80xi32, #tpu.memory_space<vmem>> -> memref<1x80xi32, #tpu.memory_space<vmem>>
        %dma_start3A_583 = tpu.memref_squeeze %dma_start3A_582 : memref<1x80xi32, #tpu.memory_space<vmem>> -> memref<80xi32, #tpu.memory_space<vmem>>
        %dma_start3A_584 = tpu.memref_slice %arg2[%add3A_576] : memref<640000xi32, #tpu.memory_space<hbm>> -> memref<80xi32, #tpu.memory_space<hbm>>
        tpu.enqueue_dma source(%dma_start3A_584 : memref<80xi32, #tpu.memory_space<hbm>>) target(%dma_start3A_583 : memref<80xi32, #tpu.memory_space<vmem>>) target_semaphore(%arg10 : memref<!tpu.dma_semaphore, #tpu.memory_space<semaphore_mem>>)
      } else {
      }
      %add3A_529 = arith.constant 1 : i32
      %add3A_530 = arith.addi %scan3A_518, %add3A_529 : i32
      %lt3A_531 = arith.constant 125 : i32
      %lt3A_532 = arith.cmpi slt, %add3A_530, %lt3A_531 : i32
      %convert_element_type3A_533 = arith.extui %lt3A_532 : i1 to i32
      %cond3A_534 = arith.constant 0 : i32
      %cond3A_535 = arith.cmpi ne, %convert_element_type3A_533, %cond3A_534 : i32
      scf.if %cond3A_535 {
        %add3A_560 = arith.constant 1 : i32
        %add3A_561 = arith.addi %scan3A_518, %add3A_560 : i32
        %rem3A_562 = arith.constant 4 : i32
        %rem3A_563 = arith.remsi %add3A_561, %rem3A_562 : i32
        %dma_wait3A_564 = arith.constant 0 : i32
        %dma_wait3A_565 = tpu.memref_slice %arg5[%rem3A_563, %dma_wait3A_564] : memref<4x80xi32, #tpu.memory_space<vmem>> -> memref<1x80xi32, #tpu.memory_space<vmem>>
        %dma_wait3A_566 = tpu.memref_squeeze %dma_wait3A_565 : memref<1x80xi32, #tpu.memory_space<vmem>> -> memref<80xi32, #tpu.memory_space<vmem>>
        %dma_wait3A_567 = arith.constant 0 : i32
        %dma_wait3A_568 = tpu.memref_slice %arg2[%dma_wait3A_567] : memref<640000xi32, #tpu.memory_space<hbm>> -> memref<80xi32, #tpu.memory_space<hbm>>
        %dma_wait3A_569 = arith.constant 0 : i32
        %dma_wait3A_570 = tpu.memref_slice %arg5[%rem3A_563, %dma_wait3A_569] : memref<4x80xi32, #tpu.memory_space<vmem>> -> memref<1x80xi32, #tpu.memory_space<vmem>>
        %dma_wait3A_571 = tpu.memref_squeeze %dma_wait3A_570 : memref<1x80xi32, #tpu.memory_space<vmem>> -> memref<80xi32, #tpu.memory_space<vmem>>
        %dma_wait3A_572 = arith.constant 0 : i32
        %dma_wait3A_573 = tpu.memref_slice %arg2[%dma_wait3A_572] : memref<640000xi32, #tpu.memory_space<hbm>> -> memref<80xi32, #tpu.memory_space<hbm>>
        tpu.wait_dma2 semaphore(%arg10 : memref<!tpu.dma_semaphore, #tpu.memory_space<semaphore_mem>>) src(%dma_wait3A_573 : memref<80xi32, #tpu.memory_space<hbm>>) dst(%dma_wait3A_571 : memref<80xi32, #tpu.memory_space<vmem>>)
        %dma_wait3A_574 = arith.constant 0 : i32
        %dma_wait3A_575 = tpu.memref_slice %arg6[%rem3A_563, %dma_wait3A_574] : memref<4x80xi32, #tpu.memory_space<vmem>> -> memref<1x80xi32, #tpu.memory_space<vmem>>
        %dma_wait3A_576 = tpu.memref_squeeze %dma_wait3A_575 : memref<1x80xi32, #tpu.memory_space<vmem>> -> memref<80xi32, #tpu.memory_space<vmem>>
        %dma_wait3A_577 = arith.constant 0 : i32
        %dma_wait3A_578 = tpu.memref_slice %arg2[%dma_wait3A_577] : memref<640000xi32, #tpu.memory_space<hbm>> -> memref<80xi32, #tpu.memory_space<hbm>>
        %dma_wait3A_579 = arith.constant 0 : i32
        %dma_wait3A_580 = tpu.memref_slice %arg6[%rem3A_563, %dma_wait3A_579] : memref<4x80xi32, #tpu.memory_space<vmem>> -> memref<1x80xi32, #tpu.memory_space<vmem>>
        %dma_wait3A_581 = tpu.memref_squeeze %dma_wait3A_580 : memref<1x80xi32, #tpu.memory_space<vmem>> -> memref<80xi32, #tpu.memory_space<vmem>>
        %dma_wait3A_582 = arith.constant 0 : i32
        %dma_wait3A_583 = tpu.memref_slice %arg2[%dma_wait3A_582] : memref<640000xi32, #tpu.memory_space<hbm>> -> memref<80xi32, #tpu.memory_space<hbm>>
        tpu.wait_dma2 semaphore(%arg10 : memref<!tpu.dma_semaphore, #tpu.memory_space<semaphore_mem>>) src(%dma_wait3A_583 : memref<80xi32, #tpu.memory_space<hbm>>) dst(%dma_wait3A_581 : memref<80xi32, #tpu.memory_space<vmem>>)
        %add3A_584 = arith.constant 1 : i32
        %add3A_585 = arith.addi %scan3A_518, %add3A_584 : i32
        %rem3A_586 = arith.constant 4 : i32
        %rem3A_587 = arith.remsi %add3A_585, %rem3A_586 : i32
        %dma_start3A_588 = arith.constant 0 : i32
        %dma_start3A_589 = arith.constant 0 : i32
        %dma_start3A_590 = tpu.memref_slice %arg7[%rem3A_587, %dma_start3A_588, %dma_start3A_589] : memref<4x80x128xf32, #tpu.memory_space<vmem>> -> memref<1x80x128xf32, #tpu.memory_space<vmem>>
        %dma_start3A_591 = tpu.memref_squeeze %dma_start3A_590 : memref<1x80x128xf32, #tpu.memory_space<vmem>> -> memref<80x128xf32, #tpu.memory_space<vmem>>
        %dma_start3A_592 = arith.constant 0 : i32
        %dma_start3A_593 = tpu.memref_slice %arg5[%rem3A_587, %dma_start3A_592] : memref<4x80xi32, #tpu.memory_space<vmem>> -> memref<1x80xi32, #tpu.memory_space<vmem>>
        %dma_start3A_594 = tpu.memref_squeeze %dma_start3A_593 : memref<1x80xi32, #tpu.memory_space<vmem>> -> memref<80xi32, #tpu.memory_space<vmem>>
        %dma_start3A_595 = arith.constant 0 : i32
        %dma_start3A_596 = arith.constant 0 : i32
        %dma_start3A_597 = tpu.memref_slice %arg3[%dma_start3A_595, %dma_start3A_596] : memref<10240x128xf32, #tpu.memory_space<hbm>> -> memref<10240x128xf32, #tpu.memory_space<hbm>>
        tpu.enqueue_indirect_dma source(%dma_start3A_597 : memref<10240x128xf32, #tpu.memory_space<hbm>>) target(%dma_start3A_591 : memref<80x128xf32, #tpu.memory_space<vmem>>) offsets(%dma_start3A_594 : memref<80xi32, #tpu.memory_space<vmem>>) semaphore(%arg11 : memref<!tpu.dma_semaphore, #tpu.memory_space<semaphore_mem>>)
      } else {
      }
      %dma_wait3A_536 = arith.constant 0 : i32
      %dma_wait3A_537 = arith.constant 0 : i32
      %dma_wait3A_538 = tpu.memref_slice %arg7[%rem3A_520, %dma_wait3A_536, %dma_wait3A_537] : memref<4x80x128xf32, #tpu.memory_space<vmem>> -> memref<1x80x128xf32, #tpu.memory_space<vmem>>
      %dma_wait3A_539 = tpu.memref_squeeze %dma_wait3A_538 : memref<1x80x128xf32, #tpu.memory_space<vmem>> -> memref<80x128xf32, #tpu.memory_space<vmem>>
      %dma_wait3A_540 = arith.constant 0 : i32
      %dma_wait3A_541 = arith.constant 0 : i32
      %dma_wait3A_542 = tpu.memref_slice %arg3[%dma_wait3A_540, %dma_wait3A_541] : memref<10240x128xf32, #tpu.memory_space<hbm>> -> memref<80x128xf32, #tpu.memory_space<hbm>>
      %dma_wait3A_543 = arith.constant 0 : i32
      %dma_wait3A_544 = arith.constant 0 : i32
      %dma_wait3A_545 = tpu.memref_slice %arg7[%rem3A_520, %dma_wait3A_543, %dma_wait3A_544] : memref<4x80x128xf32, #tpu.memory_space<vmem>> -> memref<1x80x128xf32, #tpu.memory_space<vmem>>
      %dma_wait3A_546 = tpu.memref_squeeze %dma_wait3A_545 : memref<1x80x128xf32, #tpu.memory_space<vmem>> -> memref<80x128xf32, #tpu.memory_space<vmem>>
      %dma_wait3A_547 = arith.constant 0 : i32
      %dma_wait3A_548 = arith.constant 0 : i32
      %dma_wait3A_549 = tpu.memref_slice %arg3[%dma_wait3A_547, %dma_wait3A_548] : memref<10240x128xf32, #tpu.memory_space<hbm>> -> memref<80x128xf32, #tpu.memory_space<hbm>>
      tpu.wait_dma2 semaphore(%arg11 : memref<!tpu.dma_semaphore, #tpu.memory_space<semaphore_mem>>) src(%dma_wait3A_549 : memref<80x128xf32, #tpu.memory_space<hbm>>) dst(%dma_wait3A_546 : memref<80x128xf32, #tpu.memory_space<vmem>>)
      %dma_start3A_550 = arith.constant 0 : i32
      %dma_start3A_551 = arith.constant 0 : i32
      %dma_start3A_552 = tpu.memref_slice %arg7[%rem3A_520, %dma_start3A_550, %dma_start3A_551] : memref<4x80x128xf32, #tpu.memory_space<vmem>> -> memref<1x80x128xf32, #tpu.memory_space<vmem>>
      %dma_start3A_553 = tpu.memref_squeeze %dma_start3A_552 : memref<1x80x128xf32, #tpu.memory_space<vmem>> -> memref<80x128xf32, #tpu.memory_space<vmem>>
      %dma_start3A_554 = arith.constant 0 : i32
      %dma_start3A_555 = tpu.memref_slice %arg6[%rem3A_520, %dma_start3A_554] : memref<4x80xi32, #tpu.memory_space<vmem>> -> memref<1x80xi32, #tpu.memory_space<vmem>>
      %dma_start3A_556 = tpu.memref_squeeze %dma_start3A_555 : memref<1x80xi32, #tpu.memory_space<vmem>> -> memref<80xi32, #tpu.memory_space<vmem>>
      %dma_start3A_557 = arith.constant 0 : i32
      %dma_start3A_558 = arith.constant 0 : i32
      %dma_start3A_559 = tpu.memref_slice %arg9[%dma_start3A_557, %dma_start3A_558] : memref<10240x128xf32, #tpu.memory_space<vmem_shared>> -> memref<10240x128xf32, #tpu.memory_space<vmem_shared>>
      tpu.enqueue_indirect_dma source(%dma_start3A_553 : memref<80x128xf32, #tpu.memory_space<vmem>>) target(%dma_start3A_559 : memref<10240x128xf32, #tpu.memory_space<vmem_shared>>) offsets(%dma_start3A_556 : memref<80xi32, #tpu.memory_space<vmem>>) semaphore(%arg12 : memref<!tpu.dma_semaphore, #tpu.memory_space<semaphore_mem>>) {add = true}
    }
    %scan3A_475 = arith.constant 125 : i32
    %rem3A_476 = arith.constant 123 : i32
    %rem3A_477 = arith.constant 4 : i32
    %rem3A_478 = arith.remsi %rem3A_476, %rem3A_477 : i32
    %dma_wait3A_479 = arith.constant 0 : i32
    %dma_wait3A_480 = arith.constant 0 : i32
    %dma_wait3A_481 = tpu.memref_slice %arg7[%rem3A_478, %dma_wait3A_479, %dma_wait3A_480] : memref<4x80x128xf32, #tpu.memory_space<vmem>> -> memref<1x80x128xf32, #tpu.memory_space<vmem>>
    %dma_wait3A_482 = tpu.memref_squeeze %dma_wait3A_481 : memref<1x80x128xf32, #tpu.memory_space<vmem>> -> memref<80x128xf32, #tpu.memory_space<vmem>>
    %dma_wait3A_483 = arith.constant 0 : i32
    %dma_wait3A_484 = arith.constant 0 : i32
    %dma_wait3A_485 = tpu.memref_slice %arg3[%dma_wait3A_483, %dma_wait3A_484] : memref<10240x128xf32, #tpu.memory_space<hbm>> -> memref<80x128xf32, #tpu.memory_space<hbm>>
    %dma_wait3A_486 = arith.constant 0 : i32
    %dma_wait3A_487 = arith.constant 0 : i32
    %dma_wait3A_488 = tpu.memref_slice %arg7[%rem3A_478, %dma_wait3A_486, %dma_wait3A_487] : memref<4x80x128xf32, #tpu.memory_space<vmem>> -> memref<1x80x128xf32, #tpu.memory_space<vmem>>
    %dma_wait3A_489 = tpu.memref_squeeze %dma_wait3A_488 : memref<1x80x128xf32, #tpu.memory_space<vmem>> -> memref<80x128xf32, #tpu.memory_space<vmem>>
    %dma_wait3A_490 = arith.constant 0 : i32
    %dma_wait3A_491 = arith.constant 0 : i32
    %dma_wait3A_492 = tpu.memref_slice %arg3[%dma_wait3A_490, %dma_wait3A_491] : memref<10240x128xf32, #tpu.memory_space<hbm>> -> memref<80x128xf32, #tpu.memory_space<hbm>>
    tpu.wait_dma2 semaphore(%arg12 : memref<!tpu.dma_semaphore, #tpu.memory_space<semaphore_mem>>) src(%dma_wait3A_492 : memref<80x128xf32, #tpu.memory_space<hbm>>) dst(%dma_wait3A_489 : memref<80x128xf32, #tpu.memory_space<vmem>>)
    %rem3A_493 = arith.constant 124 : i32
    %rem3A_494 = arith.constant 4 : i32
    %rem3A_495 = arith.remsi %rem3A_493, %rem3A_494 : i32
    %dma_wait3A_496 = arith.constant 0 : i32
    %dma_wait3A_497 = arith.constant 0 : i32
    %dma_wait3A_498 = tpu.memref_slice %arg7[%rem3A_495, %dma_wait3A_496, %dma_wait3A_497] : memref<4x80x128xf32, #tpu.memory_space<vmem>> -> memref<1x80x128xf32, #tpu.memory_space<vmem>>
    %dma_wait3A_499 = tpu.memref_squeeze %dma_wait3A_498 : memref<1x80x128xf32, #tpu.memory_space<vmem>> -> memref<80x128xf32, #tpu.memory_space<vmem>>
    %dma_wait3A_500 = arith.constant 0 : i32
    %dma_wait3A_501 = arith.constant 0 : i32
    %dma_wait3A_502 = tpu.memref_slice %arg3[%dma_wait3A_500, %dma_wait3A_501] : memref<10240x128xf32, #tpu.memory_space<hbm>> -> memref<80x128xf32, #tpu.memory_space<hbm>>
    %dma_wait3A_503 = arith.constant 0 : i32
    %dma_wait3A_504 = arith.constant 0 : i32
    %dma_wait3A_505 = tpu.memref_slice %arg7[%rem3A_495, %dma_wait3A_503, %dma_wait3A_504] : memref<4x80x128xf32, #tpu.memory_space<vmem>> -> memref<1x80x128xf32, #tpu.memory_space<vmem>>
    %dma_wait3A_506 = tpu.memref_squeeze %dma_wait3A_505 : memref<1x80x128xf32, #tpu.memory_space<vmem>> -> memref<80x128xf32, #tpu.memory_space<vmem>>
    %dma_wait3A_507 = arith.constant 0 : i32
    %dma_wait3A_508 = arith.constant 0 : i32
    %dma_wait3A_509 = tpu.memref_slice %arg3[%dma_wait3A_507, %dma_wait3A_508] : memref<10240x128xf32, #tpu.memory_space<hbm>> -> memref<80x128xf32, #tpu.memory_space<hbm>>
    tpu.wait_dma2 semaphore(%arg12 : memref<!tpu.dma_semaphore, #tpu.memory_space<semaphore_mem>>) src(%dma_wait3A_509 : memref<80x128xf32, #tpu.memory_space<hbm>>) dst(%dma_wait3A_506 : memref<80x128xf32, #tpu.memory_space<vmem>>)
    %barrier3A_510 = arith.constant 0 : index
    tpu.barrier barrier_id(%barrier3A_510)
    %mul3A_511 = arith.constant 640 : i32
    %mul3A_512 = arith.muli %arg1, %mul3A_511 : i32
    %mul3A_513 = arith.constant 10240 : i32
    %mul3A_514 = arith.muli %arg0, %mul3A_513 : i32
    %mul3A_515 = arith.constant 640 : i32
    %mul3A_516 = arith.muli %arg1, %mul3A_515 : i32
    %add3A_517 = arith.addi %mul3A_514, %mul3A_516 : i32
    "tpu.region"() ({
      %run_scoped3A = tpu.sem_alloc : memref<!tpu.dma_semaphore, #tpu.memory_space<semaphore_mem>>
      %dma_start3A_518 = arith.constant 0 : i32
      %dma_start3A_519 = tpu.memref_slice %arg4[%add3A_517, %dma_start3A_518] : memref<20480x128xf32, #tpu.memory_space<hbm>> -> memref<640x128xf32, #tpu.memory_space<hbm>>
      %dma_start3A_520 = arith.constant 0 : i32
      %dma_start3A_521 = tpu.memref_slice %arg9[%mul3A_512, %dma_start3A_520] : memref<10240x128xf32, #tpu.memory_space<vmem_shared>> -> memref<640x128xf32, #tpu.memory_space<vmem_shared>>
      tpu.enqueue_dma source(%dma_start3A_521 : memref<640x128xf32, #tpu.memory_space<vmem_shared>>) target(%dma_start3A_519 : memref<640x128xf32, #tpu.memory_space<hbm>>) target_semaphore(%run_scoped3A : memref<!tpu.dma_semaphore, #tpu.memory_space<semaphore_mem>>)
      %dma_wait3A_522 = arith.constant 0 : i32
      %dma_wait3A_523 = tpu.memref_slice %arg4[%add3A_517, %dma_wait3A_522] : memref<20480x128xf32, #tpu.memory_space<hbm>> -> memref<640x128xf32, #tpu.memory_space<hbm>>
      %dma_wait3A_524 = arith.constant 0 : i32
      %dma_wait3A_525 = tpu.memref_slice %arg9[%mul3A_512, %dma_wait3A_524] : memref<10240x128xf32, #tpu.memory_space<vmem_shared>> -> memref<640x128xf32, #tpu.memory_space<vmem_shared>>
      tpu.wait_dma2 semaphore(%run_scoped3A : memref<!tpu.dma_semaphore, #tpu.memory_space<semaphore_mem>>) src(%dma_wait3A_525 : memref<640x128xf32, #tpu.memory_space<vmem_shared>>) dst(%dma_wait3A_523 : memref<640x128xf32, #tpu.memory_space<hbm>>)
      tpu.yield
    }) : () -> ()
    return
  }
}

module attributes {stable_mosaic.version = 14 : i64} {
  func.func @_mid_body(%arg0: i32, %arg1: memref<2x2048x128xf32, #tpu.memory_space<vmem>>, %arg2: memref<2048x128xf32, #tpu.memory_space<vmem>>, %arg3: memref<2x16x128xf32, #tpu.memory_space<vmem>>, %arg4: memref<1x128xf32, #tpu.memory_space<vmem>>, %arg5: memref<128x128xf32, #tpu.memory_space<vmem>>, %arg6: memref<2048x128xf32, #tpu.memory_space<vmem>>) attributes {dimension_semantics = [#tpu.dimension_semantics<arbitrary>], iteration_bounds = array<i64: 5>, scalar_prefetch = 0 : i64, scratch_operands = 0 : i64, tpu.core_type = #tpu.core_type<tc>, window_params = [{transform_indices = @transform_0, window_bounds = array<i64: 2, 2048, 128>}, {transform_indices = @transform_1, window_bounds = array<i64: 2048, 128>}, {transform_indices = @transform_2, window_bounds = array<i64: 2, 16, 128>}, {pipeline_mode = #tpu.pipeline_mode<synchronous>, transform_indices = @transform_3, window_bounds = array<i64: 1, 128>}, {pipeline_mode = #tpu.pipeline_mode<synchronous>, transform_indices = @transform_4, window_bounds = array<i64: 128, 128>}, {transform_indices = @transform_5, window_bounds = array<i64: 2048, 128>}]} {
    %get3A = arith.constant 0 : index
    %get3A_0 = arith.constant 0 : index
    %get3A_1 = arith.constant 0 : index
    %get3A_2 = vector.load %arg3[%get3A, %get3A_0, %get3A_1] : memref<2x16x128xf32, #tpu.memory_space<vmem>>, vector<2x16x128xf32>
    %slice3A = vector.extract_strided_slice %get3A_2 {offsets = [0, 0, 0], sizes = [1, 16, 128], strides = [1, 1, 1]} : vector<2x16x128xf32> to vector<1x16x128xf32>
    %squeeze3A = vector.shape_cast %slice3A : vector<1x16x128xf32> to vector<16x128xf32>
    %slice3A_3 = vector.extract_strided_slice %get3A_2 {offsets = [1, 0, 0], sizes = [1, 16, 128], strides = [1, 1, 1]} : vector<2x16x128xf32> to vector<1x16x128xf32>
    %squeeze3A_4 = vector.shape_cast %slice3A_3 : vector<1x16x128xf32> to vector<16x128xf32>
    %add3A = arith.addf %squeeze3A, %squeeze3A_4 : vector<16x128xf32>
    %add3A_5 = arith.constant 1.000000e+00 : f32
    %add3A_6 = vector.broadcast %add3A_5 : f32 to vector<16x128xf32>
    %add3A_7 = arith.addf %add3A, %add3A_6 : vector<16x128xf32>
    %rsqrt3A = math.rsqrt %add3A_7 : vector<16x128xf32>
    %transpose3A = tpu.transpose %rsqrt3A, [1, 0] : vector<16x128xf32> -> vector<128x16xf32>
    %slice3A_8 = vector.extract_strided_slice %transpose3A {offsets = [0, 0], sizes = [128, 1], strides = [1, 1]} : vector<128x16xf32> to vector<128x1xf32>
    %broadcast_in_dim3A = vector.shape_cast %slice3A_8 : vector<128x1xf32> to vector<128x1xf32>
    %broadcast_in_dim3A_9 = vector.broadcast %broadcast_in_dim3A : vector<128x1xf32> to vector<128x128xf32>
    %slice3A_10 = vector.extract_strided_slice %transpose3A {offsets = [0, 1], sizes = [128, 1], strides = [1, 1]} : vector<128x16xf32> to vector<128x1xf32>
    %broadcast_in_dim3A_11 = vector.shape_cast %slice3A_10 : vector<128x1xf32> to vector<128x1xf32>
    %broadcast_in_dim3A_12 = vector.broadcast %broadcast_in_dim3A_11 : vector<128x1xf32> to vector<128x128xf32>
    %slice3A_13 = vector.extract_strided_slice %transpose3A {offsets = [0, 2], sizes = [128, 1], strides = [1, 1]} : vector<128x16xf32> to vector<128x1xf32>
    %broadcast_in_dim3A_14 = vector.shape_cast %slice3A_13 : vector<128x1xf32> to vector<128x1xf32>
    %broadcast_in_dim3A_15 = vector.broadcast %broadcast_in_dim3A_14 : vector<128x1xf32> to vector<128x128xf32>
    %slice3A_16 = vector.extract_strided_slice %transpose3A {offsets = [0, 3], sizes = [128, 1], strides = [1, 1]} : vector<128x16xf32> to vector<128x1xf32>
    %broadcast_in_dim3A_17 = vector.shape_cast %slice3A_16 : vector<128x1xf32> to vector<128x1xf32>
    %broadcast_in_dim3A_18 = vector.broadcast %broadcast_in_dim3A_17 : vector<128x1xf32> to vector<128x128xf32>
    %slice3A_19 = vector.extract_strided_slice %transpose3A {offsets = [0, 4], sizes = [128, 1], strides = [1, 1]} : vector<128x16xf32> to vector<128x1xf32>
    %broadcast_in_dim3A_20 = vector.shape_cast %slice3A_19 : vector<128x1xf32> to vector<128x1xf32>
    %broadcast_in_dim3A_21 = vector.broadcast %broadcast_in_dim3A_20 : vector<128x1xf32> to vector<128x128xf32>
    %slice3A_22 = vector.extract_strided_slice %transpose3A {offsets = [0, 5], sizes = [128, 1], strides = [1, 1]} : vector<128x16xf32> to vector<128x1xf32>
    %broadcast_in_dim3A_23 = vector.shape_cast %slice3A_22 : vector<128x1xf32> to vector<128x1xf32>
    %broadcast_in_dim3A_24 = vector.broadcast %broadcast_in_dim3A_23 : vector<128x1xf32> to vector<128x128xf32>
    %slice3A_25 = vector.extract_strided_slice %transpose3A {offsets = [0, 6], sizes = [128, 1], strides = [1, 1]} : vector<128x16xf32> to vector<128x1xf32>
    %broadcast_in_dim3A_26 = vector.shape_cast %slice3A_25 : vector<128x1xf32> to vector<128x1xf32>
    %broadcast_in_dim3A_27 = vector.broadcast %broadcast_in_dim3A_26 : vector<128x1xf32> to vector<128x128xf32>
    %slice3A_28 = vector.extract_strided_slice %transpose3A {offsets = [0, 7], sizes = [128, 1], strides = [1, 1]} : vector<128x16xf32> to vector<128x1xf32>
    %broadcast_in_dim3A_29 = vector.shape_cast %slice3A_28 : vector<128x1xf32> to vector<128x1xf32>
    %broadcast_in_dim3A_30 = vector.broadcast %broadcast_in_dim3A_29 : vector<128x1xf32> to vector<128x128xf32>
    %slice3A_31 = vector.extract_strided_slice %transpose3A {offsets = [0, 8], sizes = [128, 1], strides = [1, 1]} : vector<128x16xf32> to vector<128x1xf32>
    %broadcast_in_dim3A_32 = vector.shape_cast %slice3A_31 : vector<128x1xf32> to vector<128x1xf32>
    %broadcast_in_dim3A_33 = vector.broadcast %broadcast_in_dim3A_32 : vector<128x1xf32> to vector<128x128xf32>
    %slice3A_34 = vector.extract_strided_slice %transpose3A {offsets = [0, 9], sizes = [128, 1], strides = [1, 1]} : vector<128x16xf32> to vector<128x1xf32>
    %broadcast_in_dim3A_35 = vector.shape_cast %slice3A_34 : vector<128x1xf32> to vector<128x1xf32>
    %broadcast_in_dim3A_36 = vector.broadcast %broadcast_in_dim3A_35 : vector<128x1xf32> to vector<128x128xf32>
    %slice3A_37 = vector.extract_strided_slice %transpose3A {offsets = [0, 10], sizes = [128, 1], strides = [1, 1]} : vector<128x16xf32> to vector<128x1xf32>
    %broadcast_in_dim3A_38 = vector.shape_cast %slice3A_37 : vector<128x1xf32> to vector<128x1xf32>
    %broadcast_in_dim3A_39 = vector.broadcast %broadcast_in_dim3A_38 : vector<128x1xf32> to vector<128x128xf32>
    %slice3A_40 = vector.extract_strided_slice %transpose3A {offsets = [0, 11], sizes = [128, 1], strides = [1, 1]} : vector<128x16xf32> to vector<128x1xf32>
    %broadcast_in_dim3A_41 = vector.shape_cast %slice3A_40 : vector<128x1xf32> to vector<128x1xf32>
    %broadcast_in_dim3A_42 = vector.broadcast %broadcast_in_dim3A_41 : vector<128x1xf32> to vector<128x128xf32>
    %slice3A_43 = vector.extract_strided_slice %transpose3A {offsets = [0, 12], sizes = [128, 1], strides = [1, 1]} : vector<128x16xf32> to vector<128x1xf32>
    %broadcast_in_dim3A_44 = vector.shape_cast %slice3A_43 : vector<128x1xf32> to vector<128x1xf32>
    %broadcast_in_dim3A_45 = vector.broadcast %broadcast_in_dim3A_44 : vector<128x1xf32> to vector<128x128xf32>
    %slice3A_46 = vector.extract_strided_slice %transpose3A {offsets = [0, 13], sizes = [128, 1], strides = [1, 1]} : vector<128x16xf32> to vector<128x1xf32>
    %broadcast_in_dim3A_47 = vector.shape_cast %slice3A_46 : vector<128x1xf32> to vector<128x1xf32>
    %broadcast_in_dim3A_48 = vector.broadcast %broadcast_in_dim3A_47 : vector<128x1xf32> to vector<128x128xf32>
    %slice3A_49 = vector.extract_strided_slice %transpose3A {offsets = [0, 14], sizes = [128, 1], strides = [1, 1]} : vector<128x16xf32> to vector<128x1xf32>
    %broadcast_in_dim3A_50 = vector.shape_cast %slice3A_49 : vector<128x1xf32> to vector<128x1xf32>
    %broadcast_in_dim3A_51 = vector.broadcast %broadcast_in_dim3A_50 : vector<128x1xf32> to vector<128x128xf32>
    %slice3A_52 = vector.extract_strided_slice %transpose3A {offsets = [0, 15], sizes = [128, 1], strides = [1, 1]} : vector<128x16xf32> to vector<128x1xf32>
    %broadcast_in_dim3A_53 = vector.shape_cast %slice3A_52 : vector<128x1xf32> to vector<128x1xf32>
    %broadcast_in_dim3A_54 = vector.broadcast %broadcast_in_dim3A_53 : vector<128x1xf32> to vector<128x128xf32>
    %concatenate3A = tpu.concatenate %broadcast_in_dim3A_9, %broadcast_in_dim3A_12, %broadcast_in_dim3A_15, %broadcast_in_dim3A_18, %broadcast_in_dim3A_21, %broadcast_in_dim3A_24, %broadcast_in_dim3A_27, %broadcast_in_dim3A_30, %broadcast_in_dim3A_33, %broadcast_in_dim3A_36, %broadcast_in_dim3A_39, %broadcast_in_dim3A_42, %broadcast_in_dim3A_45, %broadcast_in_dim3A_48, %broadcast_in_dim3A_51, %broadcast_in_dim3A_54 in 0 : vector<128x128xf32>, vector<128x128xf32>, vector<128x128xf32>, vector<128x128xf32>, vector<128x128xf32>, vector<128x128xf32>, vector<128x128xf32>, vector<128x128xf32>, vector<128x128xf32>, vector<128x128xf32>, vector<128x128xf32>, vector<128x128xf32>, vector<128x128xf32>, vector<128x128xf32>, vector<128x128xf32>, vector<128x128xf32> -> vector<2048x128xf32>
    %get3A_55 = arith.constant 0 : index
    %get3A_56 = arith.constant 0 : index
    %get3A_57 = arith.constant 0 : index
    %get3A_58 = vector.load %arg1[%get3A_55, %get3A_56, %get3A_57] : memref<2x2048x128xf32, #tpu.memory_space<vmem>>, vector<1x2048x128xf32>
    %get3A_59 = vector.shape_cast %get3A_58 : vector<1x2048x128xf32> to vector<2048x128xf32>
    %get3A_60 = arith.constant 1 : index
    %get3A_61 = arith.constant 0 : index
    %get3A_62 = arith.constant 0 : index
    %get3A_63 = vector.load %arg1[%get3A_60, %get3A_61, %get3A_62] : memref<2x2048x128xf32, #tpu.memory_space<vmem>>, vector<1x2048x128xf32>
    %get3A_64 = vector.shape_cast %get3A_63 : vector<1x2048x128xf32> to vector<2048x128xf32>
    %add3A_65 = arith.addf %get3A_59, %get3A_64 : vector<2048x128xf32>
    %get3A_66 = arith.constant 0 : index
    %get3A_67 = arith.constant 0 : index
    %get3A_68 = vector.load %arg2[%get3A_66, %get3A_67] : memref<2048x128xf32, #tpu.memory_space<vmem>>, vector<2048x128xf32>
    %add3A_69 = arith.addf %add3A_65, %get3A_68 : vector<2048x128xf32>
    %mul3A = arith.mulf %concatenate3A, %add3A_69 : vector<2048x128xf32>
    %get3A_70 = arith.constant 0 : index
    %get3A_71 = arith.constant 0 : index
    %get3A_72 = vector.load %arg4[%get3A_70, %get3A_71] : memref<1x128xf32, #tpu.memory_space<vmem>>, vector<1x128xf32>
    %add3A_73 = vector.broadcast %get3A_72 : vector<1x128xf32> to vector<2048x128xf32>
    %add3A_74 = arith.addf %mul3A, %add3A_73 : vector<2048x128xf32>
    %max3A = arith.constant 0.000000e+00 : f32
    %max3A_75 = vector.broadcast %max3A : f32 to vector<2048x128xf32>
    %max3A_76 = arith.maximumf %add3A_74, %max3A_75 : vector<2048x128xf32>
    %get3A_77 = arith.constant 0 : index
    %get3A_78 = arith.constant 0 : index
    %get3A_79 = vector.load %arg5[%get3A_77, %get3A_78] : memref<128x128xf32, #tpu.memory_space<vmem>>, vector<128x128xf32>
    %dot_general3A = arith.constant dense<0.000000e+00> : vector<2048x128xf32>
    %dot_general3A_80 = tpu.matmul %max3A_76, %get3A_79, %dot_general3A {dimension_numbers = #tpu.dot_dimension_numbers<[1], [0], [0], [1], [0, 0, 1, 1], [], []>, transpose_lhs_hint = false} : vector<2048x128xf32>, vector<128x128xf32>, vector<2048x128xf32> -> vector<2048x128xf32>
    %mul3A_81 = arith.mulf %concatenate3A, %dot_general3A_80 : vector<2048x128xf32>
    %swap3A = arith.constant 0 : index
    %swap3A_82 = arith.constant 0 : index
    %swap3A_83 = vector.load %arg6[%swap3A, %swap3A_82] : memref<2048x128xf32, #tpu.memory_space<vmem>>, vector<2048x128xf32>
    tpu.vector_store %arg6[%swap3A, %swap3A_82], %mul3A_81 {strides = array<i32>} : memref<2048x128xf32, #tpu.memory_space<vmem>>, vector<2048x128xf32>,
    return
  }
  func.func @transform_0(%arg0: i32) -> (i32, i32, i32) {
    %c0_i32 = arith.constant 0 : i32
    %c0_i32_0 = arith.constant 0 : i32
    %c0_i32_1 = arith.constant 0 : i32
    return %c0_i32, %arg0, %c0_i32_0 : i32, i32, i32
  }
  func.func @transform_1(%arg0: i32) -> (i32, i32) {
    %c0_i32 = arith.constant 0 : i32
    %c0_i32_0 = arith.constant 0 : i32
    return %arg0, %c0_i32 : i32, i32
  }
  func.func @transform_2(%arg0: i32) -> (i32, i32, i32) {
    %c0_i32 = arith.constant 0 : i32
    %c0_i32_0 = arith.constant 0 : i32
    %c0_i32_1 = arith.constant 0 : i32
    return %c0_i32, %arg0, %c0_i32_0 : i32, i32, i32
  }
  func.func @transform_3(%arg0: i32) -> (i32, i32) {
    %c0_i32 = arith.constant 0 : i32
    %c0_i32_0 = arith.constant 0 : i32
    %c0_i32_1 = arith.constant 0 : i32
    return %c0_i32, %c0_i32_0 : i32, i32
  }
  func.func @transform_4(%arg0: i32) -> (i32, i32) {
    %c0_i32 = arith.constant 0 : i32
    %c0_i32_0 = arith.constant 0 : i32
    %c0_i32_1 = arith.constant 0 : i32
    return %c0_i32, %c0_i32_0 : i32, i32
  }
  func.func @transform_5(%arg0: i32) -> (i32, i32) {
    %c0_i32 = arith.constant 0 : i32
    %c0_i32_0 = arith.constant 0 : i32
    return %arg0, %c0_i32 : i32, i32
  }
}

module attributes {stable_mosaic.version = 14 : i64} {
  func.func @_prep_body(%arg0: i32, %arg1: memref<2048x128xf32, #tpu.memory_space<vmem>>, %arg2: memref<128x128xf32, #tpu.memory_space<vmem>>, %arg3: memref<1x128xf32, #tpu.memory_space<vmem>>, %arg4: memref<1x128xf32, #tpu.memory_space<vmem>>, %arg5: memref<1x128xf32, #tpu.memory_space<vmem>>, %arg6: memref<1x128xf32, #tpu.memory_space<vmem>>, %arg7: memref<1x128xf32, #tpu.memory_space<vmem>>, %arg8: memref<128x128xf32, #tpu.memory_space<vmem>>, %arg9: memref<2048x128xf32, #tpu.memory_space<vmem>>, %arg10: memref<2048x128xf32, #tpu.memory_space<vmem>>) attributes {dimension_semantics = [#tpu.dimension_semantics<arbitrary>], iteration_bounds = array<i64: 5>, scalar_prefetch = 0 : i64, scratch_operands = 0 : i64, tpu.core_type = #tpu.core_type<tc>, window_params = [{transform_indices = @transform_0, window_bounds = array<i64: 2048, 128>}, {pipeline_mode = #tpu.pipeline_mode<synchronous>, transform_indices = @transform_1, window_bounds = array<i64: 128, 128>}, {pipeline_mode = #tpu.pipeline_mode<synchronous>, transform_indices = @transform_2, window_bounds = array<i64: 1, 128>}, {pipeline_mode = #tpu.pipeline_mode<synchronous>, transform_indices = @transform_3, window_bounds = array<i64: 1, 128>}, {pipeline_mode = #tpu.pipeline_mode<synchronous>, transform_indices = @transform_4, window_bounds = array<i64: 1, 128>}, {pipeline_mode = #tpu.pipeline_mode<synchronous>, transform_indices = @transform_5, window_bounds = array<i64: 1, 128>}, {pipeline_mode = #tpu.pipeline_mode<synchronous>, transform_indices = @transform_6, window_bounds = array<i64: 1, 128>}, {pipeline_mode = #tpu.pipeline_mode<synchronous>, transform_indices = @transform_7, window_bounds = array<i64: 128, 128>}, {transform_indices = @transform_8, window_bounds = array<i64: 2048, 128>}, {transform_indices = @transform_9, window_bounds = array<i64: 2048, 128>}]} {
    %get3A = arith.constant 0 : index
    %get3A_0 = arith.constant 0 : index
    %get3A_1 = vector.load %arg1[%get3A, %get3A_0] : memref<2048x128xf32, #tpu.memory_space<vmem>>, vector<2048x128xf32>
    %get3A_2 = arith.constant 0 : index
    %get3A_3 = arith.constant 0 : index
    %get3A_4 = vector.load %arg2[%get3A_2, %get3A_3] : memref<128x128xf32, #tpu.memory_space<vmem>>, vector<128x128xf32>
    %dot_general3A = arith.constant dense<0.000000e+00> : vector<2048x128xf32>
    %dot_general3A_5 = tpu.matmul %get3A_1, %get3A_4, %dot_general3A {dimension_numbers = #tpu.dot_dimension_numbers<[1], [0], [0], [1], [0, 0, 1, 1], [], []>, transpose_lhs_hint = false} : vector<2048x128xf32>, vector<128x128xf32>, vector<2048x128xf32> -> vector<2048x128xf32>
    %get3A_6 = arith.constant 0 : index
    %get3A_7 = arith.constant 0 : index
    %get3A_8 = vector.load %arg3[%get3A_6, %get3A_7] : memref<1x128xf32, #tpu.memory_space<vmem>>, vector<1x128xf32>
    %add3A = vector.broadcast %get3A_8 : vector<1x128xf32> to vector<2048x128xf32>
    %add3A_9 = arith.addf %dot_general3A_5, %add3A : vector<2048x128xf32>
    %get3A_10 = arith.constant 0 : index
    %get3A_11 = arith.constant 0 : index
    %get3A_12 = vector.load %arg6[%get3A_10, %get3A_11] : memref<1x128xf32, #tpu.memory_space<vmem>>, vector<1x128xf32>
    %sub3A = vector.broadcast %get3A_12 : vector<1x128xf32> to vector<2048x128xf32>
    %sub3A_13 = arith.subf %add3A_9, %sub3A : vector<2048x128xf32>
    %get3A_14 = arith.constant 0 : index
    %get3A_15 = arith.constant 0 : index
    %get3A_16 = vector.load %arg7[%get3A_14, %get3A_15] : memref<1x128xf32, #tpu.memory_space<vmem>>, vector<1x128xf32>
    %add3A_17 = arith.constant 9.99999974E-6 : f32
    %add3A_18 = vector.broadcast %add3A_17 : f32 to vector<1x128xf32>
    %add3A_19 = arith.addf %get3A_16, %add3A_18 : vector<1x128xf32>
    %sqrt3A = math.sqrt %add3A_19 : vector<1x128xf32>
    %div3A = vector.broadcast %sqrt3A : vector<1x128xf32> to vector<2048x128xf32>
    %div3A_20 = arith.divf %sub3A_13, %div3A : vector<2048x128xf32>
    %get3A_21 = arith.constant 0 : index
    %get3A_22 = arith.constant 0 : index
    %get3A_23 = vector.load %arg4[%get3A_21, %get3A_22] : memref<1x128xf32, #tpu.memory_space<vmem>>, vector<1x128xf32>
    %mul3A = vector.broadcast %get3A_23 : vector<1x128xf32> to vector<2048x128xf32>
    %mul3A_24 = arith.mulf %div3A_20, %mul3A : vector<2048x128xf32>
    %get3A_25 = arith.constant 0 : index
    %get3A_26 = arith.constant 0 : index
    %get3A_27 = vector.load %arg5[%get3A_25, %get3A_26] : memref<1x128xf32, #tpu.memory_space<vmem>>, vector<1x128xf32>
    %add3A_28 = vector.broadcast %get3A_27 : vector<1x128xf32> to vector<2048x128xf32>
    %add3A_29 = arith.addf %mul3A_24, %add3A_28 : vector<2048x128xf32>
    %max3A = arith.constant 0.000000e+00 : f32
    %max3A_30 = vector.broadcast %max3A : f32 to vector<2048x128xf32>
    %max3A_31 = arith.maximumf %add3A_29, %max3A_30 : vector<2048x128xf32>
    %swap3A = arith.constant 0 : index
    %swap3A_32 = arith.constant 0 : index
    %swap3A_33 = vector.load %arg9[%swap3A, %swap3A_32] : memref<2048x128xf32, #tpu.memory_space<vmem>>, vector<2048x128xf32>
    tpu.vector_store %arg9[%swap3A, %swap3A_32], %max3A_31 {strides = array<i32>} : memref<2048x128xf32, #tpu.memory_space<vmem>>, vector<2048x128xf32>,
    %get3A_34 = arith.constant 0 : index
    %get3A_35 = arith.constant 0 : index
    %get3A_36 = vector.load %arg8[%get3A_34, %get3A_35] : memref<128x128xf32, #tpu.memory_space<vmem>>, vector<128x128xf32>
    %dot_general3A_37 = arith.constant dense<0.000000e+00> : vector<2048x128xf32>
    %dot_general3A_38 = tpu.matmul %get3A_1, %get3A_36, %dot_general3A_37 {dimension_numbers = #tpu.dot_dimension_numbers<[1], [0], [0], [1], [0, 0, 1, 1], [], []>, transpose_lhs_hint = false} : vector<2048x128xf32>, vector<128x128xf32>, vector<2048x128xf32> -> vector<2048x128xf32>
    %swap3A_39 = arith.constant 0 : index
    %swap3A_40 = arith.constant 0 : index
    %swap3A_41 = vector.load %arg10[%swap3A_39, %swap3A_40] : memref<2048x128xf32, #tpu.memory_space<vmem>>, vector<2048x128xf32>
    tpu.vector_store %arg10[%swap3A_39, %swap3A_40], %dot_general3A_38 {strides = array<i32>} : memref<2048x128xf32, #tpu.memory_space<vmem>>, vector<2048x128xf32>,
    return
  }
  func.func @transform_0(%arg0: i32) -> (i32, i32) {
    %c0_i32 = arith.constant 0 : i32
    %c0_i32_0 = arith.constant 0 : i32
    return %arg0, %c0_i32 : i32, i32
  }
  func.func @transform_1(%arg0: i32) -> (i32, i32) {
    %c0_i32 = arith.constant 0 : i32
    %c0_i32_0 = arith.constant 0 : i32
    %c0_i32_1 = arith.constant 0 : i32
    return %c0_i32, %c0_i32_0 : i32, i32
  }
  func.func @transform_2(%arg0: i32) -> (i32, i32) {
    %c0_i32 = arith.constant 0 : i32
    %c0_i32_0 = arith.constant 0 : i32
    %c0_i32_1 = arith.constant 0 : i32
    return %c0_i32, %c0_i32_0 : i32, i32
  }
  func.func @transform_3(%arg0: i32) -> (i32, i32) {
    %c0_i32 = arith.constant 0 : i32
    %c0_i32_0 = arith.constant 0 : i32
    %c0_i32_1 = arith.constant 0 : i32
    return %c0_i32, %c0_i32_0 : i32, i32
  }
  func.func @transform_4(%arg0: i32) -> (i32, i32) {
    %c0_i32 = arith.constant 0 : i32
    %c0_i32_0 = arith.constant 0 : i32
    %c0_i32_1 = arith.constant 0 : i32
    return %c0_i32, %c0_i32_0 : i32, i32
  }
  func.func @transform_5(%arg0: i32) -> (i32, i32) {
    %c0_i32 = arith.constant 0 : i32
    %c0_i32_0 = arith.constant 0 : i32
    %c0_i32_1 = arith.constant 0 : i32
    return %c0_i32, %c0_i32_0 : i32, i32
  }
  func.func @transform_6(%arg0: i32) -> (i32, i32) {
    %c0_i32 = arith.constant 0 : i32
    %c0_i32_0 = arith.constant 0 : i32
    %c0_i32_1 = arith.constant 0 : i32
    return %c0_i32, %c0_i32_0 : i32, i32
  }
  func.func @transform_7(%arg0: i32) -> (i32, i32) {
    %c0_i32 = arith.constant 0 : i32
    %c0_i32_0 = arith.constant 0 : i32
    %c0_i32_1 = arith.constant 0 : i32
    return %c0_i32, %c0_i32_0 : i32, i32
  }
  func.func @transform_8(%arg0: i32) -> (i32, i32) {
    %c0_i32 = arith.constant 0 : i32
    %c0_i32_0 = arith.constant 0 : i32
    return %arg0, %c0_i32 : i32, i32
  }
  func.func @transform_9(%arg0: i32) -> (i32, i32) {
    %c0_i32 = arith.constant 0 : i32
    %c0_i32_0 = arith.constant 0 : i32
    return %arg0, %c0_i32 : i32, i32
  }
}

module attributes {stable_mosaic.version = 14 : i64} {
  func.func @_scale_body(%arg0: i32, %arg1: memref<2x16x128xf32, #tpu.memory_space<vmem>>, %arg2: memref<2048x128xf32, #tpu.memory_space<vmem>>, %arg3: memref<2048x128xf32, #tpu.memory_space<vmem>>) attributes {dimension_semantics = [#tpu.dimension_semantics<arbitrary>], iteration_bounds = array<i64: 5>, scalar_prefetch = 0 : i64, scratch_operands = 0 : i64, tpu.core_type = #tpu.core_type<tc>, window_params = [{transform_indices = @transform_0, window_bounds = array<i64: 2, 16, 128>}, {transform_indices = @transform_1, window_bounds = array<i64: 2048, 128>}, {transform_indices = @transform_2, window_bounds = array<i64: 2048, 128>}]} {
    %get3A = arith.constant 0 : index
    %get3A_0 = arith.constant 0 : index
    %get3A_1 = arith.constant 0 : index
    %get3A_2 = vector.load %arg1[%get3A, %get3A_0, %get3A_1] : memref<2x16x128xf32, #tpu.memory_space<vmem>>, vector<2x16x128xf32>
    %slice3A = vector.extract_strided_slice %get3A_2 {offsets = [0, 0, 0], sizes = [1, 16, 128], strides = [1, 1, 1]} : vector<2x16x128xf32> to vector<1x16x128xf32>
    %squeeze3A = vector.shape_cast %slice3A : vector<1x16x128xf32> to vector<16x128xf32>
    %slice3A_3 = vector.extract_strided_slice %get3A_2 {offsets = [1, 0, 0], sizes = [1, 16, 128], strides = [1, 1, 1]} : vector<2x16x128xf32> to vector<1x16x128xf32>
    %squeeze3A_4 = vector.shape_cast %slice3A_3 : vector<1x16x128xf32> to vector<16x128xf32>
    %add3A = arith.addf %squeeze3A, %squeeze3A_4 : vector<16x128xf32>
    %add3A_5 = arith.constant 1.000000e+00 : f32
    %add3A_6 = vector.broadcast %add3A_5 : f32 to vector<16x128xf32>
    %add3A_7 = arith.addf %add3A, %add3A_6 : vector<16x128xf32>
    %rsqrt3A = math.rsqrt %add3A_7 : vector<16x128xf32>
    %transpose3A = tpu.transpose %rsqrt3A, [1, 0] : vector<16x128xf32> -> vector<128x16xf32>
    %slice3A_8 = vector.extract_strided_slice %transpose3A {offsets = [0, 0], sizes = [128, 1], strides = [1, 1]} : vector<128x16xf32> to vector<128x1xf32>
    %broadcast_in_dim3A = vector.shape_cast %slice3A_8 : vector<128x1xf32> to vector<128x1xf32>
    %broadcast_in_dim3A_9 = vector.broadcast %broadcast_in_dim3A : vector<128x1xf32> to vector<128x128xf32>
    %slice3A_10 = vector.extract_strided_slice %transpose3A {offsets = [0, 1], sizes = [128, 1], strides = [1, 1]} : vector<128x16xf32> to vector<128x1xf32>
    %broadcast_in_dim3A_11 = vector.shape_cast %slice3A_10 : vector<128x1xf32> to vector<128x1xf32>
    %broadcast_in_dim3A_12 = vector.broadcast %broadcast_in_dim3A_11 : vector<128x1xf32> to vector<128x128xf32>
    %slice3A_13 = vector.extract_strided_slice %transpose3A {offsets = [0, 2], sizes = [128, 1], strides = [1, 1]} : vector<128x16xf32> to vector<128x1xf32>
    %broadcast_in_dim3A_14 = vector.shape_cast %slice3A_13 : vector<128x1xf32> to vector<128x1xf32>
    %broadcast_in_dim3A_15 = vector.broadcast %broadcast_in_dim3A_14 : vector<128x1xf32> to vector<128x128xf32>
    %slice3A_16 = vector.extract_strided_slice %transpose3A {offsets = [0, 3], sizes = [128, 1], strides = [1, 1]} : vector<128x16xf32> to vector<128x1xf32>
    %broadcast_in_dim3A_17 = vector.shape_cast %slice3A_16 : vector<128x1xf32> to vector<128x1xf32>
    %broadcast_in_dim3A_18 = vector.broadcast %broadcast_in_dim3A_17 : vector<128x1xf32> to vector<128x128xf32>
    %slice3A_19 = vector.extract_strided_slice %transpose3A {offsets = [0, 4], sizes = [128, 1], strides = [1, 1]} : vector<128x16xf32> to vector<128x1xf32>
    %broadcast_in_dim3A_20 = vector.shape_cast %slice3A_19 : vector<128x1xf32> to vector<128x1xf32>
    %broadcast_in_dim3A_21 = vector.broadcast %broadcast_in_dim3A_20 : vector<128x1xf32> to vector<128x128xf32>
    %slice3A_22 = vector.extract_strided_slice %transpose3A {offsets = [0, 5], sizes = [128, 1], strides = [1, 1]} : vector<128x16xf32> to vector<128x1xf32>
    %broadcast_in_dim3A_23 = vector.shape_cast %slice3A_22 : vector<128x1xf32> to vector<128x1xf32>
    %broadcast_in_dim3A_24 = vector.broadcast %broadcast_in_dim3A_23 : vector<128x1xf32> to vector<128x128xf32>
    %slice3A_25 = vector.extract_strided_slice %transpose3A {offsets = [0, 6], sizes = [128, 1], strides = [1, 1]} : vector<128x16xf32> to vector<128x1xf32>
    %broadcast_in_dim3A_26 = vector.shape_cast %slice3A_25 : vector<128x1xf32> to vector<128x1xf32>
    %broadcast_in_dim3A_27 = vector.broadcast %broadcast_in_dim3A_26 : vector<128x1xf32> to vector<128x128xf32>
    %slice3A_28 = vector.extract_strided_slice %transpose3A {offsets = [0, 7], sizes = [128, 1], strides = [1, 1]} : vector<128x16xf32> to vector<128x1xf32>
    %broadcast_in_dim3A_29 = vector.shape_cast %slice3A_28 : vector<128x1xf32> to vector<128x1xf32>
    %broadcast_in_dim3A_30 = vector.broadcast %broadcast_in_dim3A_29 : vector<128x1xf32> to vector<128x128xf32>
    %slice3A_31 = vector.extract_strided_slice %transpose3A {offsets = [0, 8], sizes = [128, 1], strides = [1, 1]} : vector<128x16xf32> to vector<128x1xf32>
    %broadcast_in_dim3A_32 = vector.shape_cast %slice3A_31 : vector<128x1xf32> to vector<128x1xf32>
    %broadcast_in_dim3A_33 = vector.broadcast %broadcast_in_dim3A_32 : vector<128x1xf32> to vector<128x128xf32>
    %slice3A_34 = vector.extract_strided_slice %transpose3A {offsets = [0, 9], sizes = [128, 1], strides = [1, 1]} : vector<128x16xf32> to vector<128x1xf32>
    %broadcast_in_dim3A_35 = vector.shape_cast %slice3A_34 : vector<128x1xf32> to vector<128x1xf32>
    %broadcast_in_dim3A_36 = vector.broadcast %broadcast_in_dim3A_35 : vector<128x1xf32> to vector<128x128xf32>
    %slice3A_37 = vector.extract_strided_slice %transpose3A {offsets = [0, 10], sizes = [128, 1], strides = [1, 1]} : vector<128x16xf32> to vector<128x1xf32>
    %broadcast_in_dim3A_38 = vector.shape_cast %slice3A_37 : vector<128x1xf32> to vector<128x1xf32>
    %broadcast_in_dim3A_39 = vector.broadcast %broadcast_in_dim3A_38 : vector<128x1xf32> to vector<128x128xf32>
    %slice3A_40 = vector.extract_strided_slice %transpose3A {offsets = [0, 11], sizes = [128, 1], strides = [1, 1]} : vector<128x16xf32> to vector<128x1xf32>
    %broadcast_in_dim3A_41 = vector.shape_cast %slice3A_40 : vector<128x1xf32> to vector<128x1xf32>
    %broadcast_in_dim3A_42 = vector.broadcast %broadcast_in_dim3A_41 : vector<128x1xf32> to vector<128x128xf32>
    %slice3A_43 = vector.extract_strided_slice %transpose3A {offsets = [0, 12], sizes = [128, 1], strides = [1, 1]} : vector<128x16xf32> to vector<128x1xf32>
    %broadcast_in_dim3A_44 = vector.shape_cast %slice3A_43 : vector<128x1xf32> to vector<128x1xf32>
    %broadcast_in_dim3A_45 = vector.broadcast %broadcast_in_dim3A_44 : vector<128x1xf32> to vector<128x128xf32>
    %slice3A_46 = vector.extract_strided_slice %transpose3A {offsets = [0, 13], sizes = [128, 1], strides = [1, 1]} : vector<128x16xf32> to vector<128x1xf32>
    %broadcast_in_dim3A_47 = vector.shape_cast %slice3A_46 : vector<128x1xf32> to vector<128x1xf32>
    %broadcast_in_dim3A_48 = vector.broadcast %broadcast_in_dim3A_47 : vector<128x1xf32> to vector<128x128xf32>
    %slice3A_49 = vector.extract_strided_slice %transpose3A {offsets = [0, 14], sizes = [128, 1], strides = [1, 1]} : vector<128x16xf32> to vector<128x1xf32>
    %broadcast_in_dim3A_50 = vector.shape_cast %slice3A_49 : vector<128x1xf32> to vector<128x1xf32>
    %broadcast_in_dim3A_51 = vector.broadcast %broadcast_in_dim3A_50 : vector<128x1xf32> to vector<128x128xf32>
    %slice3A_52 = vector.extract_strided_slice %transpose3A {offsets = [0, 15], sizes = [128, 1], strides = [1, 1]} : vector<128x16xf32> to vector<128x1xf32>
    %broadcast_in_dim3A_53 = vector.shape_cast %slice3A_52 : vector<128x1xf32> to vector<128x1xf32>
    %broadcast_in_dim3A_54 = vector.broadcast %broadcast_in_dim3A_53 : vector<128x1xf32> to vector<128x128xf32>
    %concatenate3A = tpu.concatenate %broadcast_in_dim3A_9, %broadcast_in_dim3A_12, %broadcast_in_dim3A_15, %broadcast_in_dim3A_18, %broadcast_in_dim3A_21, %broadcast_in_dim3A_24, %broadcast_in_dim3A_27, %broadcast_in_dim3A_30, %broadcast_in_dim3A_33, %broadcast_in_dim3A_36, %broadcast_in_dim3A_39, %broadcast_in_dim3A_42, %broadcast_in_dim3A_45, %broadcast_in_dim3A_48, %broadcast_in_dim3A_51, %broadcast_in_dim3A_54 in 0 : vector<128x128xf32>, vector<128x128xf32>, vector<128x128xf32>, vector<128x128xf32>, vector<128x128xf32>, vector<128x128xf32>, vector<128x128xf32>, vector<128x128xf32>, vector<128x128xf32>, vector<128x128xf32>, vector<128x128xf32>, vector<128x128xf32>, vector<128x128xf32>, vector<128x128xf32>, vector<128x128xf32>, vector<128x128xf32> -> vector<2048x128xf32>
    %get3A_55 = arith.constant 0 : index
    %get3A_56 = arith.constant 0 : index
    %get3A_57 = vector.load %arg2[%get3A_55, %get3A_56] : memref<2048x128xf32, #tpu.memory_space<vmem>>, vector<2048x128xf32>
    %mul3A = arith.mulf %concatenate3A, %get3A_57 : vector<2048x128xf32>
    %swap3A = arith.constant 0 : index
    %swap3A_58 = arith.constant 0 : index
    %swap3A_59 = vector.load %arg3[%swap3A, %swap3A_58] : memref<2048x128xf32, #tpu.memory_space<vmem>>, vector<2048x128xf32>
    tpu.vector_store %arg3[%swap3A, %swap3A_58], %mul3A {strides = array<i32>} : memref<2048x128xf32, #tpu.memory_space<vmem>>, vector<2048x128xf32>,
    return
  }
  func.func @transform_0(%arg0: i32) -> (i32, i32, i32) {
    %c0_i32 = arith.constant 0 : i32
    %c0_i32_0 = arith.constant 0 : i32
    %c0_i32_1 = arith.constant 0 : i32
    return %c0_i32, %arg0, %c0_i32_0 : i32, i32, i32
  }
  func.func @transform_1(%arg0: i32) -> (i32, i32) {
    %c0_i32 = arith.constant 0 : i32
    %c0_i32_0 = arith.constant 0 : i32
    return %arg0, %c0_i32 : i32, i32
  }
  func.func @transform_2(%arg0: i32) -> (i32, i32) {
    %c0_i32 = arith.constant 0 : i32
    %c0_i32_0 = arith.constant 0 : i32
    return %arg0, %c0_i32 : i32, i32
  }
}

module attributes {stable_mosaic.version = 14 : i64} {
  func.func @_final_body(%arg0: i32, %arg1: memref<2x2048x128xf32, #tpu.memory_space<vmem>>, %arg2: memref<2048x128xf32, #tpu.memory_space<vmem>>, %arg3: memref<2x16x128xf32, #tpu.memory_space<vmem>>, %arg4: memref<1x128xf32, #tpu.memory_space<vmem>>, %arg5: memref<2048x128xf32, #tpu.memory_space<vmem>>, %arg6: memref<256x128xf32, #tpu.memory_space<vmem>>, %arg7: memref<1x1xf32, #tpu.memory_space<vmem>>, %arg8: memref<128x128xf32, #tpu.memory_space<vmem>>, %arg9: memref<1x128xf32, #tpu.memory_space<vmem>>, %arg10: memref<128x64xf32, #tpu.memory_space<vmem>>, %arg11: memref<1x64xf32, #tpu.memory_space<vmem>>, %arg12: memref<1x128xf32, #tpu.memory_space<vmem>>, %arg13: memref<1x1xf32, #tpu.memory_space<vmem>>, %arg14: memref<2048x64xf32, #tpu.memory_space<vmem>>, %arg15: memref<2048xf32, #tpu.memory_space<vmem>>) attributes {dimension_semantics = [#tpu.dimension_semantics<arbitrary>], iteration_bounds = array<i64: 5>, scalar_prefetch = 0 : i64, scratch_operands = 0 : i64, tpu.core_type = #tpu.core_type<tc>, window_params = [{transform_indices = @transform_0, window_bounds = array<i64: 2, 2048, 128>}, {transform_indices = @transform_1, window_bounds = array<i64: 2048, 128>}, {transform_indices = @transform_2, window_bounds = array<i64: 2, 16, 128>}, {pipeline_mode = #tpu.pipeline_mode<synchronous>, transform_indices = @transform_3, window_bounds = array<i64: 1, 128>}, {transform_indices = @transform_4, window_bounds = array<i64: 2048, 128>}, {pipeline_mode = #tpu.pipeline_mode<synchronous>, transform_indices = @transform_5, window_bounds = array<i64: 256, 128>}, {pipeline_mode = #tpu.pipeline_mode<synchronous>, transform_indices = @transform_6, window_bounds = array<i64: 1, 1>}, {pipeline_mode = #tpu.pipeline_mode<synchronous>, transform_indices = @transform_7, window_bounds = array<i64: 128, 128>}, {pipeline_mode = #tpu.pipeline_mode<synchronous>, transform_indices = @transform_8, window_bounds = array<i64: 1, 128>}, {pipeline_mode = #tpu.pipeline_mode<synchronous>, transform_indices = @transform_9, window_bounds = array<i64: 128, 64>}, {pipeline_mode = #tpu.pipeline_mode<synchronous>, transform_indices = @transform_10, window_bounds = array<i64: 1, 64>}, {pipeline_mode = #tpu.pipeline_mode<synchronous>, transform_indices = @transform_11, window_bounds = array<i64: 1, 128>}, {pipeline_mode = #tpu.pipeline_mode<synchronous>, transform_indices = @transform_12, window_bounds = array<i64: 1, 1>}, {transform_indices = @transform_13, window_bounds = array<i64: 2048, 64>}, {transform_indices = @transform_14, window_bounds = array<i64: 2048>}]} {
    %get3A = arith.constant 0 : index
    %get3A_0 = arith.constant 0 : index
    %get3A_1 = arith.constant 0 : index
    %get3A_2 = vector.load %arg1[%get3A, %get3A_0, %get3A_1] : memref<2x2048x128xf32, #tpu.memory_space<vmem>>, vector<1x2048x128xf32>
    %get3A_3 = vector.shape_cast %get3A_2 : vector<1x2048x128xf32> to vector<2048x128xf32>
    %get3A_4 = arith.constant 1 : index
    %get3A_5 = arith.constant 0 : index
    %get3A_6 = arith.constant 0 : index
    %get3A_7 = vector.load %arg1[%get3A_4, %get3A_5, %get3A_6] : memref<2x2048x128xf32, #tpu.memory_space<vmem>>, vector<1x2048x128xf32>
    %get3A_8 = vector.shape_cast %get3A_7 : vector<1x2048x128xf32> to vector<2048x128xf32>
    %add3A = arith.addf %get3A_3, %get3A_8 : vector<2048x128xf32>
    %get3A_9 = arith.constant 0 : index
    %get3A_10 = arith.constant 0 : index
    %get3A_11 = vector.load %arg2[%get3A_9, %get3A_10] : memref<2048x128xf32, #tpu.memory_space<vmem>>, vector<2048x128xf32>
    %add3A_12 = arith.addf %add3A, %get3A_11 : vector<2048x128xf32>
    %get3A_13 = arith.constant 0 : index
    %get3A_14 = arith.constant 0 : index
    %get3A_15 = arith.constant 0 : index
    %get3A_16 = vector.load %arg3[%get3A_13, %get3A_14, %get3A_15] : memref<2x16x128xf32, #tpu.memory_space<vmem>>, vector<2x16x128xf32>
    %slice3A = vector.extract_strided_slice %get3A_16 {offsets = [0, 0, 0], sizes = [1, 16, 128], strides = [1, 1, 1]} : vector<2x16x128xf32> to vector<1x16x128xf32>
    %squeeze3A = vector.shape_cast %slice3A : vector<1x16x128xf32> to vector<16x128xf32>
    %slice3A_17 = vector.extract_strided_slice %get3A_16 {offsets = [1, 0, 0], sizes = [1, 16, 128], strides = [1, 1, 1]} : vector<2x16x128xf32> to vector<1x16x128xf32>
    %squeeze3A_18 = vector.shape_cast %slice3A_17 : vector<1x16x128xf32> to vector<16x128xf32>
    %add3A_19 = arith.addf %squeeze3A, %squeeze3A_18 : vector<16x128xf32>
    %add3A_20 = arith.constant 1.000000e+00 : f32
    %add3A_21 = vector.broadcast %add3A_20 : f32 to vector<16x128xf32>
    %add3A_22 = arith.addf %add3A_19, %add3A_21 : vector<16x128xf32>
    %rsqrt3A = math.rsqrt %add3A_22 : vector<16x128xf32>
    %transpose3A = tpu.transpose %rsqrt3A, [1, 0] : vector<16x128xf32> -> vector<128x16xf32>
    %slice3A_23 = vector.extract_strided_slice %transpose3A {offsets = [0, 0], sizes = [128, 1], strides = [1, 1]} : vector<128x16xf32> to vector<128x1xf32>
    %broadcast_in_dim3A = vector.shape_cast %slice3A_23 : vector<128x1xf32> to vector<128x1xf32>
    %broadcast_in_dim3A_24 = vector.broadcast %broadcast_in_dim3A : vector<128x1xf32> to vector<128x128xf32>
    %slice3A_25 = vector.extract_strided_slice %transpose3A {offsets = [0, 1], sizes = [128, 1], strides = [1, 1]} : vector<128x16xf32> to vector<128x1xf32>
    %broadcast_in_dim3A_26 = vector.shape_cast %slice3A_25 : vector<128x1xf32> to vector<128x1xf32>
    %broadcast_in_dim3A_27 = vector.broadcast %broadcast_in_dim3A_26 : vector<128x1xf32> to vector<128x128xf32>
    %slice3A_28 = vector.extract_strided_slice %transpose3A {offsets = [0, 2], sizes = [128, 1], strides = [1, 1]} : vector<128x16xf32> to vector<128x1xf32>
    %broadcast_in_dim3A_29 = vector.shape_cast %slice3A_28 : vector<128x1xf32> to vector<128x1xf32>
    %broadcast_in_dim3A_30 = vector.broadcast %broadcast_in_dim3A_29 : vector<128x1xf32> to vector<128x128xf32>
    %slice3A_31 = vector.extract_strided_slice %transpose3A {offsets = [0, 3], sizes = [128, 1], strides = [1, 1]} : vector<128x16xf32> to vector<128x1xf32>
    %broadcast_in_dim3A_32 = vector.shape_cast %slice3A_31 : vector<128x1xf32> to vector<128x1xf32>
    %broadcast_in_dim3A_33 = vector.broadcast %broadcast_in_dim3A_32 : vector<128x1xf32> to vector<128x128xf32>
    %slice3A_34 = vector.extract_strided_slice %transpose3A {offsets = [0, 4], sizes = [128, 1], strides = [1, 1]} : vector<128x16xf32> to vector<128x1xf32>
    %broadcast_in_dim3A_35 = vector.shape_cast %slice3A_34 : vector<128x1xf32> to vector<128x1xf32>
    %broadcast_in_dim3A_36 = vector.broadcast %broadcast_in_dim3A_35 : vector<128x1xf32> to vector<128x128xf32>
    %slice3A_37 = vector.extract_strided_slice %transpose3A {offsets = [0, 5], sizes = [128, 1], strides = [1, 1]} : vector<128x16xf32> to vector<128x1xf32>
    %broadcast_in_dim3A_38 = vector.shape_cast %slice3A_37 : vector<128x1xf32> to vector<128x1xf32>
    %broadcast_in_dim3A_39 = vector.broadcast %broadcast_in_dim3A_38 : vector<128x1xf32> to vector<128x128xf32>
    %slice3A_40 = vector.extract_strided_slice %transpose3A {offsets = [0, 6], sizes = [128, 1], strides = [1, 1]} : vector<128x16xf32> to vector<128x1xf32>
    %broadcast_in_dim3A_41 = vector.shape_cast %slice3A_40 : vector<128x1xf32> to vector<128x1xf32>
    %broadcast_in_dim3A_42 = vector.broadcast %broadcast_in_dim3A_41 : vector<128x1xf32> to vector<128x128xf32>
    %slice3A_43 = vector.extract_strided_slice %transpose3A {offsets = [0, 7], sizes = [128, 1], strides = [1, 1]} : vector<128x16xf32> to vector<128x1xf32>
    %broadcast_in_dim3A_44 = vector.shape_cast %slice3A_43 : vector<128x1xf32> to vector<128x1xf32>
    %broadcast_in_dim3A_45 = vector.broadcast %broadcast_in_dim3A_44 : vector<128x1xf32> to vector<128x128xf32>
    %slice3A_46 = vector.extract_strided_slice %transpose3A {offsets = [0, 8], sizes = [128, 1], strides = [1, 1]} : vector<128x16xf32> to vector<128x1xf32>
    %broadcast_in_dim3A_47 = vector.shape_cast %slice3A_46 : vector<128x1xf32> to vector<128x1xf32>
    %broadcast_in_dim3A_48 = vector.broadcast %broadcast_in_dim3A_47 : vector<128x1xf32> to vector<128x128xf32>
    %slice3A_49 = vector.extract_strided_slice %transpose3A {offsets = [0, 9], sizes = [128, 1], strides = [1, 1]} : vector<128x16xf32> to vector<128x1xf32>
    %broadcast_in_dim3A_50 = vector.shape_cast %slice3A_49 : vector<128x1xf32> to vector<128x1xf32>
    %broadcast_in_dim3A_51 = vector.broadcast %broadcast_in_dim3A_50 : vector<128x1xf32> to vector<128x128xf32>
    %slice3A_52 = vector.extract_strided_slice %transpose3A {offsets = [0, 10], sizes = [128, 1], strides = [1, 1]} : vector<128x16xf32> to vector<128x1xf32>
    %broadcast_in_dim3A_53 = vector.shape_cast %slice3A_52 : vector<128x1xf32> to vector<128x1xf32>
    %broadcast_in_dim3A_54 = vector.broadcast %broadcast_in_dim3A_53 : vector<128x1xf32> to vector<128x128xf32>
    %slice3A_55 = vector.extract_strided_slice %transpose3A {offsets = [0, 11], sizes = [128, 1], strides = [1, 1]} : vector<128x16xf32> to vector<128x1xf32>
    %broadcast_in_dim3A_56 = vector.shape_cast %slice3A_55 : vector<128x1xf32> to vector<128x1xf32>
    %broadcast_in_dim3A_57 = vector.broadcast %broadcast_in_dim3A_56 : vector<128x1xf32> to vector<128x128xf32>
    %slice3A_58 = vector.extract_strided_slice %transpose3A {offsets = [0, 12], sizes = [128, 1], strides = [1, 1]} : vector<128x16xf32> to vector<128x1xf32>
    %broadcast_in_dim3A_59 = vector.shape_cast %slice3A_58 : vector<128x1xf32> to vector<128x1xf32>
    %broadcast_in_dim3A_60 = vector.broadcast %broadcast_in_dim3A_59 : vector<128x1xf32> to vector<128x128xf32>
    %slice3A_61 = vector.extract_strided_slice %transpose3A {offsets = [0, 13], sizes = [128, 1], strides = [1, 1]} : vector<128x16xf32> to vector<128x1xf32>
    %broadcast_in_dim3A_62 = vector.shape_cast %slice3A_61 : vector<128x1xf32> to vector<128x1xf32>
    %broadcast_in_dim3A_63 = vector.broadcast %broadcast_in_dim3A_62 : vector<128x1xf32> to vector<128x128xf32>
    %slice3A_64 = vector.extract_strided_slice %transpose3A {offsets = [0, 14], sizes = [128, 1], strides = [1, 1]} : vector<128x16xf32> to vector<128x1xf32>
    %broadcast_in_dim3A_65 = vector.shape_cast %slice3A_64 : vector<128x1xf32> to vector<128x1xf32>
    %broadcast_in_dim3A_66 = vector.broadcast %broadcast_in_dim3A_65 : vector<128x1xf32> to vector<128x128xf32>
    %slice3A_67 = vector.extract_strided_slice %transpose3A {offsets = [0, 15], sizes = [128, 1], strides = [1, 1]} : vector<128x16xf32> to vector<128x1xf32>
    %broadcast_in_dim3A_68 = vector.shape_cast %slice3A_67 : vector<128x1xf32> to vector<128x1xf32>
    %broadcast_in_dim3A_69 = vector.broadcast %broadcast_in_dim3A_68 : vector<128x1xf32> to vector<128x128xf32>
    %concatenate3A = tpu.concatenate %broadcast_in_dim3A_24, %broadcast_in_dim3A_27, %broadcast_in_dim3A_30, %broadcast_in_dim3A_33, %broadcast_in_dim3A_36, %broadcast_in_dim3A_39, %broadcast_in_dim3A_42, %broadcast_in_dim3A_45, %broadcast_in_dim3A_48, %broadcast_in_dim3A_51, %broadcast_in_dim3A_54, %broadcast_in_dim3A_57, %broadcast_in_dim3A_60, %broadcast_in_dim3A_63, %broadcast_in_dim3A_66, %broadcast_in_dim3A_69 in 0 : vector<128x128xf32>, vector<128x128xf32>, vector<128x128xf32>, vector<128x128xf32>, vector<128x128xf32>, vector<128x128xf32>, vector<128x128xf32>, vector<128x128xf32>, vector<128x128xf32>, vector<128x128xf32>, vector<128x128xf32>, vector<128x128xf32>, vector<128x128xf32>, vector<128x128xf32>, vector<128x128xf32>, vector<128x128xf32> -> vector<2048x128xf32>
    %mul3A = arith.mulf %concatenate3A, %add3A_12 : vector<2048x128xf32>
    %get3A_70 = arith.constant 0 : index
    %get3A_71 = arith.constant 0 : index
    %get3A_72 = vector.load %arg4[%get3A_70, %get3A_71] : memref<1x128xf32, #tpu.memory_space<vmem>>, vector<1x128xf32>
    %add3A_73 = vector.broadcast %get3A_72 : vector<1x128xf32> to vector<2048x128xf32>
    %add3A_74 = arith.addf %mul3A, %add3A_73 : vector<2048x128xf32>
    %max3A = arith.constant 0.000000e+00 : f32
    %max3A_75 = vector.broadcast %max3A : f32 to vector<2048x128xf32>
    %max3A_76 = arith.maximumf %add3A_74, %max3A_75 : vector<2048x128xf32>
    %get3A_77 = arith.constant 0 : index
    %get3A_78 = arith.constant 0 : index
    %get3A_79 = vector.load %arg5[%get3A_77, %get3A_78] : memref<2048x128xf32, #tpu.memory_space<vmem>>, vector<2048x128xf32>
    %get3A_80 = arith.constant 0 : index
    %get3A_81 = arith.constant 0 : index
    %get3A_82 = vector.load %arg6[%get3A_80, %get3A_81] : memref<256x128xf32, #tpu.memory_space<vmem>>, vector<256x128xf32>
    %slice3A_83 = vector.extract_strided_slice %get3A_82 {offsets = [0, 0], sizes = [128, 128], strides = [1, 1]} : vector<256x128xf32> to vector<128x128xf32>
    %dot_general3A = arith.constant dense<0.000000e+00> : vector<2048x128xf32>
    %dot_general3A_84 = tpu.matmul %get3A_79, %slice3A_83, %dot_general3A {dimension_numbers = #tpu.dot_dimension_numbers<[1], [0], [0], [1], [0, 0, 1, 1], [], []>, transpose_lhs_hint = false} : vector<2048x128xf32>, vector<128x128xf32>, vector<2048x128xf32> -> vector<2048x128xf32>
    %get3A_85 = arith.constant 0 : index
    %get3A_86 = arith.constant 0 : index
    %get3A_87 = vector.load %arg6[%get3A_85, %get3A_86] : memref<256x128xf32, #tpu.memory_space<vmem>>, vector<256x128xf32>
    %slice3A_88 = vector.extract_strided_slice %get3A_87 {offsets = [128, 0], sizes = [128, 128], strides = [1, 1]} : vector<256x128xf32> to vector<128x128xf32>
    %dot_general3A_89 = arith.constant dense<0.000000e+00> : vector<2048x128xf32>
    %dot_general3A_90 = tpu.matmul %max3A_76, %slice3A_88, %dot_general3A_89 {dimension_numbers = #tpu.dot_dimension_numbers<[1], [0], [0], [1], [0, 0, 1, 1], [], []>, transpose_lhs_hint = false} : vector<2048x128xf32>, vector<128x128xf32>, vector<2048x128xf32> -> vector<2048x128xf32>
    %add3A_91 = arith.addf %dot_general3A_84, %dot_general3A_90 : vector<2048x128xf32>
    %get3A_92 = arith.constant 0 : index
    %get3A_93 = arith.constant 0 : index
    %get3A_94 = vector.load %arg7[%get3A_92, %get3A_93] : memref<1x1xf32, #tpu.memory_space<vmem>>, vector<1x1xf32>
    %add3A_95 = vector.broadcast %get3A_94 : vector<1x1xf32> to vector<2048x128xf32>
    %add3A_96 = arith.addf %add3A_91, %add3A_95 : vector<2048x128xf32>
    %logistic3A = arith.negf %add3A_96 : vector<2048x128xf32>
    %logistic3A_97 = math.exp %logistic3A : vector<2048x128xf32>
    %logistic3A_98 = arith.constant 1.000000e+00 : f32
    %logistic3A_99 = vector.broadcast %logistic3A_98 : f32 to vector<2048x128xf32>
    %logistic3A_100 = arith.addf %logistic3A_99, %logistic3A_97 : vector<2048x128xf32>
    %logistic3A_101 = arith.divf %logistic3A_99, %logistic3A_100 : vector<2048x128xf32>
    %mul3A_102 = arith.mulf %logistic3A_101, %max3A_76 : vector<2048x128xf32>
    %sub3A = arith.constant 1.000000e+00 : f32
    %sub3A_103 = vector.broadcast %sub3A : f32 to vector<2048x128xf32>
    %sub3A_104 = arith.subf %sub3A_103, %logistic3A_101 : vector<2048x128xf32>
    %mul3A_105 = arith.mulf %sub3A_104, %get3A_79 : vector<2048x128xf32>
    %add3A_106 = arith.addf %mul3A_102, %mul3A_105 : vector<2048x128xf32>
    %get3A_107 = arith.constant 0 : index
    %get3A_108 = arith.constant 0 : index
    %get3A_109 = vector.load %arg8[%get3A_107, %get3A_108] : memref<128x128xf32, #tpu.memory_space<vmem>>, vector<128x128xf32>
    %dot_general3A_110 = arith.constant dense<0.000000e+00> : vector<2048x128xf32>
    %dot_general3A_111 = tpu.matmul %add3A_106, %get3A_109, %dot_general3A_110 {dimension_numbers = #tpu.dot_dimension_numbers<[1], [0], [0], [1], [0, 0, 1, 1], [], []>, transpose_lhs_hint = false} : vector<2048x128xf32>, vector<128x128xf32>, vector<2048x128xf32> -> vector<2048x128xf32>
    %get3A_112 = arith.constant 0 : index
    %get3A_113 = arith.constant 0 : index
    %get3A_114 = vector.load %arg9[%get3A_112, %get3A_113] : memref<1x128xf32, #tpu.memory_space<vmem>>, vector<1x128xf32>
    %add3A_115 = vector.broadcast %get3A_114 : vector<1x128xf32> to vector<2048x128xf32>
    %add3A_116 = arith.addf %dot_general3A_111, %add3A_115 : vector<2048x128xf32>
    %max3A_117 = arith.constant 0.000000e+00 : f32
    %max3A_118 = vector.broadcast %max3A_117 : f32 to vector<2048x128xf32>
    %max3A_119 = arith.maximumf %add3A_116, %max3A_118 : vector<2048x128xf32>
    %get3A_120 = arith.constant 0 : index
    %get3A_121 = arith.constant 0 : index
    %get3A_122 = vector.load %arg10[%get3A_120, %get3A_121] : memref<128x64xf32, #tpu.memory_space<vmem>>, vector<128x64xf32>
    %dot_general3A_123 = arith.constant dense<0.000000e+00> : vector<2048x64xf32>
    %dot_general3A_124 = tpu.matmul %max3A_119, %get3A_122, %dot_general3A_123 {dimension_numbers = #tpu.dot_dimension_numbers<[1], [0], [0], [1], [0, 0, 1, 1], [], []>, transpose_lhs_hint = false} : vector<2048x128xf32>, vector<128x64xf32>, vector<2048x64xf32> -> vector<2048x64xf32>
    %get3A_125 = arith.constant 0 : index
    %get3A_126 = arith.constant 0 : index
    %get3A_127 = vector.load %arg11[%get3A_125, %get3A_126] : memref<1x64xf32, #tpu.memory_space<vmem>>, vector<1x64xf32>
    %add3A_128 = vector.broadcast %get3A_127 : vector<1x64xf32> to vector<2048x64xf32>
    %add3A_129 = arith.addf %dot_general3A_124, %add3A_128 : vector<2048x64xf32>
    %swap3A = arith.constant 0 : index
    %swap3A_130 = arith.constant 0 : index
    %swap3A_131 = vector.load %arg14[%swap3A, %swap3A_130] : memref<2048x64xf32, #tpu.memory_space<vmem>>, vector<2048x64xf32>
    tpu.vector_store %arg14[%swap3A, %swap3A_130], %add3A_129 {strides = array<i32>} : memref<2048x64xf32, #tpu.memory_space<vmem>>, vector<2048x64xf32>,
    %get3A_132 = arith.constant 0 : index
    %get3A_133 = arith.constant 0 : index
    %get3A_134 = vector.load %arg12[%get3A_132, %get3A_133] : memref<1x128xf32, #tpu.memory_space<vmem>>, vector<1x128xf32>
    %mul3A_135 = vector.broadcast %get3A_134 : vector<1x128xf32> to vector<2048x128xf32>
    %mul3A_136 = arith.mulf %add3A_106, %mul3A_135 : vector<2048x128xf32>
    %reduce_sum3A = arith.constant dense<0.000000e+00> : vector<2048xf32>
    %reduce_sum3A_137 = vector.multi_reduction <add>, %mul3A_136, %reduce_sum3A [1] : vector<2048x128xf32> to vector<2048xf32>
    %get3A_138 = arith.constant 0 : index
    %get3A_139 = arith.constant 0 : index
    %get3A_140 = vector.load %arg13[%get3A_138, %get3A_139] : memref<1x1xf32, #tpu.memory_space<vmem>>, vector<1x1xf32>
    %get3A_141 = vector.extract %get3A_140[0, 0] : f32 from vector<1x1xf32>
    %add3A_142 = vector.broadcast %get3A_141 : f32 to vector<2048xf32>
    %add3A_143 = arith.addf %reduce_sum3A_137, %add3A_142 : vector<2048xf32>
    %swap3A_144 = arith.constant 0 : index
    %swap3A_145 = vector.load %arg15[%swap3A_144] : memref<2048xf32, #tpu.memory_space<vmem>>, vector<2048xf32>
    tpu.vector_store %arg15[%swap3A_144], %add3A_143 {strides = array<i32>} : memref<2048xf32, #tpu.memory_space<vmem>>, vector<2048xf32>,
    return
  }
  func.func @transform_0(%arg0: i32) -> (i32, i32, i32) {
    %c0_i32 = arith.constant 0 : i32
    %c0_i32_0 = arith.constant 0 : i32
    %c0_i32_1 = arith.constant 0 : i32
    return %c0_i32, %arg0, %c0_i32_0 : i32, i32, i32
  }
  func.func @transform_1(%arg0: i32) -> (i32, i32) {
    %c0_i32 = arith.constant 0 : i32
    %c0_i32_0 = arith.constant 0 : i32
    return %arg0, %c0_i32 : i32, i32
  }
  func.func @transform_2(%arg0: i32) -> (i32, i32, i32) {
    %c0_i32 = arith.constant 0 : i32
    %c0_i32_0 = arith.constant 0 : i32
    %c0_i32_1 = arith.constant 0 : i32
    return %c0_i32, %arg0, %c0_i32_0 : i32, i32, i32
  }
  func.func @transform_3(%arg0: i32) -> (i32, i32) {
    %c0_i32 = arith.constant 0 : i32
    %c0_i32_0 = arith.constant 0 : i32
    %c0_i32_1 = arith.constant 0 : i32
    return %c0_i32, %c0_i32_0 : i32, i32
  }
  func.func @transform_4(%arg0: i32) -> (i32, i32) {
    %c0_i32 = arith.constant 0 : i32
    %c0_i32_0 = arith.constant 0 : i32
    return %arg0, %c0_i32 : i32, i32
  }
  func.func @transform_5(%arg0: i32) -> (i32, i32) {
    %c0_i32 = arith.constant 0 : i32
    %c0_i32_0 = arith.constant 0 : i32
    %c0_i32_1 = arith.constant 0 : i32
    return %c0_i32, %c0_i32_0 : i32, i32
  }
  func.func @transform_6(%arg0: i32) -> (i32, i32) {
    %c0_i32 = arith.constant 0 : i32
    %c0_i32_0 = arith.constant 0 : i32
    %c0_i32_1 = arith.constant 0 : i32
    return %c0_i32, %c0_i32_0 : i32, i32
  }
  func.func @transform_7(%arg0: i32) -> (i32, i32) {
    %c0_i32 = arith.constant 0 : i32
    %c0_i32_0 = arith.constant 0 : i32
    %c0_i32_1 = arith.constant 0 : i32
    return %c0_i32, %c0_i32_0 : i32, i32
  }
  func.func @transform_8(%arg0: i32) -> (i32, i32) {
    %c0_i32 = arith.constant 0 : i32
    %c0_i32_0 = arith.constant 0 : i32
    %c0_i32_1 = arith.constant 0 : i32
    return %c0_i32, %c0_i32_0 : i32, i32
  }
  func.func @transform_9(%arg0: i32) -> (i32, i32) {
    %c0_i32 = arith.constant 0 : i32
    %c0_i32_0 = arith.constant 0 : i32
    %c0_i32_1 = arith.constant 0 : i32
    return %c0_i32, %c0_i32_0 : i32, i32
  }
  func.func @transform_10(%arg0: i32) -> (i32, i32) {
    %c0_i32 = arith.constant 0 : i32
    %c0_i32_0 = arith.constant 0 : i32
    %c0_i32_1 = arith.constant 0 : i32
    return %c0_i32, %c0_i32_0 : i32, i32
  }
  func.func @transform_11(%arg0: i32) -> (i32, i32) {
    %c0_i32 = arith.constant 0 : i32
    %c0_i32_0 = arith.constant 0 : i32
    %c0_i32_1 = arith.constant 0 : i32
    return %c0_i32, %c0_i32_0 : i32, i32
  }
  func.func @transform_12(%arg0: i32) -> (i32, i32) {
    %c0_i32 = arith.constant 0 : i32
    %c0_i32_0 = arith.constant 0 : i32
    %c0_i32_1 = arith.constant 0 : i32
    return %c0_i32, %c0_i32_0 : i32, i32
  }
  func.func @transform_13(%arg0: i32) -> (i32, i32) {
    %c0_i32 = arith.constant 0 : i32
    %c0_i32_0 = arith.constant 0 : i32
    return %arg0, %c0_i32 : i32, i32
  }
  func.func @transform_14(%arg0: i32) -> i32 {
    %c0_i32 = arith.constant 0 : i32
    return %arg0 : i32
  }
}

</mosaic_0001>

<sc_bundles>
// kernel: kernel.11.cloned.1.call-start
scs
__scs_entry_jumppad:
0x0: {  	(pc) =	sbr.rel $0x88, $3  }
0x1: {  	(tag) =	ssettag $0x0;
	lr =	simm.s32 $0x1  }
0x2: {  	[smem:$0x3F8B] =	sst lr;
	_ =	strace $0xD0000000  }
0x3: {  	_ = 	snop  }
0x4: {  	_ = 	snop  }
0x5: {  	_ = 	snop  }
0x6: {  	_ = 	snop  }
0x7: {  	_ = 	snop  }
__scs_overlays_trampoline_lowered:
0x8: {  	[smem:$0x3F9A] =	sst s0  }
0x9: {  	[smem:$0x3F9B] =	sst s1  }
0xa: {  	[smem:$0x3F9C] =	sst s2  }
0xb: {  	[smem:$0x3F9D] =	sst s3  }
0xc: {  	[smem:$0x3F9E] =	sst s4  }
0xd: {  	[smem:$0x3F9F] =	sst s5  }
0xe: {  	[smem:$0x3FA0] =	sst s6  }
0xf: {  	[smem:$0x3FA1] =	sst s7  }
0x10: {  	[smem:$0x3FA2] =	sst s8  }
0x11: {  	[smem:$0x3FA3] =	sst s9;
	s0 =	simm.s32 @!p0 $0x0  }
0x12: {  	s1 =	sld [smem:$0x3F89];
	s0 =	simm.s32 @p0 $0x1  }
0x13: {  	[smem:$0x3FA4] =	sst s0;
	s0 =	simm.s32 @!p1 $0x0  }
0x14: {  	s2 =	sld [smem:$0x3F88];
	s0 =	simm.s32 @p1 $0x1  }
0x15: {  	[smem:$0x3FA5] =	sst s0;
	s0 =	simm.s32 @!p2 $0x0  }
0x16: {  	s3 =	sld [smem:$0x3FDB];
	s0 =	simm.s32 @p2 $0x1  }
0x17: {  	s4 =	simm.s32 $0x1BF5;
	[smem:$0x3FA7] =	sst s0  }
0x18: {  	s0 =	sld [smem:$0x3F8A];
	_ =	swait.ge [sflag:s4], $0x0  }
0x19: {  	s7 =	sld [smem:$0x3F8B]  }
0x1a: {  	s8 =	sadd.s32 $0xFFFFE003, lr  }
0x1b: {  	s9 =	sadd.s32 $0xFFFFFEF7, lr;
	s5 =	simm.s32 $0xFFFFFFFF;
	p2 =	slt.u32 s8, $0xFFFFF086  }
0x1c: {  	p1 =	slt.u32 s9, $0xF7A;
	s5 =	simm.s32 @!p2 $0x0  }
0x1d: {  	s5 =	simm.s32 @p1 $0x1;
	p0 =	seq.s32 s7, s2  }
0x1e: {  	s7 =	smul.u32 @!p0 $0xF7A, s2;
	p2 =	seq.s32 @!p0 s5, $0x0  }
0x1f: {  	s9 =	smul.u32 $0xF7A, s1;
	s8 =	simm.s32 @!p0 $0x1BF5;
	p2 =	por !p2, p0  }
0x20: {  	[sflag:s8] =	ssyncset.s32 @!p0 $0xFFFFF086;
	s6 =	sadd.s32 @!p0 s3, s7;
	s7 =	simm.s32 @!p0 $0x108  }
0x21: {  	s3 =	sadd.s32 s3, s9;
	s6 =	sadd.s32 @!p0 $0x88, s6;
	s7 =	simm.s32 @p2 $0x1082  }
0x22: {  	[simem:s7], [sflag:s8] =	dma.local @!p0 [hbm:s6], $0xF7A  }
0x23: {  	s9 =	sor.u32 $0xD0000000, s2;
	s6 =	simm.s32 $0x108;
	_ =	swait.ge @!p0 [sflag:s8], $0x0  }
0x24: {  	s3 =	sadd.s32 $0x88, s3;
	s6 =	simm.s32 @!p1 $0x1082;
	[sflag:s4] =	ssyncset.s32 $0xFFFFF086  }
0x25: {  	[simem:s6], [sflag:s4] =	dma.local [hbm:s3], $0xF7A  }
0x26: {  	[smem:$0x3F8B] =	sst s1;
	(tag) =	ssettag s2;
	_ =	strace s9  }
0x27: {  	s1 =	sld [smem:$0x3F9B]  }
0x28: {  	s2 =	sld [smem:$0x3F9C]  }
0x29: {  	s4 =	sld [smem:$0x3F9E]  }
0x2a: {  	p0 =	seq.s32 s5, $0x0;
	s5 =	sld [smem:$0x3F9F]  }
0x2b: {  	s6 =	sld [smem:$0x3FA0]  }
0x2c: {  	s7 =	sld [smem:$0x3FA1]  }
0x2d: {  	s3 =	simm.s32 $0x108;
	s8 =	sld [smem:$0x3FA2]  }
0x2e: {  	s3 =	simm.s32 @!p0 $0x1082;
	s9 =	sld [smem:$0x3FA3]  }
0x2f: {  	lr =	sadd.s32 s0, s3;
	s0 =	sld [smem:$0x3F9A]  }
0x30: {  	s3 =	sld [smem:$0x3F9D]  }
0x31: {  	[smem:$0x3FA6] =	sst s10  }
0x32: {  	s10 =	sld [smem:$0x3FA4];
	_ =	sdelay $0x3  }
0x33: {  	p0 =	seq.s32 s10, $0x1;
	s10 =	sld [smem:$0x3FA6];
	_ =	sdelay $0x3  }
0x34: {  	[smem:$0x3FA6] =	sst s10  }
0x35: {  	s10 =	sld [smem:$0x3FA5];
	_ =	sdelay $0x3  }
0x36: {  	p1 =	seq.s32 s10, $0x1;
	s10 =	sld [smem:$0x3FA6];
	_ =	sdelay $0x3  }
0x37: {  	[smem:$0x3FA6] =	sst s10  }
0x38: {  	s10 =	sld [smem:$0x3FA7]  }
0x39: {  	_ = 	snop;
	(pc) =	sbr.ind lr, $3  }
0x3a: {  	_ = 	snop  }
0x3b: {  	_ = 	snop  }
0x3c: {  	p2 =	seq.s32 s10, $0x1;
	s10 =	sld [smem:$0x3FA6]  }
0x3d: {  	_ =	shalt  }
0x3e: {  	_ =	shalt  }
0x3f: {  	_ =	shalt  }
0x40: {  	_ =	shalt  }
0x41: {  	_ =	shalt  }
0x42: {  	_ =	shalt  }
0x43: {  	_ =	shalt  }
0x44: {  	_ =	shalt  }
0x45: {  	_ =	shalt  }
0x46: {  	_ =	shalt  }
0x47: {  	_ =	shalt  }
0x48: {  	_ =	shalt  }
0x49: {  	_ =	shalt  }
0x4a: {  	_ =	shalt  }
0x4b: {  	_ =	shalt  }
0x4c: {  	_ =	shalt  }
0x4d: {  	_ =	shalt  }
0x4e: {  	_ =	shalt  }
0x4f: {  	_ =	shalt  }
0x50: {  	_ =	shalt  }
0x51: {  	_ =	shalt  }
0x52: {  	_ =	shalt  }
0x53: {  	_ =	shalt  }
0x54: {  	_ =	shalt  }
0x55: {  	_ =	shalt  }
0x56: {  	_ =	shalt  }
0x57: {  	_ =	shalt  }
0x58: {  	_ =	shalt  }
0x59: {  	_ =	shalt  }
0x5a: {  	_ =	shalt  }
0x5b: {  	_ =	shalt  }
0x5c: {  	_ =	shalt  }
0x5d: {  	_ =	shalt  }
0x5e: {  	_ =	shalt  }
0x5f: {  	_ =	shalt  }
0x60: {  	_ =	shalt  }
0x61: {  	_ =	shalt  }
0x62: {  	_ =	shalt  }
0x63: {  	_ =	shalt  }
0x64: {  	_ =	shalt  }
0x65: {  	_ =	shalt  }
0x66: {  	_ =	shalt  }
0x67: {  	_ =	shalt  }
0x68: {  	_ =	shalt  }
0x69: {  	_ =	shalt  }
0x6a: {  	_ =	shalt  }
0x6b: {  	_ =	shalt  }
0x6c: {  	_ =	shalt  }
0x6d: {  	_ =	shalt  }
0x6e: {  	_ =	shalt  }
0x6f: {  	_ =	shalt  }
0x70: {  	_ =	shalt  }
0x71: {  	_ =	shalt  }
0x72: {  	_ =	shalt  }
0x73: {  	_ =	shalt  }
0x74: {  	_ =	shalt  }
0x75: {  	_ =	shalt  }
0x76: {  	_ =	shalt  }
0x77: {  	_ =	shalt  }
0x78: {  	_ =	shalt  }
0x79: {  	_ =	shalt  }
0x7a: {  	_ =	shalt  }
0x7b: {  	_ =	shalt  }
0x7c: {  	_ =	shalt  }
0x7d: {  	_ =	shalt  }
0x7e: {  	_ =	shalt  }
0x7f: {  	_ =	shalt  }
0x80: {  	_ =	shalt  }
0x81: {  	_ =	shalt  }
0x82: {  	_ =	shalt  }
0x83: {  	_ =	shalt  }
0x84: {  	_ =	shalt  }
0x85: {  	_ =	shalt  }
0x86: {  	_ =	shalt  }
0x87: {  	_ =	shalt  }
.Lfunc_end0:
.L_simem_size_0:
called_computation_lowered:
.L_overlay_start_0:
0x88: {  	s2 =	sld [smem:$0x3FD9]  }
0x89: {  	s3 =	sld [smem:$0x3FFE];
	_ =	sdelay $0x1  }
0x8a: {  	s1 =	srdreg.scid  }
0x8b: {  	s0 =	sand.u32 $0x1, s1  }
0x8c: {  	s14 =	sshll.u32 s0, $0xA;
	s2 =	sadd.s32 s3, s2  }
0x8d: {  	s2 =	sadd.s32 s2, s14  }
0x8e: {  	[smem:$0x3FB2] =	sst s2  }
0x8f: {  	_ = 	snop  }
0x90: {  	s2 =	sld [smem:$0x3FD0];
	_ =	sdelay $0x2  }
0x91: {  	s15 =	simm.s32 $0xA;
	s4 =	simm.s32 $0x10  }
0x92: {  	[smem:s4], [sflag:s15] =	dma.local [hbm:s2], $0x1  }
0x93: {  	_ =	swait.eq [sflag:s15], $0x1  }
0x94: {  	[sflag:s15] =	ssyncset.done $0x0  }
0x95: {  	[sflag:s15] =	ssyncadd.s32 $0xFFFFFFFF  }
0x96: {  	s16 =	sld [smem:$0x11];
	(tm) =	ssettm $0x1  }
0x97: {  	s17 =	sld [smem:$0x3FFB];
	_ =	sdelay $0x3  }
0x98: {  	_ =	strace s17  }
0x99: {  	s3 =	sld [smem:$0x3FFC];
	_ =	sdelay $0x3  }
0x9a: {  	_ =	strace s3  }
0x9b: {  	s3 =	sld [smem:$0x3FFD];
	_ =	sdelay $0x3  }
0x9c: {  	_ =	strace s3  }
0x9d: {  	_ =	strace $0x8FFFFFFF  }
0x9e: {  	s18 =	sld [smem:$0x3FDB];
	_ =	sdelay $0x1  }
0x9f: {  	s19 =	simm.s32 $_scs_section_size  }
0xa0: {  	s5 =	simm.s32 $_size__tile_overlayer_lowered;
	s6 =	simm.s32 $_tile_overlayer_lowered  }
0xa1: {  	s22 =	simm.s32 $0x1BFF;
	s21 =	sshll.u32 s6, $0x1;
	s3 =	sadd.s32 s19, s18  }
0xa2: {  	s7 =	simm.s32 $0x0;
	s20 =	sshll.u32 s5, $0x1;
	s5 =	sadd.s32 s21, s3  }
0xa3: {  	[timem:s7], [sflag:s22] =	dma.local [hbm:s5], s20  }
0xa4: {  	_ =	swait.ge [sflag:s22], s20  }
0xa5: {  	s4 =	ssub.s32 $0x0, s20;
	[sflag:s22] =	ssyncset.done $0x0  }
0xa6: {  	[sflag:s22] =	ssyncadd.s32 s4;
	_ =	sdelay $0x1  }
0xa7: {  	s23 =	simm.s32 $0x1B8B  }
0xa8: {  	_ =	swait.ge [sflag:s23], $0x1  }
0xa9: {  	[sflag:s23] =	ssyncset.done $0x0  }
0xaa: {  	s25 =	simm.s32 $0x1B8E;
	s24 =	sld [smem:$0x3FFE];
	[sflag:s23] =	ssyncadd.s32 $0xFFFFFFFF  }
0xab: {  	s26 =	simm.s32 $execute0_lowered;
	[smem:$0x3FD2] =	sst s25  }
0xac: {  	s5 =	sshll.u32 s26, $0x1;
	_ =	strace $0x80000046;
	[dreg:$0x1] =	wrdreg $0xFFFFFFFF  }
0xad: {  	s28 =	simm.s32 $_size_execute0_lowered;
	s3 =	sadd.s32 s3, s5;
	[dreg:$0x0] =	wrdreg $0x0  }
0xae: {  	s5 =	sshll.u32 s28, $0x1;
	[dreg:$0x2] =	wrdreg s3  }
0xaf: {  	[dreg:$0x3] =	wrdreg s5  }
0xb0: {  	[dreg:$0x4] =	wrdreg $0xC0  }
0xb1: {  	_ =	task [dreg:s7], $0x5FFFF  }
0xb2: {  	[dreg:$0x1] =	wrdreg $0xFFFFFFFF  }
0xb3: {  	[dreg:$0x0] =	wrdreg $0x60  }
0xb4: {  	[dreg:$0x2] =	wrdreg s16  }
0xb5: {  	[dreg:$0x3] =	wrdreg s24  }
0xb6: {  	[dreg:$0x4] =	wrdreg $0x5000  }
0xb7: {  	[dreg:$0x5] =	wrdreg $0x9  }
0xb8: {  	_ =	task.clear_ibuf [dreg:s7], $0x6FFFF;
	_ =	strace $0x90000046  }
0xb9: {  	s29 =	simm.s32 $0x9;
	_ =	strace $0x80000048  }
0xba: {  	_ =	swait.ge [sflag:s29], $0x1  }
0xbb: {  	[sflag:s29] =	ssyncadd.s32 $0xFFFFFFFF  }
0xbc: {  	_ =	strace $0x90000048  }
0xbd: {  	_ =	sfence  }
0xbe: {  	s30 =	sld [smem:$0x0];
	_ =	sdelay $0x2  }
0xbf: {  	s31 =	sshll.u32 s1, $0xD;
	s1 =	sshrl.u32 s1, $0x2  }
0xc0: {  	s3 =	sand.u32 $0x4000, s31;
	s1 =	sadd.s32 s1, s30  }
0xc1: {  	s0 =	sor.u32 s3, s0;
	s1 =	sshll.u32 s1, $0x11  }
0xc2: {  	s0 =	sor.u32 s1, s0  }
0xc3: {  	s0 =	sadd.s32 $0x8F2B, s0  }
0xc4: {  	[sflag:s0] =	ssyncadd.remote.s32 $0x1  }
0xc5: {  	_ =	sfence.sel $0xFFFF  }
0xc6: {  	[dreg:$0x0] =	wrdreg $0xFFFFFFFF;
	(pc) =	sbr.abs _section_cstart, $3  }
0xc7: {  	[dreg:$0x1] =	wrdreg $0xFFFFFFFF  }
0xc8: {  	_ =	task.clear_ibuf [dreg:s7], $0x2FFFF;
	_ =	strace $0x9FFFFFFF  }
0xc9: {  	(tm) =	ssettm $0x7FFFFFFF  }
tec
execute0_lowered:
.L_overlay_start_1:
0x0: {  	(tag) =	ssettag $0x1  }
0x1: {  	s11 =	rddreg [dreg:$0x0]  }
0x2: {  	s4 =	rddreg [dreg:$0x1]  }
0x3: {  	s2 =	rddreg [dreg:$0x2];
	s3 =	srdreg.scid  }
0x4: {  	s1 =	stileid.u32;
	s0 =	rddreg [dreg:$0x3];
	s14 =	simm.s32 $0x80  }
0x5: {  	s15 =	simm.s32 $0x100;
	s16 =	simm.s32 $0x1;
	s17 =	simm.s32 $0x50  }
0x6: {  	s18 =	simm.s32 $0x200;
	s19 =	simm.s32 $0x180;
	s20 =	simm.s32 $0x2  }
0x7: {  	s23 =	simm.s32 $0x0;
	s5 =	sand.u32 $0x1, s3;
	s6 =	smul.u32 $0x280, s1  }
0x8: {  	s3 =	simm.s32 $0x0;
	s8 =	sshll.u32 s1, $0x1;
	s10 =	smul.u32 $0x4E20, s1  }
0x9: {  	s21 =	sshll.u32 s1, $0x6;
	s7 =	smul.u32 $0x2800, s5;
	[smem:$0x7FF] =	sst s3  }
0xa: {  	s8 =	sor.u32 s5, s8;
	s9 =	ssub.s32 $0x2, s5;
	s13 =	smul.u32 $0x2710, s5  }
0xb: {  	s21 =	sor.u32 $0x1C03, s21;
	_ =	strace $0x80000047;
	s12 =	sshrl.u32 s9, $0x1  }
0xc: {  	s8 =	smul.u32 $0x2710, s8;
	s7 =	sadd.s32 s6, s7;
	s9 =	ssub.s32 s9, s12  }
0xd: {  	s30 =	sadd.s32 s13, s10;
	s12 =	simm.s32 $0x280;
	s13 =	simm.s32 $0x3  }
0xe: {  	s7 =	sshrl.u32 s7, $0x3;
	s8 =	sshrl.u32 s8, $0x3;
	s10 =	sadd.s32 $0x4E340, s30  }
0xf: {  	s7 =	sadd.s32 s7, s4;
	s29 =	sadd.s32 s11, s8;
	s4 =	sadd.s32 s6, s2  }
0x10: {  	s8 =	smax.u32 s9, $0x1;
	s31 =	sshrl.u32 s10, $0x3;
	s5 =	sadd.s32 $0x9C40, s29  }
0x11: {  	s6 =	sadd.s32 $0x9C4A, s29;
	s7 =	sadd.s32 $0x5200, s7;
	s9 =	sadd.s32 $0x9C54, s29  }
0x12: {  	v0 =	vimm.f32 $1.000000000e+00;
	v1 =	vimm.f32 $0.0e+00;
	s10 =	sadd.s32 $0x9C5E, s29;
	s11 =	sadd.s32 s31, s11;
	s22 =	sshrl.u32 s4, $0x3  }
.LBB2_1:
0x13: {  	[tilespmem:$0x200] =	vst v0  }
0x14: {  	[tilespmem:$0x210] =	vst v0  }
0x15: {  	[tilespmem:$0x220] =	vst v0  }
0x16: {  	[tilespmem:$0x230] =	vst v0  }
0x17: {  	[tilespmem:$0x240] =	vst v0  }
0x18: {  	[tilespmem:$0x280] =	vst v1  }
0x19: {  	[tilespmem:$0x290] =	vst v1  }
0x1a: {  	[tilespmem:$0x2A0] =	vst v1  }
0x1b: {  	[tilespmem:$0x2B0] =	vst v1  }
0x1c: {  	[tilespmem:$0x2C0] =	vst v1  }
0x1d: {  	[tilespmem:$0x2D0] =	vst v1  }
0x1e: {  	[tilespmem:$0x2E0] =	vst v1  }
0x1f: {  	[tilespmem:$0x2F0] =	vst v1  }
0x20: {  	[tilespmem:$0x300] =	vst v1  }
0x21: {  	[tilespmem:$0x310] =	vst v1  }
0x22: {  	[tilespmem:$0x320] =	vst v1  }
0x23: {  	[tilespmem:$0x330] =	vst v1  }
0x24: {  	[tilespmem:$0x340] =	vst v1  }
0x25: {  	[tilespmem:$0x350] =	vst v1  }
0x26: {  	[tilespmem:$0x360] =	vst v1  }
0x27: {  	[tilespmem:$0x370] =	vst v1  }
0x28: {  	[tilespmem:$0x380] =	vst v1  }
0x29: {  	[tilespmem:$0x390] =	vst v1  }
0x2a: {  	[tilespmem:$0x3A0] =	vst v1  }
0x2b: {  	[tilespmem:$0x3B0] =	vst v1  }
0x2c: {  	[tilespmem:$0x3C0] =	vst v1  }
0x2d: {  	[tilespmem:$0x3D0] =	vst v1  }
0x2e: {  	[tilespmem:$0x3E0] =	vst v1  }
0x2f: {  	[tilespmem:$0x3F0] =	vst v1  }
0x30: {  	[tilespmem:$0x400] =	vst v1  }
0x31: {  	[tilespmem:$0x410] =	vst v1  }
0x32: {  	[tilespmem:$0x420] =	vst v1  }
0x33: {  	[tilespmem:$0x430] =	vst v1  }
0x34: {  	[tilespmem:$0x440] =	vst v1  }
0x35: {  	[tilespmem:$0x450] =	vst v1  }
0x36: {  	[tilespmem:$0x460] =	vst v1  }
0x37: {  	[tilespmem:$0x470] =	vst v1  }
0x38: {  	[tilespmem:$0x480] =	vst v1  }
0x39: {  	[tilespmem:$0x490] =	vst v1  }
0x3a: {  	[tilespmem:$0x4A0] =	vst v1  }
0x3b: {  	[tilespmem:$0x4B0] =	vst v1  }
0x3c: {  	[tilespmem:$0x4C0] =	vst v1  }
0x3d: {  	[tilespmem:$0x4D0] =	vst v1  }
0x3e: {  	[tilespmem:$0x4E0] =	vst v1  }
0x3f: {  	[tilespmem:$0x4F0] =	vst v1  }
0x40: {  	[spmem:s4] =	stream.linear.scatter [tilespmem:s12], [sflag:$0x3], $0x280, $0x38;
	[tilespmem:$0x780] =	vst v63  }
0x41: {  	_ =	swait.ge [sflag:s13], $0x280  }
0x42: {  	[sflag:s13] =	ssyncset.done $0x0  }
0x43: {  	[sflag:s13] =	ssyncadd.s32 $0xFFFFFD80  }
0x44: {  	[bflag:$0x0] =	sbarrier.arrive $0xFFFF  }
0x45: {  	[tilespmem:s3], [sflag:$0x1] =	stream.linear.gather [hbm4b:s5+s3], $0x50, $0x38;
	[tilespmem:$0x780] =	vst v63  }
0x46: {  	_ = 	snop  }
0x47: {  	[tilespmem:s14], [sflag:$0x1] =	stream.linear.gather [hbm4b:s6+s3], $0x50, $0x38;
	[tilespmem:$0x780] =	vst v63  }
0x48: {  	_ = 	snop  }
0x49: {  	[tilespmem:s15], [sflag:$0x1] =	stream.linear.gather [hbm4b:s9+s3], $0x50, $0x38;
	[tilespmem:$0x780] =	vst v63  }
0x4a: {  	_ =	swait.ge [sflag:s16], $0x50  }
0x4b: {  	[sflag:s16] =	ssyncset.done $0x0  }
0x4c: {  	[sflag:s16] =	ssyncadd.s32 $0xFFFFFFB0  }
0x4d: {  	[spmem:s2] =	stream.indirect.scatter.add.f32 [tilespmem:s18], [sflag:$0x2], $0x1, s3, s17, $0xb8;
	[tilespmem:$0x780] =	vst v63  }
0x4e: {  	_ = 	snop  }
0x4f: {  	[tilespmem:s19], [sflag:$0x1] =	stream.linear.gather [hbm4b:s10+s3], $0x50, $0x38;
	[tilespmem:$0x780] =	vst v63  }
0x50: {  	_ =	swait.ge [sflag:s16], $0x50  }
0x51: {  	[sflag:s16] =	ssyncset.done $0x0  }
0x52: {  	[sflag:s16] =	ssyncadd.s32 $0xFFFFFFB0  }
0x53: {  	[spmem:s2] =	stream.indirect.scatter.add.f32 [tilespmem:s18], [sflag:$0x2], $0x1, s14, s17, $0xb8;
	[tilespmem:$0x780] =	vst v63  }
0x54: {  	s24 =	simm.s32 $0x800;
	p0 =	por $0x0, $0x0;
	_ =	swait.ge [sflag:s20], $0x50  }
0x55: {  	s31 =	simm.s32 $0x400;
	s24 =	sand.u32 @!p0 $0x600, s24;
	[sflag:s20] =	ssyncset.done $0x0  }
0x56: {  	s25 =	simm.s32 @!p0 $0x0;
	s24 =	sshrl.u32 @!p0 s24, $0x2;
	[sflag:s20] =	ssyncadd.s32 $0xFFFFFFB0  }
0x57: {  	[tilespmem:s24], [sflag:$0x1] =	stream.linear.gather @!p0 [hbm4b:s11+s25], $0x50, $0x38;
	[tilespmem:$0x780] =	vst v63  }
0x58: {  	s26 =	sand.u32 $0x600, s31;
	_ =	swait.ge [sflag:s16], $0x50  }
0x59: {  	s28 =	sshrl.u32 s26, $0x2;
	s26 =	simm.s32 $0xA00;
	[sflag:s16] =	ssyncset.done $0x0  }
0x5a: {  	s24 =	simm.s32 $0x3;
	s25 =	sadd.s32 $0xA, s11;
	[sflag:s16] =	ssyncadd.s32 $0xFFFFFFB0  }
.LBB2_2:
0x5b: {  	[spmem:s2] =	stream.indirect.scatter.add.f32 [tilespmem:s18], [sflag:$0x2], $0x1, s28, s17, $0xb8;
	[tilespmem:$0x780] =	vst v63  }
0x5c: {  	p0 =	sgt.u32 s24, $0x7A;
	s24 =	sadd.s32 $0x1, s24;
	_ =	swait.ge [sflag:s20], $0x50  }
0x5d: {  	s28 =	sand.u32 @!p0 $0x600, s26;
	s29 =	simm.s32 @!p0 $0x0;
	[sflag:s20] =	ssyncset.done $0x0  }
0x5e: {  	s28 =	sshrl.u32 @!p0 s28, $0x2;
	[sflag:s20] =	ssyncadd.s32 $0xFFFFFFB0  }
0x5f: {  	[tilespmem:s28], [sflag:$0x1] =	stream.linear.gather @!p0 [hbm4b:s25+s29], $0x50, $0x38;
	[tilespmem:$0x780] =	vst v63  }
0x60: {  	p0 =	sne.s32 s24, $0x7D  }
.Ltmp0:
0x61: {  	_ = 	snop;
	(pc) =	sbr.rel @p0 .LBB2_2-.Ltmp0, $4  }
0x62: {  	_ = 	snop  }
0x63: {  	s28 =	sadd.s32 $0xFFFFFC00, s26;
	_ =	swait.ge [sflag:s16], $0x50  }
0x64: {  	s25 =	sadd.s32 $0xA, s25;
	s28 =	sand.u32 $0x600, s28;
	[sflag:s16] =	ssyncset.done $0x0  }
0x65: {  	s26 =	sadd.s32 $0x200, s26;
	s28 =	sshrl.u32 s28, $0x2;
	[sflag:s16] =	ssyncadd.s32 $0xFFFFFFB0  }
0x66: {  	[spmem:s2] =	stream.indirect.scatter.add.f32 [tilespmem:s18], [sflag:$0x2], $0x1, s28, s17, $0xb8;
	[tilespmem:$0x780] =	vst v63  }
0x67: {  	_ =	swait.ge [sflag:s20], $0x50  }
0x68: {  	[sflag:s20] =	ssyncset.done $0x0  }
0x69: {  	[sflag:s20] =	ssyncadd.s32 $0xFFFFFFB0  }
0x6a: {  	_ =	swait.ge [sflag:s20], $0x50  }
0x6b: {  	s23 =	sadd.s32 $0x1, s23;
	[sflag:s20] =	ssyncset.done $0x0  }
0x6c: {  	p0 =	sne.s32 s23, s8;
	[sflag:s20] =	ssyncadd.s32 $0xFFFFFFB0  }
.Ltmp1:
0x6d: {  	[bflag:$0x0] =	sbarrier.arrive $0xFFFF;
	(pc) =	sbr.rel @p0 .LBB2_1-.Ltmp1, $4  }
0x6e: {  	[hbm:s7], [sflag:s21] =	dma.local [spmem:s22], $0x50  }
0x6f: {  	_ =	swait.ge [sflag:s13], $0x50  }
0x70: {  	[sflag:s13] =	ssyncset.done $0x0  }
0x71: {  	[sflag:s13] =	ssyncadd.s32 $0xFFFFFFB0  }
0x72: {  	_ =	sfence.sel $0x180000  }
0x73: {  	[bflag:$0x0] =	sbarrier.arrive $0xFFFF  }
0x74: {  	p0 =	sne.s32 s1, $0x0;
	_ =	strace $0x90000047  }
0x75: {  	s0 =	sadd.s32 @!p0 $0x100000, s0;
	[bflag:$0x2] =	sbarrier.arrive $0xFFFF  }
0x76: {  	[sflag:s0] =	ssyncadd.tile.s32 @!p0 $0x1;
	_ =	shalt  }
.Lfunc_end2:
_tile_overlayer_lowered:
.L_overlay_start_2:
0x77: {  	(tag) =	ssettag $0x2  }
0x78: {  	s0 =	rddreg [dreg:$0x0];
	s2 =	stileid.u32  }
0x79: {  	s1 =	rddreg [dreg:$0x1];
	p0 =	sne.s32 s2, $0x0  }
0x7a: {  	s3 =	rddreg [dreg:$0x2];
	[bflag:$0x3] =	sbarrier.arrive $0xFFFF;
	s2 =	simm.s32 @!p0 $0x1C03  }
0x7b: {  	[timem:s3], [sflag:s2] =	dma.local @!p0 [hbm:s0], s1  }
0x7c: {  	s0 =	simm.s32 @!p0 $0x3  }
0x7d: {  	_ =	swait.ge @!p0 [sflag:s0], s1  }
0x7e: {  	s1 =	ssub.s32 @!p0 $0x0, s1;
	[sflag:s0] =	ssyncset.done @!p0 $0x0  }
0x7f: {  	[sflag:s0] =	ssyncadd.s32 @!p0 s1  }
0x80: {  	[bflag:$0x3] =	sbarrier.arrive $0xFFFF  }
0x81: {  	_ =	shalt  }

// kernel: kernel.14.cloned.1.call-start
scs
__scs_entry_jumppad:
0x0: {  	(pc) =	sbr.rel $0x88, $3  }
0x1: {  	(tag) =	ssettag $0x0;
	lr =	simm.s32 $0x1  }
0x2: {  	[smem:$0x3F8B] =	sst lr;
	_ =	strace $0xD0000000  }
0x3: {  	_ = 	snop  }
0x4: {  	_ = 	snop  }
0x5: {  	_ = 	snop  }
0x6: {  	_ = 	snop  }
0x7: {  	_ = 	snop  }
__scs_overlays_trampoline_lowered:
0x8: {  	[smem:$0x3F9A] =	sst s0  }
0x9: {  	[smem:$0x3F9B] =	sst s1  }
0xa: {  	[smem:$0x3F9C] =	sst s2  }
0xb: {  	[smem:$0x3F9D] =	sst s3  }
0xc: {  	[smem:$0x3F9E] =	sst s4  }
0xd: {  	[smem:$0x3F9F] =	sst s5  }
0xe: {  	[smem:$0x3FA0] =	sst s6  }
0xf: {  	[smem:$0x3FA1] =	sst s7  }
0x10: {  	[smem:$0x3FA2] =	sst s8  }
0x11: {  	[smem:$0x3FA3] =	sst s9;
	s0 =	simm.s32 @!p0 $0x0  }
0x12: {  	s1 =	sld [smem:$0x3F89];
	s0 =	simm.s32 @p0 $0x1  }
0x13: {  	[smem:$0x3FA4] =	sst s0;
	s0 =	simm.s32 @!p1 $0x0  }
0x14: {  	s2 =	sld [smem:$0x3F88];
	s0 =	simm.s32 @p1 $0x1  }
0x15: {  	[smem:$0x3FA5] =	sst s0;
	s0 =	simm.s32 @!p2 $0x0  }
0x16: {  	s3 =	sld [smem:$0x3FDB];
	s0 =	simm.s32 @p2 $0x1  }
0x17: {  	s4 =	simm.s32 $0x1BF5;
	[smem:$0x3FA7] =	sst s0  }
0x18: {  	s0 =	sld [smem:$0x3F8A];
	_ =	swait.ge [sflag:s4], $0x0  }
0x19: {  	s7 =	sld [smem:$0x3F8B]  }
0x1a: {  	s8 =	sadd.s32 $0xFFFFE003, lr  }
0x1b: {  	s9 =	sadd.s32 $0xFFFFFEF7, lr;
	s5 =	simm.s32 $0xFFFFFFFF;
	p2 =	slt.u32 s8, $0xFFFFF086  }
0x1c: {  	p1 =	slt.u32 s9, $0xF7A;
	s5 =	simm.s32 @!p2 $0x0  }
0x1d: {  	s5 =	simm.s32 @p1 $0x1;
	p0 =	seq.s32 s7, s2  }
0x1e: {  	s7 =	smul.u32 @!p0 $0xF7A, s2;
	p2 =	seq.s32 @!p0 s5, $0x0  }
0x1f: {  	s9 =	smul.u32 $0xF7A, s1;
	s8 =	simm.s32 @!p0 $0x1BF5;
	p2 =	por !p2, p0  }
0x20: {  	[sflag:s8] =	ssyncset.s32 @!p0 $0xFFFFF086;
	s6 =	sadd.s32 @!p0 s3, s7;
	s7 =	simm.s32 @!p0 $0x108  }
0x21: {  	s3 =	sadd.s32 s3, s9;
	s6 =	sadd.s32 @!p0 $0x88, s6;
	s7 =	simm.s32 @p2 $0x1082  }
0x22: {  	[simem:s7], [sflag:s8] =	dma.local @!p0 [hbm:s6], $0xF7A  }
0x23: {  	s9 =	sor.u32 $0xD0000000, s2;
	s6 =	simm.s32 $0x108;
	_ =	swait.ge @!p0 [sflag:s8], $0x0  }
0x24: {  	s3 =	sadd.s32 $0x88, s3;
	s6 =	simm.s32 @!p1 $0x1082;
	[sflag:s4] =	ssyncset.s32 $0xFFFFF086  }
0x25: {  	[simem:s6], [sflag:s4] =	dma.local [hbm:s3], $0xF7A  }
0x26: {  	[smem:$0x3F8B] =	sst s1;
	(tag) =	ssettag s2;
	_ =	strace s9  }
0x27: {  	s1 =	sld [smem:$0x3F9B]  }
0x28: {  	s2 =	sld [smem:$0x3F9C]  }
0x29: {  	s4 =	sld [smem:$0x3F9E]  }
0x2a: {  	p0 =	seq.s32 s5, $0x0;
	s5 =	sld [smem:$0x3F9F]  }
0x2b: {  	s6 =	sld [smem:$0x3FA0]  }
0x2c: {  	s7 =	sld [smem:$0x3FA1]  }
0x2d: {  	s3 =	simm.s32 $0x108;
	s8 =	sld [smem:$0x3FA2]  }
0x2e: {  	s3 =	simm.s32 @!p0 $0x1082;
	s9 =	sld [smem:$0x3FA3]  }
0x2f: {  	lr =	sadd.s32 s0, s3;
	s0 =	sld [smem:$0x3F9A]  }
0x30: {  	s3 =	sld [smem:$0x3F9D]  }
0x31: {  	[smem:$0x3FA6] =	sst s10  }
0x32: {  	s10 =	sld [smem:$0x3FA4];
	_ =	sdelay $0x3  }
0x33: {  	p0 =	seq.s32 s10, $0x1;
	s10 =	sld [smem:$0x3FA6];
	_ =	sdelay $0x3  }
0x34: {  	[smem:$0x3FA6] =	sst s10  }
0x35: {  	s10 =	sld [smem:$0x3FA5];
	_ =	sdelay $0x3  }
0x36: {  	p1 =	seq.s32 s10, $0x1;
	s10 =	sld [smem:$0x3FA6];
	_ =	sdelay $0x3  }
0x37: {  	[smem:$0x3FA6] =	sst s10  }
0x38: {  	s10 =	sld [smem:$0x3FA7]  }
0x39: {  	_ = 	snop;
	(pc) =	sbr.ind lr, $3  }
0x3a: {  	_ = 	snop  }
0x3b: {  	_ = 	snop  }
0x3c: {  	p2 =	seq.s32 s10, $0x1;
	s10 =	sld [smem:$0x3FA6]  }
0x3d: {  	_ =	shalt  }
0x3e: {  	_ =	shalt  }
0x3f: {  	_ =	shalt  }
0x40: {  	_ =	shalt  }
0x41: {  	_ =	shalt  }
0x42: {  	_ =	shalt  }
0x43: {  	_ =	shalt  }
0x44: {  	_ =	shalt  }
0x45: {  	_ =	shalt  }
0x46: {  	_ =	shalt  }
0x47: {  	_ =	shalt  }
0x48: {  	_ =	shalt  }
0x49: {  	_ =	shalt  }
0x4a: {  	_ =	shalt  }
0x4b: {  	_ =	shalt  }
0x4c: {  	_ =	shalt  }
0x4d: {  	_ =	shalt  }
0x4e: {  	_ =	shalt  }
0x4f: {  	_ =	shalt  }
0x50: {  	_ =	shalt  }
0x51: {  	_ =	shalt  }
0x52: {  	_ =	shalt  }
0x53: {  	_ =	shalt  }
0x54: {  	_ =	shalt  }
0x55: {  	_ =	shalt  }
0x56: {  	_ =	shalt  }
0x57: {  	_ =	shalt  }
0x58: {  	_ =	shalt  }
0x59: {  	_ =	shalt  }
0x5a: {  	_ =	shalt  }
0x5b: {  	_ =	shalt  }
0x5c: {  	_ =	shalt  }
0x5d: {  	_ =	shalt  }
0x5e: {  	_ =	shalt  }
0x5f: {  	_ =	shalt  }
0x60: {  	_ =	shalt  }
0x61: {  	_ =	shalt  }
0x62: {  	_ =	shalt  }
0x63: {  	_ =	shalt  }
0x64: {  	_ =	shalt  }
0x65: {  	_ =	shalt  }
0x66: {  	_ =	shalt  }
0x67: {  	_ =	shalt  }
0x68: {  	_ =	shalt  }
0x69: {  	_ =	shalt  }
0x6a: {  	_ =	shalt  }
0x6b: {  	_ =	shalt  }
0x6c: {  	_ =	shalt  }
0x6d: {  	_ =	shalt  }
0x6e: {  	_ =	shalt  }
0x6f: {  	_ =	shalt  }
0x70: {  	_ =	shalt  }
0x71: {  	_ =	shalt  }
0x72: {  	_ =	shalt  }
0x73: {  	_ =	shalt  }
0x74: {  	_ =	shalt  }
0x75: {  	_ =	shalt  }
0x76: {  	_ =	shalt  }
0x77: {  	_ =	shalt  }
0x78: {  	_ =	shalt  }
0x79: {  	_ =	shalt  }
0x7a: {  	_ =	shalt  }
0x7b: {  	_ =	shalt  }
0x7c: {  	_ =	shalt  }
0x7d: {  	_ =	shalt  }
0x7e: {  	_ =	shalt  }
0x7f: {  	_ =	shalt  }
0x80: {  	_ =	shalt  }
0x81: {  	_ =	shalt  }
0x82: {  	_ =	shalt  }
0x83: {  	_ =	shalt  }
0x84: {  	_ =	shalt  }
0x85: {  	_ =	shalt  }
0x86: {  	_ =	shalt  }
0x87: {  	_ =	shalt  }
.Lfunc_end0:
.L_simem_size_0:
called_computation.1_lowered:
.L_overlay_start_0:
0x88: {  	s2 =	sld [smem:$0x3FD9]  }
0x89: {  	s3 =	sld [smem:$0x3FFE];
	_ =	sdelay $0x1  }
0x8a: {  	s1 =	srdreg.scid  }
0x8b: {  	s0 =	sand.u32 $0x1, s1  }
0x8c: {  	s14 =	sshll.u32 s0, $0xA;
	s2 =	sadd.s32 s3, s2  }
0x8d: {  	s2 =	sadd.s32 s2, s14  }
0x8e: {  	[smem:$0x3FB2] =	sst s2  }
0x8f: {  	_ = 	snop  }
0x90: {  	s2 =	sld [smem:$0x3FD0];
	_ =	sdelay $0x2  }
0x91: {  	s15 =	simm.s32 $0xA;
	s4 =	simm.s32 $0x10  }
0x92: {  	[smem:s4], [sflag:s15] =	dma.local [hbm:s2], $0x1  }
0x93: {  	_ =	swait.eq [sflag:s15], $0x1  }
0x94: {  	[sflag:s15] =	ssyncset.done $0x0  }
0x95: {  	[sflag:s15] =	ssyncadd.s32 $0xFFFFFFFF  }
0x96: {  	s16 =	sld [smem:$0x11];
	(tm) =	ssettm $0x1  }
0x97: {  	s17 =	sld [smem:$0x3FFB];
	_ =	sdelay $0x3  }
0x98: {  	_ =	strace s17  }
0x99: {  	s3 =	sld [smem:$0x3FFC];
	_ =	sdelay $0x3  }
0x9a: {  	_ =	strace s3  }
0x9b: {  	s3 =	sld [smem:$0x3FFD];
	_ =	sdelay $0x3  }
0x9c: {  	_ =	strace s3  }
0x9d: {  	_ =	strace $0x8FFFFFFF  }
0x9e: {  	s18 =	sld [smem:$0x3FDB];
	_ =	sdelay $0x1  }
0x9f: {  	s19 =	simm.s32 $_scs_section_size  }
0xa0: {  	s5 =	simm.s32 $_size__tile_overlayer_lowered;
	s6 =	simm.s32 $_tile_overlayer_lowered  }
0xa1: {  	s22 =	simm.s32 $0x1BFF;
	s21 =	sshll.u32 s6, $0x1;
	s3 =	sadd.s32 s19, s18  }
0xa2: {  	s7 =	simm.s32 $0x0;
	s20 =	sshll.u32 s5, $0x1;
	s5 =	sadd.s32 s21, s3  }
0xa3: {  	[timem:s7], [sflag:s22] =	dma.local [hbm:s5], s20  }
0xa4: {  	_ =	swait.ge [sflag:s22], s20  }
0xa5: {  	s4 =	ssub.s32 $0x0, s20;
	[sflag:s22] =	ssyncset.done $0x0  }
0xa6: {  	[sflag:s22] =	ssyncadd.s32 s4;
	_ =	sdelay $0x1  }
0xa7: {  	s23 =	simm.s32 $0x1B8B  }
0xa8: {  	_ =	swait.ge [sflag:s23], $0x1  }
0xa9: {  	[sflag:s23] =	ssyncset.done $0x0  }
0xaa: {  	s25 =	simm.s32 $0x1B8E;
	s24 =	sld [smem:$0x3FFE];
	[sflag:s23] =	ssyncadd.s32 $0xFFFFFFFF  }
0xab: {  	s26 =	simm.s32 $execute0_lowered;
	[smem:$0x3FD2] =	sst s25  }
0xac: {  	s5 =	sshll.u32 s26, $0x1;
	_ =	strace $0x80000049;
	[dreg:$0x1] =	wrdreg $0xFFFFFFFF  }
0xad: {  	s28 =	simm.s32 $_size_execute0_lowered;
	s3 =	sadd.s32 s3, s5;
	[dreg:$0x0] =	wrdreg $0x0  }
0xae: {  	s5 =	sshll.u32 s28, $0x1;
	[dreg:$0x2] =	wrdreg s3  }
0xaf: {  	[dreg:$0x3] =	wrdreg s5  }
0xb0: {  	[dreg:$0x4] =	wrdreg $0xC0  }
0xb1: {  	_ =	task [dreg:s7], $0x5FFFF  }
0xb2: {  	[dreg:$0x1] =	wrdreg $0xFFFFFFFF  }
0xb3: {  	[dreg:$0x0] =	wrdreg $0x60  }
0xb4: {  	[dreg:$0x2] =	wrdreg s16  }
0xb5: {  	[dreg:$0x3] =	wrdreg s24  }
0xb6: {  	[dreg:$0x4] =	wrdreg $0xA8000  }
0xb7: {  	[dreg:$0x5] =	wrdreg $0x9  }
0xb8: {  	_ =	task.clear_ibuf [dreg:s7], $0x6FFFF;
	_ =	strace $0x90000049  }
0xb9: {  	s29 =	simm.s32 $0x9;
	_ =	strace $0x8000004B  }
0xba: {  	_ =	swait.ge [sflag:s29], $0x1  }
0xbb: {  	[sflag:s29] =	ssyncadd.s32 $0xFFFFFFFF  }
0xbc: {  	_ =	strace $0x9000004B  }
0xbd: {  	_ =	sfence  }
0xbe: {  	s30 =	sld [smem:$0x0];
	_ =	sdelay $0x2  }
0xbf: {  	s31 =	sshll.u32 s1, $0xD;
	s1 =	sshrl.u32 s1, $0x2  }
0xc0: {  	s3 =	sand.u32 $0x4000, s31;
	s1 =	sadd.s32 s1, s30  }
0xc1: {  	s0 =	sor.u32 s3, s0;
	s1 =	sshll.u32 s1, $0x11  }
0xc2: {  	s0 =	sor.u32 s1, s0  }
0xc3: {  	s0 =	sadd.s32 $0x8F2B, s0  }
0xc4: {  	[sflag:s0] =	ssyncadd.remote.s32 $0x1  }
0xc5: {  	_ =	sfence.sel $0xFFFF  }
0xc6: {  	[dreg:$0x0] =	wrdreg $0xFFFFFFFF;
	(pc) =	sbr.abs _section_cstart, $3  }
0xc7: {  	[dreg:$0x1] =	wrdreg $0xFFFFFFFF  }
0xc8: {  	_ =	task.clear_ibuf [dreg:s7], $0x2FFFF;
	_ =	strace $0x9FFFFFFF  }
0xc9: {  	(tm) =	ssettm $0x7FFFFFFF  }
tec
execute0_lowered:
.L_overlay_start_1:
0x0: {  	(tag) =	ssettag $0x1  }
0x1: {  	s1 =	rddreg [dreg:$0x0]  }
0x2: {  	s7 =	rddreg [dreg:$0x1]  }
0x3: {  	s3 =	rddreg [dreg:$0x2];
	s4 =	srdreg.scid  }
0x4: {  	s0 =	rddreg [dreg:$0x3];
	s2 =	stileid.u32;
	s14 =	simm.s32 $0xA400  }
0x5: {  	s15 =	simm.s32 $0x4;
	s16 =	simm.s32 $0x200;
	s17 =	simm.s32 $0x1  }
0x6: {  	s18 =	simm.s32 $0x50;
	s19 =	simm.s32 $0x400;
	s20 =	simm.s32 $0x80  }
0x7: {  	s21 =	simm.s32 $0x280;
	s22 =	simm.s32 $0x2;
	s23 =	simm.s32 $0x3  }
0x8: {  	s24 =	simm.s32 $0x0;
	s8 =	sand.u32 $0x1, s4;
	s10 =	smul.u32 $0x2800, s2  }
0x9: {  	s4 =	simm.s32 $0x0;
	s5 =	sshll.u32 s2, $0x1;
	s29 =	smul.u32 $0x50000, s2  }
0xa: {  	s6 =	sadd.s32 $0x5200, s7;
	s9 =	smul.u32 $0x28000, s8;
	s5 =	sor.u32 s8, s5  }
0xb: {  	[smem:$0x7FF] =	sst s4;
	s8 =	ssub.s32 $0x2, s8;
	s5 =	smul.u32 $0x2710, s5  }
.Ltmp0:
0xc: {  	_ =	strace $0x8000004A;
	s31 =	sshrl.u32 s8, $0x1;
	(pc) =	sbr.rel .LBB2_1-.Ltmp0, $4  }
0xd: {  	s9 =	sadd.s32 s10, s9;
	s10 =	sshrl.u32 s29, $0x2;
	s13 =	ssub.s32 s8, s31  }
0xe: {  	s12 =	sadd.s32 s9, s7;
	s30 =	sshrl.u32 s5, $0x3;
	s8 =	sadd.s32 s10, s3  }
0xf: {  	s13 =	smax.u32 s13, $0x1;
	s7 =	sadd.s32 s1, s30;
	s12 =	sadd.s32 $0x2D200, s12  }
0x10: {  	v0 =	vimm.f32 $0.0e+00;
	s9 =	sadd.s32 $0x9C40, s7;
	s10 =	sadd.s32 $0xA, s7;
	s11 =	sadd.s32 $0x9C4A, s7  }
.LBB2_9:
0x11: {  	_ =	swait.ge [sflag:s23], $0x2800  }
0x12: {  	[sflag:s23] =	ssyncset.done $0x0  }
0x13: {  	[sflag:s23] =	ssyncadd.s32 $0xFFFFD800  }
0x14: {  	_ =	swait.ge [sflag:s23], $0x2800  }
0x15: {  	s25 =	sshll.u32 s2, $0x6;
	s24 =	sadd.s32 $0x1, s24;
	[sflag:s23] =	ssyncset.done $0x0  }
0x16: {  	s26 =	sshrl.u32 s8, $0x3;
	p0 =	sne.s32 s24, s13;
	[sflag:s23] =	ssyncadd.s32 $0xFFFFD800  }
.Ltmp1:
0x17: {  	s25 =	sor.u32 $0x1C04, s25;
	[bflag:$0x0] =	sbarrier.arrive $0xFFFF;
	(pc) =	sbr.rel @!p0 .LBB2_10-.Ltmp1, $4  }
0x18: {  	[hbm:s12], [sflag:s25] =	dma.local [spmem:s26], $0x2800  }
0x19: {  	_ =	swait.ge [sflag:s15], $0x2800  }
0x1a: {  	[sflag:s15] =	ssyncset.done $0x0  }
0x1b: {  	[sflag:s15] =	ssyncadd.s32 $0xFFFFD800  }
.LBB2_1:
0x1c: {  	[tilespmem:$0xA400] =	vst v0  }
0x1d: {  	[tilespmem:$0xA410] =	vst v0  }
0x1e: {  	[tilespmem:$0xA420] =	vst v0  }
0x1f: {  	[tilespmem:$0xA430] =	vst v0  }
0x20: {  	[tilespmem:$0xA440] =	vst v0  }
0x21: {  	[tilespmem:$0xA450] =	vst v0  }
0x22: {  	[tilespmem:$0xA460] =	vst v0  }
0x23: {  	[tilespmem:$0xA470] =	vst v0  }
0x24: {  	[tilespmem:$0xA480] =	vst v0  }
0x25: {  	[tilespmem:$0xA490] =	vst v0  }
0x26: {  	[tilespmem:$0xA4A0] =	vst v0  }
0x27: {  	[tilespmem:$0xA4B0] =	vst v0  }
0x28: {  	[tilespmem:$0xA4C0] =	vst v0  }
0x29: {  	[tilespmem:$0xA4D0] =	vst v0  }
0x2a: {  	[tilespmem:$0xA4E0] =	vst v0  }
0x2b: {  	[tilespmem:$0xA4F0] =	vst v0  }
0x2c: {  	[tilespmem:$0xA500] =	vst v0  }
0x2d: {  	[tilespmem:$0xA510] =	vst v0  }
0x2e: {  	[tilespmem:$0xA520] =	vst v0  }
0x2f: {  	[tilespmem:$0xA530] =	vst v0  }
0x30: {  	[tilespmem:$0xA540] =	vst v0  }
0x31: {  	[tilespmem:$0xA550] =	vst v0  }
0x32: {  	[tilespmem:$0xA560] =	vst v0  }
0x33: {  	[tilespmem:$0xA570] =	vst v0  }
0x34: {  	[tilespmem:$0xA580] =	vst v0  }
0x35: {  	[tilespmem:$0xA590] =	vst v0  }
0x36: {  	[tilespmem:$0xA5A0] =	vst v0  }
0x37: {  	[tilespmem:$0xA5B0] =	vst v0  }
0x38: {  	[tilespmem:$0xA5C0] =	vst v0  }
0x39: {  	[tilespmem:$0xA5D0] =	vst v0  }
0x3a: {  	[tilespmem:$0xA5E0] =	vst v0  }
0x3b: {  	[tilespmem:$0xA5F0] =	vst v0  }
0x3c: {  	[tilespmem:$0xA600] =	vst v0  }
0x3d: {  	[tilespmem:$0xA610] =	vst v0  }
0x3e: {  	[tilespmem:$0xA620] =	vst v0  }
0x3f: {  	[tilespmem:$0xA630] =	vst v0  }
0x40: {  	[tilespmem:$0xA640] =	vst v0  }
0x41: {  	[tilespmem:$0xA650] =	vst v0  }
0x42: {  	[tilespmem:$0xA660] =	vst v0  }
0x43: {  	[tilespmem:$0xA670] =	vst v0  }
0x44: {  	[tilespmem:$0xA680] =	vst v0  }
0x45: {  	[tilespmem:$0xA690] =	vst v0  }
0x46: {  	[tilespmem:$0xA6A0] =	vst v0  }
0x47: {  	[tilespmem:$0xA6B0] =	vst v0  }
0x48: {  	[tilespmem:$0xA6C0] =	vst v0  }
0x49: {  	[tilespmem:$0xA6D0] =	vst v0  }
0x4a: {  	[tilespmem:$0xA6E0] =	vst v0  }
0x4b: {  	[tilespmem:$0xA6F0] =	vst v0  }
0x4c: {  	[tilespmem:$0xA700] =	vst v0  }
0x4d: {  	[tilespmem:$0xA710] =	vst v0  }
0x4e: {  	[tilespmem:$0xA720] =	vst v0  }
0x4f: {  	[tilespmem:$0xA730] =	vst v0  }
0x50: {  	[tilespmem:$0xA740] =	vst v0  }
0x51: {  	[tilespmem:$0xA750] =	vst v0  }
0x52: {  	[tilespmem:$0xA760] =	vst v0  }
0x53: {  	[tilespmem:$0xA770] =	vst v0  }
0x54: {  	[tilespmem:$0xA780] =	vst v0  }
0x55: {  	[tilespmem:$0xA790] =	vst v0  }
0x56: {  	[tilespmem:$0xA7A0] =	vst v0  }
0x57: {  	[tilespmem:$0xA7B0] =	vst v0  }
0x58: {  	[tilespmem:$0xA7C0] =	vst v0  }
0x59: {  	[tilespmem:$0xA7D0] =	vst v0  }
0x5a: {  	[tilespmem:$0xA7E0] =	vst v0  }
0x5b: {  	[tilespmem:$0xA7F0] =	vst v0;
	s25 =	sadd.s32 $0x0, s8  }
0x5c: {  	[spmem:s25] =	stream.linear.scatter [tilespmem:s14], [sflag:$0x4], $0x400, $0x38;
	[tilespmem:$0x1E800] =	vst v63  }
0x5d: {  	s25 =	simm.s32 $0x1000;
	_ =	swait.ge [sflag:s15], $0x400  }
.LBB2_2:
0x5e: {  	s26 =	sshra.s32 s25, $0x2;
	[sflag:s15] =	ssyncset.done $0x0;
	p0 =	sne.s32 s25, $0x4F000  }
.Ltmp2:
0x5f: {  	s26 =	sadd.s32 s26, s8;
	[sflag:s15] =	ssyncadd.s32 $0xFFFFFC00;
	(pc) =	sbr.rel @p0 .LBB2_2-.Ltmp2, $3  }
0x60: {  	[spmem:s26] =	stream.linear.scatter [tilespmem:s14], [sflag:$0x4], $0x400, $0x38;
	[tilespmem:$0x1E800] =	vst v63  }
0x61: {  	s25 =	sadd.s32 $0x1000, s25;
	_ =	sdelay $0x1  }
0x62: {  	_ =	swait.ge [sflag:s15], $0x400  }
0x63: {  	[sflag:s15] =	ssyncset.done $0x0  }
0x64: {  	[sflag:s15] =	ssyncadd.s32 $0xFFFFFC00  }
0x65: {  	s25 =	simm.s32 $0x0;
	[bflag:$0x0] =	sbarrier.arrive $0xFFFF  }
0x66: {  	[tilespmem:s25], [sflag:$0x1] =	stream.linear.gather [hbm4b:s7+s25], $0x50, $0x38;
	[tilespmem:$0x1E800] =	vst v63  }
0x67: {  	_ = 	snop  }
0x68: {  	[tilespmem:s16], [sflag:$0x1] =	stream.linear.gather [hbm4b:s9+s25], $0x50, $0x38;
	[tilespmem:$0x1E800] =	vst v63  }
0x69: {  	_ =	swait.ge [sflag:s17], $0x50  }
0x6a: {  	[sflag:s17] =	ssyncset.done $0x0  }
0x6b: {  	[sflag:s17] =	ssyncadd.s32 $0xFFFFFFB0  }
0x6c: {  	_ =	swait.ge [sflag:s17], $0x50  }
0x6d: {  	[sflag:s17] =	ssyncset.done $0x0  }
0x6e: {  	[sflag:s17] =	ssyncadd.s32 $0xFFFFFFB0  }
0x6f: {  	[tilespmem:s19], [sflag:$0x2] =	stream.indirect.gather [hbm4b:s6+s18], $0x80, s25, s18, $0xb8;
	[tilespmem:$0x1E800] =	vst v63  }
.Ltmp3:
0x70: {  	_ = 	snop;
	(pc) =	sbr.rel .LBB2_4-.Ltmp3, $4  }
0x71: {  	_ = 	snop  }
0x72: {  	[tilespmem:s20], [sflag:$0x1] =	stream.linear.gather [hbm4b:s10+s25], $0x50, $0x38;
	[tilespmem:$0x1E800] =	vst v63  }
0x73: {  	_ = 	snop  }
0x74: {  	[tilespmem:s21], [sflag:$0x1] =	stream.linear.gather [hbm4b:s11+s25], $0x50, $0x38;
	[tilespmem:$0x1E800] =	vst v63  }
.LBB2_5:
0x75: {  	s26 =	sadd.s32 $0x2, s25  }
0x76: {  	s28 =	smul.u32 $0x50, s26;
	_ =	sdelay $0x1  }
0x77: {  	s28 =	sadd.s32 s5, s28  }
0x78: {  	s26 =	sshll.u32 s26, $0x7;
	s28 =	sshrl.u32 s28, $0x3  }
0x79: {  	s26 =	sand.u32 $0x180, s26;
	s28 =	sadd.s32 s1, s28  }
0x7a: {  	[tilespmem:s26], [sflag:$0x1] =	stream.linear.gather [hbm4b:s28+s4], $0x50, $0x38;
	[tilespmem:$0x1E800] =	vst v63  }
0x7b: {  	s26 =	sor.u32 $0x200, s26;
	s28 =	sadd.s32 $0x9C40, s28  }
0x7c: {  	[tilespmem:s26], [sflag:$0x1] =	stream.linear.gather [hbm4b:s28+s4], $0x50, $0x38;
	[tilespmem:$0x1E800] =	vst v63  }
.LBB2_7:
0x7d: {  	s26 =	sadd.s32 $0x1, s25;
	_ =	swait.ge [sflag:s17], $0x50  }
0x7e: {  	s28 =	sand.u32 $0x3, s26;
	[sflag:s17] =	ssyncset.done $0x0  }
0x7f: {  	[sflag:s17] =	ssyncadd.s32 $0xFFFFFFB0;
	s29 =	smul.u32 $0xA000, s28  }
0x80: {  	_ =	swait.ge [sflag:s17], $0x50  }
0x81: {  	[sflag:s17] =	ssyncset.done $0x0;
	s29 =	sshrl.u32 s29, $0x2  }
0x82: {  	s28 =	sshll.u32 s28, $0x7;
	[sflag:s17] =	ssyncadd.s32 $0xFFFFFFB0;
	s29 =	sor.u32 $0x400, s29  }
0x83: {  	[tilespmem:s29], [sflag:$0x2] =	stream.indirect.gather [hbm4b:s6+s18], $0x80, s28, s18, $0xb8;
	[tilespmem:$0x1E800] =	vst v63  }
.LBB2_8:
0x84: {  	s25 =	sand.u32 $0x3, s25  }
0x85: {  	p0 =	slt.u32 s26, $0x7D;
	s28 =	smul.u32 $0xA000, s25  }
.Ltmp4:
0x86: {  	_ =	swait.ge [sflag:s22], $0x2800;
	(pc) =	sbr.rel @!p0 .LBB2_9-.Ltmp4, $4  }
0x87: {  	[sflag:s22] =	ssyncset.done $0x0;
	s25 =	sshll.u32 s25, $0x7;
	s28 =	sshrl.u32 s28, $0x2  }
0x88: {  	[sflag:s22] =	ssyncadd.s32 $0xFFFFD800;
	s25 =	sor.u32 $0x200, s25;
	s28 =	sor.u32 $0x400, s28  }
0x89: {  	[spmem:s3] =	stream.indirect.scatter.add.f32 [tilespmem:s28], [sflag:$0x3], $0x80, s25, s18, $0xb8;
	[tilespmem:$0x1E800] =	vst v63  }
0x8a: {  	s25 =	smov.u32 s26  }
.LBB2_4:
0x8b: {  	p0 =	slt.u32 s25, $0x2  }
0x8c: {  	p1 =	sgt.u32 @!p0 s25, $0x7A  }
0x8d: {  	p1 =	por p0, !p1  }
.Ltmp5:
0x8e: {  	_ = 	snop;
	(pc) =	sbr.rel @p1 .LBB2_5-.Ltmp5, $4  }
0x8f: {  	s26 =	simm.s32 @!p0 $0x3  }
0x90: {  	_ =	swait.ge @!p0 [sflag:s26], $0x2800  }
0x91: {  	[sflag:s26] =	ssyncset.done @!p0 $0x0  }
0x92: {  	[sflag:s26] =	ssyncadd.s32 @!p0 $0xFFFFD800  }
0x93: {  	p0 =	seq.s32 s25, $0x7C  }
.Ltmp6:
0x94: {  	_ = 	snop;
	(pc) =	sbr.rel @p0 .LBB2_8-.Ltmp6, $4  }
.Ltmp7:
0x95: {  	_ = 	snop;
	(pc) =	sbr.rel @!p0 .LBB2_7-.Ltmp7, $4  }
0x96: {  	_ = 	snop  }
0x97: {  	_ = 	snop  }
0x98: {  	s26 =	simm.s32 $0x7D  }
0x99: {  	_ = 	snop  }
.LBB2_10:
0x9a: {  	_ =	sfence.sel $0x180000  }
0x9b: {  	[bflag:$0x0] =	sbarrier.arrive $0xFFFF  }
0x9c: {  	p0 =	sne.s32 s2, $0x0;
	_ =	strace $0x9000004A  }
0x9d: {  	s0 =	sadd.s32 @!p0 $0x100000, s0;
	[bflag:$0x2] =	sbarrier.arrive $0xFFFF  }
0x9e: {  	[sflag:s0] =	ssyncadd.tile.s32 @!p0 $0x1;
	_ =	shalt  }
.Lfunc_end2:
_tile_overlayer_lowered:
.L_overlay_start_2:
0x9f: {  	(tag) =	ssettag $0x2  }
0xa0: {  	s0 =	rddreg [dreg:$0x0];
	s2 =	stileid.u32  }
0xa1: {  	s1 =	rddreg [dreg:$0x1];
	p0 =	sne.s32 s2, $0x0  }
0xa2: {  	s3 =	rddreg [dreg:$0x2];
	[bflag:$0x3] =	sbarrier.arrive $0xFFFF;
	s2 =	simm.s32 @!p0 $0x1C04  }
0xa3: {  	[timem:s3], [sflag:s2] =	dma.local @!p0 [hbm:s0], s1  }
0xa4: {  	s0 =	simm.s32 @!p0 $0x4  }
0xa5: {  	_ =	swait.ge @!p0 [sflag:s0], s1  }
0xa6: {  	s1 =	ssub.s32 @!p0 $0x0, s1;
	[sflag:s0] =	ssyncset.done @!p0 $0x0  }
0xa7: {  	[sflag:s0] =	ssyncadd.s32 @!p0 s1  }
0xa8: {  	[bflag:$0x3] =	sbarrier.arrive $0xFFFF  }
0xa9: {  	_ =	shalt  }

// kernel: kernel.17.cloned.1.call-start
scs
__scs_entry_jumppad:
0x0: {  	(pc) =	sbr.rel $0x88, $3  }
0x1: {  	(tag) =	ssettag $0x0;
	lr =	simm.s32 $0x1  }
0x2: {  	[smem:$0x3F8B] =	sst lr;
	_ =	strace $0xD0000000  }
0x3: {  	_ = 	snop  }
0x4: {  	_ = 	snop  }
0x5: {  	_ = 	snop  }
0x6: {  	_ = 	snop  }
0x7: {  	_ = 	snop  }
__scs_overlays_trampoline_lowered:
0x8: {  	[smem:$0x3F9A] =	sst s0  }
0x9: {  	[smem:$0x3F9B] =	sst s1  }
0xa: {  	[smem:$0x3F9C] =	sst s2  }
0xb: {  	[smem:$0x3F9D] =	sst s3  }
0xc: {  	[smem:$0x3F9E] =	sst s4  }
0xd: {  	[smem:$0x3F9F] =	sst s5  }
0xe: {  	[smem:$0x3FA0] =	sst s6  }
0xf: {  	[smem:$0x3FA1] =	sst s7  }
0x10: {  	[smem:$0x3FA2] =	sst s8  }
0x11: {  	[smem:$0x3FA3] =	sst s9;
	s0 =	simm.s32 @!p0 $0x0  }
0x12: {  	s1 =	sld [smem:$0x3F89];
	s0 =	simm.s32 @p0 $0x1  }
0x13: {  	[smem:$0x3FA4] =	sst s0;
	s0 =	simm.s32 @!p1 $0x0  }
0x14: {  	s2 =	sld [smem:$0x3F88];
	s0 =	simm.s32 @p1 $0x1  }
0x15: {  	[smem:$0x3FA5] =	sst s0;
	s0 =	simm.s32 @!p2 $0x0  }
0x16: {  	s3 =	sld [smem:$0x3FDB];
	s0 =	simm.s32 @p2 $0x1  }
0x17: {  	s4 =	simm.s32 $0x1BF5;
	[smem:$0x3FA7] =	sst s0  }
0x18: {  	s0 =	sld [smem:$0x3F8A];
	_ =	swait.ge [sflag:s4], $0x0  }
0x19: {  	s7 =	sld [smem:$0x3F8B]  }
0x1a: {  	s8 =	sadd.s32 $0xFFFFE003, lr  }
0x1b: {  	s9 =	sadd.s32 $0xFFFFFEF7, lr;
	s5 =	simm.s32 $0xFFFFFFFF;
	p2 =	slt.u32 s8, $0xFFFFF086  }
0x1c: {  	p1 =	slt.u32 s9, $0xF7A;
	s5 =	simm.s32 @!p2 $0x0  }
0x1d: {  	s5 =	simm.s32 @p1 $0x1;
	p0 =	seq.s32 s7, s2  }
0x1e: {  	s7 =	smul.u32 @!p0 $0xF7A, s2;
	p2 =	seq.s32 @!p0 s5, $0x0  }
0x1f: {  	s9 =	smul.u32 $0xF7A, s1;
	s8 =	simm.s32 @!p0 $0x1BF5;
	p2 =	por !p2, p0  }
0x20: {  	[sflag:s8] =	ssyncset.s32 @!p0 $0xFFFFF086;
	s6 =	sadd.s32 @!p0 s3, s7;
	s7 =	simm.s32 @!p0 $0x108  }
0x21: {  	s3 =	sadd.s32 s3, s9;
	s6 =	sadd.s32 @!p0 $0x88, s6;
	s7 =	simm.s32 @p2 $0x1082  }
0x22: {  	[simem:s7], [sflag:s8] =	dma.local @!p0 [hbm:s6], $0xF7A  }
0x23: {  	s9 =	sor.u32 $0xD0000000, s2;
	s6 =	simm.s32 $0x108;
	_ =	swait.ge @!p0 [sflag:s8], $0x0  }
0x24: {  	s3 =	sadd.s32 $0x88, s3;
	s6 =	simm.s32 @!p1 $0x1082;
	[sflag:s4] =	ssyncset.s32 $0xFFFFF086  }
0x25: {  	[simem:s6], [sflag:s4] =	dma.local [hbm:s3], $0xF7A  }
0x26: {  	[smem:$0x3F8B] =	sst s1;
	(tag) =	ssettag s2;
	_ =	strace s9  }
0x27: {  	s1 =	sld [smem:$0x3F9B]  }
0x28: {  	s2 =	sld [smem:$0x3F9C]  }
0x29: {  	s4 =	sld [smem:$0x3F9E]  }
0x2a: {  	p0 =	seq.s32 s5, $0x0;
	s5 =	sld [smem:$0x3F9F]  }
0x2b: {  	s6 =	sld [smem:$0x3FA0]  }
0x2c: {  	s7 =	sld [smem:$0x3FA1]  }
0x2d: {  	s3 =	simm.s32 $0x108;
	s8 =	sld [smem:$0x3FA2]  }
0x2e: {  	s3 =	simm.s32 @!p0 $0x1082;
	s9 =	sld [smem:$0x3FA3]  }
0x2f: {  	lr =	sadd.s32 s0, s3;
	s0 =	sld [smem:$0x3F9A]  }
0x30: {  	s3 =	sld [smem:$0x3F9D]  }
0x31: {  	[smem:$0x3FA6] =	sst s10  }
0x32: {  	s10 =	sld [smem:$0x3FA4];
	_ =	sdelay $0x3  }
0x33: {  	p0 =	seq.s32 s10, $0x1;
	s10 =	sld [smem:$0x3FA6];
	_ =	sdelay $0x3  }
0x34: {  	[smem:$0x3FA6] =	sst s10  }
0x35: {  	s10 =	sld [smem:$0x3FA5];
	_ =	sdelay $0x3  }
0x36: {  	p1 =	seq.s32 s10, $0x1;
	s10 =	sld [smem:$0x3FA6];
	_ =	sdelay $0x3  }
0x37: {  	[smem:$0x3FA6] =	sst s10  }
0x38: {  	s10 =	sld [smem:$0x3FA7]  }
0x39: {  	_ = 	snop;
	(pc) =	sbr.ind lr, $3  }
0x3a: {  	_ = 	snop  }
0x3b: {  	_ = 	snop  }
0x3c: {  	p2 =	seq.s32 s10, $0x1;
	s10 =	sld [smem:$0x3FA6]  }
0x3d: {  	_ =	shalt  }
0x3e: {  	_ =	shalt  }
0x3f: {  	_ =	shalt  }
0x40: {  	_ =	shalt  }
0x41: {  	_ =	shalt  }
0x42: {  	_ =	shalt  }
0x43: {  	_ =	shalt  }
0x44: {  	_ =	shalt  }
0x45: {  	_ =	shalt  }
0x46: {  	_ =	shalt  }
0x47: {  	_ =	shalt  }
0x48: {  	_ =	shalt  }
0x49: {  	_ =	shalt  }
0x4a: {  	_ =	shalt  }
0x4b: {  	_ =	shalt  }
0x4c: {  	_ =	shalt  }
0x4d: {  	_ =	shalt  }
0x4e: {  	_ =	shalt  }
0x4f: {  	_ =	shalt  }
0x50: {  	_ =	shalt  }
0x51: {  	_ =	shalt  }
0x52: {  	_ =	shalt  }
0x53: {  	_ =	shalt  }
0x54: {  	_ =	shalt  }
0x55: {  	_ =	shalt  }
0x56: {  	_ =	shalt  }
0x57: {  	_ =	shalt  }
0x58: {  	_ =	shalt  }
0x59: {  	_ =	shalt  }
0x5a: {  	_ =	shalt  }
0x5b: {  	_ =	shalt  }
0x5c: {  	_ =	shalt  }
0x5d: {  	_ =	shalt  }
0x5e: {  	_ =	shalt  }
0x5f: {  	_ =	shalt  }
0x60: {  	_ =	shalt  }
0x61: {  	_ =	shalt  }
0x62: {  	_ =	shalt  }
0x63: {  	_ =	shalt  }
0x64: {  	_ =	shalt  }
0x65: {  	_ =	shalt  }
0x66: {  	_ =	shalt  }
0x67: {  	_ =	shalt  }
0x68: {  	_ =	shalt  }
0x69: {  	_ =	shalt  }
0x6a: {  	_ =	shalt  }
0x6b: {  	_ =	shalt  }
0x6c: {  	_ =	shalt  }
0x6d: {  	_ =	shalt  }
0x6e: {  	_ =	shalt  }
0x6f: {  	_ =	shalt  }
0x70: {  	_ =	shalt  }
0x71: {  	_ =	shalt  }
0x72: {  	_ =	shalt  }
0x73: {  	_ =	shalt  }
0x74: {  	_ =	shalt  }
0x75: {  	_ =	shalt  }
0x76: {  	_ =	shalt  }
0x77: {  	_ =	shalt  }
0x78: {  	_ =	shalt  }
0x79: {  	_ =	shalt  }
0x7a: {  	_ =	shalt  }
0x7b: {  	_ =	shalt  }
0x7c: {  	_ =	shalt  }
0x7d: {  	_ =	shalt  }
0x7e: {  	_ =	shalt  }
0x7f: {  	_ =	shalt  }
0x80: {  	_ =	shalt  }
0x81: {  	_ =	shalt  }
0x82: {  	_ =	shalt  }
0x83: {  	_ =	shalt  }
0x84: {  	_ =	shalt  }
0x85: {  	_ =	shalt  }
0x86: {  	_ =	shalt  }
0x87: {  	_ =	shalt  }
.Lfunc_end0:
.L_simem_size_0:
called_computation.2_lowered:
.L_overlay_start_0:
0x88: {  	s2 =	sld [smem:$0x3FD9]  }
0x89: {  	s3 =	sld [smem:$0x3FFE];
	_ =	sdelay $0x1  }
0x8a: {  	s1 =	srdreg.scid  }
0x8b: {  	s0 =	sand.u32 $0x1, s1  }
0x8c: {  	s14 =	sshll.u32 s0, $0xA;
	s2 =	sadd.s32 s3, s2  }
0x8d: {  	s2 =	sadd.s32 s2, s14  }
0x8e: {  	[smem:$0x3FB2] =	sst s2  }
0x8f: {  	_ = 	snop  }
0x90: {  	s2 =	sld [smem:$0x3FD0];
	_ =	sdelay $0x2  }
0x91: {  	s15 =	simm.s32 $0xA;
	s4 =	simm.s32 $0x10  }
0x92: {  	[smem:s4], [sflag:s15] =	dma.local [hbm:s2], $0x1  }
0x93: {  	_ =	swait.eq [sflag:s15], $0x1  }
0x94: {  	[sflag:s15] =	ssyncset.done $0x0  }
0x95: {  	[sflag:s15] =	ssyncadd.s32 $0xFFFFFFFF  }
0x96: {  	s16 =	sld [smem:$0x11];
	(tm) =	ssettm $0x1  }
0x97: {  	s17 =	sld [smem:$0x3FFB];
	_ =	sdelay $0x3  }
0x98: {  	_ =	strace s17  }
0x99: {  	s3 =	sld [smem:$0x3FFC];
	_ =	sdelay $0x3  }
0x9a: {  	_ =	strace s3  }
0x9b: {  	s3 =	sld [smem:$0x3FFD];
	_ =	sdelay $0x3  }
0x9c: {  	_ =	strace s3  }
0x9d: {  	_ =	strace $0x8FFFFFFF  }
0x9e: {  	s18 =	sld [smem:$0x3FDB];
	_ =	sdelay $0x1  }
0x9f: {  	s19 =	simm.s32 $_scs_section_size  }
0xa0: {  	s5 =	simm.s32 $_size__tile_overlayer_lowered;
	s6 =	simm.s32 $_tile_overlayer_lowered  }
0xa1: {  	s22 =	simm.s32 $0x1BFF;
	s21 =	sshll.u32 s6, $0x1;
	s3 =	sadd.s32 s19, s18  }
0xa2: {  	s7 =	simm.s32 $0x0;
	s20 =	sshll.u32 s5, $0x1;
	s5 =	sadd.s32 s21, s3  }
0xa3: {  	[timem:s7], [sflag:s22] =	dma.local [hbm:s5], s20  }
0xa4: {  	_ =	swait.ge [sflag:s22], s20  }
0xa5: {  	s4 =	ssub.s32 $0x0, s20;
	[sflag:s22] =	ssyncset.done $0x0  }
0xa6: {  	[sflag:s22] =	ssyncadd.s32 s4;
	_ =	sdelay $0x1  }
0xa7: {  	s23 =	simm.s32 $0x1B8B  }
0xa8: {  	_ =	swait.ge [sflag:s23], $0x1  }
0xa9: {  	[sflag:s23] =	ssyncset.done $0x0  }
0xaa: {  	s25 =	simm.s32 $0x1B8E;
	s24 =	sld [smem:$0x3FFE];
	[sflag:s23] =	ssyncadd.s32 $0xFFFFFFFF  }
0xab: {  	s26 =	simm.s32 $execute0_lowered;
	[smem:$0x3FD2] =	sst s25  }
0xac: {  	s5 =	sshll.u32 s26, $0x1;
	_ =	strace $0x8000004C;
	[dreg:$0x1] =	wrdreg $0xFFFFFFFF  }
0xad: {  	s28 =	simm.s32 $_size_execute0_lowered;
	s3 =	sadd.s32 s3, s5;
	[dreg:$0x0] =	wrdreg $0x0  }
0xae: {  	s5 =	sshll.u32 s28, $0x1;
	[dreg:$0x2] =	wrdreg s3  }
0xaf: {  	[dreg:$0x3] =	wrdreg s5  }
0xb0: {  	[dreg:$0x4] =	wrdreg $0xC0  }
0xb1: {  	_ =	task [dreg:s7], $0x5FFFF  }
0xb2: {  	[dreg:$0x1] =	wrdreg $0xFFFFFFFF  }
0xb3: {  	[dreg:$0x0] =	wrdreg $0x60  }
0xb4: {  	[dreg:$0x2] =	wrdreg s16  }
0xb5: {  	[dreg:$0x3] =	wrdreg s24  }
0xb6: {  	[dreg:$0x4] =	wrdreg $0xA8000  }
0xb7: {  	[dreg:$0x5] =	wrdreg $0x9  }
0xb8: {  	_ =	task.clear_ibuf [dreg:s7], $0x6FFFF;
	_ =	strace $0x9000004C  }
0xb9: {  	s29 =	simm.s32 $0x9;
	_ =	strace $0x8000004E  }
0xba: {  	_ =	swait.ge [sflag:s29], $0x1  }
0xbb: {  	[sflag:s29] =	ssyncadd.s32 $0xFFFFFFFF  }
0xbc: {  	_ =	strace $0x9000004E  }
0xbd: {  	_ =	sfence  }
0xbe: {  	s30 =	sld [smem:$0x0];
	_ =	sdelay $0x2  }
0xbf: {  	s31 =	sshll.u32 s1, $0xD;
	s1 =	sshrl.u32 s1, $0x2  }
0xc0: {  	s3 =	sand.u32 $0x4000, s31;
	s1 =	sadd.s32 s1, s30  }
0xc1: {  	s0 =	sor.u32 s3, s0;
	s1 =	sshll.u32 s1, $0x11  }
0xc2: {  	s0 =	sor.u32 s1, s0  }
0xc3: {  	s0 =	sadd.s32 $0x8F2B, s0  }
0xc4: {  	[sflag:s0] =	ssyncadd.remote.s32 $0x1  }
0xc5: {  	_ =	sfence.sel $0xFFFF  }
0xc6: {  	[dreg:$0x0] =	wrdreg $0xFFFFFFFF;
	(pc) =	sbr.abs _section_cstart, $3  }
0xc7: {  	[dreg:$0x1] =	wrdreg $0xFFFFFFFF  }
0xc8: {  	_ =	task.clear_ibuf [dreg:s7], $0x2FFFF;
	_ =	strace $0x9FFFFFFF  }
0xc9: {  	(tm) =	ssettm $0x7FFFFFFF  }
tec
execute0_lowered:
.L_overlay_start_1:
0x0: {  	(tag) =	ssettag $0x1  }
0x1: {  	s1 =	rddreg [dreg:$0x0]  }
0x2: {  	s7 =	rddreg [dreg:$0x1]  }
0x3: {  	s3 =	rddreg [dreg:$0x2];
	s4 =	srdreg.scid  }
0x4: {  	s0 =	rddreg [dreg:$0x3];
	s2 =	stileid.u32;
	s14 =	simm.s32 $0xA400  }
0x5: {  	s15 =	simm.s32 $0x4;
	s16 =	simm.s32 $0x200;
	s17 =	simm.s32 $0x1  }
0x6: {  	s18 =	simm.s32 $0x50;
	s19 =	simm.s32 $0x400;
	s20 =	simm.s32 $0x80  }
0x7: {  	s21 =	simm.s32 $0x280;
	s22 =	simm.s32 $0x2;
	s23 =	simm.s32 $0x3  }
0x8: {  	s24 =	simm.s32 $0x0;
	s8 =	sand.u32 $0x1, s4;
	s10 =	smul.u32 $0x2800, s2  }
0x9: {  	s4 =	simm.s32 $0x0;
	s5 =	sshll.u32 s2, $0x1;
	s29 =	smul.u32 $0x50000, s2  }
0xa: {  	s6 =	sadd.s32 $0x5200, s7;
	s9 =	smul.u32 $0x28000, s8;
	s5 =	sor.u32 s8, s5  }
0xb: {  	[smem:$0x7FF] =	sst s4;
	s8 =	ssub.s32 $0x2, s8;
	s5 =	smul.u32 $0x2710, s5  }
.Ltmp0:
0xc: {  	_ =	strace $0x8000004D;
	s31 =	sshrl.u32 s8, $0x1;
	(pc) =	sbr.rel .LBB2_1-.Ltmp0, $4  }
0xd: {  	s9 =	sadd.s32 s10, s9;
	s10 =	sshrl.u32 s29, $0x2;
	s13 =	ssub.s32 s8, s31  }
0xe: {  	s12 =	sadd.s32 s9, s7;
	s30 =	sshrl.u32 s5, $0x3;
	s8 =	sadd.s32 s10, s3  }
0xf: {  	s13 =	smax.u32 s13, $0x1;
	s7 =	sadd.s32 s1, s30;
	s12 =	sadd.s32 $0x2D200, s12  }
0x10: {  	v0 =	vimm.f32 $0.0e+00;
	s9 =	sadd.s32 $0x9C40, s7;
	s10 =	sadd.s32 $0xA, s7;
	s11 =	sadd.s32 $0x9C4A, s7  }
.LBB2_9:
0x11: {  	_ =	swait.ge [sflag:s23], $0x2800  }
0x12: {  	[sflag:s23] =	ssyncset.done $0x0  }
0x13: {  	[sflag:s23] =	ssyncadd.s32 $0xFFFFD800  }
0x14: {  	_ =	swait.ge [sflag:s23], $0x2800  }
0x15: {  	s25 =	sshll.u32 s2, $0x6;
	s24 =	sadd.s32 $0x1, s24;
	[sflag:s23] =	ssyncset.done $0x0  }
0x16: {  	s26 =	sshrl.u32 s8, $0x3;
	p0 =	sne.s32 s24, s13;
	[sflag:s23] =	ssyncadd.s32 $0xFFFFD800  }
.Ltmp1:
0x17: {  	s25 =	sor.u32 $0x1C04, s25;
	[bflag:$0x0] =	sbarrier.arrive $0xFFFF;
	(pc) =	sbr.rel @!p0 .LBB2_10-.Ltmp1, $4  }
0x18: {  	[hbm:s12], [sflag:s25] =	dma.local [spmem:s26], $0x2800  }
0x19: {  	_ =	swait.ge [sflag:s15], $0x2800  }
0x1a: {  	[sflag:s15] =	ssyncset.done $0x0  }
0x1b: {  	[sflag:s15] =	ssyncadd.s32 $0xFFFFD800  }
.LBB2_1:
0x1c: {  	[tilespmem:$0xA400] =	vst v0  }
0x1d: {  	[tilespmem:$0xA410] =	vst v0  }
0x1e: {  	[tilespmem:$0xA420] =	vst v0  }
0x1f: {  	[tilespmem:$0xA430] =	vst v0  }
0x20: {  	[tilespmem:$0xA440] =	vst v0  }
0x21: {  	[tilespmem:$0xA450] =	vst v0  }
0x22: {  	[tilespmem:$0xA460] =	vst v0  }
0x23: {  	[tilespmem:$0xA470] =	vst v0  }
0x24: {  	[tilespmem:$0xA480] =	vst v0  }
0x25: {  	[tilespmem:$0xA490] =	vst v0  }
0x26: {  	[tilespmem:$0xA4A0] =	vst v0  }
0x27: {  	[tilespmem:$0xA4B0] =	vst v0  }
0x28: {  	[tilespmem:$0xA4C0] =	vst v0  }
0x29: {  	[tilespmem:$0xA4D0] =	vst v0  }
0x2a: {  	[tilespmem:$0xA4E0] =	vst v0  }
0x2b: {  	[tilespmem:$0xA4F0] =	vst v0  }
0x2c: {  	[tilespmem:$0xA500] =	vst v0  }
0x2d: {  	[tilespmem:$0xA510] =	vst v0  }
0x2e: {  	[tilespmem:$0xA520] =	vst v0  }
0x2f: {  	[tilespmem:$0xA530] =	vst v0  }
0x30: {  	[tilespmem:$0xA540] =	vst v0  }
0x31: {  	[tilespmem:$0xA550] =	vst v0  }
0x32: {  	[tilespmem:$0xA560] =	vst v0  }
0x33: {  	[tilespmem:$0xA570] =	vst v0  }
0x34: {  	[tilespmem:$0xA580] =	vst v0  }
0x35: {  	[tilespmem:$0xA590] =	vst v0  }
0x36: {  	[tilespmem:$0xA5A0] =	vst v0  }
0x37: {  	[tilespmem:$0xA5B0] =	vst v0  }
0x38: {  	[tilespmem:$0xA5C0] =	vst v0  }
0x39: {  	[tilespmem:$0xA5D0] =	vst v0  }
0x3a: {  	[tilespmem:$0xA5E0] =	vst v0  }
0x3b: {  	[tilespmem:$0xA5F0] =	vst v0  }
0x3c: {  	[tilespmem:$0xA600] =	vst v0  }
0x3d: {  	[tilespmem:$0xA610] =	vst v0  }
0x3e: {  	[tilespmem:$0xA620] =	vst v0  }
0x3f: {  	[tilespmem:$0xA630] =	vst v0  }
0x40: {  	[tilespmem:$0xA640] =	vst v0  }
0x41: {  	[tilespmem:$0xA650] =	vst v0  }
0x42: {  	[tilespmem:$0xA660] =	vst v0  }
0x43: {  	[tilespmem:$0xA670] =	vst v0  }
0x44: {  	[tilespmem:$0xA680] =	vst v0  }
0x45: {  	[tilespmem:$0xA690] =	vst v0  }
0x46: {  	[tilespmem:$0xA6A0] =	vst v0  }
0x47: {  	[tilespmem:$0xA6B0] =	vst v0  }
0x48: {  	[tilespmem:$0xA6C0] =	vst v0  }
0x49: {  	[tilespmem:$0xA6D0] =	vst v0  }
0x4a: {  	[tilespmem:$0xA6E0] =	vst v0  }
0x4b: {  	[tilespmem:$0xA6F0] =	vst v0  }
0x4c: {  	[tilespmem:$0xA700] =	vst v0  }
0x4d: {  	[tilespmem:$0xA710] =	vst v0  }
0x4e: {  	[tilespmem:$0xA720] =	vst v0  }
0x4f: {  	[tilespmem:$0xA730] =	vst v0  }
0x50: {  	[tilespmem:$0xA740] =	vst v0  }
0x51: {  	[tilespmem:$0xA750] =	vst v0  }
0x52: {  	[tilespmem:$0xA760] =	vst v0  }
0x53: {  	[tilespmem:$0xA770] =	vst v0  }
0x54: {  	[tilespmem:$0xA780] =	vst v0  }
0x55: {  	[tilespmem:$0xA790] =	vst v0  }
0x56: {  	[tilespmem:$0xA7A0] =	vst v0  }
0x57: {  	[tilespmem:$0xA7B0] =	vst v0  }
0x58: {  	[tilespmem:$0xA7C0] =	vst v0  }
0x59: {  	[tilespmem:$0xA7D0] =	vst v0  }
0x5a: {  	[tilespmem:$0xA7E0] =	vst v0  }
0x5b: {  	[tilespmem:$0xA7F0] =	vst v0;
	s25 =	sadd.s32 $0x0, s8  }
0x5c: {  	[spmem:s25] =	stream.linear.scatter [tilespmem:s14], [sflag:$0x4], $0x400, $0x38;
	[tilespmem:$0x1E800] =	vst v63  }
0x5d: {  	s25 =	simm.s32 $0x1000;
	_ =	swait.ge [sflag:s15], $0x400  }
.LBB2_2:
0x5e: {  	s26 =	sshra.s32 s25, $0x2;
	[sflag:s15] =	ssyncset.done $0x0;
	p0 =	sne.s32 s25, $0x4F000  }
.Ltmp2:
0x5f: {  	s26 =	sadd.s32 s26, s8;
	[sflag:s15] =	ssyncadd.s32 $0xFFFFFC00;
	(pc) =	sbr.rel @p0 .LBB2_2-.Ltmp2, $3  }
0x60: {  	[spmem:s26] =	stream.linear.scatter [tilespmem:s14], [sflag:$0x4], $0x400, $0x38;
	[tilespmem:$0x1E800] =	vst v63  }
0x61: {  	s25 =	sadd.s32 $0x1000, s25;
	_ =	sdelay $0x1  }
0x62: {  	_ =	swait.ge [sflag:s15], $0x400  }
0x63: {  	[sflag:s15] =	ssyncset.done $0x0  }
0x64: {  	[sflag:s15] =	ssyncadd.s32 $0xFFFFFC00  }
0x65: {  	s25 =	simm.s32 $0x0;
	[bflag:$0x0] =	sbarrier.arrive $0xFFFF  }
0x66: {  	[tilespmem:s25], [sflag:$0x1] =	stream.linear.gather [hbm4b:s7+s25], $0x50, $0x38;
	[tilespmem:$0x1E800] =	vst v63  }
0x67: {  	_ = 	snop  }
0x68: {  	[tilespmem:s16], [sflag:$0x1] =	stream.linear.gather [hbm4b:s9+s25], $0x50, $0x38;
	[tilespmem:$0x1E800] =	vst v63  }
0x69: {  	_ =	swait.ge [sflag:s17], $0x50  }
0x6a: {  	[sflag:s17] =	ssyncset.done $0x0  }
0x6b: {  	[sflag:s17] =	ssyncadd.s32 $0xFFFFFFB0  }
0x6c: {  	_ =	swait.ge [sflag:s17], $0x50  }
0x6d: {  	[sflag:s17] =	ssyncset.done $0x0  }
0x6e: {  	[sflag:s17] =	ssyncadd.s32 $0xFFFFFFB0  }
0x6f: {  	[tilespmem:s19], [sflag:$0x2] =	stream.indirect.gather [hbm4b:s6+s18], $0x80, s25, s18, $0xb8;
	[tilespmem:$0x1E800] =	vst v63  }
.Ltmp3:
0x70: {  	_ = 	snop;
	(pc) =	sbr.rel .LBB2_4-.Ltmp3, $4  }
0x71: {  	_ = 	snop  }
0x72: {  	[tilespmem:s20], [sflag:$0x1] =	stream.linear.gather [hbm4b:s10+s25], $0x50, $0x38;
	[tilespmem:$0x1E800] =	vst v63  }
0x73: {  	_ = 	snop  }
0x74: {  	[tilespmem:s21], [sflag:$0x1] =	stream.linear.gather [hbm4b:s11+s25], $0x50, $0x38;
	[tilespmem:$0x1E800] =	vst v63  }
.LBB2_5:
0x75: {  	s26 =	sadd.s32 $0x2, s25  }
0x76: {  	s28 =	smul.u32 $0x50, s26;
	_ =	sdelay $0x1  }
0x77: {  	s28 =	sadd.s32 s5, s28  }
0x78: {  	s26 =	sshll.u32 s26, $0x7;
	s28 =	sshrl.u32 s28, $0x3  }
0x79: {  	s26 =	sand.u32 $0x180, s26;
	s28 =	sadd.s32 s1, s28  }
0x7a: {  	[tilespmem:s26], [sflag:$0x1] =	stream.linear.gather [hbm4b:s28+s4], $0x50, $0x38;
	[tilespmem:$0x1E800] =	vst v63  }
0x7b: {  	s26 =	sor.u32 $0x200, s26;
	s28 =	sadd.s32 $0x9C40, s28  }
0x7c: {  	[tilespmem:s26], [sflag:$0x1] =	stream.linear.gather [hbm4b:s28+s4], $0x50, $0x38;
	[tilespmem:$0x1E800] =	vst v63  }
.LBB2_7:
0x7d: {  	s26 =	sadd.s32 $0x1, s25;
	_ =	swait.ge [sflag:s17], $0x50  }
0x7e: {  	s28 =	sand.u32 $0x3, s26;
	[sflag:s17] =	ssyncset.done $0x0  }
0x7f: {  	[sflag:s17] =	ssyncadd.s32 $0xFFFFFFB0;
	s29 =	smul.u32 $0xA000, s28  }
0x80: {  	_ =	swait.ge [sflag:s17], $0x50  }
0x81: {  	[sflag:s17] =	ssyncset.done $0x0;
	s29 =	sshrl.u32 s29, $0x2  }
0x82: {  	s28 =	sshll.u32 s28, $0x7;
	[sflag:s17] =	ssyncadd.s32 $0xFFFFFFB0;
	s29 =	sor.u32 $0x400, s29  }
0x83: {  	[tilespmem:s29], [sflag:$0x2] =	stream.indirect.gather [hbm4b:s6+s18], $0x80, s28, s18, $0xb8;
	[tilespmem:$0x1E800] =	vst v63  }
.LBB2_8:
0x84: {  	s25 =	sand.u32 $0x3, s25  }
0x85: {  	p0 =	slt.u32 s26, $0x7D;
	s28 =	smul.u32 $0xA000, s25  }
.Ltmp4:
0x86: {  	_ =	swait.ge [sflag:s22], $0x2800;
	(pc) =	sbr.rel @!p0 .LBB2_9-.Ltmp4, $4  }
0x87: {  	[sflag:s22] =	ssyncset.done $0x0;
	s25 =	sshll.u32 s25, $0x7;
	s28 =	sshrl.u32 s28, $0x2  }
0x88: {  	[sflag:s22] =	ssyncadd.s32 $0xFFFFD800;
	s25 =	sor.u32 $0x200, s25;
	s28 =	sor.u32 $0x400, s28  }
0x89: {  	[spmem:s3] =	stream.indirect.scatter.add.f32 [tilespmem:s28], [sflag:$0x3], $0x80, s25, s18, $0xb8;
	[tilespmem:$0x1E800] =	vst v63  }
0x8a: {  	s25 =	smov.u32 s26  }
.LBB2_4:
0x8b: {  	p0 =	slt.u32 s25, $0x2  }
0x8c: {  	p1 =	sgt.u32 @!p0 s25, $0x7A  }
0x8d: {  	p1 =	por p0, !p1  }
.Ltmp5:
0x8e: {  	_ = 	snop;
	(pc) =	sbr.rel @p1 .LBB2_5-.Ltmp5, $4  }
0x8f: {  	s26 =	simm.s32 @!p0 $0x3  }
0x90: {  	_ =	swait.ge @!p0 [sflag:s26], $0x2800  }
0x91: {  	[sflag:s26] =	ssyncset.done @!p0 $0x0  }
0x92: {  	[sflag:s26] =	ssyncadd.s32 @!p0 $0xFFFFD800  }
0x93: {  	p0 =	seq.s32 s25, $0x7C  }
.Ltmp6:
0x94: {  	_ = 	snop;
	(pc) =	sbr.rel @p0 .LBB2_8-.Ltmp6, $4  }
.Ltmp7:
0x95: {  	_ = 	snop;
	(pc) =	sbr.rel @!p0 .LBB2_7-.Ltmp7, $4  }
0x96: {  	_ = 	snop  }
0x97: {  	_ = 	snop  }
0x98: {  	s26 =	simm.s32 $0x7D  }
0x99: {  	_ = 	snop  }
.LBB2_10:
0x9a: {  	_ =	sfence.sel $0x180000  }
0x9b: {  	[bflag:$0x0] =	sbarrier.arrive $0xFFFF  }
0x9c: {  	p0 =	sne.s32 s2, $0x0;
	_ =	strace $0x9000004D  }
0x9d: {  	s0 =	sadd.s32 @!p0 $0x100000, s0;
	[bflag:$0x2] =	sbarrier.arrive $0xFFFF  }
0x9e: {  	[sflag:s0] =	ssyncadd.tile.s32 @!p0 $0x1;
	_ =	shalt  }
.Lfunc_end2:
_tile_overlayer_lowered:
.L_overlay_start_2:
0x9f: {  	(tag) =	ssettag $0x2  }
0xa0: {  	s0 =	rddreg [dreg:$0x0];
	s2 =	stileid.u32  }
0xa1: {  	s1 =	rddreg [dreg:$0x1];
	p0 =	sne.s32 s2, $0x0  }
0xa2: {  	s3 =	rddreg [dreg:$0x2];
	[bflag:$0x3] =	sbarrier.arrive $0xFFFF;
	s2 =	simm.s32 @!p0 $0x1C04  }
0xa3: {  	[timem:s3], [sflag:s2] =	dma.local @!p0 [hbm:s0], s1  }
0xa4: {  	s0 =	simm.s32 @!p0 $0x4  }
0xa5: {  	_ =	swait.ge @!p0 [sflag:s0], s1  }
0xa6: {  	s1 =	ssub.s32 @!p0 $0x0, s1;
	[sflag:s0] =	ssyncset.done @!p0 $0x0  }
0xa7: {  	[sflag:s0] =	ssyncadd.s32 @!p0 s1  }
0xa8: {  	[bflag:$0x3] =	sbarrier.arrive $0xFFFF  }
0xa9: {  	_ =	shalt  }

// kernel: kernel.20.cloned.1.call-start
scs
__scs_entry_jumppad:
0x0: {  	(pc) =	sbr.rel $0x88, $3  }
0x1: {  	(tag) =	ssettag $0x0;
	lr =	simm.s32 $0x1  }
0x2: {  	[smem:$0x3F8B] =	sst lr;
	_ =	strace $0xD0000000  }
0x3: {  	_ = 	snop  }
0x4: {  	_ = 	snop  }
0x5: {  	_ = 	snop  }
0x6: {  	_ = 	snop  }
0x7: {  	_ = 	snop  }
__scs_overlays_trampoline_lowered:
0x8: {  	[smem:$0x3F9A] =	sst s0  }
0x9: {  	[smem:$0x3F9B] =	sst s1  }
0xa: {  	[smem:$0x3F9C] =	sst s2  }
0xb: {  	[smem:$0x3F9D] =	sst s3  }
0xc: {  	[smem:$0x3F9E] =	sst s4  }
0xd: {  	[smem:$0x3F9F] =	sst s5  }
0xe: {  	[smem:$0x3FA0] =	sst s6  }
0xf: {  	[smem:$0x3FA1] =	sst s7  }
0x10: {  	[smem:$0x3FA2] =	sst s8  }
0x11: {  	[smem:$0x3FA3] =	sst s9;
	s0 =	simm.s32 @!p0 $0x0  }
0x12: {  	s1 =	sld [smem:$0x3F89];
	s0 =	simm.s32 @p0 $0x1  }
0x13: {  	[smem:$0x3FA4] =	sst s0;
	s0 =	simm.s32 @!p1 $0x0  }
0x14: {  	s2 =	sld [smem:$0x3F88];
	s0 =	simm.s32 @p1 $0x1  }
0x15: {  	[smem:$0x3FA5] =	sst s0;
	s0 =	simm.s32 @!p2 $0x0  }
0x16: {  	s3 =	sld [smem:$0x3FDB];
	s0 =	simm.s32 @p2 $0x1  }
0x17: {  	s4 =	simm.s32 $0x1BF5;
	[smem:$0x3FA7] =	sst s0  }
0x18: {  	s0 =	sld [smem:$0x3F8A];
	_ =	swait.ge [sflag:s4], $0x0  }
0x19: {  	s7 =	sld [smem:$0x3F8B]  }
0x1a: {  	s8 =	sadd.s32 $0xFFFFE003, lr  }
0x1b: {  	s9 =	sadd.s32 $0xFFFFFEF7, lr;
	s5 =	simm.s32 $0xFFFFFFFF;
	p2 =	slt.u32 s8, $0xFFFFF086  }
0x1c: {  	p1 =	slt.u32 s9, $0xF7A;
	s5 =	simm.s32 @!p2 $0x0  }
0x1d: {  	s5 =	simm.s32 @p1 $0x1;
	p0 =	seq.s32 s7, s2  }
0x1e: {  	s7 =	smul.u32 @!p0 $0xF7A, s2;
	p2 =	seq.s32 @!p0 s5, $0x0  }
0x1f: {  	s9 =	smul.u32 $0xF7A, s1;
	s8 =	simm.s32 @!p0 $0x1BF5;
	p2 =	por !p2, p0  }
0x20: {  	[sflag:s8] =	ssyncset.s32 @!p0 $0xFFFFF086;
	s6 =	sadd.s32 @!p0 s3, s7;
	s7 =	simm.s32 @!p0 $0x108  }
0x21: {  	s3 =	sadd.s32 s3, s9;
	s6 =	sadd.s32 @!p0 $0x88, s6;
	s7 =	simm.s32 @p2 $0x1082  }
0x22: {  	[simem:s7], [sflag:s8] =	dma.local @!p0 [hbm:s6], $0xF7A  }
0x23: {  	s9 =	sor.u32 $0xD0000000, s2;
	s6 =	simm.s32 $0x108;
	_ =	swait.ge @!p0 [sflag:s8], $0x0  }
0x24: {  	s3 =	sadd.s32 $0x88, s3;
	s6 =	simm.s32 @!p1 $0x1082;
	[sflag:s4] =	ssyncset.s32 $0xFFFFF086  }
0x25: {  	[simem:s6], [sflag:s4] =	dma.local [hbm:s3], $0xF7A  }
0x26: {  	[smem:$0x3F8B] =	sst s1;
	(tag) =	ssettag s2;
	_ =	strace s9  }
0x27: {  	s1 =	sld [smem:$0x3F9B]  }
0x28: {  	s2 =	sld [smem:$0x3F9C]  }
0x29: {  	s4 =	sld [smem:$0x3F9E]  }
0x2a: {  	p0 =	seq.s32 s5, $0x0;
	s5 =	sld [smem:$0x3F9F]  }
0x2b: {  	s6 =	sld [smem:$0x3FA0]  }
0x2c: {  	s7 =	sld [smem:$0x3FA1]  }
0x2d: {  	s3 =	simm.s32 $0x108;
	s8 =	sld [smem:$0x3FA2]  }
0x2e: {  	s3 =	simm.s32 @!p0 $0x1082;
	s9 =	sld [smem:$0x3FA3]  }
0x2f: {  	lr =	sadd.s32 s0, s3;
	s0 =	sld [smem:$0x3F9A]  }
0x30: {  	s3 =	sld [smem:$0x3F9D]  }
0x31: {  	[smem:$0x3FA6] =	sst s10  }
0x32: {  	s10 =	sld [smem:$0x3FA4];
	_ =	sdelay $0x3  }
0x33: {  	p0 =	seq.s32 s10, $0x1;
	s10 =	sld [smem:$0x3FA6];
	_ =	sdelay $0x3  }
0x34: {  	[smem:$0x3FA6] =	sst s10  }
0x35: {  	s10 =	sld [smem:$0x3FA5];
	_ =	sdelay $0x3  }
0x36: {  	p1 =	seq.s32 s10, $0x1;
	s10 =	sld [smem:$0x3FA6];
	_ =	sdelay $0x3  }
0x37: {  	[smem:$0x3FA6] =	sst s10  }
0x38: {  	s10 =	sld [smem:$0x3FA7]  }
0x39: {  	_ = 	snop;
	(pc) =	sbr.ind lr, $3  }
0x3a: {  	_ = 	snop  }
0x3b: {  	_ = 	snop  }
0x3c: {  	p2 =	seq.s32 s10, $0x1;
	s10 =	sld [smem:$0x3FA6]  }
0x3d: {  	_ =	shalt  }
0x3e: {  	_ =	shalt  }
0x3f: {  	_ =	shalt  }
0x40: {  	_ =	shalt  }
0x41: {  	_ =	shalt  }
0x42: {  	_ =	shalt  }
0x43: {  	_ =	shalt  }
0x44: {  	_ =	shalt  }
0x45: {  	_ =	shalt  }
0x46: {  	_ =	shalt  }
0x47: {  	_ =	shalt  }
0x48: {  	_ =	shalt  }
0x49: {  	_ =	shalt  }
0x4a: {  	_ =	shalt  }
0x4b: {  	_ =	shalt  }
0x4c: {  	_ =	shalt  }
0x4d: {  	_ =	shalt  }
0x4e: {  	_ =	shalt  }
0x4f: {  	_ =	shalt  }
0x50: {  	_ =	shalt  }
0x51: {  	_ =	shalt  }
0x52: {  	_ =	shalt  }
0x53: {  	_ =	shalt  }
0x54: {  	_ =	shalt  }
0x55: {  	_ =	shalt  }
0x56: {  	_ =	shalt  }
0x57: {  	_ =	shalt  }
0x58: {  	_ =	shalt  }
0x59: {  	_ =	shalt  }
0x5a: {  	_ =	shalt  }
0x5b: {  	_ =	shalt  }
0x5c: {  	_ =	shalt  }
0x5d: {  	_ =	shalt  }
0x5e: {  	_ =	shalt  }
0x5f: {  	_ =	shalt  }
0x60: {  	_ =	shalt  }
0x61: {  	_ =	shalt  }
0x62: {  	_ =	shalt  }
0x63: {  	_ =	shalt  }
0x64: {  	_ =	shalt  }
0x65: {  	_ =	shalt  }
0x66: {  	_ =	shalt  }
0x67: {  	_ =	shalt  }
0x68: {  	_ =	shalt  }
0x69: {  	_ =	shalt  }
0x6a: {  	_ =	shalt  }
0x6b: {  	_ =	shalt  }
0x6c: {  	_ =	shalt  }
0x6d: {  	_ =	shalt  }
0x6e: {  	_ =	shalt  }
0x6f: {  	_ =	shalt  }
0x70: {  	_ =	shalt  }
0x71: {  	_ =	shalt  }
0x72: {  	_ =	shalt  }
0x73: {  	_ =	shalt  }
0x74: {  	_ =	shalt  }
0x75: {  	_ =	shalt  }
0x76: {  	_ =	shalt  }
0x77: {  	_ =	shalt  }
0x78: {  	_ =	shalt  }
0x79: {  	_ =	shalt  }
0x7a: {  	_ =	shalt  }
0x7b: {  	_ =	shalt  }
0x7c: {  	_ =	shalt  }
0x7d: {  	_ =	shalt  }
0x7e: {  	_ =	shalt  }
0x7f: {  	_ =	shalt  }
0x80: {  	_ =	shalt  }
0x81: {  	_ =	shalt  }
0x82: {  	_ =	shalt  }
0x83: {  	_ =	shalt  }
0x84: {  	_ =	shalt  }
0x85: {  	_ =	shalt  }
0x86: {  	_ =	shalt  }
0x87: {  	_ =	shalt  }
.Lfunc_end0:
.L_simem_size_0:
called_computation.3_lowered:
.L_overlay_start_0:
0x88: {  	s2 =	sld [smem:$0x3FD9]  }
0x89: {  	s3 =	sld [smem:$0x3FFE];
	_ =	sdelay $0x1  }
0x8a: {  	s1 =	srdreg.scid  }
0x8b: {  	s0 =	sand.u32 $0x1, s1  }
0x8c: {  	s14 =	sshll.u32 s0, $0xA;
	s2 =	sadd.s32 s3, s2  }
0x8d: {  	s2 =	sadd.s32 s2, s14  }
0x8e: {  	[smem:$0x3FB2] =	sst s2  }
0x8f: {  	_ = 	snop  }
0x90: {  	s2 =	sld [smem:$0x3FD0];
	_ =	sdelay $0x2  }
0x91: {  	s15 =	simm.s32 $0xA;
	s4 =	simm.s32 $0x10  }
0x92: {  	[smem:s4], [sflag:s15] =	dma.local [hbm:s2], $0x1  }
0x93: {  	_ =	swait.eq [sflag:s15], $0x1  }
0x94: {  	[sflag:s15] =	ssyncset.done $0x0  }
0x95: {  	[sflag:s15] =	ssyncadd.s32 $0xFFFFFFFF  }
0x96: {  	s16 =	sld [smem:$0x11];
	(tm) =	ssettm $0x1  }
0x97: {  	s17 =	sld [smem:$0x3FFB];
	_ =	sdelay $0x3  }
0x98: {  	_ =	strace s17  }
0x99: {  	s3 =	sld [smem:$0x3FFC];
	_ =	sdelay $0x3  }
0x9a: {  	_ =	strace s3  }
0x9b: {  	s3 =	sld [smem:$0x3FFD];
	_ =	sdelay $0x3  }
0x9c: {  	_ =	strace s3  }
0x9d: {  	_ =	strace $0x8FFFFFFF  }
0x9e: {  	s18 =	sld [smem:$0x3FDB];
	_ =	sdelay $0x1  }
0x9f: {  	s19 =	simm.s32 $_scs_section_size  }
0xa0: {  	s5 =	simm.s32 $_size__tile_overlayer_lowered;
	s6 =	simm.s32 $_tile_overlayer_lowered  }
0xa1: {  	s22 =	simm.s32 $0x1BFF;
	s21 =	sshll.u32 s6, $0x1;
	s3 =	sadd.s32 s19, s18  }
0xa2: {  	s7 =	simm.s32 $0x0;
	s20 =	sshll.u32 s5, $0x1;
	s5 =	sadd.s32 s21, s3  }
0xa3: {  	[timem:s7], [sflag:s22] =	dma.local [hbm:s5], s20  }
0xa4: {  	_ =	swait.ge [sflag:s22], s20  }
0xa5: {  	s4 =	ssub.s32 $0x0, s20;
	[sflag:s22] =	ssyncset.done $0x0  }
0xa6: {  	[sflag:s22] =	ssyncadd.s32 s4;
	_ =	sdelay $0x1  }
0xa7: {  	s23 =	simm.s32 $0x1B8B  }
0xa8: {  	_ =	swait.ge [sflag:s23], $0x1  }
0xa9: {  	[sflag:s23] =	ssyncset.done $0x0  }
0xaa: {  	s25 =	simm.s32 $0x1B8E;
	s24 =	sld [smem:$0x3FFE];
	[sflag:s23] =	ssyncadd.s32 $0xFFFFFFFF  }
0xab: {  	s26 =	simm.s32 $execute0_lowered;
	[smem:$0x3FD2] =	sst s25  }
0xac: {  	s5 =	sshll.u32 s26, $0x1;
	_ =	strace $0x8000004F;
	[dreg:$0x1] =	wrdreg $0xFFFFFFFF  }
0xad: {  	s28 =	simm.s32 $_size_execute0_lowered;
	s3 =	sadd.s32 s3, s5;
	[dreg:$0x0] =	wrdreg $0x0  }
0xae: {  	s5 =	sshll.u32 s28, $0x1;
	[dreg:$0x2] =	wrdreg s3  }
0xaf: {  	[dreg:$0x3] =	wrdreg s5  }
0xb0: {  	[dreg:$0x4] =	wrdreg $0xC0  }
0xb1: {  	_ =	task [dreg:s7], $0x5FFFF  }
0xb2: {  	[dreg:$0x1] =	wrdreg $0xFFFFFFFF  }
0xb3: {  	[dreg:$0x0] =	wrdreg $0x60  }
0xb4: {  	[dreg:$0x2] =	wrdreg s16  }
0xb5: {  	[dreg:$0x3] =	wrdreg s24  }
0xb6: {  	[dreg:$0x4] =	wrdreg $0xA8000  }
0xb7: {  	[dreg:$0x5] =	wrdreg $0x9  }
0xb8: {  	_ =	task.clear_ibuf [dreg:s7], $0x6FFFF;
	_ =	strace $0x9000004F  }
0xb9: {  	s29 =	simm.s32 $0x9;
	_ =	strace $0x80000051  }
0xba: {  	_ =	swait.ge [sflag:s29], $0x1  }
0xbb: {  	[sflag:s29] =	ssyncadd.s32 $0xFFFFFFFF  }
0xbc: {  	_ =	strace $0x90000051  }
0xbd: {  	_ =	sfence  }
0xbe: {  	s30 =	sld [smem:$0x0];
	_ =	sdelay $0x2  }
0xbf: {  	s31 =	sshll.u32 s1, $0xD;
	s1 =	sshrl.u32 s1, $0x2  }
0xc0: {  	s3 =	sand.u32 $0x4000, s31;
	s1 =	sadd.s32 s1, s30  }
0xc1: {  	s0 =	sor.u32 s3, s0;
	s1 =	sshll.u32 s1, $0x11  }
0xc2: {  	s0 =	sor.u32 s1, s0  }
0xc3: {  	s0 =	sadd.s32 $0x8F2B, s0  }
0xc4: {  	[sflag:s0] =	ssyncadd.remote.s32 $0x1  }
0xc5: {  	_ =	sfence.sel $0xFFFF  }
0xc6: {  	[dreg:$0x0] =	wrdreg $0xFFFFFFFF;
	(pc) =	sbr.abs _section_cstart, $3  }
0xc7: {  	[dreg:$0x1] =	wrdreg $0xFFFFFFFF  }
0xc8: {  	_ =	task.clear_ibuf [dreg:s7], $0x2FFFF;
	_ =	strace $0x9FFFFFFF  }
0xc9: {  	(tm) =	ssettm $0x7FFFFFFF  }
tec
execute0_lowered:
.L_overlay_start_1:
0x0: {  	(tag) =	ssettag $0x1  }
0x1: {  	s1 =	rddreg [dreg:$0x0]  }
0x2: {  	s7 =	rddreg [dreg:$0x1]  }
0x3: {  	s3 =	rddreg [dreg:$0x2];
	s4 =	srdreg.scid  }
0x4: {  	s0 =	rddreg [dreg:$0x3];
	s2 =	stileid.u32;
	s14 =	simm.s32 $0xA400  }
0x5: {  	s15 =	simm.s32 $0x4;
	s16 =	simm.s32 $0x200;
	s17 =	simm.s32 $0x1  }
0x6: {  	s18 =	simm.s32 $0x50;
	s19 =	simm.s32 $0x400;
	s20 =	simm.s32 $0x80  }
0x7: {  	s21 =	simm.s32 $0x280;
	s22 =	simm.s32 $0x2;
	s23 =	simm.s32 $0x3  }
0x8: {  	s24 =	simm.s32 $0x0;
	s8 =	sand.u32 $0x1, s4;
	s10 =	smul.u32 $0x2800, s2  }
0x9: {  	s4 =	simm.s32 $0x0;
	s5 =	sshll.u32 s2, $0x1;
	s29 =	smul.u32 $0x50000, s2  }
0xa: {  	s6 =	sadd.s32 $0x5200, s7;
	s9 =	smul.u32 $0x28000, s8;
	s5 =	sor.u32 s8, s5  }
0xb: {  	[smem:$0x7FF] =	sst s4;
	s8 =	ssub.s32 $0x2, s8;
	s5 =	smul.u32 $0x2710, s5  }
.Ltmp0:
0xc: {  	_ =	strace $0x80000050;
	s31 =	sshrl.u32 s8, $0x1;
	(pc) =	sbr.rel .LBB2_1-.Ltmp0, $4  }
0xd: {  	s9 =	sadd.s32 s10, s9;
	s10 =	sshrl.u32 s29, $0x2;
	s13 =	ssub.s32 s8, s31  }
0xe: {  	s12 =	sadd.s32 s9, s7;
	s30 =	sshrl.u32 s5, $0x3;
	s8 =	sadd.s32 s10, s3  }
0xf: {  	s13 =	smax.u32 s13, $0x1;
	s7 =	sadd.s32 s1, s30;
	s12 =	sadd.s32 $0x2D200, s12  }
0x10: {  	v0 =	vimm.f32 $0.0e+00;
	s9 =	sadd.s32 $0x9C40, s7;
	s10 =	sadd.s32 $0xA, s7;
	s11 =	sadd.s32 $0x9C4A, s7  }
.LBB2_9:
0x11: {  	_ =	swait.ge [sflag:s23], $0x2800  }
0x12: {  	[sflag:s23] =	ssyncset.done $0x0  }
0x13: {  	[sflag:s23] =	ssyncadd.s32 $0xFFFFD800  }
0x14: {  	_ =	swait.ge [sflag:s23], $0x2800  }
0x15: {  	s25 =	sshll.u32 s2, $0x6;
	s24 =	sadd.s32 $0x1, s24;
	[sflag:s23] =	ssyncset.done $0x0  }
0x16: {  	s26 =	sshrl.u32 s8, $0x3;
	p0 =	sne.s32 s24, s13;
	[sflag:s23] =	ssyncadd.s32 $0xFFFFD800  }
.Ltmp1:
0x17: {  	s25 =	sor.u32 $0x1C04, s25;
	[bflag:$0x0] =	sbarrier.arrive $0xFFFF;
	(pc) =	sbr.rel @!p0 .LBB2_10-.Ltmp1, $4  }
0x18: {  	[hbm:s12], [sflag:s25] =	dma.local [spmem:s26], $0x2800  }
0x19: {  	_ =	swait.ge [sflag:s15], $0x2800  }
0x1a: {  	[sflag:s15] =	ssyncset.done $0x0  }
0x1b: {  	[sflag:s15] =	ssyncadd.s32 $0xFFFFD800  }
.LBB2_1:
0x1c: {  	[tilespmem:$0xA400] =	vst v0  }
0x1d: {  	[tilespmem:$0xA410] =	vst v0  }
0x1e: {  	[tilespmem:$0xA420] =	vst v0  }
0x1f: {  	[tilespmem:$0xA430] =	vst v0  }
0x20: {  	[tilespmem:$0xA440] =	vst v0  }
0x21: {  	[tilespmem:$0xA450] =	vst v0  }
0x22: {  	[tilespmem:$0xA460] =	vst v0  }
0x23: {  	[tilespmem:$0xA470] =	vst v0  }
0x24: {  	[tilespmem:$0xA480] =	vst v0  }
0x25: {  	[tilespmem:$0xA490] =	vst v0  }
0x26: {  	[tilespmem:$0xA4A0] =	vst v0  }
0x27: {  	[tilespmem:$0xA4B0] =	vst v0  }
0x28: {  	[tilespmem:$0xA4C0] =	vst v0  }
0x29: {  	[tilespmem:$0xA4D0] =	vst v0  }
0x2a: {  	[tilespmem:$0xA4E0] =	vst v0  }
0x2b: {  	[tilespmem:$0xA4F0] =	vst v0  }
0x2c: {  	[tilespmem:$0xA500] =	vst v0  }
0x2d: {  	[tilespmem:$0xA510] =	vst v0  }
0x2e: {  	[tilespmem:$0xA520] =	vst v0  }
0x2f: {  	[tilespmem:$0xA530] =	vst v0  }
0x30: {  	[tilespmem:$0xA540] =	vst v0  }
0x31: {  	[tilespmem:$0xA550] =	vst v0  }
0x32: {  	[tilespmem:$0xA560] =	vst v0  }
0x33: {  	[tilespmem:$0xA570] =	vst v0  }
0x34: {  	[tilespmem:$0xA580] =	vst v0  }
0x35: {  	[tilespmem:$0xA590] =	vst v0  }
0x36: {  	[tilespmem:$0xA5A0] =	vst v0  }
0x37: {  	[tilespmem:$0xA5B0] =	vst v0  }
0x38: {  	[tilespmem:$0xA5C0] =	vst v0  }
0x39: {  	[tilespmem:$0xA5D0] =	vst v0  }
0x3a: {  	[tilespmem:$0xA5E0] =	vst v0  }
0x3b: {  	[tilespmem:$0xA5F0] =	vst v0  }
0x3c: {  	[tilespmem:$0xA600] =	vst v0  }
0x3d: {  	[tilespmem:$0xA610] =	vst v0  }
0x3e: {  	[tilespmem:$0xA620] =	vst v0  }
0x3f: {  	[tilespmem:$0xA630] =	vst v0  }
0x40: {  	[tilespmem:$0xA640] =	vst v0  }
0x41: {  	[tilespmem:$0xA650] =	vst v0  }
0x42: {  	[tilespmem:$0xA660] =	vst v0  }
0x43: {  	[tilespmem:$0xA670] =	vst v0  }
0x44: {  	[tilespmem:$0xA680] =	vst v0  }
0x45: {  	[tilespmem:$0xA690] =	vst v0  }
0x46: {  	[tilespmem:$0xA6A0] =	vst v0  }
0x47: {  	[tilespmem:$0xA6B0] =	vst v0  }
0x48: {  	[tilespmem:$0xA6C0] =	vst v0  }
0x49: {  	[tilespmem:$0xA6D0] =	vst v0  }
0x4a: {  	[tilespmem:$0xA6E0] =	vst v0  }
0x4b: {  	[tilespmem:$0xA6F0] =	vst v0  }
0x4c: {  	[tilespmem:$0xA700] =	vst v0  }
0x4d: {  	[tilespmem:$0xA710] =	vst v0  }
0x4e: {  	[tilespmem:$0xA720] =	vst v0  }
0x4f: {  	[tilespmem:$0xA730] =	vst v0  }
0x50: {  	[tilespmem:$0xA740] =	vst v0  }
0x51: {  	[tilespmem:$0xA750] =	vst v0  }
0x52: {  	[tilespmem:$0xA760] =	vst v0  }
0x53: {  	[tilespmem:$0xA770] =	vst v0  }
0x54: {  	[tilespmem:$0xA780] =	vst v0  }
0x55: {  	[tilespmem:$0xA790] =	vst v0  }
0x56: {  	[tilespmem:$0xA7A0] =	vst v0  }
0x57: {  	[tilespmem:$0xA7B0] =	vst v0  }
0x58: {  	[tilespmem:$0xA7C0] =	vst v0  }
0x59: {  	[tilespmem:$0xA7D0] =	vst v0  }
0x5a: {  	[tilespmem:$0xA7E0] =	vst v0  }
0x5b: {  	[tilespmem:$0xA7F0] =	vst v0;
	s25 =	sadd.s32 $0x0, s8  }
0x5c: {  	[spmem:s25] =	stream.linear.scatter [tilespmem:s14], [sflag:$0x4], $0x400, $0x38;
	[tilespmem:$0x1E800] =	vst v63  }
0x5d: {  	s25 =	simm.s32 $0x1000;
	_ =	swait.ge [sflag:s15], $0x400  }
.LBB2_2:
0x5e: {  	s26 =	sshra.s32 s25, $0x2;
	[sflag:s15] =	ssyncset.done $0x0;
	p0 =	sne.s32 s25, $0x4F000  }
.Ltmp2:
0x5f: {  	s26 =	sadd.s32 s26, s8;
	[sflag:s15] =	ssyncadd.s32 $0xFFFFFC00;
	(pc) =	sbr.rel @p0 .LBB2_2-.Ltmp2, $3  }
0x60: {  	[spmem:s26] =	stream.linear.scatter [tilespmem:s14], [sflag:$0x4], $0x400, $0x38;
	[tilespmem:$0x1E800] =	vst v63  }
0x61: {  	s25 =	sadd.s32 $0x1000, s25;
	_ =	sdelay $0x1  }
0x62: {  	_ =	swait.ge [sflag:s15], $0x400  }
0x63: {  	[sflag:s15] =	ssyncset.done $0x0  }
0x64: {  	[sflag:s15] =	ssyncadd.s32 $0xFFFFFC00  }
0x65: {  	s25 =	simm.s32 $0x0;
	[bflag:$0x0] =	sbarrier.arrive $0xFFFF  }
0x66: {  	[tilespmem:s25], [sflag:$0x1] =	stream.linear.gather [hbm4b:s7+s25], $0x50, $0x38;
	[tilespmem:$0x1E800] =	vst v63  }
0x67: {  	_ = 	snop  }
0x68: {  	[tilespmem:s16], [sflag:$0x1] =	stream.linear.gather [hbm4b:s9+s25], $0x50, $0x38;
	[tilespmem:$0x1E800] =	vst v63  }
0x69: {  	_ =	swait.ge [sflag:s17], $0x50  }
0x6a: {  	[sflag:s17] =	ssyncset.done $0x0  }
0x6b: {  	[sflag:s17] =	ssyncadd.s32 $0xFFFFFFB0  }
0x6c: {  	_ =	swait.ge [sflag:s17], $0x50  }
0x6d: {  	[sflag:s17] =	ssyncset.done $0x0  }
0x6e: {  	[sflag:s17] =	ssyncadd.s32 $0xFFFFFFB0  }
0x6f: {  	[tilespmem:s19], [sflag:$0x2] =	stream.indirect.gather [hbm4b:s6+s18], $0x80, s25, s18, $0xb8;
	[tilespmem:$0x1E800] =	vst v63  }
.Ltmp3:
0x70: {  	_ = 	snop;
	(pc) =	sbr.rel .LBB2_4-.Ltmp3, $4  }
0x71: {  	_ = 	snop  }
0x72: {  	[tilespmem:s20], [sflag:$0x1] =	stream.linear.gather [hbm4b:s10+s25], $0x50, $0x38;
	[tilespmem:$0x1E800] =	vst v63  }
0x73: {  	_ = 	snop  }
0x74: {  	[tilespmem:s21], [sflag:$0x1] =	stream.linear.gather [hbm4b:s11+s25], $0x50, $0x38;
	[tilespmem:$0x1E800] =	vst v63  }
.LBB2_5:
0x75: {  	s26 =	sadd.s32 $0x2, s25  }
0x76: {  	s28 =	smul.u32 $0x50, s26;
	_ =	sdelay $0x1  }
0x77: {  	s28 =	sadd.s32 s5, s28  }
0x78: {  	s26 =	sshll.u32 s26, $0x7;
	s28 =	sshrl.u32 s28, $0x3  }
0x79: {  	s26 =	sand.u32 $0x180, s26;
	s28 =	sadd.s32 s1, s28  }
0x7a: {  	[tilespmem:s26], [sflag:$0x1] =	stream.linear.gather [hbm4b:s28+s4], $0x50, $0x38;
	[tilespmem:$0x1E800] =	vst v63  }
0x7b: {  	s26 =	sor.u32 $0x200, s26;
	s28 =	sadd.s32 $0x9C40, s28  }
0x7c: {  	[tilespmem:s26], [sflag:$0x1] =	stream.linear.gather [hbm4b:s28+s4], $0x50, $0x38;
	[tilespmem:$0x1E800] =	vst v63  }
.LBB2_7:
0x7d: {  	s26 =	sadd.s32 $0x1, s25;
	_ =	swait.ge [sflag:s17], $0x50  }
0x7e: {  	s28 =	sand.u32 $0x3, s26;
	[sflag:s17] =	ssyncset.done $0x0  }
0x7f: {  	[sflag:s17] =	ssyncadd.s32 $0xFFFFFFB0;
	s29 =	smul.u32 $0xA000, s28  }
0x80: {  	_ =	swait.ge [sflag:s17], $0x50  }
0x81: {  	[sflag:s17] =	ssyncset.done $0x0;
	s29 =	sshrl.u32 s29, $0x2  }
0x82: {  	s28 =	sshll.u32 s28, $0x7;
	[sflag:s17] =	ssyncadd.s32 $0xFFFFFFB0;
	s29 =	sor.u32 $0x400, s29  }
0x83: {  	[tilespmem:s29], [sflag:$0x2] =	stream.indirect.gather [hbm4b:s6+s18], $0x80, s28, s18, $0xb8;
	[tilespmem:$0x1E800] =	vst v63  }
.LBB2_8:
0x84: {  	s25 =	sand.u32 $0x3, s25  }
0x85: {  	p0 =	slt.u32 s26, $0x7D;
	s28 =	smul.u32 $0xA000, s25  }
.Ltmp4:
0x86: {  	_ =	swait.ge [sflag:s22], $0x2800;
	(pc) =	sbr.rel @!p0 .LBB2_9-.Ltmp4, $4  }
0x87: {  	[sflag:s22] =	ssyncset.done $0x0;
	s25 =	sshll.u32 s25, $0x7;
	s28 =	sshrl.u32 s28, $0x2  }
0x88: {  	[sflag:s22] =	ssyncadd.s32 $0xFFFFD800;
	s25 =	sor.u32 $0x200, s25;
	s28 =	sor.u32 $0x400, s28  }
0x89: {  	[spmem:s3] =	stream.indirect.scatter.add.f32 [tilespmem:s28], [sflag:$0x3], $0x80, s25, s18, $0xb8;
	[tilespmem:$0x1E800] =	vst v63  }
0x8a: {  	s25 =	smov.u32 s26  }
.LBB2_4:
0x8b: {  	p0 =	slt.u32 s25, $0x2  }
0x8c: {  	p1 =	sgt.u32 @!p0 s25, $0x7A  }
0x8d: {  	p1 =	por p0, !p1  }
.Ltmp5:
0x8e: {  	_ = 	snop;
	(pc) =	sbr.rel @p1 .LBB2_5-.Ltmp5, $4  }
0x8f: {  	s26 =	simm.s32 @!p0 $0x3  }
0x90: {  	_ =	swait.ge @!p0 [sflag:s26], $0x2800  }
0x91: {  	[sflag:s26] =	ssyncset.done @!p0 $0x0  }
0x92: {  	[sflag:s26] =	ssyncadd.s32 @!p0 $0xFFFFD800  }
0x93: {  	p0 =	seq.s32 s25, $0x7C  }
.Ltmp6:
0x94: {  	_ = 	snop;
	(pc) =	sbr.rel @p0 .LBB2_8-.Ltmp6, $4  }
.Ltmp7:
0x95: {  	_ = 	snop;
	(pc) =	sbr.rel @!p0 .LBB2_7-.Ltmp7, $4  }
0x96: {  	_ = 	snop  }
0x97: {  	_ = 	snop  }
0x98: {  	s26 =	simm.s32 $0x7D  }
0x99: {  	_ = 	snop  }
.LBB2_10:
0x9a: {  	_ =	sfence.sel $0x180000  }
0x9b: {  	[bflag:$0x0] =	sbarrier.arrive $0xFFFF  }
0x9c: {  	p0 =	sne.s32 s2, $0x0;
	_ =	strace $0x90000050  }
0x9d: {  	s0 =	sadd.s32 @!p0 $0x100000, s0;
	[bflag:$0x2] =	sbarrier.arrive $0xFFFF  }
0x9e: {  	[sflag:s0] =	ssyncadd.tile.s32 @!p0 $0x1;
	_ =	shalt  }
.Lfunc_end2:
_tile_overlayer_lowered:
.L_overlay_start_2:
0x9f: {  	(tag) =	ssettag $0x2  }
0xa0: {  	s0 =	rddreg [dreg:$0x0];
	s2 =	stileid.u32  }
0xa1: {  	s1 =	rddreg [dreg:$0x1];
	p0 =	sne.s32 s2, $0x0  }
0xa2: {  	s3 =	rddreg [dreg:$0x2];
	[bflag:$0x3] =	sbarrier.arrive $0xFFFF;
	s2 =	simm.s32 @!p0 $0x1C04  }
0xa3: {  	[timem:s3], [sflag:s2] =	dma.local @!p0 [hbm:s0], s1  }
0xa4: {  	s0 =	simm.s32 @!p0 $0x4  }
0xa5: {  	_ =	swait.ge @!p0 [sflag:s0], s1  }
0xa6: {  	s1 =	ssub.s32 @!p0 $0x0, s1;
	[sflag:s0] =	ssyncset.done @!p0 $0x0  }
0xa7: {  	[sflag:s0] =	ssyncadd.s32 @!p0 s1  }
0xa8: {  	[bflag:$0x3] =	sbarrier.arrive $0xFFFF  }
0xa9: {  	_ =	shalt  }

</sc_bundles>
